<compile_context>
chip_gen: v7x
topology: tpu7x:2x2x1
jax: 0.10.2.dev20260603
libtpu: 0.0.44.dev20260713+nightly
codegen_flags: <defaults>
</compile_context>

<pallas_src>
import jax
import jax.numpy as jnp
from jax import lax
from jax.experimental import pallas as pl
from jax.experimental.pallas import tpu as pltpu
from jax.experimental.pallas import tpu_sc as plsc

B, N, C = 4, 5000, 21
TH_CONF, TH_IOU = 0.9, 0.5
MAX_DET = 100
V0, V1 = 0.1, 0.2

NPAIR = B * C
PAIRS_PER_TILE = 3
NTILES_USED = NPAIR // PAIRS_PER_TILE
N_PAD = 5120
K_BUF = N_PAD + 16
OUT_W = 640
CNT_POS = MAX_DET * 5
NEG = float("-inf")
BIG = 1 << 30


def _nms_body(score_hbm, bx1_hbm, by1_hbm, bx2_hbm, by2_hbm, dets_hbm,
              score_va, score_vb, bx1v, by1v, bx2v, by2v,
              sc_v, idx_v, x1v, y1v, x2v, y2v, arv, out_va, out_vb,
              bsem, ssema, ssemb, osem):
    lanes = lax.iota(jnp.int32, 16)
    zf = jnp.zeros((16,), jnp.float32)
    zi = jnp.zeros((16,), jnp.int32)
    wid = lax.axis_index("c") * 16 + lax.axis_index("s")

    @pl.when(wid < NTILES_USED)
    def _tile():
        b = wid // (NTILES_USED // B)
        box_cps = [pltpu.async_copy(src.at[b], dst, bsem)
                   for src, dst in ((bx1_hbm, bx1v), (by1_hbm, by1v),
                                    (bx2_hbm, bx2v), (by2_hbm, by2v))]
        score_bufs = [score_va, score_vb, score_va]
        score_sems = [ssema, ssemb, ssema]
        p0 = wid * PAIRS_PER_TILE
        score_cps = [pltpu.async_copy(score_hbm.at[p0], score_va, ssema),
                     None, None]
        out_bufs = [out_va, out_vb, out_va]
        out_cps = [None, None, None]

        for k in range(PAIRS_PER_TILE):
            p = wid * PAIRS_PER_TILE + k
            score_cps[k].wait()
            if k + 1 < PAIRS_PER_TILE:
                score_cps[k + 1] = pltpu.async_copy(
                    score_hbm.at[p + 1], score_bufs[k + 1], score_sems[k + 1])
            score_v = score_bufs[k]
            out_v = out_bufs[k]
            if k >= 2 and out_cps[k - 2] is not None:
                out_cps[k - 2].wait()

            for j in range(OUT_W // 16):
                out_v[pl.ds(j * 16, 16)] = zf

            def comp_body(base, cnt_s):
                vs = [plsc.load_gather(score_v, [base + 16 * k + lanes])
                      for k in range(4)]
                ms = [v >= TH_CONF for v in vs]
                anym = (ms[0] | ms[1]) | (ms[2] | ms[3])

                def do_pack(c):
                    for k in range(4):
                        pos = c + plsc.cumsum(ms[k].astype(jnp.int32)) - 1
                        plsc.store_scatter(sc_v, [pos], vs[k], mask=ms[k])
                        plsc.store_scatter(idx_v, [pos],
                                           base + 16 * k + lanes, mask=ms[k])
                        c = c + plsc.all_reduce_population_count(ms[k])
                    return c

                return lax.cond(jnp.any(anym), do_pack, lambda c: c, cnt_s)

            cnt_s = plsc.parallel_loop(0, N_PAD, 64, unroll=2,
                                       carry=zi)(comp_body)
            cnt = jnp.max(cnt_s)
            if k == 0:
                for cp in box_cps:
                    cp.wait()
            plsc.store_scatter(sc_v, [cnt + lanes],
                               jnp.full((16,), NEG, jnp.float32))
            nch = (cnt + 15) // 16

            def argmax_sel(vm, vi):
                m = jnp.max(vm)
                j = jnp.min(jnp.where(vm == m, vi, BIG))
                return m, j

            def gath_body(i, c):
                vm, vi = c
                i16 = i + lanes
                ok = i16 < cnt
                src = plsc.load_gather(idx_v, [i16], mask=ok)
                srcc = jnp.where(ok, src, 0)
                x1 = plsc.load_gather(bx1v, [srcc])
                y1 = plsc.load_gather(by1v, [srcc])
                x2 = plsc.load_gather(bx2v, [srcc])
                y2 = plsc.load_gather(by2v, [srcc])
                ar = (jnp.maximum(x2 - x1, 0.0) * jnp.maximum(y2 - y1, 0.0))
                plsc.store_scatter(x1v, [i16], x1)
                plsc.store_scatter(y1v, [i16], y1)
                plsc.store_scatter(x2v, [i16], x2)
                plsc.store_scatter(y2v, [i16], y2)
                plsc.store_scatter(arv, [i16], ar)
                nv = plsc.load_gather(sc_v, [i16])
                upd = nv > vm
                return jnp.where(upd, nv, vm), jnp.where(upd, i16, vi)

            vm0, vi0 = plsc.parallel_loop(
                0, nch * 16, 16, unroll=2,
                carry=(jnp.full((16,), NEG, jnp.float32),
                       jnp.full((16,), BIG, jnp.int32)))(gath_body)
            m0, j0 = argmax_sel(vm0, vi0)

            def nms_cond(carry):
                _, m, _ = carry
                return m >= 0.5

            def nms_body(carry):
                t, m, jstar = carry
                js16 = zi + jstar
                bx1 = plsc.load_gather(x1v, [js16])
                by1 = plsc.load_gather(y1v, [js16])
                bx2 = plsc.load_gather(x2v, [js16])
                by2 = plsc.load_gather(y2v, [js16])
                bar = plsc.load_gather(arv, [js16])

                def sup_body(i, c):
                    vm, vi = c
                    i16 = i + lanes
                    v = plsc.load_gather(sc_v, [i16])
                    x1 = plsc.load_gather(x1v, [i16])
                    y1 = plsc.load_gather(y1v, [i16])
                    x2 = plsc.load_gather(x2v, [i16])
                    y2 = plsc.load_gather(y2v, [i16])
                    ar = plsc.load_gather(arv, [i16])
                    iw = jnp.maximum(
                        jnp.minimum(bx2, x2) - jnp.maximum(bx1, x1), 0.0)
                    ih = jnp.maximum(
                        jnp.minimum(by2, y2) - jnp.maximum(by1, y1), 0.0)
                    inter = iw * ih
                    iou = inter / (bar + ar - inter + 1e-9)
                    nv = jnp.where((iou > TH_IOU) | (i16 == js16), NEG, v)
                    plsc.store_scatter(sc_v, [i16], nv)
                    upd = nv > vm
                    return jnp.where(upd, nv, vm), jnp.where(upd, i16, vi)

                vm, vi = plsc.parallel_loop(
                    0, nch * 16, 16, unroll=2,
                    carry=(jnp.full((16,), NEG, jnp.float32),
                           jnp.full((16,), BIG, jnp.int32)))(sup_body)
                m_next, j_next = argmax_sel(vm, vi)

                @pl.when(t < MAX_DET)
                def _emit():
                    row = jnp.where(
                        lanes == 0, bx1,
                        jnp.where(lanes == 1, by1,
                                  jnp.where(lanes == 2, bx2,
                                            jnp.where(lanes == 3, by2, zf + m))))
                    plsc.store_scatter(out_v, [t * 5 + lanes], row,
                                       mask=lanes < 5)

                return t + 1, m_next, j_next

            t_final, _, _ = lax.while_loop(nms_cond, nms_body,
                                           (jnp.int32(0), m0, j0))

            cntf = zf + jnp.minimum(t_final, MAX_DET).astype(jnp.float32)
            plsc.store_scatter(out_v, [zi + CNT_POS], cntf, mask=lanes == 0)

            out_cps[k] = pltpu.async_copy(out_v, dets_hbm.at[p], osem)

        for cp in out_cps[max(0, PAIRS_PER_TILE - 2):]:
            if cp is not None:
                cp.wait()


def _make_sc_call():
    mesh = plsc.VectorSubcoreMesh(core_axis_name="c", subcore_axis_name="s")
    return pl.kernel(
        _nms_body,
        out_type=jax.ShapeDtypeStruct((NPAIR, OUT_W), jnp.float32),
        mesh=mesh,
        compiler_params=pltpu.CompilerParams(
            needs_layout_passes=False,
            skip_device_barrier=True,
            disable_bounds_checks=True,
            disable_semaphore_checks=True,
        ),
        scratch_types=[
            pltpu.VMEM((N_PAD,), jnp.float32),
            pltpu.VMEM((N_PAD,), jnp.float32),
            pltpu.VMEM((N_PAD,), jnp.float32),
            pltpu.VMEM((N_PAD,), jnp.float32),
            pltpu.VMEM((N_PAD,), jnp.float32),
            pltpu.VMEM((N_PAD,), jnp.float32),
            pltpu.VMEM((K_BUF,), jnp.float32),
            pltpu.VMEM((K_BUF,), jnp.int32),
            pltpu.VMEM((K_BUF,), jnp.float32),
            pltpu.VMEM((K_BUF,), jnp.float32),
            pltpu.VMEM((K_BUF,), jnp.float32),
            pltpu.VMEM((K_BUF,), jnp.float32),
            pltpu.VMEM((K_BUF,), jnp.float32),
            pltpu.VMEM((OUT_W,), jnp.float32),
            pltpu.VMEM((OUT_W,), jnp.float32),
            pltpu.SemaphoreType.DMA,
            pltpu.SemaphoreType.DMA,
            pltpu.SemaphoreType.DMA,
            pltpu.SemaphoreType.DMA,
        ],
    )


_sc_call = _make_sc_call()


def kernel(conf, loc, anchors):
    conf_t = jnp.pad(conf.transpose(0, 2, 1).reshape(NPAIR, N),
                     ((0, 0), (0, N_PAD - N)))
    score_t = jax.nn.sigmoid(conf_t)
    cx = anchors[:, 0] + loc[..., 0] * V0 * anchors[:, 2]
    cy = anchors[:, 1] + loc[..., 1] * V0 * anchors[:, 3]
    w = anchors[:, 2] * jnp.exp(loc[..., 2] * V1)
    h = anchors[:, 3] * jnp.exp(loc[..., 3] * V1)
    padn = ((0, 0), (0, N_PAD - N))
    x1p = jnp.pad(cx - w / 2, padn)
    y1p = jnp.pad(cy - h / 2, padn)
    x2p = jnp.pad(cx + w / 2, padn)
    y2p = jnp.pad(cy + h / 2, padn)
    raw = _sc_call(score_t, x1p, y1p, x2p, y2p)
    dets = raw[:, : MAX_DET * 5].reshape(B, C, MAX_DET, 5)
    counts = raw[:, CNT_POS].astype(jnp.int32).reshape(B, C)
    return dets, counts

# --- scband reference (transcript-rebuilt; emitter-appended) ---
"""Pipeline reference for scband-detect-post-process-22196390985783 (READ-ONLY COPY).

The authoritative reference and input builder live on the scoring server;
editing this copy changes nothing except your own understanding.
"""

import jax, jax.numpy as jnp
import numpy as np

B, N, C = 4, 5000, 21
TH_CONF, TH_IOU = 0.9, 0.5
MAX_DET = 100
V0, V1 = 0.1, 0.2


def setup_inputs(seed: int = 0) -> dict:
    key = jax.random.key(seed)
    k1, k2, k3, k4 = jax.random.split(key, 4)
    conf = jax.random.normal(k1, (B, N, C), dtype=jnp.float32)
    loc = jax.random.normal(k2, (B, N, 4), dtype=jnp.float32)
    cxcy = jax.random.uniform(k3, (N, 2), minval=0.05, maxval=0.95)
    wh = jax.random.uniform(k4, (N, 2), minval=0.02, maxval=0.25)
    anchors = jnp.concatenate([cxcy, wh], axis=1).astype(jnp.float32)
    return {"conf": conf, "loc": loc, "anchors": anchors}


def decode(loc, anchors):
    # SSD-style box decode; anchors are (cx, cy, w, h)
    cx = anchors[:, 0] + loc[..., 0] * V0 * anchors[:, 2]
    cy = anchors[:, 1] + loc[..., 1] * V0 * anchors[:, 3]
    w = anchors[:, 2] * jnp.exp(loc[..., 2] * V1)
    h = anchors[:, 3] * jnp.exp(loc[..., 3] * V1)
    return jnp.stack([cx - w / 2, cy - h / 2, cx + w / 2, cy + h / 2], axis=-1)


def nms_np(boxes, scores, th_iou):
    order = np.argsort(-scores)
    x1, y1, x2, y2 = boxes[:, 0], boxes[:, 1], boxes[:, 2], boxes[:, 3]
    areas = np.clip(x2 - x1, 0, None) * np.clip(y2 - y1, 0, None)
    keep = []
    while order.size > 0:
        i = order[0]
        keep.append(i)
        rest = order[1:]
        if rest.size == 0:
            break
        xx1 = np.maximum(x1[i], x1[rest])
        yy1 = np.maximum(y1[i], y1[rest])
        xx2 = np.minimum(x2[i], x2[rest])
        yy2 = np.minimum(y2[i], y2[rest])
        inter = np.clip(xx2 - xx1, 0, None) * np.clip(yy2 - yy1, 0, None)
        iou = inter / (areas[i] + areas[rest] - inter + 1e-9)
        order = rest[iou <= th_iou]
    return np.array(keep, dtype=np.int64)


def reference(conf, loc, anchors):
    # classifier == 'sigmoid' branch of DetectPostProcess
    score = jax.nn.sigmoid(conf)
    box = decode(loc, anchors)
    n = conf.shape[1]

    def per_class(boxes, sc):
        valid = sc >= TH_CONF
        order = jnp.argsort(jnp.where(valid, -sc, jnp.inf))
        b_s = boxes[order]
        s_s = sc[order]
        v_s = valid[order]
        x1, y1, x2, y2 = b_s[:, 0], b_s[:, 1], b_s[:, 2], b_s[:, 3]
        areas = jnp.clip(x2 - x1, 0, None) * jnp.clip(y2 - y1, 0, None)
        pos = jnp.arange(n)

        def body(i, keep):
            xx1 = jnp.maximum(x1[i], x1)
            yy1 = jnp.maximum(y1[i], y1)
            xx2 = jnp.minimum(x2[i], x2)
            yy2 = jnp.minimum(y2[i], y2)
            inter = jnp.clip(xx2 - xx1, 0, None) * jnp.clip(yy2 - yy1, 0, None)
            iou = inter / (areas[i] + areas - inter + 1e-9)
            suppress = (iou > TH_IOU) & (pos > i) & keep[i]
            return keep & ~suppress

        keep = jax.lax.fori_loop(0, n, body, v_s)
        rank = jnp.cumsum(keep.astype(jnp.int32)) - 1
        take = keep & (rank < MAX_DET)
        idx = jnp.where(take, rank, MAX_DET)
        rows = jnp.concatenate([b_s, s_s[:, None]], axis=1)
        rows = jnp.where(take[:, None], rows, 0.0)
        buf = jnp.zeros((MAX_DET + 1, 5), dtype=jnp.float32)
        buf = buf.at[idx].set(rows)
        dets = buf[:MAX_DET]
        cnt = jnp.minimum(jnp.sum(keep.astype(jnp.int32)), MAX_DET).astype(jnp.int32)
        return dets, cnt

    per_image = jax.vmap(per_class, in_axes=(None, 1), out_axes=(0, 0))
    dets, counts = jax.vmap(per_image, in_axes=(0, 0))(box, score)
    return dets, counts

if __name__ == "__main__":
    import jax
    _d = setup_inputs()
    print(jax.jit(kernel)(*tuple(_d.values())))

</pallas_src>

<mosaic_0001>
#map = affine_map<(d0, d1) -> (0, 0)>
module attributes {stable_mosaic.version = 14 : i64} {
  func.func @_nms_body(%arg0: i32, %arg1: i32, %arg2: memref<84x5120xf32, #tpu.memory_space<hbm>>, %arg3: memref<4x5120xf32, #tpu.memory_space<hbm>>, %arg4: memref<4x5120xf32, #tpu.memory_space<hbm>>, %arg5: memref<4x5120xf32, #tpu.memory_space<hbm>>, %arg6: memref<4x5120xf32, #tpu.memory_space<hbm>>, %arg7: memref<84x640xf32, #tpu.memory_space<hbm>>, %arg8: memref<5120xf32, #tpu.memory_space<vmem>>, %arg9: memref<5120xf32, #tpu.memory_space<vmem>>, %arg10: memref<5120xf32, #tpu.memory_space<vmem>>, %arg11: memref<5120xf32, #tpu.memory_space<vmem>>, %arg12: memref<5120xf32, #tpu.memory_space<vmem>>, %arg13: memref<5120xf32, #tpu.memory_space<vmem>>, %arg14: memref<5136xf32, #tpu.memory_space<vmem>>, %arg15: memref<5136xi32, #tpu.memory_space<vmem>>, %arg16: memref<5136xf32, #tpu.memory_space<vmem>>, %arg17: memref<5136xf32, #tpu.memory_space<vmem>>, %arg18: memref<5136xf32, #tpu.memory_space<vmem>>, %arg19: memref<5136xf32, #tpu.memory_space<vmem>>, %arg20: memref<5136xf32, #tpu.memory_space<vmem>>, %arg21: memref<640xf32, #tpu.memory_space<vmem>>, %arg22: memref<640xf32, #tpu.memory_space<vmem>>, %arg23: memref<!tpu.dma_semaphore, #tpu.memory_space<semaphore_mem>>, %arg24: memref<!tpu.dma_semaphore, #tpu.memory_space<semaphore_mem>>, %arg25: memref<!tpu.dma_semaphore, #tpu.memory_space<semaphore_mem>>, %arg26: memref<!tpu.dma_semaphore, #tpu.memory_space<semaphore_mem>>) attributes {dimension_semantics = [#tpu.dimension_semantics<core_parallel>, #tpu.dimension_semantics<subcore_parallel>], iteration_bounds = array<i64: 2, 16>, scalar_prefetch = 0 : i64, scratch_operands = 19 : i64, tpu.core_type = #tpu.core_type<sc_vector_subcore>, window_params = [{transform_indices = #map}, {transform_indices = #map}, {transform_indices = #map}, {transform_indices = #map}, {transform_indices = #map}, {transform_indices = #map}]} {
    %iota3A = tpu.iota {dimensions = array<i32: 0>} : vector<16xi32>
    %broadcast_in_dim3A = arith.constant 0.000000e+00 : f32
    %broadcast_in_dim3A_0 = vector.broadcast %broadcast_in_dim3A : f32 to vector<16xf32>
    %broadcast_in_dim3A_1 = arith.constant 0 : i32
    %broadcast_in_dim3A_2 = vector.broadcast %broadcast_in_dim3A_1 : i32 to vector<16xi32>
    %mul3A = arith.constant 16 : i32
    %mul3A_3 = arith.muli %arg0, %mul3A : i32
    %add3A = arith.addi %mul3A_3, %arg1 : i32
    %lt3A = arith.constant 28 : i32
    %lt3A_4 = arith.cmpi slt, %add3A, %lt3A : i32
    %convert_element_type3A = arith.extui %lt3A_4 : i1 to i32
    %cond3A = arith.constant 0 : i32
    %cond3A_5 = arith.cmpi ne, %convert_element_type3A, %cond3A : i32
    scf.if %cond3A_5 {
      %jit3A = arith.constant 7 : i32
      %div3A = arith.divsi %add3A, %jit3A : i32
      %sign3A = arith.constant 0 : i32
      %sign3A_6 = arith.cmpi sgt, %add3A, %sign3A : i32
      %sign3A_7 = arith.extui %sign3A_6 : i1 to i32
      %sign3A_8 = arith.constant 0 : i32
      %sign3A_9 = arith.cmpi slt, %add3A, %sign3A_8 : i32
      %sign3A_10 = arith.extui %sign3A_9 : i1 to i32
      %sign3A_11 = arith.subi %sign3A_7, %sign3A_10 : i32
      %sign3A_12 = arith.constant 0 : i32
      %sign3A_13 = arith.cmpi sgt, %jit3A, %sign3A_12 : i32
      %sign3A_14 = arith.extui %sign3A_13 : i1 to i32
      %sign3A_15 = arith.constant 0 : i32
      %sign3A_16 = arith.cmpi slt, %jit3A, %sign3A_15 : i32
      %sign3A_17 = arith.extui %sign3A_16 : i1 to i32
      %sign3A_18 = arith.subi %sign3A_14, %sign3A_17 : i32
      %ne3A = arith.cmpi ne, %sign3A_11, %sign3A_18 : i32
      %rem3A = arith.remsi %add3A, %jit3A : i32
      %ne3A_19 = arith.constant 0 : i32
      %ne3A_20 = arith.cmpi ne, %rem3A, %ne3A_19 : i32
      %and3A = arith.andi %ne3A, %ne3A_20 : i1
      %sub3A = arith.constant 1 : i32
      %sub3A_21 = arith.subi %div3A, %sub3A : i32
      %select_n3A = arith.select %and3A, %sub3A_21, %div3A : i32
      %dma_start3A = arith.constant 0 : i32
      %dma_start3A_22 = tpu.memref_slice %arg3[%select_n3A, %dma_start3A] : memref<4x5120xf32, #tpu.memory_space<hbm>> -> memref<1x5120xf32, #tpu.memory_space<hbm>>
      %dma_start3A_23 = tpu.memref_squeeze %dma_start3A_22 : memref<1x5120xf32, #tpu.memory_space<hbm>> -> memref<5120xf32, #tpu.memory_space<hbm>>
      %dma_start3A_24 = arith.constant 0 : i32
      %dma_start3A_25 = tpu.memref_slice %arg3[%select_n3A, %dma_start3A_24] : memref<4x5120xf32, #tpu.memory_space<hbm>> -> memref<1x5120xf32, #tpu.memory_space<hbm>>
      %dma_start3A_26 = tpu.memref_squeeze %dma_start3A_25 : memref<1x5120xf32, #tpu.memory_space<hbm>> -> memref<5120xf32, #tpu.memory_space<hbm>>
      tpu.enqueue_dma source(%dma_start3A_26 : memref<5120xf32, #tpu.memory_space<hbm>>) target(%arg10 : memref<5120xf32, #tpu.memory_space<vmem>>) target_semaphore(%arg23 : memref<!tpu.dma_semaphore, #tpu.memory_space<semaphore_mem>>)
      %dma_start3A_27 = arith.constant 0 : i32
      %dma_start3A_28 = tpu.memref_slice %arg4[%select_n3A, %dma_start3A_27] : memref<4x5120xf32, #tpu.memory_space<hbm>> -> memref<1x5120xf32, #tpu.memory_space<hbm>>
      %dma_start3A_29 = tpu.memref_squeeze %dma_start3A_28 : memref<1x5120xf32, #tpu.memory_space<hbm>> -> memref<5120xf32, #tpu.memory_space<hbm>>
      %dma_start3A_30 = arith.constant 0 : i32
      %dma_start3A_31 = tpu.memref_slice %arg4[%select_n3A, %dma_start3A_30] : memref<4x5120xf32, #tpu.memory_space<hbm>> -> memref<1x5120xf32, #tpu.memory_space<hbm>>
      %dma_start3A_32 = tpu.memref_squeeze %dma_start3A_31 : memref<1x5120xf32, #tpu.memory_space<hbm>> -> memref<5120xf32, #tpu.memory_space<hbm>>
      tpu.enqueue_dma source(%dma_start3A_32 : memref<5120xf32, #tpu.memory_space<hbm>>) target(%arg11 : memref<5120xf32, #tpu.memory_space<vmem>>) target_semaphore(%arg23 : memref<!tpu.dma_semaphore, #tpu.memory_space<semaphore_mem>>)
      %dma_start3A_33 = arith.constant 0 : i32
      %dma_start3A_34 = tpu.memref_slice %arg5[%select_n3A, %dma_start3A_33] : memref<4x5120xf32, #tpu.memory_space<hbm>> -> memref<1x5120xf32, #tpu.memory_space<hbm>>
      %dma_start3A_35 = tpu.memref_squeeze %dma_start3A_34 : memref<1x5120xf32, #tpu.memory_space<hbm>> -> memref<5120xf32, #tpu.memory_space<hbm>>
      %dma_start3A_36 = arith.constant 0 : i32
      %dma_start3A_37 = tpu.memref_slice %arg5[%select_n3A, %dma_start3A_36] : memref<4x5120xf32, #tpu.memory_space<hbm>> -> memref<1x5120xf32, #tpu.memory_space<hbm>>
      %dma_start3A_38 = tpu.memref_squeeze %dma_start3A_37 : memref<1x5120xf32, #tpu.memory_space<hbm>> -> memref<5120xf32, #tpu.memory_space<hbm>>
      tpu.enqueue_dma source(%dma_start3A_38 : memref<5120xf32, #tpu.memory_space<hbm>>) target(%arg12 : memref<5120xf32, #tpu.memory_space<vmem>>) target_semaphore(%arg23 : memref<!tpu.dma_semaphore, #tpu.memory_space<semaphore_mem>>)
      %dma_start3A_39 = arith.constant 0 : i32
      %dma_start3A_40 = tpu.memref_slice %arg6[%select_n3A, %dma_start3A_39] : memref<4x5120xf32, #tpu.memory_space<hbm>> -> memref<1x5120xf32, #tpu.memory_space<hbm>>
      %dma_start3A_41 = tpu.memref_squeeze %dma_start3A_40 : memref<1x5120xf32, #tpu.memory_space<hbm>> -> memref<5120xf32, #tpu.memory_space<hbm>>
      %dma_start3A_42 = arith.constant 0 : i32
      %dma_start3A_43 = tpu.memref_slice %arg6[%select_n3A, %dma_start3A_42] : memref<4x5120xf32, #tpu.memory_space<hbm>> -> memref<1x5120xf32, #tpu.memory_space<hbm>>
      %dma_start3A_44 = tpu.memref_squeeze %dma_start3A_43 : memref<1x5120xf32, #tpu.memory_space<hbm>> -> memref<5120xf32, #tpu.memory_space<hbm>>
      tpu.enqueue_dma source(%dma_start3A_44 : memref<5120xf32, #tpu.memory_space<hbm>>) target(%arg13 : memref<5120xf32, #tpu.memory_space<vmem>>) target_semaphore(%arg23 : memref<!tpu.dma_semaphore, #tpu.memory_space<semaphore_mem>>)
      %mul3A_45 = arith.constant 3 : i32
      %mul3A_46 = arith.muli %add3A, %mul3A_45 : i32
      %dma_start3A_47 = arith.constant 0 : i32
      %dma_start3A_48 = tpu.memref_slice %arg2[%mul3A_46, %dma_start3A_47] : memref<84x5120xf32, #tpu.memory_space<hbm>> -> memref<1x5120xf32, #tpu.memory_space<hbm>>
      %dma_start3A_49 = tpu.memref_squeeze %dma_start3A_48 : memref<1x5120xf32, #tpu.memory_space<hbm>> -> memref<5120xf32, #tpu.memory_space<hbm>>
      %dma_start3A_50 = arith.constant 0 : i32
      %dma_start3A_51 = tpu.memref_slice %arg2[%mul3A_46, %dma_start3A_50] : memref<84x5120xf32, #tpu.memory_space<hbm>> -> memref<1x5120xf32, #tpu.memory_space<hbm>>
      %dma_start3A_52 = tpu.memref_squeeze %dma_start3A_51 : memref<1x5120xf32, #tpu.memory_space<hbm>> -> memref<5120xf32, #tpu.memory_space<hbm>>
      tpu.enqueue_dma source(%dma_start3A_52 : memref<5120xf32, #tpu.memory_space<hbm>>) target(%arg8 : memref<5120xf32, #tpu.memory_space<vmem>>) target_semaphore(%arg24 : memref<!tpu.dma_semaphore, #tpu.memory_space<semaphore_mem>>)
      %mul3A_53 = arith.constant 3 : i32
      %mul3A_54 = arith.muli %add3A, %mul3A_53 : i32
      %add3A_55 = arith.constant 0 : i32
      %add3A_56 = arith.addi %mul3A_54, %add3A_55 : i32
      %dma_wait3A = arith.constant 0 : i32
      %dma_wait3A_57 = tpu.memref_slice %arg2[%mul3A_46, %dma_wait3A] : memref<84x5120xf32, #tpu.memory_space<hbm>> -> memref<1x5120xf32, #tpu.memory_space<hbm>>
      %dma_wait3A_58 = tpu.memref_squeeze %dma_wait3A_57 : memref<1x5120xf32, #tpu.memory_space<hbm>> -> memref<5120xf32, #tpu.memory_space<hbm>>
      %dma_wait3A_59 = arith.constant 0 : i32
      %dma_wait3A_60 = tpu.memref_slice %arg2[%mul3A_46, %dma_wait3A_59] : memref<84x5120xf32, #tpu.memory_space<hbm>> -> memref<1x5120xf32, #tpu.memory_space<hbm>>
      %dma_wait3A_61 = tpu.memref_squeeze %dma_wait3A_60 : memref<1x5120xf32, #tpu.memory_space<hbm>> -> memref<5120xf32, #tpu.memory_space<hbm>>
      tpu.wait_dma2 semaphore(%arg24 : memref<!tpu.dma_semaphore, #tpu.memory_space<semaphore_mem>>) src(%dma_wait3A_61 : memref<5120xf32, #tpu.memory_space<hbm>>) dst(%arg8 : memref<5120xf32, #tpu.memory_space<vmem>>)
      %add3A_62 = arith.constant 1 : i32
      %add3A_63 = arith.addi %add3A_56, %add3A_62 : i32
      %dma_start3A_64 = arith.constant 0 : i32
      %dma_start3A_65 = tpu.memref_slice %arg2[%add3A_63, %dma_start3A_64] : memref<84x5120xf32, #tpu.memory_space<hbm>> -> memref<1x5120xf32, #tpu.memory_space<hbm>>
      %dma_start3A_66 = tpu.memref_squeeze %dma_start3A_65 : memref<1x5120xf32, #tpu.memory_space<hbm>> -> memref<5120xf32, #tpu.memory_space<hbm>>
      %dma_start3A_67 = arith.constant 0 : i32
      %dma_start3A_68 = tpu.memref_slice %arg2[%add3A_63, %dma_start3A_67] : memref<84x5120xf32, #tpu.memory_space<hbm>> -> memref<1x5120xf32, #tpu.memory_space<hbm>>
      %dma_start3A_69 = tpu.memref_squeeze %dma_start3A_68 : memref<1x5120xf32, #tpu.memory_space<hbm>> -> memref<5120xf32, #tpu.memory_space<hbm>>
      tpu.enqueue_dma source(%dma_start3A_69 : memref<5120xf32, #tpu.memory_space<hbm>>) target(%arg9 : memref<5120xf32, #tpu.memory_space<vmem>>) target_semaphore(%arg25 : memref<!tpu.dma_semaphore, #tpu.memory_space<semaphore_mem>>)
      %swap3A = arith.constant 0 : index
      %swap3A_70 = tpu.vector_load %arg21[%swap3A] {strides = array<i32>} : memref<640xf32, #tpu.memory_space<vmem>>, vector<16xf32>,
      tpu.vector_store %arg21[%swap3A], %broadcast_in_dim3A_0 {strides = array<i32>} : memref<640xf32, #tpu.memory_space<vmem>>, vector<16xf32>,
      %swap3A_71 = arith.constant 16 : index
      %swap3A_72 = tpu.vector_load %arg21[%swap3A_71] {strides = array<i32>} : memref<640xf32, #tpu.memory_space<vmem>>, vector<16xf32>,
      tpu.vector_store %arg21[%swap3A_71], %broadcast_in_dim3A_0 {strides = array<i32>} : memref<640xf32, #tpu.memory_space<vmem>>, vector<16xf32>,
      %swap3A_73 = arith.constant 32 : index
      %swap3A_74 = tpu.vector_load %arg21[%swap3A_73] {strides = array<i32>} : memref<640xf32, #tpu.memory_space<vmem>>, vector<16xf32>,
      tpu.vector_store %arg21[%swap3A_73], %broadcast_in_dim3A_0 {strides = array<i32>} : memref<640xf32, #tpu.memory_space<vmem>>, vector<16xf32>,
      %swap3A_75 = arith.constant 48 : index
      %swap3A_76 = tpu.vector_load %arg21[%swap3A_75] {strides = array<i32>} : memref<640xf32, #tpu.memory_space<vmem>>, vector<16xf32>,
      tpu.vector_store %arg21[%swap3A_75], %broadcast_in_dim3A_0 {strides = array<i32>} : memref<640xf32, #tpu.memory_space<vmem>>, vector<16xf32>,
      %swap3A_77 = arith.constant 64 : index
      %swap3A_78 = tpu.vector_load %arg21[%swap3A_77] {strides = array<i32>} : memref<640xf32, #tpu.memory_space<vmem>>, vector<16xf32>,
      tpu.vector_store %arg21[%swap3A_77], %broadcast_in_dim3A_0 {strides = array<i32>} : memref<640xf32, #tpu.memory_space<vmem>>, vector<16xf32>,
      %swap3A_79 = arith.constant 80 : index
      %swap3A_80 = tpu.vector_load %arg21[%swap3A_79] {strides = array<i32>} : memref<640xf32, #tpu.memory_space<vmem>>, vector<16xf32>,
      tpu.vector_store %arg21[%swap3A_79], %broadcast_in_dim3A_0 {strides = array<i32>} : memref<640xf32, #tpu.memory_space<vmem>>, vector<16xf32>,
      %swap3A_81 = arith.constant 96 : index
      %swap3A_82 = tpu.vector_load %arg21[%swap3A_81] {strides = array<i32>} : memref<640xf32, #tpu.memory_space<vmem>>, vector<16xf32>,
      tpu.vector_store %arg21[%swap3A_81], %broadcast_in_dim3A_0 {strides = array<i32>} : memref<640xf32, #tpu.memory_space<vmem>>, vector<16xf32>,
      %swap3A_83 = arith.constant 112 : index
      %swap3A_84 = tpu.vector_load %arg21[%swap3A_83] {strides = array<i32>} : memref<640xf32, #tpu.memory_space<vmem>>, vector<16xf32>,
      tpu.vector_store %arg21[%swap3A_83], %broadcast_in_dim3A_0 {strides = array<i32>} : memref<640xf32, #tpu.memory_space<vmem>>, vector<16xf32>,
      %swap3A_85 = arith.constant 128 : index
      %swap3A_86 = tpu.vector_load %arg21[%swap3A_85] {strides = array<i32>} : memref<640xf32, #tpu.memory_space<vmem>>, vector<16xf32>,
      tpu.vector_store %arg21[%swap3A_85], %broadcast_in_dim3A_0 {strides = array<i32>} : memref<640xf32, #tpu.memory_space<vmem>>, vector<16xf32>,
      %swap3A_87 = arith.constant 144 : index
      %swap3A_88 = tpu.vector_load %arg21[%swap3A_87] {strides = array<i32>} : memref<640xf32, #tpu.memory_space<vmem>>, vector<16xf32>,
      tpu.vector_store %arg21[%swap3A_87], %broadcast_in_dim3A_0 {strides = array<i32>} : memref<640xf32, #tpu.memory_space<vmem>>, vector<16xf32>,
      %swap3A_89 = arith.constant 160 : index
      %swap3A_90 = tpu.vector_load %arg21[%swap3A_89] {strides = array<i32>} : memref<640xf32, #tpu.memory_space<vmem>>, vector<16xf32>,
      tpu.vector_store %arg21[%swap3A_89], %broadcast_in_dim3A_0 {strides = array<i32>} : memref<640xf32, #tpu.memory_space<vmem>>, vector<16xf32>,
      %swap3A_91 = arith.constant 176 : index
      %swap3A_92 = tpu.vector_load %arg21[%swap3A_91] {strides = array<i32>} : memref<640xf32, #tpu.memory_space<vmem>>, vector<16xf32>,
      tpu.vector_store %arg21[%swap3A_91], %broadcast_in_dim3A_0 {strides = array<i32>} : memref<640xf32, #tpu.memory_space<vmem>>, vector<16xf32>,
      %swap3A_93 = arith.constant 192 : index
      %swap3A_94 = tpu.vector_load %arg21[%swap3A_93] {strides = array<i32>} : memref<640xf32, #tpu.memory_space<vmem>>, vector<16xf32>,
      tpu.vector_store %arg21[%swap3A_93], %broadcast_in_dim3A_0 {strides = array<i32>} : memref<640xf32, #tpu.memory_space<vmem>>, vector<16xf32>,
      %swap3A_95 = arith.constant 208 : index
      %swap3A_96 = tpu.vector_load %arg21[%swap3A_95] {strides = array<i32>} : memref<640xf32, #tpu.memory_space<vmem>>, vector<16xf32>,
      tpu.vector_store %arg21[%swap3A_95], %broadcast_in_dim3A_0 {strides = array<i32>} : memref<640xf32, #tpu.memory_space<vmem>>, vector<16xf32>,
      %swap3A_97 = arith.constant 224 : index
      %swap3A_98 = tpu.vector_load %arg21[%swap3A_97] {strides = array<i32>} : memref<640xf32, #tpu.memory_space<vmem>>, vector<16xf32>,
      tpu.vector_store %arg21[%swap3A_97], %broadcast_in_dim3A_0 {strides = array<i32>} : memref<640xf32, #tpu.memory_space<vmem>>, vector<16xf32>,
      %swap3A_99 = arith.constant 240 : index
      %swap3A_100 = tpu.vector_load %arg21[%swap3A_99] {strides = array<i32>} : memref<640xf32, #tpu.memory_space<vmem>>, vector<16xf32>,
      tpu.vector_store %arg21[%swap3A_99], %broadcast_in_dim3A_0 {strides = array<i32>} : memref<640xf32, #tpu.memory_space<vmem>>, vector<16xf32>,
      %swap3A_101 = arith.constant 256 : index
      %swap3A_102 = tpu.vector_load %arg21[%swap3A_101] {strides = array<i32>} : memref<640xf32, #tpu.memory_space<vmem>>, vector<16xf32>,
      tpu.vector_store %arg21[%swap3A_101], %broadcast_in_dim3A_0 {strides = array<i32>} : memref<640xf32, #tpu.memory_space<vmem>>, vector<16xf32>,
      %swap3A_103 = arith.constant 272 : index
      %swap3A_104 = tpu.vector_load %arg21[%swap3A_103] {strides = array<i32>} : memref<640xf32, #tpu.memory_space<vmem>>, vector<16xf32>,
      tpu.vector_store %arg21[%swap3A_103], %broadcast_in_dim3A_0 {strides = array<i32>} : memref<640xf32, #tpu.memory_space<vmem>>, vector<16xf32>,
      %swap3A_105 = arith.constant 288 : index
      %swap3A_106 = tpu.vector_load %arg21[%swap3A_105] {strides = array<i32>} : memref<640xf32, #tpu.memory_space<vmem>>, vector<16xf32>,
      tpu.vector_store %arg21[%swap3A_105], %broadcast_in_dim3A_0 {strides = array<i32>} : memref<640xf32, #tpu.memory_space<vmem>>, vector<16xf32>,
      %swap3A_107 = arith.constant 304 : index
      %swap3A_108 = tpu.vector_load %arg21[%swap3A_107] {strides = array<i32>} : memref<640xf32, #tpu.memory_space<vmem>>, vector<16xf32>,
      tpu.vector_store %arg21[%swap3A_107], %broadcast_in_dim3A_0 {strides = array<i32>} : memref<640xf32, #tpu.memory_space<vmem>>, vector<16xf32>,
      %swap3A_109 = arith.constant 320 : index
      %swap3A_110 = tpu.vector_load %arg21[%swap3A_109] {strides = array<i32>} : memref<640xf32, #tpu.memory_space<vmem>>, vector<16xf32>,
      tpu.vector_store %arg21[%swap3A_109], %broadcast_in_dim3A_0 {strides = array<i32>} : memref<640xf32, #tpu.memory_space<vmem>>, vector<16xf32>,
      %swap3A_111 = arith.constant 336 : index
      %swap3A_112 = tpu.vector_load %arg21[%swap3A_111] {strides = array<i32>} : memref<640xf32, #tpu.memory_space<vmem>>, vector<16xf32>,
      tpu.vector_store %arg21[%swap3A_111], %broadcast_in_dim3A_0 {strides = array<i32>} : memref<640xf32, #tpu.memory_space<vmem>>, vector<16xf32>,
      %swap3A_113 = arith.constant 352 : index
      %swap3A_114 = tpu.vector_load %arg21[%swap3A_113] {strides = array<i32>} : memref<640xf32, #tpu.memory_space<vmem>>, vector<16xf32>,
      tpu.vector_store %arg21[%swap3A_113], %broadcast_in_dim3A_0 {strides = array<i32>} : memref<640xf32, #tpu.memory_space<vmem>>, vector<16xf32>,
      %swap3A_115 = arith.constant 368 : index
      %swap3A_116 = tpu.vector_load %arg21[%swap3A_115] {strides = array<i32>} : memref<640xf32, #tpu.memory_space<vmem>>, vector<16xf32>,
      tpu.vector_store %arg21[%swap3A_115], %broadcast_in_dim3A_0 {strides = array<i32>} : memref<640xf32, #tpu.memory_space<vmem>>, vector<16xf32>,
      %swap3A_117 = arith.constant 384 : index
      %swap3A_118 = tpu.vector_load %arg21[%swap3A_117] {strides = array<i32>} : memref<640xf32, #tpu.memory_space<vmem>>, vector<16xf32>,
      tpu.vector_store %arg21[%swap3A_117], %broadcast_in_dim3A_0 {strides = array<i32>} : memref<640xf32, #tpu.memory_space<vmem>>, vector<16xf32>,
      %swap3A_119 = arith.constant 400 : index
      %swap3A_120 = tpu.vector_load %arg21[%swap3A_119] {strides = array<i32>} : memref<640xf32, #tpu.memory_space<vmem>>, vector<16xf32>,
      tpu.vector_store %arg21[%swap3A_119], %broadcast_in_dim3A_0 {strides = array<i32>} : memref<640xf32, #tpu.memory_space<vmem>>, vector<16xf32>,
      %swap3A_121 = arith.constant 416 : index
      %swap3A_122 = tpu.vector_load %arg21[%swap3A_121] {strides = array<i32>} : memref<640xf32, #tpu.memory_space<vmem>>, vector<16xf32>,
      tpu.vector_store %arg21[%swap3A_121], %broadcast_in_dim3A_0 {strides = array<i32>} : memref<640xf32, #tpu.memory_space<vmem>>, vector<16xf32>,
      %swap3A_123 = arith.constant 432 : index
      %swap3A_124 = tpu.vector_load %arg21[%swap3A_123] {strides = array<i32>} : memref<640xf32, #tpu.memory_space<vmem>>, vector<16xf32>,
      tpu.vector_store %arg21[%swap3A_123], %broadcast_in_dim3A_0 {strides = array<i32>} : memref<640xf32, #tpu.memory_space<vmem>>, vector<16xf32>,
      %swap3A_125 = arith.constant 448 : index
      %swap3A_126 = tpu.vector_load %arg21[%swap3A_125] {strides = array<i32>} : memref<640xf32, #tpu.memory_space<vmem>>, vector<16xf32>,
      tpu.vector_store %arg21[%swap3A_125], %broadcast_in_dim3A_0 {strides = array<i32>} : memref<640xf32, #tpu.memory_space<vmem>>, vector<16xf32>,
      %swap3A_127 = arith.constant 464 : index
      %swap3A_128 = tpu.vector_load %arg21[%swap3A_127] {strides = array<i32>} : memref<640xf32, #tpu.memory_space<vmem>>, vector<16xf32>,
      tpu.vector_store %arg21[%swap3A_127], %broadcast_in_dim3A_0 {strides = array<i32>} : memref<640xf32, #tpu.memory_space<vmem>>, vector<16xf32>,
      %swap3A_129 = arith.constant 480 : index
      %swap3A_130 = tpu.vector_load %arg21[%swap3A_129] {strides = array<i32>} : memref<640xf32, #tpu.memory_space<vmem>>, vector<16xf32>,
      tpu.vector_store %arg21[%swap3A_129], %broadcast_in_dim3A_0 {strides = array<i32>} : memref<640xf32, #tpu.memory_space<vmem>>, vector<16xf32>,
      %swap3A_131 = arith.constant 496 : index
      %swap3A_132 = tpu.vector_load %arg21[%swap3A_131] {strides = array<i32>} : memref<640xf32, #tpu.memory_space<vmem>>, vector<16xf32>,
      tpu.vector_store %arg21[%swap3A_131], %broadcast_in_dim3A_0 {strides = array<i32>} : memref<640xf32, #tpu.memory_space<vmem>>, vector<16xf32>,
      %swap3A_133 = arith.constant 512 : index
      %swap3A_134 = tpu.vector_load %arg21[%swap3A_133] {strides = array<i32>} : memref<640xf32, #tpu.memory_space<vmem>>, vector<16xf32>,
      tpu.vector_store %arg21[%swap3A_133], %broadcast_in_dim3A_0 {strides = array<i32>} : memref<640xf32, #tpu.memory_space<vmem>>, vector<16xf32>,
      %swap3A_135 = arith.constant 528 : index
      %swap3A_136 = tpu.vector_load %arg21[%swap3A_135] {strides = array<i32>} : memref<640xf32, #tpu.memory_space<vmem>>, vector<16xf32>,
      tpu.vector_store %arg21[%swap3A_135], %broadcast_in_dim3A_0 {strides = array<i32>} : memref<640xf32, #tpu.memory_space<vmem>>, vector<16xf32>,
      %swap3A_137 = arith.constant 544 : index
      %swap3A_138 = tpu.vector_load %arg21[%swap3A_137] {strides = array<i32>} : memref<640xf32, #tpu.memory_space<vmem>>, vector<16xf32>,
      tpu.vector_store %arg21[%swap3A_137], %broadcast_in_dim3A_0 {strides = array<i32>} : memref<640xf32, #tpu.memory_space<vmem>>, vector<16xf32>,
      %swap3A_139 = arith.constant 560 : index
      %swap3A_140 = tpu.vector_load %arg21[%swap3A_139] {strides = array<i32>} : memref<640xf32, #tpu.memory_space<vmem>>, vector<16xf32>,
      tpu.vector_store %arg21[%swap3A_139], %broadcast_in_dim3A_0 {strides = array<i32>} : memref<640xf32, #tpu.memory_space<vmem>>, vector<16xf32>,
      %swap3A_141 = arith.constant 576 : index
      %swap3A_142 = tpu.vector_load %arg21[%swap3A_141] {strides = array<i32>} : memref<640xf32, #tpu.memory_space<vmem>>, vector<16xf32>,
      tpu.vector_store %arg21[%swap3A_141], %broadcast_in_dim3A_0 {strides = array<i32>} : memref<640xf32, #tpu.memory_space<vmem>>, vector<16xf32>,
      %swap3A_143 = arith.constant 592 : index
      %swap3A_144 = tpu.vector_load %arg21[%swap3A_143] {strides = array<i32>} : memref<640xf32, #tpu.memory_space<vmem>>, vector<16xf32>,
      tpu.vector_store %arg21[%swap3A_143], %broadcast_in_dim3A_0 {strides = array<i32>} : memref<640xf32, #tpu.memory_space<vmem>>, vector<16xf32>,
      %swap3A_145 = arith.constant 608 : index
      %swap3A_146 = tpu.vector_load %arg21[%swap3A_145] {strides = array<i32>} : memref<640xf32, #tpu.memory_space<vmem>>, vector<16xf32>,
      tpu.vector_store %arg21[%swap3A_145], %broadcast_in_dim3A_0 {strides = array<i32>} : memref<640xf32, #tpu.memory_space<vmem>>, vector<16xf32>,
      %swap3A_147 = arith.constant 624 : index
      %swap3A_148 = tpu.vector_load %arg21[%swap3A_147] {strides = array<i32>} : memref<640xf32, #tpu.memory_space<vmem>>, vector<16xf32>,
      tpu.vector_store %arg21[%swap3A_147], %broadcast_in_dim3A_0 {strides = array<i32>} : memref<640xf32, #tpu.memory_space<vmem>>, vector<16xf32>,
      %parallel_loop3A = arith.constant 0 : i32
      %parallel_loop3A_149 = arith.constant 5120 : i32
      %parallel_loop3A_150 = arith.constant 64 : i32
      %parallel_loop3A_151 = scf.for %parallel_loop3A_634 = %parallel_loop3A to %parallel_loop3A_149 step %parallel_loop3A_150 iter_args(%parallel_loop3A_635 = %broadcast_in_dim3A_2) -> (vector<16xi32>)  : i32 {
        %parallel_loop3A_636 = arith.constant 0 : i32
        %parallel_loop3A_637 = arith.addi %parallel_loop3A_634, %parallel_loop3A_636 : i32
        %parallel_loop3A_638 = vector.broadcast %parallel_loop3A_637 : i32 to vector<16xi32>
        %parallel_loop3A_639 = arith.addi %parallel_loop3A_638, %iota3A : vector<16xi32>
        %parallel_loop3A_640 = tpu.vector_load_idx %arg8[%parallel_loop3A_639] : memref<5120xf32, #tpu.memory_space<vmem>>[vector<16xi32>], vector<16xf32>,
        %parallel_loop3A_641 = arith.constant 16 : i32
        %parallel_loop3A_642 = arith.addi %parallel_loop3A_634, %parallel_loop3A_641 : i32
        %parallel_loop3A_643 = vector.broadcast %parallel_loop3A_642 : i32 to vector<16xi32>
        %parallel_loop3A_644 = arith.addi %parallel_loop3A_643, %iota3A : vector<16xi32>
        %parallel_loop3A_645 = tpu.vector_load_idx %arg8[%parallel_loop3A_644] : memref<5120xf32, #tpu.memory_space<vmem>>[vector<16xi32>], vector<16xf32>,
        %parallel_loop3A_646 = arith.constant 32 : i32
        %parallel_loop3A_647 = arith.addi %parallel_loop3A_634, %parallel_loop3A_646 : i32
        %parallel_loop3A_648 = vector.broadcast %parallel_loop3A_647 : i32 to vector<16xi32>
        %parallel_loop3A_649 = arith.addi %parallel_loop3A_648, %iota3A : vector<16xi32>
        %parallel_loop3A_650 = tpu.vector_load_idx %arg8[%parallel_loop3A_649] : memref<5120xf32, #tpu.memory_space<vmem>>[vector<16xi32>], vector<16xf32>,
        %parallel_loop3A_651 = arith.constant 48 : i32
        %parallel_loop3A_652 = arith.addi %parallel_loop3A_634, %parallel_loop3A_651 : i32
        %parallel_loop3A_653 = vector.broadcast %parallel_loop3A_652 : i32 to vector<16xi32>
        %parallel_loop3A_654 = arith.addi %parallel_loop3A_653, %iota3A : vector<16xi32>
        %parallel_loop3A_655 = tpu.vector_load_idx %arg8[%parallel_loop3A_654] : memref<5120xf32, #tpu.memory_space<vmem>>[vector<16xi32>], vector<16xf32>,
        %parallel_loop3A_656 = arith.constant 0.899999976 : f32
        %parallel_loop3A_657 = vector.broadcast %parallel_loop3A_656 : f32 to vector<16xf32>
        %parallel_loop3A_658 = arith.cmpf oge, %parallel_loop3A_640, %parallel_loop3A_657 : vector<16xf32>
        %parallel_loop3A_659 = arith.constant 0.899999976 : f32
        %parallel_loop3A_660 = vector.broadcast %parallel_loop3A_659 : f32 to vector<16xf32>
        %parallel_loop3A_661 = arith.cmpf oge, %parallel_loop3A_645, %parallel_loop3A_660 : vector<16xf32>
        %parallel_loop3A_662 = arith.constant 0.899999976 : f32
        %parallel_loop3A_663 = vector.broadcast %parallel_loop3A_662 : f32 to vector<16xf32>
        %parallel_loop3A_664 = arith.cmpf oge, %parallel_loop3A_650, %parallel_loop3A_663 : vector<16xf32>
        %parallel_loop3A_665 = arith.constant 0.899999976 : f32
        %parallel_loop3A_666 = vector.broadcast %parallel_loop3A_665 : f32 to vector<16xf32>
        %parallel_loop3A_667 = arith.cmpf oge, %parallel_loop3A_655, %parallel_loop3A_666 : vector<16xf32>
        %parallel_loop3A_668 = arith.ori %parallel_loop3A_658, %parallel_loop3A_661 : vector<16xi1>
        %parallel_loop3A_669 = arith.ori %parallel_loop3A_664, %parallel_loop3A_667 : vector<16xi1>
        %parallel_loop3A_670 = arith.ori %parallel_loop3A_668, %parallel_loop3A_669 : vector<16xi1>
        %parallel_loop3A_671 = arith.constant 1.000000e+00 : f32
        %parallel_loop3A_672 = arith.constant 0.000000e+00 : f32
        %parallel_loop3A_673 = vector.broadcast %parallel_loop3A_671 : f32 to vector<16xf32>
        %parallel_loop3A_674 = vector.broadcast %parallel_loop3A_672 : f32 to vector<16xf32>
        %parallel_loop3A_675 = arith.select %parallel_loop3A_670, %parallel_loop3A_673, %parallel_loop3A_674 : vector<16xi1>, vector<16xf32>
        %parallel_loop3A_676 = arith.constant true
        %parallel_loop3A_677 = vector.broadcast %parallel_loop3A_676 : i1 to vector<16xi1>
        %parallel_loop3A_678 = tpu.scan <max>, %parallel_loop3A_675 masked %parallel_loop3A_677 : vector<16xf32>, vector<16xi1> -> vector<16xf32>
        %parallel_loop3A_679 = vector.extract %parallel_loop3A_678[15] : f32 from vector<16xf32>
        %parallel_loop3A_680 = arith.constant 0.000000e+00 : f32
        %parallel_loop3A_681 = arith.cmpf ogt, %parallel_loop3A_679, %parallel_loop3A_680 : f32
        %parallel_loop3A_682 = arith.extui %parallel_loop3A_681 : i1 to i32
        %parallel_loop3A_683 = arith.constant 0 : i32
        %parallel_loop3A_684 = arith.cmpi ne, %parallel_loop3A_682, %parallel_loop3A_683 : i32
        %parallel_loop3A_685 = scf.if %parallel_loop3A_684 -> (vector<16xi32>) {
          %parallel_loop3A_686 = arith.extui %parallel_loop3A_658 : vector<16xi1> to vector<16xi32>
          %parallel_loop3A_687 = arith.constant true
          %parallel_loop3A_688 = vector.broadcast %parallel_loop3A_687 : i1 to vector<16xi1>
          %parallel_loop3A_689 = tpu.scan <sum>, %parallel_loop3A_686 masked %parallel_loop3A_688 : vector<16xi32>, vector<16xi1> -> vector<16xi32>
          %parallel_loop3A_690 = arith.addi %parallel_loop3A_635, %parallel_loop3A_689 : vector<16xi32>
          %parallel_loop3A_691 = arith.constant 1 : i32
          %parallel_loop3A_692 = vector.broadcast %parallel_loop3A_691 : i32 to vector<16xi32>
          %parallel_loop3A_693 = arith.subi %parallel_loop3A_690, %parallel_loop3A_692 : vector<16xi32>
          tpu.vector_store_idx %arg14[%parallel_loop3A_693], %parallel_loop3A_640 masked %parallel_loop3A_658 : memref<5136xf32, #tpu.memory_space<vmem>>[vector<16xi32>], vector<16xf32>, vector<16xi1>
          %parallel_loop3A_694 = arith.constant 0 : i32
          %parallel_loop3A_695 = arith.addi %parallel_loop3A_634, %parallel_loop3A_694 : i32
          %parallel_loop3A_696 = vector.broadcast %parallel_loop3A_695 : i32 to vector<16xi32>
          %parallel_loop3A_697 = arith.addi %parallel_loop3A_696, %iota3A : vector<16xi32>
          tpu.vector_store_idx %arg15[%parallel_loop3A_693], %parallel_loop3A_697 masked %parallel_loop3A_658 : memref<5136xi32, #tpu.memory_space<vmem>>[vector<16xi32>], vector<16xi32>, vector<16xi1>
          %parallel_loop3A_698 = tpu.all_reduce %parallel_loop3A_658 {dim = 0 : i64, kind = #tpu.reduction_kind<sum>} : vector<16xi1> -> vector<16xi32>
          %parallel_loop3A_699 = arith.addi %parallel_loop3A_635, %parallel_loop3A_698 : vector<16xi32>
          %parallel_loop3A_700 = arith.extui %parallel_loop3A_661 : vector<16xi1> to vector<16xi32>
          %parallel_loop3A_701 = arith.constant true
          %parallel_loop3A_702 = vector.broadcast %parallel_loop3A_701 : i1 to vector<16xi1>
          %parallel_loop3A_703 = tpu.scan <sum>, %parallel_loop3A_700 masked %parallel_loop3A_702 : vector<16xi32>, vector<16xi1> -> vector<16xi32>
          %parallel_loop3A_704 = arith.addi %parallel_loop3A_699, %parallel_loop3A_703 : vector<16xi32>
          %parallel_loop3A_705 = arith.constant 1 : i32
          %parallel_loop3A_706 = vector.broadcast %parallel_loop3A_705 : i32 to vector<16xi32>
          %parallel_loop3A_707 = arith.subi %parallel_loop3A_704, %parallel_loop3A_706 : vector<16xi32>
          tpu.vector_store_idx %arg14[%parallel_loop3A_707], %parallel_loop3A_645 masked %parallel_loop3A_661 : memref<5136xf32, #tpu.memory_space<vmem>>[vector<16xi32>], vector<16xf32>, vector<16xi1>
          %parallel_loop3A_708 = arith.constant 16 : i32
          %parallel_loop3A_709 = arith.addi %parallel_loop3A_634, %parallel_loop3A_708 : i32
          %parallel_loop3A_710 = vector.broadcast %parallel_loop3A_709 : i32 to vector<16xi32>
          %parallel_loop3A_711 = arith.addi %parallel_loop3A_710, %iota3A : vector<16xi32>
          tpu.vector_store_idx %arg15[%parallel_loop3A_707], %parallel_loop3A_711 masked %parallel_loop3A_661 : memref<5136xi32, #tpu.memory_space<vmem>>[vector<16xi32>], vector<16xi32>, vector<16xi1>
          %parallel_loop3A_712 = tpu.all_reduce %parallel_loop3A_661 {dim = 0 : i64, kind = #tpu.reduction_kind<sum>} : vector<16xi1> -> vector<16xi32>
          %parallel_loop3A_713 = arith.addi %parallel_loop3A_699, %parallel_loop3A_712 : vector<16xi32>
          %parallel_loop3A_714 = arith.extui %parallel_loop3A_664 : vector<16xi1> to vector<16xi32>
          %parallel_loop3A_715 = arith.constant true
          %parallel_loop3A_716 = vector.broadcast %parallel_loop3A_715 : i1 to vector<16xi1>
          %parallel_loop3A_717 = tpu.scan <sum>, %parallel_loop3A_714 masked %parallel_loop3A_716 : vector<16xi32>, vector<16xi1> -> vector<16xi32>
          %parallel_loop3A_718 = arith.addi %parallel_loop3A_713, %parallel_loop3A_717 : vector<16xi32>
          %parallel_loop3A_719 = arith.constant 1 : i32
          %parallel_loop3A_720 = vector.broadcast %parallel_loop3A_719 : i32 to vector<16xi32>
          %parallel_loop3A_721 = arith.subi %parallel_loop3A_718, %parallel_loop3A_720 : vector<16xi32>
          tpu.vector_store_idx %arg14[%parallel_loop3A_721], %parallel_loop3A_650 masked %parallel_loop3A_664 : memref<5136xf32, #tpu.memory_space<vmem>>[vector<16xi32>], vector<16xf32>, vector<16xi1>
          %parallel_loop3A_722 = arith.constant 32 : i32
          %parallel_loop3A_723 = arith.addi %parallel_loop3A_634, %parallel_loop3A_722 : i32
          %parallel_loop3A_724 = vector.broadcast %parallel_loop3A_723 : i32 to vector<16xi32>
          %parallel_loop3A_725 = arith.addi %parallel_loop3A_724, %iota3A : vector<16xi32>
          tpu.vector_store_idx %arg15[%parallel_loop3A_721], %parallel_loop3A_725 masked %parallel_loop3A_664 : memref<5136xi32, #tpu.memory_space<vmem>>[vector<16xi32>], vector<16xi32>, vector<16xi1>
          %parallel_loop3A_726 = tpu.all_reduce %parallel_loop3A_664 {dim = 0 : i64, kind = #tpu.reduction_kind<sum>} : vector<16xi1> -> vector<16xi32>
          %parallel_loop3A_727 = arith.addi %parallel_loop3A_713, %parallel_loop3A_726 : vector<16xi32>
          %parallel_loop3A_728 = arith.extui %parallel_loop3A_667 : vector<16xi1> to vector<16xi32>
          %parallel_loop3A_729 = arith.constant true
          %parallel_loop3A_730 = vector.broadcast %parallel_loop3A_729 : i1 to vector<16xi1>
          %parallel_loop3A_731 = tpu.scan <sum>, %parallel_loop3A_728 masked %parallel_loop3A_730 : vector<16xi32>, vector<16xi1> -> vector<16xi32>
          %parallel_loop3A_732 = arith.addi %parallel_loop3A_727, %parallel_loop3A_731 : vector<16xi32>
          %parallel_loop3A_733 = arith.constant 1 : i32
          %parallel_loop3A_734 = vector.broadcast %parallel_loop3A_733 : i32 to vector<16xi32>
          %parallel_loop3A_735 = arith.subi %parallel_loop3A_732, %parallel_loop3A_734 : vector<16xi32>
          tpu.vector_store_idx %arg14[%parallel_loop3A_735], %parallel_loop3A_655 masked %parallel_loop3A_667 : memref<5136xf32, #tpu.memory_space<vmem>>[vector<16xi32>], vector<16xf32>, vector<16xi1>
          %parallel_loop3A_736 = arith.constant 48 : i32
          %parallel_loop3A_737 = arith.addi %parallel_loop3A_634, %parallel_loop3A_736 : i32
          %parallel_loop3A_738 = vector.broadcast %parallel_loop3A_737 : i32 to vector<16xi32>
          %parallel_loop3A_739 = arith.addi %parallel_loop3A_738, %iota3A : vector<16xi32>
          tpu.vector_store_idx %arg15[%parallel_loop3A_735], %parallel_loop3A_739 masked %parallel_loop3A_667 : memref<5136xi32, #tpu.memory_space<vmem>>[vector<16xi32>], vector<16xi32>, vector<16xi1>
          %parallel_loop3A_740 = tpu.all_reduce %parallel_loop3A_667 {dim = 0 : i64, kind = #tpu.reduction_kind<sum>} : vector<16xi1> -> vector<16xi32>
          %parallel_loop3A_741 = arith.addi %parallel_loop3A_727, %parallel_loop3A_740 : vector<16xi32>
          scf.yield %parallel_loop3A_741 : vector<16xi32>
        } else {
          scf.yield %parallel_loop3A_635 : vector<16xi32>
        }
        scf.yield %parallel_loop3A_685 : vector<16xi32>
      } {sc.loop_unroll_factor = 2 : i64, sc.parallel_access}
      %reduce_max3A = arith.constant true
      %reduce_max3A_152 = vector.broadcast %reduce_max3A : i1 to vector<16xi1>
      %reduce_max3A_153 = arith.constant -2147483648 : i32
      %reduce_max3A_154 = vector.broadcast %reduce_max3A_153 : i32 to vector<16xi32>
      %reduce_max3A_155 = arith.xori %parallel_loop3A_151, %reduce_max3A_154 : vector<16xi32>
      %reduce_max3A_156 = tpu.scan <max>, %reduce_max3A_155 masked %reduce_max3A_152 : vector<16xi32>, vector<16xi1> -> vector<16xi32>
      %reduce_max3A_157 = arith.xori %reduce_max3A_156, %reduce_max3A_154 : vector<16xi32>
      %reduce_max3A_158 = vector.extract %reduce_max3A_157[15] : i32 from vector<16xi32>
      %dma_wait3A_159 = arith.constant 0 : i32
      %dma_wait3A_160 = tpu.memref_slice %arg3[%select_n3A, %dma_wait3A_159] : memref<4x5120xf32, #tpu.memory_space<hbm>> -> memref<1x5120xf32, #tpu.memory_space<hbm>>
      %dma_wait3A_161 = tpu.memref_squeeze %dma_wait3A_160 : memref<1x5120xf32, #tpu.memory_space<hbm>> -> memref<5120xf32, #tpu.memory_space<hbm>>
      %dma_wait3A_162 = arith.constant 0 : i32
      %dma_wait3A_163 = tpu.memref_slice %arg3[%select_n3A, %dma_wait3A_162] : memref<4x5120xf32, #tpu.memory_space<hbm>> -> memref<1x5120xf32, #tpu.memory_space<hbm>>
      %dma_wait3A_164 = tpu.memref_squeeze %dma_wait3A_163 : memref<1x5120xf32, #tpu.memory_space<hbm>> -> memref<5120xf32, #tpu.memory_space<hbm>>
      tpu.wait_dma2 semaphore(%arg23 : memref<!tpu.dma_semaphore, #tpu.memory_space<semaphore_mem>>) src(%dma_wait3A_164 : memref<5120xf32, #tpu.memory_space<hbm>>) dst(%arg10 : memref<5120xf32, #tpu.memory_space<vmem>>)
      %dma_wait3A_165 = arith.constant 0 : i32
      %dma_wait3A_166 = tpu.memref_slice %arg4[%select_n3A, %dma_wait3A_165] : memref<4x5120xf32, #tpu.memory_space<hbm>> -> memref<1x5120xf32, #tpu.memory_space<hbm>>
      %dma_wait3A_167 = tpu.memref_squeeze %dma_wait3A_166 : memref<1x5120xf32, #tpu.memory_space<hbm>> -> memref<5120xf32, #tpu.memory_space<hbm>>
      %dma_wait3A_168 = arith.constant 0 : i32
      %dma_wait3A_169 = tpu.memref_slice %arg4[%select_n3A, %dma_wait3A_168] : memref<4x5120xf32, #tpu.memory_space<hbm>> -> memref<1x5120xf32, #tpu.memory_space<hbm>>
      %dma_wait3A_170 = tpu.memref_squeeze %dma_wait3A_169 : memref<1x5120xf32, #tpu.memory_space<hbm>> -> memref<5120xf32, #tpu.memory_space<hbm>>
      tpu.wait_dma2 semaphore(%arg23 : memref<!tpu.dma_semaphore, #tpu.memory_space<semaphore_mem>>) src(%dma_wait3A_170 : memref<5120xf32, #tpu.memory_space<hbm>>) dst(%arg11 : memref<5120xf32, #tpu.memory_space<vmem>>)
      %dma_wait3A_171 = arith.constant 0 : i32
      %dma_wait3A_172 = tpu.memref_slice %arg5[%select_n3A, %dma_wait3A_171] : memref<4x5120xf32, #tpu.memory_space<hbm>> -> memref<1x5120xf32, #tpu.memory_space<hbm>>
      %dma_wait3A_173 = tpu.memref_squeeze %dma_wait3A_172 : memref<1x5120xf32, #tpu.memory_space<hbm>> -> memref<5120xf32, #tpu.memory_space<hbm>>
      %dma_wait3A_174 = arith.constant 0 : i32
      %dma_wait3A_175 = tpu.memref_slice %arg5[%select_n3A, %dma_wait3A_174] : memref<4x5120xf32, #tpu.memory_space<hbm>> -> memref<1x5120xf32, #tpu.memory_space<hbm>>
      %dma_wait3A_176 = tpu.memref_squeeze %dma_wait3A_175 : memref<1x5120xf32, #tpu.memory_space<hbm>> -> memref<5120xf32, #tpu.memory_space<hbm>>
      tpu.wait_dma2 semaphore(%arg23 : memref<!tpu.dma_semaphore, #tpu.memory_space<semaphore_mem>>) src(%dma_wait3A_176 : memref<5120xf32, #tpu.memory_space<hbm>>) dst(%arg12 : memref<5120xf32, #tpu.memory_space<vmem>>)
      %dma_wait3A_177 = arith.constant 0 : i32
      %dma_wait3A_178 = tpu.memref_slice %arg6[%select_n3A, %dma_wait3A_177] : memref<4x5120xf32, #tpu.memory_space<hbm>> -> memref<1x5120xf32, #tpu.memory_space<hbm>>
      %dma_wait3A_179 = tpu.memref_squeeze %dma_wait3A_178 : memref<1x5120xf32, #tpu.memory_space<hbm>> -> memref<5120xf32, #tpu.memory_space<hbm>>
      %dma_wait3A_180 = arith.constant 0 : i32
      %dma_wait3A_181 = tpu.memref_slice %arg6[%select_n3A, %dma_wait3A_180] : memref<4x5120xf32, #tpu.memory_space<hbm>> -> memref<1x5120xf32, #tpu.memory_space<hbm>>
      %dma_wait3A_182 = tpu.memref_squeeze %dma_wait3A_181 : memref<1x5120xf32, #tpu.memory_space<hbm>> -> memref<5120xf32, #tpu.memory_space<hbm>>
      tpu.wait_dma2 semaphore(%arg23 : memref<!tpu.dma_semaphore, #tpu.memory_space<semaphore_mem>>) src(%dma_wait3A_182 : memref<5120xf32, #tpu.memory_space<hbm>>) dst(%arg13 : memref<5120xf32, #tpu.memory_space<vmem>>)
      %add3A_183 = vector.broadcast %reduce_max3A_158 : i32 to vector<16xi32>
      %add3A_184 = arith.addi %add3A_183, %iota3A : vector<16xi32>
      %broadcast_in_dim3A_185 = arith.constant 0xFF800000 : f32
      %broadcast_in_dim3A_186 = vector.broadcast %broadcast_in_dim3A_185 : f32 to vector<16xf32>
      tpu.vector_store_idx %arg14[%add3A_184], %broadcast_in_dim3A_186 : memref<5136xf32, #tpu.memory_space<vmem>>[vector<16xi32>], vector<16xf32>,
      %add3A_187 = arith.constant 15 : i32
      %add3A_188 = arith.addi %reduce_max3A_158, %add3A_187 : i32
      %jit3A_189 = arith.constant 16 : i32
      %div3A_190 = arith.divsi %add3A_188, %jit3A_189 : i32
      %sign3A_191 = arith.constant 0 : i32
      %sign3A_192 = arith.cmpi sgt, %add3A_188, %sign3A_191 : i32
      %sign3A_193 = arith.extui %sign3A_192 : i1 to i32
      %sign3A_194 = arith.constant 0 : i32
      %sign3A_195 = arith.cmpi slt, %add3A_188, %sign3A_194 : i32
      %sign3A_196 = arith.extui %sign3A_195 : i1 to i32
      %sign3A_197 = arith.subi %sign3A_193, %sign3A_196 : i32
      %sign3A_198 = arith.constant 0 : i32
      %sign3A_199 = arith.cmpi sgt, %jit3A_189, %sign3A_198 : i32
      %sign3A_200 = arith.extui %sign3A_199 : i1 to i32
      %sign3A_201 = arith.constant 0 : i32
      %sign3A_202 = arith.cmpi slt, %jit3A_189, %sign3A_201 : i32
      %sign3A_203 = arith.extui %sign3A_202 : i1 to i32
      %sign3A_204 = arith.subi %sign3A_200, %sign3A_203 : i32
      %ne3A_205 = arith.cmpi ne, %sign3A_197, %sign3A_204 : i32
      %rem3A_206 = arith.remsi %add3A_188, %jit3A_189 : i32
      %ne3A_207 = arith.constant 0 : i32
      %ne3A_208 = arith.cmpi ne, %rem3A_206, %ne3A_207 : i32
      %and3A_209 = arith.andi %ne3A_205, %ne3A_208 : i1
      %sub3A_210 = arith.constant 1 : i32
      %sub3A_211 = arith.subi %div3A_190, %sub3A_210 : i32
      %select_n3A_212 = arith.select %and3A_209, %sub3A_211, %div3A_190 : i32
      %mul3A_213 = arith.constant 16 : i32
      %mul3A_214 = arith.muli %select_n3A_212, %mul3A_213 : i32
      %broadcast_in_dim3A_215 = arith.constant 0xFF800000 : f32
      %broadcast_in_dim3A_216 = vector.broadcast %broadcast_in_dim3A_215 : f32 to vector<16xf32>
      %broadcast_in_dim3A_217 = arith.constant 1073741824 : i32
      %broadcast_in_dim3A_218 = vector.broadcast %broadcast_in_dim3A_217 : i32 to vector<16xi32>
      %parallel_loop3A_219 = arith.constant 0 : i32
      %parallel_loop3A_220 = arith.constant 16 : i32
      %parallel_loop3A_221:2 = scf.for %parallel_loop3A_634 = %parallel_loop3A_219 to %mul3A_214 step %parallel_loop3A_220 iter_args(%parallel_loop3A_635 = %broadcast_in_dim3A_216, %parallel_loop3A_636 = %broadcast_in_dim3A_218) -> (vector<16xf32>, vector<16xi32>)  : i32 {
        %parallel_loop3A_637 = vector.broadcast %parallel_loop3A_634 : i32 to vector<16xi32>
        %parallel_loop3A_638 = arith.addi %parallel_loop3A_637, %iota3A : vector<16xi32>
        %parallel_loop3A_639 = vector.broadcast %reduce_max3A_158 : i32 to vector<16xi32>
        %parallel_loop3A_640 = arith.cmpi slt, %parallel_loop3A_638, %parallel_loop3A_639 : vector<16xi32>
        %parallel_loop3A_641 = tpu.vector_load_idx %arg15[%parallel_loop3A_638] masked %parallel_loop3A_640 : memref<5136xi32, #tpu.memory_space<vmem>>[vector<16xi32>], vector<16xi32>, vector<16xi1>
        %parallel_loop3A_642 = arith.constant 0 : i32
        %parallel_loop3A_643 = vector.broadcast %parallel_loop3A_642 : i32 to vector<16xi32>
        %parallel_loop3A_644 = arith.select %parallel_loop3A_640, %parallel_loop3A_641, %parallel_loop3A_643 : vector<16xi1>, vector<16xi32>
        %parallel_loop3A_645 = tpu.vector_load_idx %arg10[%parallel_loop3A_644] : memref<5120xf32, #tpu.memory_space<vmem>>[vector<16xi32>], vector<16xf32>,
        %parallel_loop3A_646 = tpu.vector_load_idx %arg11[%parallel_loop3A_644] : memref<5120xf32, #tpu.memory_space<vmem>>[vector<16xi32>], vector<16xf32>,
        %parallel_loop3A_647 = tpu.vector_load_idx %arg12[%parallel_loop3A_644] : memref<5120xf32, #tpu.memory_space<vmem>>[vector<16xi32>], vector<16xf32>,
        %parallel_loop3A_648 = tpu.vector_load_idx %arg13[%parallel_loop3A_644] : memref<5120xf32, #tpu.memory_space<vmem>>[vector<16xi32>], vector<16xf32>,
        %parallel_loop3A_649 = arith.subf %parallel_loop3A_647, %parallel_loop3A_645 : vector<16xf32>
        %parallel_loop3A_650 = arith.constant 0.000000e+00 : f32
        %parallel_loop3A_651 = vector.broadcast %parallel_loop3A_650 : f32 to vector<16xf32>
        %parallel_loop3A_652 = arith.maximumf %parallel_loop3A_649, %parallel_loop3A_651 : vector<16xf32>
        %parallel_loop3A_653 = arith.subf %parallel_loop3A_648, %parallel_loop3A_646 : vector<16xf32>
        %parallel_loop3A_654 = arith.constant 0.000000e+00 : f32
        %parallel_loop3A_655 = vector.broadcast %parallel_loop3A_654 : f32 to vector<16xf32>
        %parallel_loop3A_656 = arith.maximumf %parallel_loop3A_653, %parallel_loop3A_655 : vector<16xf32>
        %parallel_loop3A_657 = arith.mulf %parallel_loop3A_652, %parallel_loop3A_656 : vector<16xf32>
        tpu.vector_store_idx %arg16[%parallel_loop3A_638], %parallel_loop3A_645 : memref<5136xf32, #tpu.memory_space<vmem>>[vector<16xi32>], vector<16xf32>,
        tpu.vector_store_idx %arg17[%parallel_loop3A_638], %parallel_loop3A_646 : memref<5136xf32, #tpu.memory_space<vmem>>[vector<16xi32>], vector<16xf32>,
        tpu.vector_store_idx %arg18[%parallel_loop3A_638], %parallel_loop3A_647 : memref<5136xf32, #tpu.memory_space<vmem>>[vector<16xi32>], vector<16xf32>,
        tpu.vector_store_idx %arg19[%parallel_loop3A_638], %parallel_loop3A_648 : memref<5136xf32, #tpu.memory_space<vmem>>[vector<16xi32>], vector<16xf32>,
        tpu.vector_store_idx %arg20[%parallel_loop3A_638], %parallel_loop3A_657 : memref<5136xf32, #tpu.memory_space<vmem>>[vector<16xi32>], vector<16xf32>,
        %parallel_loop3A_658 = tpu.vector_load_idx %arg14[%parallel_loop3A_638] : memref<5136xf32, #tpu.memory_space<vmem>>[vector<16xi32>], vector<16xf32>,
        %parallel_loop3A_659 = arith.cmpf ogt, %parallel_loop3A_658, %parallel_loop3A_635 : vector<16xf32>
        %parallel_loop3A_660 = arith.select %parallel_loop3A_659, %parallel_loop3A_658, %parallel_loop3A_635 : vector<16xi1>, vector<16xf32>
        %parallel_loop3A_661 = arith.select %parallel_loop3A_659, %parallel_loop3A_638, %parallel_loop3A_636 : vector<16xi1>, vector<16xi32>
        scf.yield %parallel_loop3A_660, %parallel_loop3A_661 : vector<16xf32>, vector<16xi32>
      } {sc.loop_unroll_factor = 2 : i64, sc.parallel_access}
      %reduce_max3A_222 = arith.constant true
      %reduce_max3A_223 = vector.broadcast %reduce_max3A_222 : i1 to vector<16xi1>
      %reduce_max3A_224 = tpu.scan <max>, %parallel_loop3A_221#0 masked %reduce_max3A_223 : vector<16xf32>, vector<16xi1> -> vector<16xf32>
      %reduce_max3A_225 = vector.extract %reduce_max3A_224[15] : f32 from vector<16xf32>
      %eq3A = vector.broadcast %reduce_max3A_225 : f32 to vector<16xf32>
      %eq3A_226 = arith.cmpf oeq, %parallel_loop3A_221#0, %eq3A : vector<16xf32>
      %jit3A_227 = arith.constant 1073741824 : i32
      %broadcast_in_dim3A_228 = vector.broadcast %jit3A_227 : i32 to vector<16xi32>
      %select_n3A_229 = arith.select %eq3A_226, %parallel_loop3A_221#1, %broadcast_in_dim3A_228 : vector<16xi1>, vector<16xi32>
      %reduce_min3A = arith.constant true
      %reduce_min3A_230 = vector.broadcast %reduce_min3A : i1 to vector<16xi1>
      %reduce_min3A_231 = arith.constant -2147483648 : i32
      %reduce_min3A_232 = vector.broadcast %reduce_min3A_231 : i32 to vector<16xi32>
      %reduce_min3A_233 = arith.xori %select_n3A_229, %reduce_min3A_232 : vector<16xi32>
      %reduce_min3A_234 = tpu.scan <min>, %reduce_min3A_233 masked %reduce_min3A_230 : vector<16xi32>, vector<16xi1> -> vector<16xi32>
      %reduce_min3A_235 = arith.xori %reduce_min3A_234, %reduce_min3A_232 : vector<16xi32>
      %reduce_min3A_236 = vector.extract %reduce_min3A_235[15] : i32 from vector<16xi32>
      %while3A = arith.constant 0 : i32
      %while3A_237:3 = scf.while (%while3A_634 = %while3A, %while3A_635 = %reduce_max3A_225, %while3A_636 = %reduce_min3A_236) : (i32, f32, i32) -> (i32, f32, i32) {
        %ge3A = arith.constant 5.000000e-01 : f32
        %ge3A_637 = arith.cmpf oge, %while3A_635, %ge3A : f32
        scf.condition(%ge3A_637) %while3A_634, %while3A_635, %while3A_636 : i32, f32, i32
      } do {
      ^bb0(%while3A_634: i32, %while3A_635: f32, %while3A_636: i32):
        %add3A_637 = vector.broadcast %while3A_636 : i32 to vector<16xi32>
        %add3A_638 = arith.addi %broadcast_in_dim3A_2, %add3A_637 : vector<16xi32>
        %gather3A = tpu.vector_load_idx %arg16[%add3A_638] : memref<5136xf32, #tpu.memory_space<vmem>>[vector<16xi32>], vector<16xf32>,
        %gather3A_639 = tpu.vector_load_idx %arg17[%add3A_638] : memref<5136xf32, #tpu.memory_space<vmem>>[vector<16xi32>], vector<16xf32>,
        %gather3A_640 = tpu.vector_load_idx %arg18[%add3A_638] : memref<5136xf32, #tpu.memory_space<vmem>>[vector<16xi32>], vector<16xf32>,
        %gather3A_641 = tpu.vector_load_idx %arg19[%add3A_638] : memref<5136xf32, #tpu.memory_space<vmem>>[vector<16xi32>], vector<16xf32>,
        %gather3A_642 = tpu.vector_load_idx %arg20[%add3A_638] : memref<5136xf32, #tpu.memory_space<vmem>>[vector<16xi32>], vector<16xf32>,
        %mul3A_643 = arith.constant 16 : i32
        %mul3A_644 = arith.muli %select_n3A_212, %mul3A_643 : i32
        %broadcast_in_dim3A_645 = arith.constant 0xFF800000 : f32
        %broadcast_in_dim3A_646 = vector.broadcast %broadcast_in_dim3A_645 : f32 to vector<16xf32>
        %broadcast_in_dim3A_647 = arith.constant 1073741824 : i32
        %broadcast_in_dim3A_648 = vector.broadcast %broadcast_in_dim3A_647 : i32 to vector<16xi32>
        %parallel_loop3A_649 = arith.constant 0 : i32
        %parallel_loop3A_650 = arith.constant 16 : i32
        %parallel_loop3A_651:2 = scf.for %parallel_loop3A_676 = %parallel_loop3A_649 to %mul3A_644 step %parallel_loop3A_650 iter_args(%parallel_loop3A_677 = %broadcast_in_dim3A_646, %parallel_loop3A_678 = %broadcast_in_dim3A_648) -> (vector<16xf32>, vector<16xi32>)  : i32 {
          %parallel_loop3A_679 = vector.broadcast %parallel_loop3A_676 : i32 to vector<16xi32>
          %parallel_loop3A_680 = arith.addi %parallel_loop3A_679, %iota3A : vector<16xi32>
          %parallel_loop3A_681 = tpu.vector_load_idx %arg14[%parallel_loop3A_680] : memref<5136xf32, #tpu.memory_space<vmem>>[vector<16xi32>], vector<16xf32>,
          %parallel_loop3A_682 = tpu.vector_load_idx %arg16[%parallel_loop3A_680] : memref<5136xf32, #tpu.memory_space<vmem>>[vector<16xi32>], vector<16xf32>,
          %parallel_loop3A_683 = tpu.vector_load_idx %arg17[%parallel_loop3A_680] : memref<5136xf32, #tpu.memory_space<vmem>>[vector<16xi32>], vector<16xf32>,
          %parallel_loop3A_684 = tpu.vector_load_idx %arg18[%parallel_loop3A_680] : memref<5136xf32, #tpu.memory_space<vmem>>[vector<16xi32>], vector<16xf32>,
          %parallel_loop3A_685 = tpu.vector_load_idx %arg19[%parallel_loop3A_680] : memref<5136xf32, #tpu.memory_space<vmem>>[vector<16xi32>], vector<16xf32>,
          %parallel_loop3A_686 = tpu.vector_load_idx %arg20[%parallel_loop3A_680] : memref<5136xf32, #tpu.memory_space<vmem>>[vector<16xi32>], vector<16xf32>,
          %parallel_loop3A_687 = arith.minimumf %gather3A_640, %parallel_loop3A_684 : vector<16xf32>
          %parallel_loop3A_688 = arith.maximumf %gather3A, %parallel_loop3A_682 : vector<16xf32>
          %parallel_loop3A_689 = arith.subf %parallel_loop3A_687, %parallel_loop3A_688 : vector<16xf32>
          %parallel_loop3A_690 = arith.constant 0.000000e+00 : f32
          %parallel_loop3A_691 = vector.broadcast %parallel_loop3A_690 : f32 to vector<16xf32>
          %parallel_loop3A_692 = arith.maximumf %parallel_loop3A_689, %parallel_loop3A_691 : vector<16xf32>
          %parallel_loop3A_693 = arith.minimumf %gather3A_641, %parallel_loop3A_685 : vector<16xf32>
          %parallel_loop3A_694 = arith.maximumf %gather3A_639, %parallel_loop3A_683 : vector<16xf32>
          %parallel_loop3A_695 = arith.subf %parallel_loop3A_693, %parallel_loop3A_694 : vector<16xf32>
          %parallel_loop3A_696 = arith.constant 0.000000e+00 : f32
          %parallel_loop3A_697 = vector.broadcast %parallel_loop3A_696 : f32 to vector<16xf32>
          %parallel_loop3A_698 = arith.maximumf %parallel_loop3A_695, %parallel_loop3A_697 : vector<16xf32>
          %parallel_loop3A_699 = arith.mulf %parallel_loop3A_692, %parallel_loop3A_698 : vector<16xf32>
          %parallel_loop3A_700 = arith.addf %gather3A_642, %parallel_loop3A_686 : vector<16xf32>
          %parallel_loop3A_701 = arith.subf %parallel_loop3A_700, %parallel_loop3A_699 : vector<16xf32>
          %parallel_loop3A_702 = arith.constant 9.99999971E-10 : f32
          %parallel_loop3A_703 = vector.broadcast %parallel_loop3A_702 : f32 to vector<16xf32>
          %parallel_loop3A_704 = arith.addf %parallel_loop3A_701, %parallel_loop3A_703 : vector<16xf32>
          %parallel_loop3A_705 = arith.divf %parallel_loop3A_699, %parallel_loop3A_704 : vector<16xf32>
          %parallel_loop3A_706 = arith.constant 5.000000e-01 : f32
          %parallel_loop3A_707 = vector.broadcast %parallel_loop3A_706 : f32 to vector<16xf32>
          %parallel_loop3A_708 = arith.cmpf ogt, %parallel_loop3A_705, %parallel_loop3A_707 : vector<16xf32>
          %parallel_loop3A_709 = arith.cmpi eq, %parallel_loop3A_680, %add3A_638 : vector<16xi32>
          %parallel_loop3A_710 = arith.ori %parallel_loop3A_708, %parallel_loop3A_709 : vector<16xi1>
          %parallel_loop3A_711 = arith.constant 0xFF800000 : f32
          %parallel_loop3A_712 = vector.broadcast %parallel_loop3A_711 : f32 to vector<16xf32>
          %parallel_loop3A_713 = arith.select %parallel_loop3A_710, %parallel_loop3A_712, %parallel_loop3A_681 : vector<16xi1>, vector<16xf32>
          tpu.vector_store_idx %arg14[%parallel_loop3A_680], %parallel_loop3A_713 : memref<5136xf32, #tpu.memory_space<vmem>>[vector<16xi32>], vector<16xf32>,
          %parallel_loop3A_714 = arith.cmpf ogt, %parallel_loop3A_713, %parallel_loop3A_677 : vector<16xf32>
          %parallel_loop3A_715 = arith.select %parallel_loop3A_714, %parallel_loop3A_713, %parallel_loop3A_677 : vector<16xi1>, vector<16xf32>
          %parallel_loop3A_716 = arith.select %parallel_loop3A_714, %parallel_loop3A_680, %parallel_loop3A_678 : vector<16xi1>, vector<16xi32>
          scf.yield %parallel_loop3A_715, %parallel_loop3A_716 : vector<16xf32>, vector<16xi32>
        } {sc.loop_unroll_factor = 2 : i64, sc.parallel_access}
        %reduce_max3A_652 = arith.constant true
        %reduce_max3A_653 = vector.broadcast %reduce_max3A_652 : i1 to vector<16xi1>
        %reduce_max3A_654 = tpu.scan <max>, %parallel_loop3A_651#0 masked %reduce_max3A_653 : vector<16xf32>, vector<16xi1> -> vector<16xf32>
        %reduce_max3A_655 = vector.extract %reduce_max3A_654[15] : f32 from vector<16xf32>
        %eq3A_656 = vector.broadcast %reduce_max3A_655 : f32 to vector<16xf32>
        %eq3A_657 = arith.cmpf oeq, %parallel_loop3A_651#0, %eq3A_656 : vector<16xf32>
        %jit3A_658 = arith.constant 1073741824 : i32
        %broadcast_in_dim3A_659 = vector.broadcast %jit3A_658 : i32 to vector<16xi32>
        %select_n3A_660 = arith.select %eq3A_657, %parallel_loop3A_651#1, %broadcast_in_dim3A_659 : vector<16xi1>, vector<16xi32>
        %reduce_min3A_661 = arith.constant true
        %reduce_min3A_662 = vector.broadcast %reduce_min3A_661 : i1 to vector<16xi1>
        %reduce_min3A_663 = arith.constant -2147483648 : i32
        %reduce_min3A_664 = vector.broadcast %reduce_min3A_663 : i32 to vector<16xi32>
        %reduce_min3A_665 = arith.xori %select_n3A_660, %reduce_min3A_664 : vector<16xi32>
        %reduce_min3A_666 = tpu.scan <min>, %reduce_min3A_665 masked %reduce_min3A_662 : vector<16xi32>, vector<16xi1> -> vector<16xi32>
        %reduce_min3A_667 = arith.xori %reduce_min3A_666, %reduce_min3A_664 : vector<16xi32>
        %reduce_min3A_668 = vector.extract %reduce_min3A_667[15] : i32 from vector<16xi32>
        %lt3A_669 = arith.constant 100 : i32
        %lt3A_670 = arith.cmpi slt, %while3A_634, %lt3A_669 : i32
        %convert_element_type3A_671 = arith.extui %lt3A_670 : i1 to i32
        %cond3A_672 = arith.constant 0 : i32
        %cond3A_673 = arith.cmpi ne, %convert_element_type3A_671, %cond3A_672 : i32
        scf.if %cond3A_673 {
          %eq3A_676 = arith.constant 0 : i32
          %eq3A_677 = vector.broadcast %eq3A_676 : i32 to vector<16xi32>
          %eq3A_678 = arith.cmpi eq, %iota3A, %eq3A_677 : vector<16xi32>
          %eq3A_679 = arith.constant 1 : i32
          %eq3A_680 = vector.broadcast %eq3A_679 : i32 to vector<16xi32>
          %eq3A_681 = arith.cmpi eq, %iota3A, %eq3A_680 : vector<16xi32>
          %eq3A_682 = arith.constant 2 : i32
          %eq3A_683 = vector.broadcast %eq3A_682 : i32 to vector<16xi32>
          %eq3A_684 = arith.cmpi eq, %iota3A, %eq3A_683 : vector<16xi32>
          %eq3A_685 = arith.constant 3 : i32
          %eq3A_686 = vector.broadcast %eq3A_685 : i32 to vector<16xi32>
          %eq3A_687 = arith.cmpi eq, %iota3A, %eq3A_686 : vector<16xi32>
          %add3A_688 = vector.broadcast %while3A_635 : f32 to vector<16xf32>
          %add3A_689 = arith.addf %broadcast_in_dim3A_0, %add3A_688 : vector<16xf32>
          %select_n3A_690 = arith.select %eq3A_687, %gather3A_641, %add3A_689 : vector<16xi1>, vector<16xf32>
          %select_n3A_691 = arith.select %eq3A_684, %gather3A_640, %select_n3A_690 : vector<16xi1>, vector<16xf32>
          %select_n3A_692 = arith.select %eq3A_681, %gather3A_639, %select_n3A_691 : vector<16xi1>, vector<16xf32>
          %select_n3A_693 = arith.select %eq3A_678, %gather3A, %select_n3A_692 : vector<16xi1>, vector<16xf32>
          %mul3A_694 = arith.constant 5 : i32
          %mul3A_695 = arith.muli %while3A_634, %mul3A_694 : i32
          %add3A_696 = vector.broadcast %mul3A_695 : i32 to vector<16xi32>
          %add3A_697 = arith.addi %add3A_696, %iota3A : vector<16xi32>
          %lt3A_698 = arith.constant 5 : i32
          %lt3A_699 = vector.broadcast %lt3A_698 : i32 to vector<16xi32>
          %lt3A_700 = arith.cmpi slt, %iota3A, %lt3A_699 : vector<16xi32>
          tpu.vector_store_idx %arg21[%add3A_697], %select_n3A_693 masked %lt3A_700 : memref<640xf32, #tpu.memory_space<vmem>>[vector<16xi32>], vector<16xf32>, vector<16xi1>
        } else {
        }
        %add3A_674 = arith.constant 1 : i32
        %add3A_675 = arith.addi %while3A_634, %add3A_674 : i32
        scf.yield %add3A_675, %reduce_max3A_655, %reduce_min3A_668 : i32, f32, i32
      }
      %min3A = arith.constant 100 : i32
      %min3A_238 = arith.minsi %while3A_237#0, %min3A : i32
      %convert_element_type3A_239 = arith.sitofp %min3A_238 : i32 to f32
      %add3A_240 = vector.broadcast %convert_element_type3A_239 : f32 to vector<16xf32>
      %add3A_241 = arith.addf %broadcast_in_dim3A_0, %add3A_240 : vector<16xf32>
      %add3A_242 = arith.constant 500 : i32
      %add3A_243 = vector.broadcast %add3A_242 : i32 to vector<16xi32>
      %add3A_244 = arith.addi %broadcast_in_dim3A_2, %add3A_243 : vector<16xi32>
      %eq3A_245 = arith.constant 0 : i32
      %eq3A_246 = vector.broadcast %eq3A_245 : i32 to vector<16xi32>
      %eq3A_247 = arith.cmpi eq, %iota3A, %eq3A_246 : vector<16xi32>
      tpu.vector_store_idx %arg21[%add3A_244], %add3A_241 masked %eq3A_247 : memref<640xf32, #tpu.memory_space<vmem>>[vector<16xi32>], vector<16xf32>, vector<16xi1>
      %dma_start3A_248 = arith.constant 0 : i32
      %dma_start3A_249 = tpu.memref_slice %arg7[%add3A_56, %dma_start3A_248] : memref<84x640xf32, #tpu.memory_space<hbm>> -> memref<1x640xf32, #tpu.memory_space<hbm>>
      %dma_start3A_250 = tpu.memref_squeeze %dma_start3A_249 : memref<1x640xf32, #tpu.memory_space<hbm>> -> memref<640xf32, #tpu.memory_space<hbm>>
      %dma_start3A_251 = arith.constant 0 : i32
      %dma_start3A_252 = tpu.memref_slice %arg7[%add3A_56, %dma_start3A_251] : memref<84x640xf32, #tpu.memory_space<hbm>> -> memref<1x640xf32, #tpu.memory_space<hbm>>
      %dma_start3A_253 = tpu.memref_squeeze %dma_start3A_252 : memref<1x640xf32, #tpu.memory_space<hbm>> -> memref<640xf32, #tpu.memory_space<hbm>>
      tpu.enqueue_dma source(%arg21 : memref<640xf32, #tpu.memory_space<vmem>>) target(%dma_start3A_253 : memref<640xf32, #tpu.memory_space<hbm>>) target_semaphore(%arg26 : memref<!tpu.dma_semaphore, #tpu.memory_space<semaphore_mem>>)
      %mul3A_254 = arith.constant 3 : i32
      %mul3A_255 = arith.muli %add3A, %mul3A_254 : i32
      %add3A_256 = arith.constant 1 : i32
      %add3A_257 = arith.addi %mul3A_255, %add3A_256 : i32
      %dma_wait3A_258 = arith.constant 0 : i32
      %dma_wait3A_259 = tpu.memref_slice %arg2[%add3A_63, %dma_wait3A_258] : memref<84x5120xf32, #tpu.memory_space<hbm>> -> memref<1x5120xf32, #tpu.memory_space<hbm>>
      %dma_wait3A_260 = tpu.memref_squeeze %dma_wait3A_259 : memref<1x5120xf32, #tpu.memory_space<hbm>> -> memref<5120xf32, #tpu.memory_space<hbm>>
      %dma_wait3A_261 = arith.constant 0 : i32
      %dma_wait3A_262 = tpu.memref_slice %arg2[%add3A_63, %dma_wait3A_261] : memref<84x5120xf32, #tpu.memory_space<hbm>> -> memref<1x5120xf32, #tpu.memory_space<hbm>>
      %dma_wait3A_263 = tpu.memref_squeeze %dma_wait3A_262 : memref<1x5120xf32, #tpu.memory_space<hbm>> -> memref<5120xf32, #tpu.memory_space<hbm>>
      tpu.wait_dma2 semaphore(%arg25 : memref<!tpu.dma_semaphore, #tpu.memory_space<semaphore_mem>>) src(%dma_wait3A_263 : memref<5120xf32, #tpu.memory_space<hbm>>) dst(%arg9 : memref<5120xf32, #tpu.memory_space<vmem>>)
      %add3A_264 = arith.constant 1 : i32
      %add3A_265 = arith.addi %add3A_257, %add3A_264 : i32
      %dma_start3A_266 = arith.constant 0 : i32
      %dma_start3A_267 = tpu.memref_slice %arg2[%add3A_265, %dma_start3A_266] : memref<84x5120xf32, #tpu.memory_space<hbm>> -> memref<1x5120xf32, #tpu.memory_space<hbm>>
      %dma_start3A_268 = tpu.memref_squeeze %dma_start3A_267 : memref<1x5120xf32, #tpu.memory_space<hbm>> -> memref<5120xf32, #tpu.memory_space<hbm>>
      %dma_start3A_269 = arith.constant 0 : i32
      %dma_start3A_270 = tpu.memref_slice %arg2[%add3A_265, %dma_start3A_269] : memref<84x5120xf32, #tpu.memory_space<hbm>> -> memref<1x5120xf32, #tpu.memory_space<hbm>>
      %dma_start3A_271 = tpu.memref_squeeze %dma_start3A_270 : memref<1x5120xf32, #tpu.memory_space<hbm>> -> memref<5120xf32, #tpu.memory_space<hbm>>
      tpu.enqueue_dma source(%dma_start3A_271 : memref<5120xf32, #tpu.memory_space<hbm>>) target(%arg8 : memref<5120xf32, #tpu.memory_space<vmem>>) target_semaphore(%arg24 : memref<!tpu.dma_semaphore, #tpu.memory_space<semaphore_mem>>)
      %swap3A_272 = arith.constant 0 : index
      %swap3A_273 = tpu.vector_load %arg22[%swap3A_272] {strides = array<i32>} : memref<640xf32, #tpu.memory_space<vmem>>, vector<16xf32>,
      tpu.vector_store %arg22[%swap3A_272], %broadcast_in_dim3A_0 {strides = array<i32>} : memref<640xf32, #tpu.memory_space<vmem>>, vector<16xf32>,
      %swap3A_274 = arith.constant 16 : index
      %swap3A_275 = tpu.vector_load %arg22[%swap3A_274] {strides = array<i32>} : memref<640xf32, #tpu.memory_space<vmem>>, vector<16xf32>,
      tpu.vector_store %arg22[%swap3A_274], %broadcast_in_dim3A_0 {strides = array<i32>} : memref<640xf32, #tpu.memory_space<vmem>>, vector<16xf32>,
      %swap3A_276 = arith.constant 32 : index
      %swap3A_277 = tpu.vector_load %arg22[%swap3A_276] {strides = array<i32>} : memref<640xf32, #tpu.memory_space<vmem>>, vector<16xf32>,
      tpu.vector_store %arg22[%swap3A_276], %broadcast_in_dim3A_0 {strides = array<i32>} : memref<640xf32, #tpu.memory_space<vmem>>, vector<16xf32>,
      %swap3A_278 = arith.constant 48 : index
      %swap3A_279 = tpu.vector_load %arg22[%swap3A_278] {strides = array<i32>} : memref<640xf32, #tpu.memory_space<vmem>>, vector<16xf32>,
      tpu.vector_store %arg22[%swap3A_278], %broadcast_in_dim3A_0 {strides = array<i32>} : memref<640xf32, #tpu.memory_space<vmem>>, vector<16xf32>,
      %swap3A_280 = arith.constant 64 : index
      %swap3A_281 = tpu.vector_load %arg22[%swap3A_280] {strides = array<i32>} : memref<640xf32, #tpu.memory_space<vmem>>, vector<16xf32>,
      tpu.vector_store %arg22[%swap3A_280], %broadcast_in_dim3A_0 {strides = array<i32>} : memref<640xf32, #tpu.memory_space<vmem>>, vector<16xf32>,
      %swap3A_282 = arith.constant 80 : index
      %swap3A_283 = tpu.vector_load %arg22[%swap3A_282] {strides = array<i32>} : memref<640xf32, #tpu.memory_space<vmem>>, vector<16xf32>,
      tpu.vector_store %arg22[%swap3A_282], %broadcast_in_dim3A_0 {strides = array<i32>} : memref<640xf32, #tpu.memory_space<vmem>>, vector<16xf32>,
      %swap3A_284 = arith.constant 96 : index
      %swap3A_285 = tpu.vector_load %arg22[%swap3A_284] {strides = array<i32>} : memref<640xf32, #tpu.memory_space<vmem>>, vector<16xf32>,
      tpu.vector_store %arg22[%swap3A_284], %broadcast_in_dim3A_0 {strides = array<i32>} : memref<640xf32, #tpu.memory_space<vmem>>, vector<16xf32>,
      %swap3A_286 = arith.constant 112 : index
      %swap3A_287 = tpu.vector_load %arg22[%swap3A_286] {strides = array<i32>} : memref<640xf32, #tpu.memory_space<vmem>>, vector<16xf32>,
      tpu.vector_store %arg22[%swap3A_286], %broadcast_in_dim3A_0 {strides = array<i32>} : memref<640xf32, #tpu.memory_space<vmem>>, vector<16xf32>,
      %swap3A_288 = arith.constant 128 : index
      %swap3A_289 = tpu.vector_load %arg22[%swap3A_288] {strides = array<i32>} : memref<640xf32, #tpu.memory_space<vmem>>, vector<16xf32>,
      tpu.vector_store %arg22[%swap3A_288], %broadcast_in_dim3A_0 {strides = array<i32>} : memref<640xf32, #tpu.memory_space<vmem>>, vector<16xf32>,
      %swap3A_290 = arith.constant 144 : index
      %swap3A_291 = tpu.vector_load %arg22[%swap3A_290] {strides = array<i32>} : memref<640xf32, #tpu.memory_space<vmem>>, vector<16xf32>,
      tpu.vector_store %arg22[%swap3A_290], %broadcast_in_dim3A_0 {strides = array<i32>} : memref<640xf32, #tpu.memory_space<vmem>>, vector<16xf32>,
      %swap3A_292 = arith.constant 160 : index
      %swap3A_293 = tpu.vector_load %arg22[%swap3A_292] {strides = array<i32>} : memref<640xf32, #tpu.memory_space<vmem>>, vector<16xf32>,
      tpu.vector_store %arg22[%swap3A_292], %broadcast_in_dim3A_0 {strides = array<i32>} : memref<640xf32, #tpu.memory_space<vmem>>, vector<16xf32>,
      %swap3A_294 = arith.constant 176 : index
      %swap3A_295 = tpu.vector_load %arg22[%swap3A_294] {strides = array<i32>} : memref<640xf32, #tpu.memory_space<vmem>>, vector<16xf32>,
      tpu.vector_store %arg22[%swap3A_294], %broadcast_in_dim3A_0 {strides = array<i32>} : memref<640xf32, #tpu.memory_space<vmem>>, vector<16xf32>,
      %swap3A_296 = arith.constant 192 : index
      %swap3A_297 = tpu.vector_load %arg22[%swap3A_296] {strides = array<i32>} : memref<640xf32, #tpu.memory_space<vmem>>, vector<16xf32>,
      tpu.vector_store %arg22[%swap3A_296], %broadcast_in_dim3A_0 {strides = array<i32>} : memref<640xf32, #tpu.memory_space<vmem>>, vector<16xf32>,
      %swap3A_298 = arith.constant 208 : index
      %swap3A_299 = tpu.vector_load %arg22[%swap3A_298] {strides = array<i32>} : memref<640xf32, #tpu.memory_space<vmem>>, vector<16xf32>,
      tpu.vector_store %arg22[%swap3A_298], %broadcast_in_dim3A_0 {strides = array<i32>} : memref<640xf32, #tpu.memory_space<vmem>>, vector<16xf32>,
      %swap3A_300 = arith.constant 224 : index
      %swap3A_301 = tpu.vector_load %arg22[%swap3A_300] {strides = array<i32>} : memref<640xf32, #tpu.memory_space<vmem>>, vector<16xf32>,
      tpu.vector_store %arg22[%swap3A_300], %broadcast_in_dim3A_0 {strides = array<i32>} : memref<640xf32, #tpu.memory_space<vmem>>, vector<16xf32>,
      %swap3A_302 = arith.constant 240 : index
      %swap3A_303 = tpu.vector_load %arg22[%swap3A_302] {strides = array<i32>} : memref<640xf32, #tpu.memory_space<vmem>>, vector<16xf32>,
      tpu.vector_store %arg22[%swap3A_302], %broadcast_in_dim3A_0 {strides = array<i32>} : memref<640xf32, #tpu.memory_space<vmem>>, vector<16xf32>,
      %swap3A_304 = arith.constant 256 : index
      %swap3A_305 = tpu.vector_load %arg22[%swap3A_304] {strides = array<i32>} : memref<640xf32, #tpu.memory_space<vmem>>, vector<16xf32>,
      tpu.vector_store %arg22[%swap3A_304], %broadcast_in_dim3A_0 {strides = array<i32>} : memref<640xf32, #tpu.memory_space<vmem>>, vector<16xf32>,
      %swap3A_306 = arith.constant 272 : index
      %swap3A_307 = tpu.vector_load %arg22[%swap3A_306] {strides = array<i32>} : memref<640xf32, #tpu.memory_space<vmem>>, vector<16xf32>,
      tpu.vector_store %arg22[%swap3A_306], %broadcast_in_dim3A_0 {strides = array<i32>} : memref<640xf32, #tpu.memory_space<vmem>>, vector<16xf32>,
      %swap3A_308 = arith.constant 288 : index
      %swap3A_309 = tpu.vector_load %arg22[%swap3A_308] {strides = array<i32>} : memref<640xf32, #tpu.memory_space<vmem>>, vector<16xf32>,
      tpu.vector_store %arg22[%swap3A_308], %broadcast_in_dim3A_0 {strides = array<i32>} : memref<640xf32, #tpu.memory_space<vmem>>, vector<16xf32>,
      %swap3A_310 = arith.constant 304 : index
      %swap3A_311 = tpu.vector_load %arg22[%swap3A_310] {strides = array<i32>} : memref<640xf32, #tpu.memory_space<vmem>>, vector<16xf32>,
      tpu.vector_store %arg22[%swap3A_310], %broadcast_in_dim3A_0 {strides = array<i32>} : memref<640xf32, #tpu.memory_space<vmem>>, vector<16xf32>,
      %swap3A_312 = arith.constant 320 : index
      %swap3A_313 = tpu.vector_load %arg22[%swap3A_312] {strides = array<i32>} : memref<640xf32, #tpu.memory_space<vmem>>, vector<16xf32>,
      tpu.vector_store %arg22[%swap3A_312], %broadcast_in_dim3A_0 {strides = array<i32>} : memref<640xf32, #tpu.memory_space<vmem>>, vector<16xf32>,
      %swap3A_314 = arith.constant 336 : index
      %swap3A_315 = tpu.vector_load %arg22[%swap3A_314] {strides = array<i32>} : memref<640xf32, #tpu.memory_space<vmem>>, vector<16xf32>,
      tpu.vector_store %arg22[%swap3A_314], %broadcast_in_dim3A_0 {strides = array<i32>} : memref<640xf32, #tpu.memory_space<vmem>>, vector<16xf32>,
      %swap3A_316 = arith.constant 352 : index
      %swap3A_317 = tpu.vector_load %arg22[%swap3A_316] {strides = array<i32>} : memref<640xf32, #tpu.memory_space<vmem>>, vector<16xf32>,
      tpu.vector_store %arg22[%swap3A_316], %broadcast_in_dim3A_0 {strides = array<i32>} : memref<640xf32, #tpu.memory_space<vmem>>, vector<16xf32>,
      %swap3A_318 = arith.constant 368 : index
      %swap3A_319 = tpu.vector_load %arg22[%swap3A_318] {strides = array<i32>} : memref<640xf32, #tpu.memory_space<vmem>>, vector<16xf32>,
      tpu.vector_store %arg22[%swap3A_318], %broadcast_in_dim3A_0 {strides = array<i32>} : memref<640xf32, #tpu.memory_space<vmem>>, vector<16xf32>,
      %swap3A_320 = arith.constant 384 : index
      %swap3A_321 = tpu.vector_load %arg22[%swap3A_320] {strides = array<i32>} : memref<640xf32, #tpu.memory_space<vmem>>, vector<16xf32>,
      tpu.vector_store %arg22[%swap3A_320], %broadcast_in_dim3A_0 {strides = array<i32>} : memref<640xf32, #tpu.memory_space<vmem>>, vector<16xf32>,
      %swap3A_322 = arith.constant 400 : index
      %swap3A_323 = tpu.vector_load %arg22[%swap3A_322] {strides = array<i32>} : memref<640xf32, #tpu.memory_space<vmem>>, vector<16xf32>,
      tpu.vector_store %arg22[%swap3A_322], %broadcast_in_dim3A_0 {strides = array<i32>} : memref<640xf32, #tpu.memory_space<vmem>>, vector<16xf32>,
      %swap3A_324 = arith.constant 416 : index
      %swap3A_325 = tpu.vector_load %arg22[%swap3A_324] {strides = array<i32>} : memref<640xf32, #tpu.memory_space<vmem>>, vector<16xf32>,
      tpu.vector_store %arg22[%swap3A_324], %broadcast_in_dim3A_0 {strides = array<i32>} : memref<640xf32, #tpu.memory_space<vmem>>, vector<16xf32>,
      %swap3A_326 = arith.constant 432 : index
      %swap3A_327 = tpu.vector_load %arg22[%swap3A_326] {strides = array<i32>} : memref<640xf32, #tpu.memory_space<vmem>>, vector<16xf32>,
      tpu.vector_store %arg22[%swap3A_326], %broadcast_in_dim3A_0 {strides = array<i32>} : memref<640xf32, #tpu.memory_space<vmem>>, vector<16xf32>,
      %swap3A_328 = arith.constant 448 : index
      %swap3A_329 = tpu.vector_load %arg22[%swap3A_328] {strides = array<i32>} : memref<640xf32, #tpu.memory_space<vmem>>, vector<16xf32>,
      tpu.vector_store %arg22[%swap3A_328], %broadcast_in_dim3A_0 {strides = array<i32>} : memref<640xf32, #tpu.memory_space<vmem>>, vector<16xf32>,
      %swap3A_330 = arith.constant 464 : index
      %swap3A_331 = tpu.vector_load %arg22[%swap3A_330] {strides = array<i32>} : memref<640xf32, #tpu.memory_space<vmem>>, vector<16xf32>,
      tpu.vector_store %arg22[%swap3A_330], %broadcast_in_dim3A_0 {strides = array<i32>} : memref<640xf32, #tpu.memory_space<vmem>>, vector<16xf32>,
      %swap3A_332 = arith.constant 480 : index
      %swap3A_333 = tpu.vector_load %arg22[%swap3A_332] {strides = array<i32>} : memref<640xf32, #tpu.memory_space<vmem>>, vector<16xf32>,
      tpu.vector_store %arg22[%swap3A_332], %broadcast_in_dim3A_0 {strides = array<i32>} : memref<640xf32, #tpu.memory_space<vmem>>, vector<16xf32>,
      %swap3A_334 = arith.constant 496 : index
      %swap3A_335 = tpu.vector_load %arg22[%swap3A_334] {strides = array<i32>} : memref<640xf32, #tpu.memory_space<vmem>>, vector<16xf32>,
      tpu.vector_store %arg22[%swap3A_334], %broadcast_in_dim3A_0 {strides = array<i32>} : memref<640xf32, #tpu.memory_space<vmem>>, vector<16xf32>,
      %swap3A_336 = arith.constant 512 : index
      %swap3A_337 = tpu.vector_load %arg22[%swap3A_336] {strides = array<i32>} : memref<640xf32, #tpu.memory_space<vmem>>, vector<16xf32>,
      tpu.vector_store %arg22[%swap3A_336], %broadcast_in_dim3A_0 {strides = array<i32>} : memref<640xf32, #tpu.memory_space<vmem>>, vector<16xf32>,
      %swap3A_338 = arith.constant 528 : index
      %swap3A_339 = tpu.vector_load %arg22[%swap3A_338] {strides = array<i32>} : memref<640xf32, #tpu.memory_space<vmem>>, vector<16xf32>,
      tpu.vector_store %arg22[%swap3A_338], %broadcast_in_dim3A_0 {strides = array<i32>} : memref<640xf32, #tpu.memory_space<vmem>>, vector<16xf32>,
      %swap3A_340 = arith.constant 544 : index
      %swap3A_341 = tpu.vector_load %arg22[%swap3A_340] {strides = array<i32>} : memref<640xf32, #tpu.memory_space<vmem>>, vector<16xf32>,
      tpu.vector_store %arg22[%swap3A_340], %broadcast_in_dim3A_0 {strides = array<i32>} : memref<640xf32, #tpu.memory_space<vmem>>, vector<16xf32>,
      %swap3A_342 = arith.constant 560 : index
      %swap3A_343 = tpu.vector_load %arg22[%swap3A_342] {strides = array<i32>} : memref<640xf32, #tpu.memory_space<vmem>>, vector<16xf32>,
      tpu.vector_store %arg22[%swap3A_342], %broadcast_in_dim3A_0 {strides = array<i32>} : memref<640xf32, #tpu.memory_space<vmem>>, vector<16xf32>,
      %swap3A_344 = arith.constant 576 : index
      %swap3A_345 = tpu.vector_load %arg22[%swap3A_344] {strides = array<i32>} : memref<640xf32, #tpu.memory_space<vmem>>, vector<16xf32>,
      tpu.vector_store %arg22[%swap3A_344], %broadcast_in_dim3A_0 {strides = array<i32>} : memref<640xf32, #tpu.memory_space<vmem>>, vector<16xf32>,
      %swap3A_346 = arith.constant 592 : index
      %swap3A_347 = tpu.vector_load %arg22[%swap3A_346] {strides = array<i32>} : memref<640xf32, #tpu.memory_space<vmem>>, vector<16xf32>,
      tpu.vector_store %arg22[%swap3A_346], %broadcast_in_dim3A_0 {strides = array<i32>} : memref<640xf32, #tpu.memory_space<vmem>>, vector<16xf32>,
      %swap3A_348 = arith.constant 608 : index
      %swap3A_349 = tpu.vector_load %arg22[%swap3A_348] {strides = array<i32>} : memref<640xf32, #tpu.memory_space<vmem>>, vector<16xf32>,
      tpu.vector_store %arg22[%swap3A_348], %broadcast_in_dim3A_0 {strides = array<i32>} : memref<640xf32, #tpu.memory_space<vmem>>, vector<16xf32>,
      %swap3A_350 = arith.constant 624 : index
      %swap3A_351 = tpu.vector_load %arg22[%swap3A_350] {strides = array<i32>} : memref<640xf32, #tpu.memory_space<vmem>>, vector<16xf32>,
      tpu.vector_store %arg22[%swap3A_350], %broadcast_in_dim3A_0 {strides = array<i32>} : memref<640xf32, #tpu.memory_space<vmem>>, vector<16xf32>,
      %parallel_loop3A_352 = arith.constant 0 : i32
      %parallel_loop3A_353 = arith.constant 5120 : i32
      %parallel_loop3A_354 = arith.constant 64 : i32
      %parallel_loop3A_355 = scf.for %parallel_loop3A_634 = %parallel_loop3A_352 to %parallel_loop3A_353 step %parallel_loop3A_354 iter_args(%parallel_loop3A_635 = %broadcast_in_dim3A_2) -> (vector<16xi32>)  : i32 {
        %parallel_loop3A_636 = arith.constant 0 : i32
        %parallel_loop3A_637 = arith.addi %parallel_loop3A_634, %parallel_loop3A_636 : i32
        %parallel_loop3A_638 = vector.broadcast %parallel_loop3A_637 : i32 to vector<16xi32>
        %parallel_loop3A_639 = arith.addi %parallel_loop3A_638, %iota3A : vector<16xi32>
        %parallel_loop3A_640 = tpu.vector_load_idx %arg9[%parallel_loop3A_639] : memref<5120xf32, #tpu.memory_space<vmem>>[vector<16xi32>], vector<16xf32>,
        %parallel_loop3A_641 = arith.constant 16 : i32
        %parallel_loop3A_642 = arith.addi %parallel_loop3A_634, %parallel_loop3A_641 : i32
        %parallel_loop3A_643 = vector.broadcast %parallel_loop3A_642 : i32 to vector<16xi32>
        %parallel_loop3A_644 = arith.addi %parallel_loop3A_643, %iota3A : vector<16xi32>
        %parallel_loop3A_645 = tpu.vector_load_idx %arg9[%parallel_loop3A_644] : memref<5120xf32, #tpu.memory_space<vmem>>[vector<16xi32>], vector<16xf32>,
        %parallel_loop3A_646 = arith.constant 32 : i32
        %parallel_loop3A_647 = arith.addi %parallel_loop3A_634, %parallel_loop3A_646 : i32
        %parallel_loop3A_648 = vector.broadcast %parallel_loop3A_647 : i32 to vector<16xi32>
        %parallel_loop3A_649 = arith.addi %parallel_loop3A_648, %iota3A : vector<16xi32>
        %parallel_loop3A_650 = tpu.vector_load_idx %arg9[%parallel_loop3A_649] : memref<5120xf32, #tpu.memory_space<vmem>>[vector<16xi32>], vector<16xf32>,
        %parallel_loop3A_651 = arith.constant 48 : i32
        %parallel_loop3A_652 = arith.addi %parallel_loop3A_634, %parallel_loop3A_651 : i32
        %parallel_loop3A_653 = vector.broadcast %parallel_loop3A_652 : i32 to vector<16xi32>
        %parallel_loop3A_654 = arith.addi %parallel_loop3A_653, %iota3A : vector<16xi32>
        %parallel_loop3A_655 = tpu.vector_load_idx %arg9[%parallel_loop3A_654] : memref<5120xf32, #tpu.memory_space<vmem>>[vector<16xi32>], vector<16xf32>,
        %parallel_loop3A_656 = arith.constant 0.899999976 : f32
        %parallel_loop3A_657 = vector.broadcast %parallel_loop3A_656 : f32 to vector<16xf32>
        %parallel_loop3A_658 = arith.cmpf oge, %parallel_loop3A_640, %parallel_loop3A_657 : vector<16xf32>
        %parallel_loop3A_659 = arith.constant 0.899999976 : f32
        %parallel_loop3A_660 = vector.broadcast %parallel_loop3A_659 : f32 to vector<16xf32>
        %parallel_loop3A_661 = arith.cmpf oge, %parallel_loop3A_645, %parallel_loop3A_660 : vector<16xf32>
        %parallel_loop3A_662 = arith.constant 0.899999976 : f32
        %parallel_loop3A_663 = vector.broadcast %parallel_loop3A_662 : f32 to vector<16xf32>
        %parallel_loop3A_664 = arith.cmpf oge, %parallel_loop3A_650, %parallel_loop3A_663 : vector<16xf32>
        %parallel_loop3A_665 = arith.constant 0.899999976 : f32
        %parallel_loop3A_666 = vector.broadcast %parallel_loop3A_665 : f32 to vector<16xf32>
        %parallel_loop3A_667 = arith.cmpf oge, %parallel_loop3A_655, %parallel_loop3A_666 : vector<16xf32>
        %parallel_loop3A_668 = arith.ori %parallel_loop3A_658, %parallel_loop3A_661 : vector<16xi1>
        %parallel_loop3A_669 = arith.ori %parallel_loop3A_664, %parallel_loop3A_667 : vector<16xi1>
        %parallel_loop3A_670 = arith.ori %parallel_loop3A_668, %parallel_loop3A_669 : vector<16xi1>
        %parallel_loop3A_671 = arith.constant 1.000000e+00 : f32
        %parallel_loop3A_672 = arith.constant 0.000000e+00 : f32
        %parallel_loop3A_673 = vector.broadcast %parallel_loop3A_671 : f32 to vector<16xf32>
        %parallel_loop3A_674 = vector.broadcast %parallel_loop3A_672 : f32 to vector<16xf32>
        %parallel_loop3A_675 = arith.select %parallel_loop3A_670, %parallel_loop3A_673, %parallel_loop3A_674 : vector<16xi1>, vector<16xf32>
        %parallel_loop3A_676 = arith.constant true
        %parallel_loop3A_677 = vector.broadcast %parallel_loop3A_676 : i1 to vector<16xi1>
        %parallel_loop3A_678 = tpu.scan <max>, %parallel_loop3A_675 masked %parallel_loop3A_677 : vector<16xf32>, vector<16xi1> -> vector<16xf32>
        %parallel_loop3A_679 = vector.extract %parallel_loop3A_678[15] : f32 from vector<16xf32>
        %parallel_loop3A_680 = arith.constant 0.000000e+00 : f32
        %parallel_loop3A_681 = arith.cmpf ogt, %parallel_loop3A_679, %parallel_loop3A_680 : f32
        %parallel_loop3A_682 = arith.extui %parallel_loop3A_681 : i1 to i32
        %parallel_loop3A_683 = arith.constant 0 : i32
        %parallel_loop3A_684 = arith.cmpi ne, %parallel_loop3A_682, %parallel_loop3A_683 : i32
        %parallel_loop3A_685 = scf.if %parallel_loop3A_684 -> (vector<16xi32>) {
          %parallel_loop3A_686 = arith.extui %parallel_loop3A_658 : vector<16xi1> to vector<16xi32>
          %parallel_loop3A_687 = arith.constant true
          %parallel_loop3A_688 = vector.broadcast %parallel_loop3A_687 : i1 to vector<16xi1>
          %parallel_loop3A_689 = tpu.scan <sum>, %parallel_loop3A_686 masked %parallel_loop3A_688 : vector<16xi32>, vector<16xi1> -> vector<16xi32>
          %parallel_loop3A_690 = arith.addi %parallel_loop3A_635, %parallel_loop3A_689 : vector<16xi32>
          %parallel_loop3A_691 = arith.constant 1 : i32
          %parallel_loop3A_692 = vector.broadcast %parallel_loop3A_691 : i32 to vector<16xi32>
          %parallel_loop3A_693 = arith.subi %parallel_loop3A_690, %parallel_loop3A_692 : vector<16xi32>
          tpu.vector_store_idx %arg14[%parallel_loop3A_693], %parallel_loop3A_640 masked %parallel_loop3A_658 : memref<5136xf32, #tpu.memory_space<vmem>>[vector<16xi32>], vector<16xf32>, vector<16xi1>
          %parallel_loop3A_694 = arith.constant 0 : i32
          %parallel_loop3A_695 = arith.addi %parallel_loop3A_634, %parallel_loop3A_694 : i32
          %parallel_loop3A_696 = vector.broadcast %parallel_loop3A_695 : i32 to vector<16xi32>
          %parallel_loop3A_697 = arith.addi %parallel_loop3A_696, %iota3A : vector<16xi32>
          tpu.vector_store_idx %arg15[%parallel_loop3A_693], %parallel_loop3A_697 masked %parallel_loop3A_658 : memref<5136xi32, #tpu.memory_space<vmem>>[vector<16xi32>], vector<16xi32>, vector<16xi1>
          %parallel_loop3A_698 = tpu.all_reduce %parallel_loop3A_658 {dim = 0 : i64, kind = #tpu.reduction_kind<sum>} : vector<16xi1> -> vector<16xi32>
          %parallel_loop3A_699 = arith.addi %parallel_loop3A_635, %parallel_loop3A_698 : vector<16xi32>
          %parallel_loop3A_700 = arith.extui %parallel_loop3A_661 : vector<16xi1> to vector<16xi32>
          %parallel_loop3A_701 = arith.constant true
          %parallel_loop3A_702 = vector.broadcast %parallel_loop3A_701 : i1 to vector<16xi1>
          %parallel_loop3A_703 = tpu.scan <sum>, %parallel_loop3A_700 masked %parallel_loop3A_702 : vector<16xi32>, vector<16xi1> -> vector<16xi32>
          %parallel_loop3A_704 = arith.addi %parallel_loop3A_699, %parallel_loop3A_703 : vector<16xi32>
          %parallel_loop3A_705 = arith.constant 1 : i32
          %parallel_loop3A_706 = vector.broadcast %parallel_loop3A_705 : i32 to vector<16xi32>
          %parallel_loop3A_707 = arith.subi %parallel_loop3A_704, %parallel_loop3A_706 : vector<16xi32>
          tpu.vector_store_idx %arg14[%parallel_loop3A_707], %parallel_loop3A_645 masked %parallel_loop3A_661 : memref<5136xf32, #tpu.memory_space<vmem>>[vector<16xi32>], vector<16xf32>, vector<16xi1>
          %parallel_loop3A_708 = arith.constant 16 : i32
          %parallel_loop3A_709 = arith.addi %parallel_loop3A_634, %parallel_loop3A_708 : i32
          %parallel_loop3A_710 = vector.broadcast %parallel_loop3A_709 : i32 to vector<16xi32>
          %parallel_loop3A_711 = arith.addi %parallel_loop3A_710, %iota3A : vector<16xi32>
          tpu.vector_store_idx %arg15[%parallel_loop3A_707], %parallel_loop3A_711 masked %parallel_loop3A_661 : memref<5136xi32, #tpu.memory_space<vmem>>[vector<16xi32>], vector<16xi32>, vector<16xi1>
          %parallel_loop3A_712 = tpu.all_reduce %parallel_loop3A_661 {dim = 0 : i64, kind = #tpu.reduction_kind<sum>} : vector<16xi1> -> vector<16xi32>
          %parallel_loop3A_713 = arith.addi %parallel_loop3A_699, %parallel_loop3A_712 : vector<16xi32>
          %parallel_loop3A_714 = arith.extui %parallel_loop3A_664 : vector<16xi1> to vector<16xi32>
          %parallel_loop3A_715 = arith.constant true
          %parallel_loop3A_716 = vector.broadcast %parallel_loop3A_715 : i1 to vector<16xi1>
          %parallel_loop3A_717 = tpu.scan <sum>, %parallel_loop3A_714 masked %parallel_loop3A_716 : vector<16xi32>, vector<16xi1> -> vector<16xi32>
          %parallel_loop3A_718 = arith.addi %parallel_loop3A_713, %parallel_loop3A_717 : vector<16xi32>
          %parallel_loop3A_719 = arith.constant 1 : i32
          %parallel_loop3A_720 = vector.broadcast %parallel_loop3A_719 : i32 to vector<16xi32>
          %parallel_loop3A_721 = arith.subi %parallel_loop3A_718, %parallel_loop3A_720 : vector<16xi32>
          tpu.vector_store_idx %arg14[%parallel_loop3A_721], %parallel_loop3A_650 masked %parallel_loop3A_664 : memref<5136xf32, #tpu.memory_space<vmem>>[vector<16xi32>], vector<16xf32>, vector<16xi1>
          %parallel_loop3A_722 = arith.constant 32 : i32
          %parallel_loop3A_723 = arith.addi %parallel_loop3A_634, %parallel_loop3A_722 : i32
          %parallel_loop3A_724 = vector.broadcast %parallel_loop3A_723 : i32 to vector<16xi32>
          %parallel_loop3A_725 = arith.addi %parallel_loop3A_724, %iota3A : vector<16xi32>
          tpu.vector_store_idx %arg15[%parallel_loop3A_721], %parallel_loop3A_725 masked %parallel_loop3A_664 : memref<5136xi32, #tpu.memory_space<vmem>>[vector<16xi32>], vector<16xi32>, vector<16xi1>
          %parallel_loop3A_726 = tpu.all_reduce %parallel_loop3A_664 {dim = 0 : i64, kind = #tpu.reduction_kind<sum>} : vector<16xi1> -> vector<16xi32>
          %parallel_loop3A_727 = arith.addi %parallel_loop3A_713, %parallel_loop3A_726 : vector<16xi32>
          %parallel_loop3A_728 = arith.extui %parallel_loop3A_667 : vector<16xi1> to vector<16xi32>
          %parallel_loop3A_729 = arith.constant true
          %parallel_loop3A_730 = vector.broadcast %parallel_loop3A_729 : i1 to vector<16xi1>
          %parallel_loop3A_731 = tpu.scan <sum>, %parallel_loop3A_728 masked %parallel_loop3A_730 : vector<16xi32>, vector<16xi1> -> vector<16xi32>
          %parallel_loop3A_732 = arith.addi %parallel_loop3A_727, %parallel_loop3A_731 : vector<16xi32>
          %parallel_loop3A_733 = arith.constant 1 : i32
          %parallel_loop3A_734 = vector.broadcast %parallel_loop3A_733 : i32 to vector<16xi32>
          %parallel_loop3A_735 = arith.subi %parallel_loop3A_732, %parallel_loop3A_734 : vector<16xi32>
          tpu.vector_store_idx %arg14[%parallel_loop3A_735], %parallel_loop3A_655 masked %parallel_loop3A_667 : memref<5136xf32, #tpu.memory_space<vmem>>[vector<16xi32>], vector<16xf32>, vector<16xi1>
          %parallel_loop3A_736 = arith.constant 48 : i32
          %parallel_loop3A_737 = arith.addi %parallel_loop3A_634, %parallel_loop3A_736 : i32
          %parallel_loop3A_738 = vector.broadcast %parallel_loop3A_737 : i32 to vector<16xi32>
          %parallel_loop3A_739 = arith.addi %parallel_loop3A_738, %iota3A : vector<16xi32>
          tpu.vector_store_idx %arg15[%parallel_loop3A_735], %parallel_loop3A_739 masked %parallel_loop3A_667 : memref<5136xi32, #tpu.memory_space<vmem>>[vector<16xi32>], vector<16xi32>, vector<16xi1>
          %parallel_loop3A_740 = tpu.all_reduce %parallel_loop3A_667 {dim = 0 : i64, kind = #tpu.reduction_kind<sum>} : vector<16xi1> -> vector<16xi32>
          %parallel_loop3A_741 = arith.addi %parallel_loop3A_727, %parallel_loop3A_740 : vector<16xi32>
          scf.yield %parallel_loop3A_741 : vector<16xi32>
        } else {
          scf.yield %parallel_loop3A_635 : vector<16xi32>
        }
        scf.yield %parallel_loop3A_685 : vector<16xi32>
      } {sc.loop_unroll_factor = 2 : i64, sc.parallel_access}
      %reduce_max3A_356 = arith.constant true
      %reduce_max3A_357 = vector.broadcast %reduce_max3A_356 : i1 to vector<16xi1>
      %reduce_max3A_358 = arith.constant -2147483648 : i32
      %reduce_max3A_359 = vector.broadcast %reduce_max3A_358 : i32 to vector<16xi32>
      %reduce_max3A_360 = arith.xori %parallel_loop3A_355, %reduce_max3A_359 : vector<16xi32>
      %reduce_max3A_361 = tpu.scan <max>, %reduce_max3A_360 masked %reduce_max3A_357 : vector<16xi32>, vector<16xi1> -> vector<16xi32>
      %reduce_max3A_362 = arith.xori %reduce_max3A_361, %reduce_max3A_359 : vector<16xi32>
      %reduce_max3A_363 = vector.extract %reduce_max3A_362[15] : i32 from vector<16xi32>
      %add3A_364 = vector.broadcast %reduce_max3A_363 : i32 to vector<16xi32>
      %add3A_365 = arith.addi %add3A_364, %iota3A : vector<16xi32>
      %broadcast_in_dim3A_366 = arith.constant 0xFF800000 : f32
      %broadcast_in_dim3A_367 = vector.broadcast %broadcast_in_dim3A_366 : f32 to vector<16xf32>
      tpu.vector_store_idx %arg14[%add3A_365], %broadcast_in_dim3A_367 : memref<5136xf32, #tpu.memory_space<vmem>>[vector<16xi32>], vector<16xf32>,
      %add3A_368 = arith.constant 15 : i32
      %add3A_369 = arith.addi %reduce_max3A_363, %add3A_368 : i32
      %jit3A_370 = arith.constant 16 : i32
      %div3A_371 = arith.divsi %add3A_369, %jit3A_370 : i32
      %sign3A_372 = arith.constant 0 : i32
      %sign3A_373 = arith.cmpi sgt, %add3A_369, %sign3A_372 : i32
      %sign3A_374 = arith.extui %sign3A_373 : i1 to i32
      %sign3A_375 = arith.constant 0 : i32
      %sign3A_376 = arith.cmpi slt, %add3A_369, %sign3A_375 : i32
      %sign3A_377 = arith.extui %sign3A_376 : i1 to i32
      %sign3A_378 = arith.subi %sign3A_374, %sign3A_377 : i32
      %sign3A_379 = arith.constant 0 : i32
      %sign3A_380 = arith.cmpi sgt, %jit3A_370, %sign3A_379 : i32
      %sign3A_381 = arith.extui %sign3A_380 : i1 to i32
      %sign3A_382 = arith.constant 0 : i32
      %sign3A_383 = arith.cmpi slt, %jit3A_370, %sign3A_382 : i32
      %sign3A_384 = arith.extui %sign3A_383 : i1 to i32
      %sign3A_385 = arith.subi %sign3A_381, %sign3A_384 : i32
      %ne3A_386 = arith.cmpi ne, %sign3A_378, %sign3A_385 : i32
      %rem3A_387 = arith.remsi %add3A_369, %jit3A_370 : i32
      %ne3A_388 = arith.constant 0 : i32
      %ne3A_389 = arith.cmpi ne, %rem3A_387, %ne3A_388 : i32
      %and3A_390 = arith.andi %ne3A_386, %ne3A_389 : i1
      %sub3A_391 = arith.constant 1 : i32
      %sub3A_392 = arith.subi %div3A_371, %sub3A_391 : i32
      %select_n3A_393 = arith.select %and3A_390, %sub3A_392, %div3A_371 : i32
      %mul3A_394 = arith.constant 16 : i32
      %mul3A_395 = arith.muli %select_n3A_393, %mul3A_394 : i32
      %broadcast_in_dim3A_396 = arith.constant 0xFF800000 : f32
      %broadcast_in_dim3A_397 = vector.broadcast %broadcast_in_dim3A_396 : f32 to vector<16xf32>
      %broadcast_in_dim3A_398 = arith.constant 1073741824 : i32
      %broadcast_in_dim3A_399 = vector.broadcast %broadcast_in_dim3A_398 : i32 to vector<16xi32>
      %parallel_loop3A_400 = arith.constant 0 : i32
      %parallel_loop3A_401 = arith.constant 16 : i32
      %parallel_loop3A_402:2 = scf.for %parallel_loop3A_634 = %parallel_loop3A_400 to %mul3A_395 step %parallel_loop3A_401 iter_args(%parallel_loop3A_635 = %broadcast_in_dim3A_397, %parallel_loop3A_636 = %broadcast_in_dim3A_399) -> (vector<16xf32>, vector<16xi32>)  : i32 {
        %parallel_loop3A_637 = vector.broadcast %parallel_loop3A_634 : i32 to vector<16xi32>
        %parallel_loop3A_638 = arith.addi %parallel_loop3A_637, %iota3A : vector<16xi32>
        %parallel_loop3A_639 = vector.broadcast %reduce_max3A_363 : i32 to vector<16xi32>
        %parallel_loop3A_640 = arith.cmpi slt, %parallel_loop3A_638, %parallel_loop3A_639 : vector<16xi32>
        %parallel_loop3A_641 = tpu.vector_load_idx %arg15[%parallel_loop3A_638] masked %parallel_loop3A_640 : memref<5136xi32, #tpu.memory_space<vmem>>[vector<16xi32>], vector<16xi32>, vector<16xi1>
        %parallel_loop3A_642 = arith.constant 0 : i32
        %parallel_loop3A_643 = vector.broadcast %parallel_loop3A_642 : i32 to vector<16xi32>
        %parallel_loop3A_644 = arith.select %parallel_loop3A_640, %parallel_loop3A_641, %parallel_loop3A_643 : vector<16xi1>, vector<16xi32>
        %parallel_loop3A_645 = tpu.vector_load_idx %arg10[%parallel_loop3A_644] : memref<5120xf32, #tpu.memory_space<vmem>>[vector<16xi32>], vector<16xf32>,
        %parallel_loop3A_646 = tpu.vector_load_idx %arg11[%parallel_loop3A_644] : memref<5120xf32, #tpu.memory_space<vmem>>[vector<16xi32>], vector<16xf32>,
        %parallel_loop3A_647 = tpu.vector_load_idx %arg12[%parallel_loop3A_644] : memref<5120xf32, #tpu.memory_space<vmem>>[vector<16xi32>], vector<16xf32>,
        %parallel_loop3A_648 = tpu.vector_load_idx %arg13[%parallel_loop3A_644] : memref<5120xf32, #tpu.memory_space<vmem>>[vector<16xi32>], vector<16xf32>,
        %parallel_loop3A_649 = arith.subf %parallel_loop3A_647, %parallel_loop3A_645 : vector<16xf32>
        %parallel_loop3A_650 = arith.constant 0.000000e+00 : f32
        %parallel_loop3A_651 = vector.broadcast %parallel_loop3A_650 : f32 to vector<16xf32>
        %parallel_loop3A_652 = arith.maximumf %parallel_loop3A_649, %parallel_loop3A_651 : vector<16xf32>
        %parallel_loop3A_653 = arith.subf %parallel_loop3A_648, %parallel_loop3A_646 : vector<16xf32>
        %parallel_loop3A_654 = arith.constant 0.000000e+00 : f32
        %parallel_loop3A_655 = vector.broadcast %parallel_loop3A_654 : f32 to vector<16xf32>
        %parallel_loop3A_656 = arith.maximumf %parallel_loop3A_653, %parallel_loop3A_655 : vector<16xf32>
        %parallel_loop3A_657 = arith.mulf %parallel_loop3A_652, %parallel_loop3A_656 : vector<16xf32>
        tpu.vector_store_idx %arg16[%parallel_loop3A_638], %parallel_loop3A_645 : memref<5136xf32, #tpu.memory_space<vmem>>[vector<16xi32>], vector<16xf32>,
        tpu.vector_store_idx %arg17[%parallel_loop3A_638], %parallel_loop3A_646 : memref<5136xf32, #tpu.memory_space<vmem>>[vector<16xi32>], vector<16xf32>,
        tpu.vector_store_idx %arg18[%parallel_loop3A_638], %parallel_loop3A_647 : memref<5136xf32, #tpu.memory_space<vmem>>[vector<16xi32>], vector<16xf32>,
        tpu.vector_store_idx %arg19[%parallel_loop3A_638], %parallel_loop3A_648 : memref<5136xf32, #tpu.memory_space<vmem>>[vector<16xi32>], vector<16xf32>,
        tpu.vector_store_idx %arg20[%parallel_loop3A_638], %parallel_loop3A_657 : memref<5136xf32, #tpu.memory_space<vmem>>[vector<16xi32>], vector<16xf32>,
        %parallel_loop3A_658 = tpu.vector_load_idx %arg14[%parallel_loop3A_638] : memref<5136xf32, #tpu.memory_space<vmem>>[vector<16xi32>], vector<16xf32>,
        %parallel_loop3A_659 = arith.cmpf ogt, %parallel_loop3A_658, %parallel_loop3A_635 : vector<16xf32>
        %parallel_loop3A_660 = arith.select %parallel_loop3A_659, %parallel_loop3A_658, %parallel_loop3A_635 : vector<16xi1>, vector<16xf32>
        %parallel_loop3A_661 = arith.select %parallel_loop3A_659, %parallel_loop3A_638, %parallel_loop3A_636 : vector<16xi1>, vector<16xi32>
        scf.yield %parallel_loop3A_660, %parallel_loop3A_661 : vector<16xf32>, vector<16xi32>
      } {sc.loop_unroll_factor = 2 : i64, sc.parallel_access}
      %reduce_max3A_403 = arith.constant true
      %reduce_max3A_404 = vector.broadcast %reduce_max3A_403 : i1 to vector<16xi1>
      %reduce_max3A_405 = tpu.scan <max>, %parallel_loop3A_402#0 masked %reduce_max3A_404 : vector<16xf32>, vector<16xi1> -> vector<16xf32>
      %reduce_max3A_406 = vector.extract %reduce_max3A_405[15] : f32 from vector<16xf32>
      %eq3A_407 = vector.broadcast %reduce_max3A_406 : f32 to vector<16xf32>
      %eq3A_408 = arith.cmpf oeq, %parallel_loop3A_402#0, %eq3A_407 : vector<16xf32>
      %jit3A_409 = arith.constant 1073741824 : i32
      %broadcast_in_dim3A_410 = vector.broadcast %jit3A_409 : i32 to vector<16xi32>
      %select_n3A_411 = arith.select %eq3A_408, %parallel_loop3A_402#1, %broadcast_in_dim3A_410 : vector<16xi1>, vector<16xi32>
      %reduce_min3A_412 = arith.constant true
      %reduce_min3A_413 = vector.broadcast %reduce_min3A_412 : i1 to vector<16xi1>
      %reduce_min3A_414 = arith.constant -2147483648 : i32
      %reduce_min3A_415 = vector.broadcast %reduce_min3A_414 : i32 to vector<16xi32>
      %reduce_min3A_416 = arith.xori %select_n3A_411, %reduce_min3A_415 : vector<16xi32>
      %reduce_min3A_417 = tpu.scan <min>, %reduce_min3A_416 masked %reduce_min3A_413 : vector<16xi32>, vector<16xi1> -> vector<16xi32>
      %reduce_min3A_418 = arith.xori %reduce_min3A_417, %reduce_min3A_415 : vector<16xi32>
      %reduce_min3A_419 = vector.extract %reduce_min3A_418[15] : i32 from vector<16xi32>
      %while3A_420 = arith.constant 0 : i32
      %while3A_421:3 = scf.while (%while3A_634 = %while3A_420, %while3A_635 = %reduce_max3A_406, %while3A_636 = %reduce_min3A_419) : (i32, f32, i32) -> (i32, f32, i32) {
        %ge3A = arith.constant 5.000000e-01 : f32
        %ge3A_637 = arith.cmpf oge, %while3A_635, %ge3A : f32
        scf.condition(%ge3A_637) %while3A_634, %while3A_635, %while3A_636 : i32, f32, i32
      } do {
      ^bb0(%while3A_634: i32, %while3A_635: f32, %while3A_636: i32):
        %add3A_637 = vector.broadcast %while3A_636 : i32 to vector<16xi32>
        %add3A_638 = arith.addi %broadcast_in_dim3A_2, %add3A_637 : vector<16xi32>
        %gather3A = tpu.vector_load_idx %arg16[%add3A_638] : memref<5136xf32, #tpu.memory_space<vmem>>[vector<16xi32>], vector<16xf32>,
        %gather3A_639 = tpu.vector_load_idx %arg17[%add3A_638] : memref<5136xf32, #tpu.memory_space<vmem>>[vector<16xi32>], vector<16xf32>,
        %gather3A_640 = tpu.vector_load_idx %arg18[%add3A_638] : memref<5136xf32, #tpu.memory_space<vmem>>[vector<16xi32>], vector<16xf32>,
        %gather3A_641 = tpu.vector_load_idx %arg19[%add3A_638] : memref<5136xf32, #tpu.memory_space<vmem>>[vector<16xi32>], vector<16xf32>,
        %gather3A_642 = tpu.vector_load_idx %arg20[%add3A_638] : memref<5136xf32, #tpu.memory_space<vmem>>[vector<16xi32>], vector<16xf32>,
        %mul3A_643 = arith.constant 16 : i32
        %mul3A_644 = arith.muli %select_n3A_393, %mul3A_643 : i32
        %broadcast_in_dim3A_645 = arith.constant 0xFF800000 : f32
        %broadcast_in_dim3A_646 = vector.broadcast %broadcast_in_dim3A_645 : f32 to vector<16xf32>
        %broadcast_in_dim3A_647 = arith.constant 1073741824 : i32
        %broadcast_in_dim3A_648 = vector.broadcast %broadcast_in_dim3A_647 : i32 to vector<16xi32>
        %parallel_loop3A_649 = arith.constant 0 : i32
        %parallel_loop3A_650 = arith.constant 16 : i32
        %parallel_loop3A_651:2 = scf.for %parallel_loop3A_676 = %parallel_loop3A_649 to %mul3A_644 step %parallel_loop3A_650 iter_args(%parallel_loop3A_677 = %broadcast_in_dim3A_646, %parallel_loop3A_678 = %broadcast_in_dim3A_648) -> (vector<16xf32>, vector<16xi32>)  : i32 {
          %parallel_loop3A_679 = vector.broadcast %parallel_loop3A_676 : i32 to vector<16xi32>
          %parallel_loop3A_680 = arith.addi %parallel_loop3A_679, %iota3A : vector<16xi32>
          %parallel_loop3A_681 = tpu.vector_load_idx %arg14[%parallel_loop3A_680] : memref<5136xf32, #tpu.memory_space<vmem>>[vector<16xi32>], vector<16xf32>,
          %parallel_loop3A_682 = tpu.vector_load_idx %arg16[%parallel_loop3A_680] : memref<5136xf32, #tpu.memory_space<vmem>>[vector<16xi32>], vector<16xf32>,
          %parallel_loop3A_683 = tpu.vector_load_idx %arg17[%parallel_loop3A_680] : memref<5136xf32, #tpu.memory_space<vmem>>[vector<16xi32>], vector<16xf32>,
          %parallel_loop3A_684 = tpu.vector_load_idx %arg18[%parallel_loop3A_680] : memref<5136xf32, #tpu.memory_space<vmem>>[vector<16xi32>], vector<16xf32>,
          %parallel_loop3A_685 = tpu.vector_load_idx %arg19[%parallel_loop3A_680] : memref<5136xf32, #tpu.memory_space<vmem>>[vector<16xi32>], vector<16xf32>,
          %parallel_loop3A_686 = tpu.vector_load_idx %arg20[%parallel_loop3A_680] : memref<5136xf32, #tpu.memory_space<vmem>>[vector<16xi32>], vector<16xf32>,
          %parallel_loop3A_687 = arith.minimumf %gather3A_640, %parallel_loop3A_684 : vector<16xf32>
          %parallel_loop3A_688 = arith.maximumf %gather3A, %parallel_loop3A_682 : vector<16xf32>
          %parallel_loop3A_689 = arith.subf %parallel_loop3A_687, %parallel_loop3A_688 : vector<16xf32>
          %parallel_loop3A_690 = arith.constant 0.000000e+00 : f32
          %parallel_loop3A_691 = vector.broadcast %parallel_loop3A_690 : f32 to vector<16xf32>
          %parallel_loop3A_692 = arith.maximumf %parallel_loop3A_689, %parallel_loop3A_691 : vector<16xf32>
          %parallel_loop3A_693 = arith.minimumf %gather3A_641, %parallel_loop3A_685 : vector<16xf32>
          %parallel_loop3A_694 = arith.maximumf %gather3A_639, %parallel_loop3A_683 : vector<16xf32>
          %parallel_loop3A_695 = arith.subf %parallel_loop3A_693, %parallel_loop3A_694 : vector<16xf32>
          %parallel_loop3A_696 = arith.constant 0.000000e+00 : f32
          %parallel_loop3A_697 = vector.broadcast %parallel_loop3A_696 : f32 to vector<16xf32>
          %parallel_loop3A_698 = arith.maximumf %parallel_loop3A_695, %parallel_loop3A_697 : vector<16xf32>
          %parallel_loop3A_699 = arith.mulf %parallel_loop3A_692, %parallel_loop3A_698 : vector<16xf32>
          %parallel_loop3A_700 = arith.addf %gather3A_642, %parallel_loop3A_686 : vector<16xf32>
          %parallel_loop3A_701 = arith.subf %parallel_loop3A_700, %parallel_loop3A_699 : vector<16xf32>
          %parallel_loop3A_702 = arith.constant 9.99999971E-10 : f32
          %parallel_loop3A_703 = vector.broadcast %parallel_loop3A_702 : f32 to vector<16xf32>
          %parallel_loop3A_704 = arith.addf %parallel_loop3A_701, %parallel_loop3A_703 : vector<16xf32>
          %parallel_loop3A_705 = arith.divf %parallel_loop3A_699, %parallel_loop3A_704 : vector<16xf32>
          %parallel_loop3A_706 = arith.constant 5.000000e-01 : f32
          %parallel_loop3A_707 = vector.broadcast %parallel_loop3A_706 : f32 to vector<16xf32>
          %parallel_loop3A_708 = arith.cmpf ogt, %parallel_loop3A_705, %parallel_loop3A_707 : vector<16xf32>
          %parallel_loop3A_709 = arith.cmpi eq, %parallel_loop3A_680, %add3A_638 : vector<16xi32>
          %parallel_loop3A_710 = arith.ori %parallel_loop3A_708, %parallel_loop3A_709 : vector<16xi1>
          %parallel_loop3A_711 = arith.constant 0xFF800000 : f32
          %parallel_loop3A_712 = vector.broadcast %parallel_loop3A_711 : f32 to vector<16xf32>
          %parallel_loop3A_713 = arith.select %parallel_loop3A_710, %parallel_loop3A_712, %parallel_loop3A_681 : vector<16xi1>, vector<16xf32>
          tpu.vector_store_idx %arg14[%parallel_loop3A_680], %parallel_loop3A_713 : memref<5136xf32, #tpu.memory_space<vmem>>[vector<16xi32>], vector<16xf32>,
          %parallel_loop3A_714 = arith.cmpf ogt, %parallel_loop3A_713, %parallel_loop3A_677 : vector<16xf32>
          %parallel_loop3A_715 = arith.select %parallel_loop3A_714, %parallel_loop3A_713, %parallel_loop3A_677 : vector<16xi1>, vector<16xf32>
          %parallel_loop3A_716 = arith.select %parallel_loop3A_714, %parallel_loop3A_680, %parallel_loop3A_678 : vector<16xi1>, vector<16xi32>
          scf.yield %parallel_loop3A_715, %parallel_loop3A_716 : vector<16xf32>, vector<16xi32>
        } {sc.loop_unroll_factor = 2 : i64, sc.parallel_access}
        %reduce_max3A_652 = arith.constant true
        %reduce_max3A_653 = vector.broadcast %reduce_max3A_652 : i1 to vector<16xi1>
        %reduce_max3A_654 = tpu.scan <max>, %parallel_loop3A_651#0 masked %reduce_max3A_653 : vector<16xf32>, vector<16xi1> -> vector<16xf32>
        %reduce_max3A_655 = vector.extract %reduce_max3A_654[15] : f32 from vector<16xf32>
        %eq3A_656 = vector.broadcast %reduce_max3A_655 : f32 to vector<16xf32>
        %eq3A_657 = arith.cmpf oeq, %parallel_loop3A_651#0, %eq3A_656 : vector<16xf32>
        %jit3A_658 = arith.constant 1073741824 : i32
        %broadcast_in_dim3A_659 = vector.broadcast %jit3A_658 : i32 to vector<16xi32>
        %select_n3A_660 = arith.select %eq3A_657, %parallel_loop3A_651#1, %broadcast_in_dim3A_659 : vector<16xi1>, vector<16xi32>
        %reduce_min3A_661 = arith.constant true
        %reduce_min3A_662 = vector.broadcast %reduce_min3A_661 : i1 to vector<16xi1>
        %reduce_min3A_663 = arith.constant -2147483648 : i32
        %reduce_min3A_664 = vector.broadcast %reduce_min3A_663 : i32 to vector<16xi32>
        %reduce_min3A_665 = arith.xori %select_n3A_660, %reduce_min3A_664 : vector<16xi32>
        %reduce_min3A_666 = tpu.scan <min>, %reduce_min3A_665 masked %reduce_min3A_662 : vector<16xi32>, vector<16xi1> -> vector<16xi32>
        %reduce_min3A_667 = arith.xori %reduce_min3A_666, %reduce_min3A_664 : vector<16xi32>
        %reduce_min3A_668 = vector.extract %reduce_min3A_667[15] : i32 from vector<16xi32>
        %lt3A_669 = arith.constant 100 : i32
        %lt3A_670 = arith.cmpi slt, %while3A_634, %lt3A_669 : i32
        %convert_element_type3A_671 = arith.extui %lt3A_670 : i1 to i32
        %cond3A_672 = arith.constant 0 : i32
        %cond3A_673 = arith.cmpi ne, %convert_element_type3A_671, %cond3A_672 : i32
        scf.if %cond3A_673 {
          %eq3A_676 = arith.constant 0 : i32
          %eq3A_677 = vector.broadcast %eq3A_676 : i32 to vector<16xi32>
          %eq3A_678 = arith.cmpi eq, %iota3A, %eq3A_677 : vector<16xi32>
          %eq3A_679 = arith.constant 1 : i32
          %eq3A_680 = vector.broadcast %eq3A_679 : i32 to vector<16xi32>
          %eq3A_681 = arith.cmpi eq, %iota3A, %eq3A_680 : vector<16xi32>
          %eq3A_682 = arith.constant 2 : i32
          %eq3A_683 = vector.broadcast %eq3A_682 : i32 to vector<16xi32>
          %eq3A_684 = arith.cmpi eq, %iota3A, %eq3A_683 : vector<16xi32>
          %eq3A_685 = arith.constant 3 : i32
          %eq3A_686 = vector.broadcast %eq3A_685 : i32 to vector<16xi32>
          %eq3A_687 = arith.cmpi eq, %iota3A, %eq3A_686 : vector<16xi32>
          %add3A_688 = vector.broadcast %while3A_635 : f32 to vector<16xf32>
          %add3A_689 = arith.addf %broadcast_in_dim3A_0, %add3A_688 : vector<16xf32>
          %select_n3A_690 = arith.select %eq3A_687, %gather3A_641, %add3A_689 : vector<16xi1>, vector<16xf32>
          %select_n3A_691 = arith.select %eq3A_684, %gather3A_640, %select_n3A_690 : vector<16xi1>, vector<16xf32>
          %select_n3A_692 = arith.select %eq3A_681, %gather3A_639, %select_n3A_691 : vector<16xi1>, vector<16xf32>
          %select_n3A_693 = arith.select %eq3A_678, %gather3A, %select_n3A_692 : vector<16xi1>, vector<16xf32>
          %mul3A_694 = arith.constant 5 : i32
          %mul3A_695 = arith.muli %while3A_634, %mul3A_694 : i32
          %add3A_696 = vector.broadcast %mul3A_695 : i32 to vector<16xi32>
          %add3A_697 = arith.addi %add3A_696, %iota3A : vector<16xi32>
          %lt3A_698 = arith.constant 5 : i32
          %lt3A_699 = vector.broadcast %lt3A_698 : i32 to vector<16xi32>
          %lt3A_700 = arith.cmpi slt, %iota3A, %lt3A_699 : vector<16xi32>
          tpu.vector_store_idx %arg22[%add3A_697], %select_n3A_693 masked %lt3A_700 : memref<640xf32, #tpu.memory_space<vmem>>[vector<16xi32>], vector<16xf32>, vector<16xi1>
        } else {
        }
        %add3A_674 = arith.constant 1 : i32
        %add3A_675 = arith.addi %while3A_634, %add3A_674 : i32
        scf.yield %add3A_675, %reduce_max3A_655, %reduce_min3A_668 : i32, f32, i32
      }
      %min3A_422 = arith.constant 100 : i32
      %min3A_423 = arith.minsi %while3A_421#0, %min3A_422 : i32
      %convert_element_type3A_424 = arith.sitofp %min3A_423 : i32 to f32
      %add3A_425 = vector.broadcast %convert_element_type3A_424 : f32 to vector<16xf32>
      %add3A_426 = arith.addf %broadcast_in_dim3A_0, %add3A_425 : vector<16xf32>
      %add3A_427 = arith.constant 500 : i32
      %add3A_428 = vector.broadcast %add3A_427 : i32 to vector<16xi32>
      %add3A_429 = arith.addi %broadcast_in_dim3A_2, %add3A_428 : vector<16xi32>
      %eq3A_430 = arith.constant 0 : i32
      %eq3A_431 = vector.broadcast %eq3A_430 : i32 to vector<16xi32>
      %eq3A_432 = arith.cmpi eq, %iota3A, %eq3A_431 : vector<16xi32>
      tpu.vector_store_idx %arg22[%add3A_429], %add3A_426 masked %eq3A_432 : memref<640xf32, #tpu.memory_space<vmem>>[vector<16xi32>], vector<16xf32>, vector<16xi1>
      %dma_start3A_433 = arith.constant 0 : i32
      %dma_start3A_434 = tpu.memref_slice %arg7[%add3A_257, %dma_start3A_433] : memref<84x640xf32, #tpu.memory_space<hbm>> -> memref<1x640xf32, #tpu.memory_space<hbm>>
      %dma_start3A_435 = tpu.memref_squeeze %dma_start3A_434 : memref<1x640xf32, #tpu.memory_space<hbm>> -> memref<640xf32, #tpu.memory_space<hbm>>
      %dma_start3A_436 = arith.constant 0 : i32
      %dma_start3A_437 = tpu.memref_slice %arg7[%add3A_257, %dma_start3A_436] : memref<84x640xf32, #tpu.memory_space<hbm>> -> memref<1x640xf32, #tpu.memory_space<hbm>>
      %dma_start3A_438 = tpu.memref_squeeze %dma_start3A_437 : memref<1x640xf32, #tpu.memory_space<hbm>> -> memref<640xf32, #tpu.memory_space<hbm>>
      tpu.enqueue_dma source(%arg22 : memref<640xf32, #tpu.memory_space<vmem>>) target(%dma_start3A_438 : memref<640xf32, #tpu.memory_space<hbm>>) target_semaphore(%arg26 : memref<!tpu.dma_semaphore, #tpu.memory_space<semaphore_mem>>)
      %mul3A_439 = arith.constant 3 : i32
      %mul3A_440 = arith.muli %add3A, %mul3A_439 : i32
      %add3A_441 = arith.constant 2 : i32
      %add3A_442 = arith.addi %mul3A_440, %add3A_441 : i32
      %dma_wait3A_443 = arith.constant 0 : i32
      %dma_wait3A_444 = tpu.memref_slice %arg2[%add3A_265, %dma_wait3A_443] : memref<84x5120xf32, #tpu.memory_space<hbm>> -> memref<1x5120xf32, #tpu.memory_space<hbm>>
      %dma_wait3A_445 = tpu.memref_squeeze %dma_wait3A_444 : memref<1x5120xf32, #tpu.memory_space<hbm>> -> memref<5120xf32, #tpu.memory_space<hbm>>
      %dma_wait3A_446 = arith.constant 0 : i32
      %dma_wait3A_447 = tpu.memref_slice %arg2[%add3A_265, %dma_wait3A_446] : memref<84x5120xf32, #tpu.memory_space<hbm>> -> memref<1x5120xf32, #tpu.memory_space<hbm>>
      %dma_wait3A_448 = tpu.memref_squeeze %dma_wait3A_447 : memref<1x5120xf32, #tpu.memory_space<hbm>> -> memref<5120xf32, #tpu.memory_space<hbm>>
      tpu.wait_dma2 semaphore(%arg24 : memref<!tpu.dma_semaphore, #tpu.memory_space<semaphore_mem>>) src(%dma_wait3A_448 : memref<5120xf32, #tpu.memory_space<hbm>>) dst(%arg8 : memref<5120xf32, #tpu.memory_space<vmem>>)
      %dma_wait3A_449 = arith.constant 0 : i32
      %dma_wait3A_450 = tpu.memref_slice %arg7[%add3A_56, %dma_wait3A_449] : memref<84x640xf32, #tpu.memory_space<hbm>> -> memref<1x640xf32, #tpu.memory_space<hbm>>
      %dma_wait3A_451 = tpu.memref_squeeze %dma_wait3A_450 : memref<1x640xf32, #tpu.memory_space<hbm>> -> memref<640xf32, #tpu.memory_space<hbm>>
      %dma_wait3A_452 = arith.constant 0 : i32
      %dma_wait3A_453 = tpu.memref_slice %arg7[%add3A_56, %dma_wait3A_452] : memref<84x640xf32, #tpu.memory_space<hbm>> -> memref<1x640xf32, #tpu.memory_space<hbm>>
      %dma_wait3A_454 = tpu.memref_squeeze %dma_wait3A_453 : memref<1x640xf32, #tpu.memory_space<hbm>> -> memref<640xf32, #tpu.memory_space<hbm>>
      tpu.wait_dma2 semaphore(%arg26 : memref<!tpu.dma_semaphore, #tpu.memory_space<semaphore_mem>>) src(%arg21 : memref<640xf32, #tpu.memory_space<vmem>>) dst(%dma_wait3A_454 : memref<640xf32, #tpu.memory_space<hbm>>)
      %swap3A_455 = arith.constant 0 : index
      %swap3A_456 = tpu.vector_load %arg21[%swap3A_455] {strides = array<i32>} : memref<640xf32, #tpu.memory_space<vmem>>, vector<16xf32>,
      tpu.vector_store %arg21[%swap3A_455], %broadcast_in_dim3A_0 {strides = array<i32>} : memref<640xf32, #tpu.memory_space<vmem>>, vector<16xf32>,
      %swap3A_457 = arith.constant 16 : index
      %swap3A_458 = tpu.vector_load %arg21[%swap3A_457] {strides = array<i32>} : memref<640xf32, #tpu.memory_space<vmem>>, vector<16xf32>,
      tpu.vector_store %arg21[%swap3A_457], %broadcast_in_dim3A_0 {strides = array<i32>} : memref<640xf32, #tpu.memory_space<vmem>>, vector<16xf32>,
      %swap3A_459 = arith.constant 32 : index
      %swap3A_460 = tpu.vector_load %arg21[%swap3A_459] {strides = array<i32>} : memref<640xf32, #tpu.memory_space<vmem>>, vector<16xf32>,
      tpu.vector_store %arg21[%swap3A_459], %broadcast_in_dim3A_0 {strides = array<i32>} : memref<640xf32, #tpu.memory_space<vmem>>, vector<16xf32>,
      %swap3A_461 = arith.constant 48 : index
      %swap3A_462 = tpu.vector_load %arg21[%swap3A_461] {strides = array<i32>} : memref<640xf32, #tpu.memory_space<vmem>>, vector<16xf32>,
      tpu.vector_store %arg21[%swap3A_461], %broadcast_in_dim3A_0 {strides = array<i32>} : memref<640xf32, #tpu.memory_space<vmem>>, vector<16xf32>,
      %swap3A_463 = arith.constant 64 : index
      %swap3A_464 = tpu.vector_load %arg21[%swap3A_463] {strides = array<i32>} : memref<640xf32, #tpu.memory_space<vmem>>, vector<16xf32>,
      tpu.vector_store %arg21[%swap3A_463], %broadcast_in_dim3A_0 {strides = array<i32>} : memref<640xf32, #tpu.memory_space<vmem>>, vector<16xf32>,
      %swap3A_465 = arith.constant 80 : index
      %swap3A_466 = tpu.vector_load %arg21[%swap3A_465] {strides = array<i32>} : memref<640xf32, #tpu.memory_space<vmem>>, vector<16xf32>,
      tpu.vector_store %arg21[%swap3A_465], %broadcast_in_dim3A_0 {strides = array<i32>} : memref<640xf32, #tpu.memory_space<vmem>>, vector<16xf32>,
      %swap3A_467 = arith.constant 96 : index
      %swap3A_468 = tpu.vector_load %arg21[%swap3A_467] {strides = array<i32>} : memref<640xf32, #tpu.memory_space<vmem>>, vector<16xf32>,
      tpu.vector_store %arg21[%swap3A_467], %broadcast_in_dim3A_0 {strides = array<i32>} : memref<640xf32, #tpu.memory_space<vmem>>, vector<16xf32>,
      %swap3A_469 = arith.constant 112 : index
      %swap3A_470 = tpu.vector_load %arg21[%swap3A_469] {strides = array<i32>} : memref<640xf32, #tpu.memory_space<vmem>>, vector<16xf32>,
      tpu.vector_store %arg21[%swap3A_469], %broadcast_in_dim3A_0 {strides = array<i32>} : memref<640xf32, #tpu.memory_space<vmem>>, vector<16xf32>,
      %swap3A_471 = arith.constant 128 : index
      %swap3A_472 = tpu.vector_load %arg21[%swap3A_471] {strides = array<i32>} : memref<640xf32, #tpu.memory_space<vmem>>, vector<16xf32>,
      tpu.vector_store %arg21[%swap3A_471], %broadcast_in_dim3A_0 {strides = array<i32>} : memref<640xf32, #tpu.memory_space<vmem>>, vector<16xf32>,
      %swap3A_473 = arith.constant 144 : index
      %swap3A_474 = tpu.vector_load %arg21[%swap3A_473] {strides = array<i32>} : memref<640xf32, #tpu.memory_space<vmem>>, vector<16xf32>,
      tpu.vector_store %arg21[%swap3A_473], %broadcast_in_dim3A_0 {strides = array<i32>} : memref<640xf32, #tpu.memory_space<vmem>>, vector<16xf32>,
      %swap3A_475 = arith.constant 160 : index
      %swap3A_476 = tpu.vector_load %arg21[%swap3A_475] {strides = array<i32>} : memref<640xf32, #tpu.memory_space<vmem>>, vector<16xf32>,
      tpu.vector_store %arg21[%swap3A_475], %broadcast_in_dim3A_0 {strides = array<i32>} : memref<640xf32, #tpu.memory_space<vmem>>, vector<16xf32>,
      %swap3A_477 = arith.constant 176 : index
      %swap3A_478 = tpu.vector_load %arg21[%swap3A_477] {strides = array<i32>} : memref<640xf32, #tpu.memory_space<vmem>>, vector<16xf32>,
      tpu.vector_store %arg21[%swap3A_477], %broadcast_in_dim3A_0 {strides = array<i32>} : memref<640xf32, #tpu.memory_space<vmem>>, vector<16xf32>,
      %swap3A_479 = arith.constant 192 : index
      %swap3A_480 = tpu.vector_load %arg21[%swap3A_479] {strides = array<i32>} : memref<640xf32, #tpu.memory_space<vmem>>, vector<16xf32>,
      tpu.vector_store %arg21[%swap3A_479], %broadcast_in_dim3A_0 {strides = array<i32>} : memref<640xf32, #tpu.memory_space<vmem>>, vector<16xf32>,
      %swap3A_481 = arith.constant 208 : index
      %swap3A_482 = tpu.vector_load %arg21[%swap3A_481] {strides = array<i32>} : memref<640xf32, #tpu.memory_space<vmem>>, vector<16xf32>,
      tpu.vector_store %arg21[%swap3A_481], %broadcast_in_dim3A_0 {strides = array<i32>} : memref<640xf32, #tpu.memory_space<vmem>>, vector<16xf32>,
      %swap3A_483 = arith.constant 224 : index
      %swap3A_484 = tpu.vector_load %arg21[%swap3A_483] {strides = array<i32>} : memref<640xf32, #tpu.memory_space<vmem>>, vector<16xf32>,
      tpu.vector_store %arg21[%swap3A_483], %broadcast_in_dim3A_0 {strides = array<i32>} : memref<640xf32, #tpu.memory_space<vmem>>, vector<16xf32>,
      %swap3A_485 = arith.constant 240 : index
      %swap3A_486 = tpu.vector_load %arg21[%swap3A_485] {strides = array<i32>} : memref<640xf32, #tpu.memory_space<vmem>>, vector<16xf32>,
      tpu.vector_store %arg21[%swap3A_485], %broadcast_in_dim3A_0 {strides = array<i32>} : memref<640xf32, #tpu.memory_space<vmem>>, vector<16xf32>,
      %swap3A_487 = arith.constant 256 : index
      %swap3A_488 = tpu.vector_load %arg21[%swap3A_487] {strides = array<i32>} : memref<640xf32, #tpu.memory_space<vmem>>, vector<16xf32>,
      tpu.vector_store %arg21[%swap3A_487], %broadcast_in_dim3A_0 {strides = array<i32>} : memref<640xf32, #tpu.memory_space<vmem>>, vector<16xf32>,
      %swap3A_489 = arith.constant 272 : index
      %swap3A_490 = tpu.vector_load %arg21[%swap3A_489] {strides = array<i32>} : memref<640xf32, #tpu.memory_space<vmem>>, vector<16xf32>,
      tpu.vector_store %arg21[%swap3A_489], %broadcast_in_dim3A_0 {strides = array<i32>} : memref<640xf32, #tpu.memory_space<vmem>>, vector<16xf32>,
      %swap3A_491 = arith.constant 288 : index
      %swap3A_492 = tpu.vector_load %arg21[%swap3A_491] {strides = array<i32>} : memref<640xf32, #tpu.memory_space<vmem>>, vector<16xf32>,
      tpu.vector_store %arg21[%swap3A_491], %broadcast_in_dim3A_0 {strides = array<i32>} : memref<640xf32, #tpu.memory_space<vmem>>, vector<16xf32>,
      %swap3A_493 = arith.constant 304 : index
      %swap3A_494 = tpu.vector_load %arg21[%swap3A_493] {strides = array<i32>} : memref<640xf32, #tpu.memory_space<vmem>>, vector<16xf32>,
      tpu.vector_store %arg21[%swap3A_493], %broadcast_in_dim3A_0 {strides = array<i32>} : memref<640xf32, #tpu.memory_space<vmem>>, vector<16xf32>,
      %swap3A_495 = arith.constant 320 : index
      %swap3A_496 = tpu.vector_load %arg21[%swap3A_495] {strides = array<i32>} : memref<640xf32, #tpu.memory_space<vmem>>, vector<16xf32>,
      tpu.vector_store %arg21[%swap3A_495], %broadcast_in_dim3A_0 {strides = array<i32>} : memref<640xf32, #tpu.memory_space<vmem>>, vector<16xf32>,
      %swap3A_497 = arith.constant 336 : index
      %swap3A_498 = tpu.vector_load %arg21[%swap3A_497] {strides = array<i32>} : memref<640xf32, #tpu.memory_space<vmem>>, vector<16xf32>,
      tpu.vector_store %arg21[%swap3A_497], %broadcast_in_dim3A_0 {strides = array<i32>} : memref<640xf32, #tpu.memory_space<vmem>>, vector<16xf32>,
      %swap3A_499 = arith.constant 352 : index
      %swap3A_500 = tpu.vector_load %arg21[%swap3A_499] {strides = array<i32>} : memref<640xf32, #tpu.memory_space<vmem>>, vector<16xf32>,
      tpu.vector_store %arg21[%swap3A_499], %broadcast_in_dim3A_0 {strides = array<i32>} : memref<640xf32, #tpu.memory_space<vmem>>, vector<16xf32>,
      %swap3A_501 = arith.constant 368 : index
      %swap3A_502 = tpu.vector_load %arg21[%swap3A_501] {strides = array<i32>} : memref<640xf32, #tpu.memory_space<vmem>>, vector<16xf32>,
      tpu.vector_store %arg21[%swap3A_501], %broadcast_in_dim3A_0 {strides = array<i32>} : memref<640xf32, #tpu.memory_space<vmem>>, vector<16xf32>,
      %swap3A_503 = arith.constant 384 : index
      %swap3A_504 = tpu.vector_load %arg21[%swap3A_503] {strides = array<i32>} : memref<640xf32, #tpu.memory_space<vmem>>, vector<16xf32>,
      tpu.vector_store %arg21[%swap3A_503], %broadcast_in_dim3A_0 {strides = array<i32>} : memref<640xf32, #tpu.memory_space<vmem>>, vector<16xf32>,
      %swap3A_505 = arith.constant 400 : index
      %swap3A_506 = tpu.vector_load %arg21[%swap3A_505] {strides = array<i32>} : memref<640xf32, #tpu.memory_space<vmem>>, vector<16xf32>,
      tpu.vector_store %arg21[%swap3A_505], %broadcast_in_dim3A_0 {strides = array<i32>} : memref<640xf32, #tpu.memory_space<vmem>>, vector<16xf32>,
      %swap3A_507 = arith.constant 416 : index
      %swap3A_508 = tpu.vector_load %arg21[%swap3A_507] {strides = array<i32>} : memref<640xf32, #tpu.memory_space<vmem>>, vector<16xf32>,
      tpu.vector_store %arg21[%swap3A_507], %broadcast_in_dim3A_0 {strides = array<i32>} : memref<640xf32, #tpu.memory_space<vmem>>, vector<16xf32>,
      %swap3A_509 = arith.constant 432 : index
      %swap3A_510 = tpu.vector_load %arg21[%swap3A_509] {strides = array<i32>} : memref<640xf32, #tpu.memory_space<vmem>>, vector<16xf32>,
      tpu.vector_store %arg21[%swap3A_509], %broadcast_in_dim3A_0 {strides = array<i32>} : memref<640xf32, #tpu.memory_space<vmem>>, vector<16xf32>,
      %swap3A_511 = arith.constant 448 : index
      %swap3A_512 = tpu.vector_load %arg21[%swap3A_511] {strides = array<i32>} : memref<640xf32, #tpu.memory_space<vmem>>, vector<16xf32>,
      tpu.vector_store %arg21[%swap3A_511], %broadcast_in_dim3A_0 {strides = array<i32>} : memref<640xf32, #tpu.memory_space<vmem>>, vector<16xf32>,
      %swap3A_513 = arith.constant 464 : index
      %swap3A_514 = tpu.vector_load %arg21[%swap3A_513] {strides = array<i32>} : memref<640xf32, #tpu.memory_space<vmem>>, vector<16xf32>,
      tpu.vector_store %arg21[%swap3A_513], %broadcast_in_dim3A_0 {strides = array<i32>} : memref<640xf32, #tpu.memory_space<vmem>>, vector<16xf32>,
      %swap3A_515 = arith.constant 480 : index
      %swap3A_516 = tpu.vector_load %arg21[%swap3A_515] {strides = array<i32>} : memref<640xf32, #tpu.memory_space<vmem>>, vector<16xf32>,
      tpu.vector_store %arg21[%swap3A_515], %broadcast_in_dim3A_0 {strides = array<i32>} : memref<640xf32, #tpu.memory_space<vmem>>, vector<16xf32>,
      %swap3A_517 = arith.constant 496 : index
      %swap3A_518 = tpu.vector_load %arg21[%swap3A_517] {strides = array<i32>} : memref<640xf32, #tpu.memory_space<vmem>>, vector<16xf32>,
      tpu.vector_store %arg21[%swap3A_517], %broadcast_in_dim3A_0 {strides = array<i32>} : memref<640xf32, #tpu.memory_space<vmem>>, vector<16xf32>,
      %swap3A_519 = arith.constant 512 : index
      %swap3A_520 = tpu.vector_load %arg21[%swap3A_519] {strides = array<i32>} : memref<640xf32, #tpu.memory_space<vmem>>, vector<16xf32>,
      tpu.vector_store %arg21[%swap3A_519], %broadcast_in_dim3A_0 {strides = array<i32>} : memref<640xf32, #tpu.memory_space<vmem>>, vector<16xf32>,
      %swap3A_521 = arith.constant 528 : index
      %swap3A_522 = tpu.vector_load %arg21[%swap3A_521] {strides = array<i32>} : memref<640xf32, #tpu.memory_space<vmem>>, vector<16xf32>,
      tpu.vector_store %arg21[%swap3A_521], %broadcast_in_dim3A_0 {strides = array<i32>} : memref<640xf32, #tpu.memory_space<vmem>>, vector<16xf32>,
      %swap3A_523 = arith.constant 544 : index
      %swap3A_524 = tpu.vector_load %arg21[%swap3A_523] {strides = array<i32>} : memref<640xf32, #tpu.memory_space<vmem>>, vector<16xf32>,
      tpu.vector_store %arg21[%swap3A_523], %broadcast_in_dim3A_0 {strides = array<i32>} : memref<640xf32, #tpu.memory_space<vmem>>, vector<16xf32>,
      %swap3A_525 = arith.constant 560 : index
      %swap3A_526 = tpu.vector_load %arg21[%swap3A_525] {strides = array<i32>} : memref<640xf32, #tpu.memory_space<vmem>>, vector<16xf32>,
      tpu.vector_store %arg21[%swap3A_525], %broadcast_in_dim3A_0 {strides = array<i32>} : memref<640xf32, #tpu.memory_space<vmem>>, vector<16xf32>,
      %swap3A_527 = arith.constant 576 : index
      %swap3A_528 = tpu.vector_load %arg21[%swap3A_527] {strides = array<i32>} : memref<640xf32, #tpu.memory_space<vmem>>, vector<16xf32>,
      tpu.vector_store %arg21[%swap3A_527], %broadcast_in_dim3A_0 {strides = array<i32>} : memref<640xf32, #tpu.memory_space<vmem>>, vector<16xf32>,
      %swap3A_529 = arith.constant 592 : index
      %swap3A_530 = tpu.vector_load %arg21[%swap3A_529] {strides = array<i32>} : memref<640xf32, #tpu.memory_space<vmem>>, vector<16xf32>,
      tpu.vector_store %arg21[%swap3A_529], %broadcast_in_dim3A_0 {strides = array<i32>} : memref<640xf32, #tpu.memory_space<vmem>>, vector<16xf32>,
      %swap3A_531 = arith.constant 608 : index
      %swap3A_532 = tpu.vector_load %arg21[%swap3A_531] {strides = array<i32>} : memref<640xf32, #tpu.memory_space<vmem>>, vector<16xf32>,
      tpu.vector_store %arg21[%swap3A_531], %broadcast_in_dim3A_0 {strides = array<i32>} : memref<640xf32, #tpu.memory_space<vmem>>, vector<16xf32>,
      %swap3A_533 = arith.constant 624 : index
      %swap3A_534 = tpu.vector_load %arg21[%swap3A_533] {strides = array<i32>} : memref<640xf32, #tpu.memory_space<vmem>>, vector<16xf32>,
      tpu.vector_store %arg21[%swap3A_533], %broadcast_in_dim3A_0 {strides = array<i32>} : memref<640xf32, #tpu.memory_space<vmem>>, vector<16xf32>,
      %parallel_loop3A_535 = arith.constant 0 : i32
      %parallel_loop3A_536 = arith.constant 5120 : i32
      %parallel_loop3A_537 = arith.constant 64 : i32
      %parallel_loop3A_538 = scf.for %parallel_loop3A_634 = %parallel_loop3A_535 to %parallel_loop3A_536 step %parallel_loop3A_537 iter_args(%parallel_loop3A_635 = %broadcast_in_dim3A_2) -> (vector<16xi32>)  : i32 {
        %parallel_loop3A_636 = arith.constant 0 : i32
        %parallel_loop3A_637 = arith.addi %parallel_loop3A_634, %parallel_loop3A_636 : i32
        %parallel_loop3A_638 = vector.broadcast %parallel_loop3A_637 : i32 to vector<16xi32>
        %parallel_loop3A_639 = arith.addi %parallel_loop3A_638, %iota3A : vector<16xi32>
        %parallel_loop3A_640 = tpu.vector_load_idx %arg8[%parallel_loop3A_639] : memref<5120xf32, #tpu.memory_space<vmem>>[vector<16xi32>], vector<16xf32>,
        %parallel_loop3A_641 = arith.constant 16 : i32
        %parallel_loop3A_642 = arith.addi %parallel_loop3A_634, %parallel_loop3A_641 : i32
        %parallel_loop3A_643 = vector.broadcast %parallel_loop3A_642 : i32 to vector<16xi32>
        %parallel_loop3A_644 = arith.addi %parallel_loop3A_643, %iota3A : vector<16xi32>
        %parallel_loop3A_645 = tpu.vector_load_idx %arg8[%parallel_loop3A_644] : memref<5120xf32, #tpu.memory_space<vmem>>[vector<16xi32>], vector<16xf32>,
        %parallel_loop3A_646 = arith.constant 32 : i32
        %parallel_loop3A_647 = arith.addi %parallel_loop3A_634, %parallel_loop3A_646 : i32
        %parallel_loop3A_648 = vector.broadcast %parallel_loop3A_647 : i32 to vector<16xi32>
        %parallel_loop3A_649 = arith.addi %parallel_loop3A_648, %iota3A : vector<16xi32>
        %parallel_loop3A_650 = tpu.vector_load_idx %arg8[%parallel_loop3A_649] : memref<5120xf32, #tpu.memory_space<vmem>>[vector<16xi32>], vector<16xf32>,
        %parallel_loop3A_651 = arith.constant 48 : i32
        %parallel_loop3A_652 = arith.addi %parallel_loop3A_634, %parallel_loop3A_651 : i32
        %parallel_loop3A_653 = vector.broadcast %parallel_loop3A_652 : i32 to vector<16xi32>
        %parallel_loop3A_654 = arith.addi %parallel_loop3A_653, %iota3A : vector<16xi32>
        %parallel_loop3A_655 = tpu.vector_load_idx %arg8[%parallel_loop3A_654] : memref<5120xf32, #tpu.memory_space<vmem>>[vector<16xi32>], vector<16xf32>,
        %parallel_loop3A_656 = arith.constant 0.899999976 : f32
        %parallel_loop3A_657 = vector.broadcast %parallel_loop3A_656 : f32 to vector<16xf32>
        %parallel_loop3A_658 = arith.cmpf oge, %parallel_loop3A_640, %parallel_loop3A_657 : vector<16xf32>
        %parallel_loop3A_659 = arith.constant 0.899999976 : f32
        %parallel_loop3A_660 = vector.broadcast %parallel_loop3A_659 : f32 to vector<16xf32>
        %parallel_loop3A_661 = arith.cmpf oge, %parallel_loop3A_645, %parallel_loop3A_660 : vector<16xf32>
        %parallel_loop3A_662 = arith.constant 0.899999976 : f32
        %parallel_loop3A_663 = vector.broadcast %parallel_loop3A_662 : f32 to vector<16xf32>
        %parallel_loop3A_664 = arith.cmpf oge, %parallel_loop3A_650, %parallel_loop3A_663 : vector<16xf32>
        %parallel_loop3A_665 = arith.constant 0.899999976 : f32
        %parallel_loop3A_666 = vector.broadcast %parallel_loop3A_665 : f32 to vector<16xf32>
        %parallel_loop3A_667 = arith.cmpf oge, %parallel_loop3A_655, %parallel_loop3A_666 : vector<16xf32>
        %parallel_loop3A_668 = arith.ori %parallel_loop3A_658, %parallel_loop3A_661 : vector<16xi1>
        %parallel_loop3A_669 = arith.ori %parallel_loop3A_664, %parallel_loop3A_667 : vector<16xi1>
        %parallel_loop3A_670 = arith.ori %parallel_loop3A_668, %parallel_loop3A_669 : vector<16xi1>
        %parallel_loop3A_671 = arith.constant 1.000000e+00 : f32
        %parallel_loop3A_672 = arith.constant 0.000000e+00 : f32
        %parallel_loop3A_673 = vector.broadcast %parallel_loop3A_671 : f32 to vector<16xf32>
        %parallel_loop3A_674 = vector.broadcast %parallel_loop3A_672 : f32 to vector<16xf32>
        %parallel_loop3A_675 = arith.select %parallel_loop3A_670, %parallel_loop3A_673, %parallel_loop3A_674 : vector<16xi1>, vector<16xf32>
        %parallel_loop3A_676 = arith.constant true
        %parallel_loop3A_677 = vector.broadcast %parallel_loop3A_676 : i1 to vector<16xi1>
        %parallel_loop3A_678 = tpu.scan <max>, %parallel_loop3A_675 masked %parallel_loop3A_677 : vector<16xf32>, vector<16xi1> -> vector<16xf32>
        %parallel_loop3A_679 = vector.extract %parallel_loop3A_678[15] : f32 from vector<16xf32>
        %parallel_loop3A_680 = arith.constant 0.000000e+00 : f32
        %parallel_loop3A_681 = arith.cmpf ogt, %parallel_loop3A_679, %parallel_loop3A_680 : f32
        %parallel_loop3A_682 = arith.extui %parallel_loop3A_681 : i1 to i32
        %parallel_loop3A_683 = arith.constant 0 : i32
        %parallel_loop3A_684 = arith.cmpi ne, %parallel_loop3A_682, %parallel_loop3A_683 : i32
        %parallel_loop3A_685 = scf.if %parallel_loop3A_684 -> (vector<16xi32>) {
          %parallel_loop3A_686 = arith.extui %parallel_loop3A_658 : vector<16xi1> to vector<16xi32>
          %parallel_loop3A_687 = arith.constant true
          %parallel_loop3A_688 = vector.broadcast %parallel_loop3A_687 : i1 to vector<16xi1>
          %parallel_loop3A_689 = tpu.scan <sum>, %parallel_loop3A_686 masked %parallel_loop3A_688 : vector<16xi32>, vector<16xi1> -> vector<16xi32>
          %parallel_loop3A_690 = arith.addi %parallel_loop3A_635, %parallel_loop3A_689 : vector<16xi32>
          %parallel_loop3A_691 = arith.constant 1 : i32
          %parallel_loop3A_692 = vector.broadcast %parallel_loop3A_691 : i32 to vector<16xi32>
          %parallel_loop3A_693 = arith.subi %parallel_loop3A_690, %parallel_loop3A_692 : vector<16xi32>
          tpu.vector_store_idx %arg14[%parallel_loop3A_693], %parallel_loop3A_640 masked %parallel_loop3A_658 : memref<5136xf32, #tpu.memory_space<vmem>>[vector<16xi32>], vector<16xf32>, vector<16xi1>
          %parallel_loop3A_694 = arith.constant 0 : i32
          %parallel_loop3A_695 = arith.addi %parallel_loop3A_634, %parallel_loop3A_694 : i32
          %parallel_loop3A_696 = vector.broadcast %parallel_loop3A_695 : i32 to vector<16xi32>
          %parallel_loop3A_697 = arith.addi %parallel_loop3A_696, %iota3A : vector<16xi32>
          tpu.vector_store_idx %arg15[%parallel_loop3A_693], %parallel_loop3A_697 masked %parallel_loop3A_658 : memref<5136xi32, #tpu.memory_space<vmem>>[vector<16xi32>], vector<16xi32>, vector<16xi1>
          %parallel_loop3A_698 = tpu.all_reduce %parallel_loop3A_658 {dim = 0 : i64, kind = #tpu.reduction_kind<sum>} : vector<16xi1> -> vector<16xi32>
          %parallel_loop3A_699 = arith.addi %parallel_loop3A_635, %parallel_loop3A_698 : vector<16xi32>
          %parallel_loop3A_700 = arith.extui %parallel_loop3A_661 : vector<16xi1> to vector<16xi32>
          %parallel_loop3A_701 = arith.constant true
          %parallel_loop3A_702 = vector.broadcast %parallel_loop3A_701 : i1 to vector<16xi1>
          %parallel_loop3A_703 = tpu.scan <sum>, %parallel_loop3A_700 masked %parallel_loop3A_702 : vector<16xi32>, vector<16xi1> -> vector<16xi32>
          %parallel_loop3A_704 = arith.addi %parallel_loop3A_699, %parallel_loop3A_703 : vector<16xi32>
          %parallel_loop3A_705 = arith.constant 1 : i32
          %parallel_loop3A_706 = vector.broadcast %parallel_loop3A_705 : i32 to vector<16xi32>
          %parallel_loop3A_707 = arith.subi %parallel_loop3A_704, %parallel_loop3A_706 : vector<16xi32>
          tpu.vector_store_idx %arg14[%parallel_loop3A_707], %parallel_loop3A_645 masked %parallel_loop3A_661 : memref<5136xf32, #tpu.memory_space<vmem>>[vector<16xi32>], vector<16xf32>, vector<16xi1>
          %parallel_loop3A_708 = arith.constant 16 : i32
          %parallel_loop3A_709 = arith.addi %parallel_loop3A_634, %parallel_loop3A_708 : i32
          %parallel_loop3A_710 = vector.broadcast %parallel_loop3A_709 : i32 to vector<16xi32>
          %parallel_loop3A_711 = arith.addi %parallel_loop3A_710, %iota3A : vector<16xi32>
          tpu.vector_store_idx %arg15[%parallel_loop3A_707], %parallel_loop3A_711 masked %parallel_loop3A_661 : memref<5136xi32, #tpu.memory_space<vmem>>[vector<16xi32>], vector<16xi32>, vector<16xi1>
          %parallel_loop3A_712 = tpu.all_reduce %parallel_loop3A_661 {dim = 0 : i64, kind = #tpu.reduction_kind<sum>} : vector<16xi1> -> vector<16xi32>
          %parallel_loop3A_713 = arith.addi %parallel_loop3A_699, %parallel_loop3A_712 : vector<16xi32>
          %parallel_loop3A_714 = arith.extui %parallel_loop3A_664 : vector<16xi1> to vector<16xi32>
          %parallel_loop3A_715 = arith.constant true
          %parallel_loop3A_716 = vector.broadcast %parallel_loop3A_715 : i1 to vector<16xi1>
          %parallel_loop3A_717 = tpu.scan <sum>, %parallel_loop3A_714 masked %parallel_loop3A_716 : vector<16xi32>, vector<16xi1> -> vector<16xi32>
          %parallel_loop3A_718 = arith.addi %parallel_loop3A_713, %parallel_loop3A_717 : vector<16xi32>
          %parallel_loop3A_719 = arith.constant 1 : i32
          %parallel_loop3A_720 = vector.broadcast %parallel_loop3A_719 : i32 to vector<16xi32>
          %parallel_loop3A_721 = arith.subi %parallel_loop3A_718, %parallel_loop3A_720 : vector<16xi32>
          tpu.vector_store_idx %arg14[%parallel_loop3A_721], %parallel_loop3A_650 masked %parallel_loop3A_664 : memref<5136xf32, #tpu.memory_space<vmem>>[vector<16xi32>], vector<16xf32>, vector<16xi1>
          %parallel_loop3A_722 = arith.constant 32 : i32
          %parallel_loop3A_723 = arith.addi %parallel_loop3A_634, %parallel_loop3A_722 : i32
          %parallel_loop3A_724 = vector.broadcast %parallel_loop3A_723 : i32 to vector<16xi32>
          %parallel_loop3A_725 = arith.addi %parallel_loop3A_724, %iota3A : vector<16xi32>
          tpu.vector_store_idx %arg15[%parallel_loop3A_721], %parallel_loop3A_725 masked %parallel_loop3A_664 : memref<5136xi32, #tpu.memory_space<vmem>>[vector<16xi32>], vector<16xi32>, vector<16xi1>
          %parallel_loop3A_726 = tpu.all_reduce %parallel_loop3A_664 {dim = 0 : i64, kind = #tpu.reduction_kind<sum>} : vector<16xi1> -> vector<16xi32>
          %parallel_loop3A_727 = arith.addi %parallel_loop3A_713, %parallel_loop3A_726 : vector<16xi32>
          %parallel_loop3A_728 = arith.extui %parallel_loop3A_667 : vector<16xi1> to vector<16xi32>
          %parallel_loop3A_729 = arith.constant true
          %parallel_loop3A_730 = vector.broadcast %parallel_loop3A_729 : i1 to vector<16xi1>
          %parallel_loop3A_731 = tpu.scan <sum>, %parallel_loop3A_728 masked %parallel_loop3A_730 : vector<16xi32>, vector<16xi1> -> vector<16xi32>
          %parallel_loop3A_732 = arith.addi %parallel_loop3A_727, %parallel_loop3A_731 : vector<16xi32>
          %parallel_loop3A_733 = arith.constant 1 : i32
          %parallel_loop3A_734 = vector.broadcast %parallel_loop3A_733 : i32 to vector<16xi32>
          %parallel_loop3A_735 = arith.subi %parallel_loop3A_732, %parallel_loop3A_734 : vector<16xi32>
          tpu.vector_store_idx %arg14[%parallel_loop3A_735], %parallel_loop3A_655 masked %parallel_loop3A_667 : memref<5136xf32, #tpu.memory_space<vmem>>[vector<16xi32>], vector<16xf32>, vector<16xi1>
          %parallel_loop3A_736 = arith.constant 48 : i32
          %parallel_loop3A_737 = arith.addi %parallel_loop3A_634, %parallel_loop3A_736 : i32
          %parallel_loop3A_738 = vector.broadcast %parallel_loop3A_737 : i32 to vector<16xi32>
          %parallel_loop3A_739 = arith.addi %parallel_loop3A_738, %iota3A : vector<16xi32>
          tpu.vector_store_idx %arg15[%parallel_loop3A_735], %parallel_loop3A_739 masked %parallel_loop3A_667 : memref<5136xi32, #tpu.memory_space<vmem>>[vector<16xi32>], vector<16xi32>, vector<16xi1>
          %parallel_loop3A_740 = tpu.all_reduce %parallel_loop3A_667 {dim = 0 : i64, kind = #tpu.reduction_kind<sum>} : vector<16xi1> -> vector<16xi32>
          %parallel_loop3A_741 = arith.addi %parallel_loop3A_727, %parallel_loop3A_740 : vector<16xi32>
          scf.yield %parallel_loop3A_741 : vector<16xi32>
        } else {
          scf.yield %parallel_loop3A_635 : vector<16xi32>
        }
        scf.yield %parallel_loop3A_685 : vector<16xi32>
      } {sc.loop_unroll_factor = 2 : i64, sc.parallel_access}
      %reduce_max3A_539 = arith.constant true
      %reduce_max3A_540 = vector.broadcast %reduce_max3A_539 : i1 to vector<16xi1>
      %reduce_max3A_541 = arith.constant -2147483648 : i32
      %reduce_max3A_542 = vector.broadcast %reduce_max3A_541 : i32 to vector<16xi32>
      %reduce_max3A_543 = arith.xori %parallel_loop3A_538, %reduce_max3A_542 : vector<16xi32>
      %reduce_max3A_544 = tpu.scan <max>, %reduce_max3A_543 masked %reduce_max3A_540 : vector<16xi32>, vector<16xi1> -> vector<16xi32>
      %reduce_max3A_545 = arith.xori %reduce_max3A_544, %reduce_max3A_542 : vector<16xi32>
      %reduce_max3A_546 = vector.extract %reduce_max3A_545[15] : i32 from vector<16xi32>
      %add3A_547 = vector.broadcast %reduce_max3A_546 : i32 to vector<16xi32>
      %add3A_548 = arith.addi %add3A_547, %iota3A : vector<16xi32>
      %broadcast_in_dim3A_549 = arith.constant 0xFF800000 : f32
      %broadcast_in_dim3A_550 = vector.broadcast %broadcast_in_dim3A_549 : f32 to vector<16xf32>
      tpu.vector_store_idx %arg14[%add3A_548], %broadcast_in_dim3A_550 : memref<5136xf32, #tpu.memory_space<vmem>>[vector<16xi32>], vector<16xf32>,
      %add3A_551 = arith.constant 15 : i32
      %add3A_552 = arith.addi %reduce_max3A_546, %add3A_551 : i32
      %jit3A_553 = arith.constant 16 : i32
      %div3A_554 = arith.divsi %add3A_552, %jit3A_553 : i32
      %sign3A_555 = arith.constant 0 : i32
      %sign3A_556 = arith.cmpi sgt, %add3A_552, %sign3A_555 : i32
      %sign3A_557 = arith.extui %sign3A_556 : i1 to i32
      %sign3A_558 = arith.constant 0 : i32
      %sign3A_559 = arith.cmpi slt, %add3A_552, %sign3A_558 : i32
      %sign3A_560 = arith.extui %sign3A_559 : i1 to i32
      %sign3A_561 = arith.subi %sign3A_557, %sign3A_560 : i32
      %sign3A_562 = arith.constant 0 : i32
      %sign3A_563 = arith.cmpi sgt, %jit3A_553, %sign3A_562 : i32
      %sign3A_564 = arith.extui %sign3A_563 : i1 to i32
      %sign3A_565 = arith.constant 0 : i32
      %sign3A_566 = arith.cmpi slt, %jit3A_553, %sign3A_565 : i32
      %sign3A_567 = arith.extui %sign3A_566 : i1 to i32
      %sign3A_568 = arith.subi %sign3A_564, %sign3A_567 : i32
      %ne3A_569 = arith.cmpi ne, %sign3A_561, %sign3A_568 : i32
      %rem3A_570 = arith.remsi %add3A_552, %jit3A_553 : i32
      %ne3A_571 = arith.constant 0 : i32
      %ne3A_572 = arith.cmpi ne, %rem3A_570, %ne3A_571 : i32
      %and3A_573 = arith.andi %ne3A_569, %ne3A_572 : i1
      %sub3A_574 = arith.constant 1 : i32
      %sub3A_575 = arith.subi %div3A_554, %sub3A_574 : i32
      %select_n3A_576 = arith.select %and3A_573, %sub3A_575, %div3A_554 : i32
      %mul3A_577 = arith.constant 16 : i32
      %mul3A_578 = arith.muli %select_n3A_576, %mul3A_577 : i32
      %broadcast_in_dim3A_579 = arith.constant 0xFF800000 : f32
      %broadcast_in_dim3A_580 = vector.broadcast %broadcast_in_dim3A_579 : f32 to vector<16xf32>
      %broadcast_in_dim3A_581 = arith.constant 1073741824 : i32
      %broadcast_in_dim3A_582 = vector.broadcast %broadcast_in_dim3A_581 : i32 to vector<16xi32>
      %parallel_loop3A_583 = arith.constant 0 : i32
      %parallel_loop3A_584 = arith.constant 16 : i32
      %parallel_loop3A_585:2 = scf.for %parallel_loop3A_634 = %parallel_loop3A_583 to %mul3A_578 step %parallel_loop3A_584 iter_args(%parallel_loop3A_635 = %broadcast_in_dim3A_580, %parallel_loop3A_636 = %broadcast_in_dim3A_582) -> (vector<16xf32>, vector<16xi32>)  : i32 {
        %parallel_loop3A_637 = vector.broadcast %parallel_loop3A_634 : i32 to vector<16xi32>
        %parallel_loop3A_638 = arith.addi %parallel_loop3A_637, %iota3A : vector<16xi32>
        %parallel_loop3A_639 = vector.broadcast %reduce_max3A_546 : i32 to vector<16xi32>
        %parallel_loop3A_640 = arith.cmpi slt, %parallel_loop3A_638, %parallel_loop3A_639 : vector<16xi32>
        %parallel_loop3A_641 = tpu.vector_load_idx %arg15[%parallel_loop3A_638] masked %parallel_loop3A_640 : memref<5136xi32, #tpu.memory_space<vmem>>[vector<16xi32>], vector<16xi32>, vector<16xi1>
        %parallel_loop3A_642 = arith.constant 0 : i32
        %parallel_loop3A_643 = vector.broadcast %parallel_loop3A_642 : i32 to vector<16xi32>
        %parallel_loop3A_644 = arith.select %parallel_loop3A_640, %parallel_loop3A_641, %parallel_loop3A_643 : vector<16xi1>, vector<16xi32>
        %parallel_loop3A_645 = tpu.vector_load_idx %arg10[%parallel_loop3A_644] : memref<5120xf32, #tpu.memory_space<vmem>>[vector<16xi32>], vector<16xf32>,
        %parallel_loop3A_646 = tpu.vector_load_idx %arg11[%parallel_loop3A_644] : memref<5120xf32, #tpu.memory_space<vmem>>[vector<16xi32>], vector<16xf32>,
        %parallel_loop3A_647 = tpu.vector_load_idx %arg12[%parallel_loop3A_644] : memref<5120xf32, #tpu.memory_space<vmem>>[vector<16xi32>], vector<16xf32>,
        %parallel_loop3A_648 = tpu.vector_load_idx %arg13[%parallel_loop3A_644] : memref<5120xf32, #tpu.memory_space<vmem>>[vector<16xi32>], vector<16xf32>,
        %parallel_loop3A_649 = arith.subf %parallel_loop3A_647, %parallel_loop3A_645 : vector<16xf32>
        %parallel_loop3A_650 = arith.constant 0.000000e+00 : f32
        %parallel_loop3A_651 = vector.broadcast %parallel_loop3A_650 : f32 to vector<16xf32>
        %parallel_loop3A_652 = arith.maximumf %parallel_loop3A_649, %parallel_loop3A_651 : vector<16xf32>
        %parallel_loop3A_653 = arith.subf %parallel_loop3A_648, %parallel_loop3A_646 : vector<16xf32>
        %parallel_loop3A_654 = arith.constant 0.000000e+00 : f32
        %parallel_loop3A_655 = vector.broadcast %parallel_loop3A_654 : f32 to vector<16xf32>
        %parallel_loop3A_656 = arith.maximumf %parallel_loop3A_653, %parallel_loop3A_655 : vector<16xf32>
        %parallel_loop3A_657 = arith.mulf %parallel_loop3A_652, %parallel_loop3A_656 : vector<16xf32>
        tpu.vector_store_idx %arg16[%parallel_loop3A_638], %parallel_loop3A_645 : memref<5136xf32, #tpu.memory_space<vmem>>[vector<16xi32>], vector<16xf32>,
        tpu.vector_store_idx %arg17[%parallel_loop3A_638], %parallel_loop3A_646 : memref<5136xf32, #tpu.memory_space<vmem>>[vector<16xi32>], vector<16xf32>,
        tpu.vector_store_idx %arg18[%parallel_loop3A_638], %parallel_loop3A_647 : memref<5136xf32, #tpu.memory_space<vmem>>[vector<16xi32>], vector<16xf32>,
        tpu.vector_store_idx %arg19[%parallel_loop3A_638], %parallel_loop3A_648 : memref<5136xf32, #tpu.memory_space<vmem>>[vector<16xi32>], vector<16xf32>,
        tpu.vector_store_idx %arg20[%parallel_loop3A_638], %parallel_loop3A_657 : memref<5136xf32, #tpu.memory_space<vmem>>[vector<16xi32>], vector<16xf32>,
        %parallel_loop3A_658 = tpu.vector_load_idx %arg14[%parallel_loop3A_638] : memref<5136xf32, #tpu.memory_space<vmem>>[vector<16xi32>], vector<16xf32>,
        %parallel_loop3A_659 = arith.cmpf ogt, %parallel_loop3A_658, %parallel_loop3A_635 : vector<16xf32>
        %parallel_loop3A_660 = arith.select %parallel_loop3A_659, %parallel_loop3A_658, %parallel_loop3A_635 : vector<16xi1>, vector<16xf32>
        %parallel_loop3A_661 = arith.select %parallel_loop3A_659, %parallel_loop3A_638, %parallel_loop3A_636 : vector<16xi1>, vector<16xi32>
        scf.yield %parallel_loop3A_660, %parallel_loop3A_661 : vector<16xf32>, vector<16xi32>
      } {sc.loop_unroll_factor = 2 : i64, sc.parallel_access}
      %reduce_max3A_586 = arith.constant true
      %reduce_max3A_587 = vector.broadcast %reduce_max3A_586 : i1 to vector<16xi1>
      %reduce_max3A_588 = tpu.scan <max>, %parallel_loop3A_585#0 masked %reduce_max3A_587 : vector<16xf32>, vector<16xi1> -> vector<16xf32>
      %reduce_max3A_589 = vector.extract %reduce_max3A_588[15] : f32 from vector<16xf32>
      %eq3A_590 = vector.broadcast %reduce_max3A_589 : f32 to vector<16xf32>
      %eq3A_591 = arith.cmpf oeq, %parallel_loop3A_585#0, %eq3A_590 : vector<16xf32>
      %jit3A_592 = arith.constant 1073741824 : i32
      %broadcast_in_dim3A_593 = vector.broadcast %jit3A_592 : i32 to vector<16xi32>
      %select_n3A_594 = arith.select %eq3A_591, %parallel_loop3A_585#1, %broadcast_in_dim3A_593 : vector<16xi1>, vector<16xi32>
      %reduce_min3A_595 = arith.constant true
      %reduce_min3A_596 = vector.broadcast %reduce_min3A_595 : i1 to vector<16xi1>
      %reduce_min3A_597 = arith.constant -2147483648 : i32
      %reduce_min3A_598 = vector.broadcast %reduce_min3A_597 : i32 to vector<16xi32>
      %reduce_min3A_599 = arith.xori %select_n3A_594, %reduce_min3A_598 : vector<16xi32>
      %reduce_min3A_600 = tpu.scan <min>, %reduce_min3A_599 masked %reduce_min3A_596 : vector<16xi32>, vector<16xi1> -> vector<16xi32>
      %reduce_min3A_601 = arith.xori %reduce_min3A_600, %reduce_min3A_598 : vector<16xi32>
      %reduce_min3A_602 = vector.extract %reduce_min3A_601[15] : i32 from vector<16xi32>
      %while3A_603 = arith.constant 0 : i32
      %while3A_604:3 = scf.while (%while3A_634 = %while3A_603, %while3A_635 = %reduce_max3A_589, %while3A_636 = %reduce_min3A_602) : (i32, f32, i32) -> (i32, f32, i32) {
        %ge3A = arith.constant 5.000000e-01 : f32
        %ge3A_637 = arith.cmpf oge, %while3A_635, %ge3A : f32
        scf.condition(%ge3A_637) %while3A_634, %while3A_635, %while3A_636 : i32, f32, i32
      } do {
      ^bb0(%while3A_634: i32, %while3A_635: f32, %while3A_636: i32):
        %add3A_637 = vector.broadcast %while3A_636 : i32 to vector<16xi32>
        %add3A_638 = arith.addi %broadcast_in_dim3A_2, %add3A_637 : vector<16xi32>
        %gather3A = tpu.vector_load_idx %arg16[%add3A_638] : memref<5136xf32, #tpu.memory_space<vmem>>[vector<16xi32>], vector<16xf32>,
        %gather3A_639 = tpu.vector_load_idx %arg17[%add3A_638] : memref<5136xf32, #tpu.memory_space<vmem>>[vector<16xi32>], vector<16xf32>,
        %gather3A_640 = tpu.vector_load_idx %arg18[%add3A_638] : memref<5136xf32, #tpu.memory_space<vmem>>[vector<16xi32>], vector<16xf32>,
        %gather3A_641 = tpu.vector_load_idx %arg19[%add3A_638] : memref<5136xf32, #tpu.memory_space<vmem>>[vector<16xi32>], vector<16xf32>,
        %gather3A_642 = tpu.vector_load_idx %arg20[%add3A_638] : memref<5136xf32, #tpu.memory_space<vmem>>[vector<16xi32>], vector<16xf32>,
        %mul3A_643 = arith.constant 16 : i32
        %mul3A_644 = arith.muli %select_n3A_576, %mul3A_643 : i32
        %broadcast_in_dim3A_645 = arith.constant 0xFF800000 : f32
        %broadcast_in_dim3A_646 = vector.broadcast %broadcast_in_dim3A_645 : f32 to vector<16xf32>
        %broadcast_in_dim3A_647 = arith.constant 1073741824 : i32
        %broadcast_in_dim3A_648 = vector.broadcast %broadcast_in_dim3A_647 : i32 to vector<16xi32>
        %parallel_loop3A_649 = arith.constant 0 : i32
        %parallel_loop3A_650 = arith.constant 16 : i32
        %parallel_loop3A_651:2 = scf.for %parallel_loop3A_676 = %parallel_loop3A_649 to %mul3A_644 step %parallel_loop3A_650 iter_args(%parallel_loop3A_677 = %broadcast_in_dim3A_646, %parallel_loop3A_678 = %broadcast_in_dim3A_648) -> (vector<16xf32>, vector<16xi32>)  : i32 {
          %parallel_loop3A_679 = vector.broadcast %parallel_loop3A_676 : i32 to vector<16xi32>
          %parallel_loop3A_680 = arith.addi %parallel_loop3A_679, %iota3A : vector<16xi32>
          %parallel_loop3A_681 = tpu.vector_load_idx %arg14[%parallel_loop3A_680] : memref<5136xf32, #tpu.memory_space<vmem>>[vector<16xi32>], vector<16xf32>,
          %parallel_loop3A_682 = tpu.vector_load_idx %arg16[%parallel_loop3A_680] : memref<5136xf32, #tpu.memory_space<vmem>>[vector<16xi32>], vector<16xf32>,
          %parallel_loop3A_683 = tpu.vector_load_idx %arg17[%parallel_loop3A_680] : memref<5136xf32, #tpu.memory_space<vmem>>[vector<16xi32>], vector<16xf32>,
          %parallel_loop3A_684 = tpu.vector_load_idx %arg18[%parallel_loop3A_680] : memref<5136xf32, #tpu.memory_space<vmem>>[vector<16xi32>], vector<16xf32>,
          %parallel_loop3A_685 = tpu.vector_load_idx %arg19[%parallel_loop3A_680] : memref<5136xf32, #tpu.memory_space<vmem>>[vector<16xi32>], vector<16xf32>,
          %parallel_loop3A_686 = tpu.vector_load_idx %arg20[%parallel_loop3A_680] : memref<5136xf32, #tpu.memory_space<vmem>>[vector<16xi32>], vector<16xf32>,
          %parallel_loop3A_687 = arith.minimumf %gather3A_640, %parallel_loop3A_684 : vector<16xf32>
          %parallel_loop3A_688 = arith.maximumf %gather3A, %parallel_loop3A_682 : vector<16xf32>
          %parallel_loop3A_689 = arith.subf %parallel_loop3A_687, %parallel_loop3A_688 : vector<16xf32>
          %parallel_loop3A_690 = arith.constant 0.000000e+00 : f32
          %parallel_loop3A_691 = vector.broadcast %parallel_loop3A_690 : f32 to vector<16xf32>
          %parallel_loop3A_692 = arith.maximumf %parallel_loop3A_689, %parallel_loop3A_691 : vector<16xf32>
          %parallel_loop3A_693 = arith.minimumf %gather3A_641, %parallel_loop3A_685 : vector<16xf32>
          %parallel_loop3A_694 = arith.maximumf %gather3A_639, %parallel_loop3A_683 : vector<16xf32>
          %parallel_loop3A_695 = arith.subf %parallel_loop3A_693, %parallel_loop3A_694 : vector<16xf32>
          %parallel_loop3A_696 = arith.constant 0.000000e+00 : f32
          %parallel_loop3A_697 = vector.broadcast %parallel_loop3A_696 : f32 to vector<16xf32>
          %parallel_loop3A_698 = arith.maximumf %parallel_loop3A_695, %parallel_loop3A_697 : vector<16xf32>
          %parallel_loop3A_699 = arith.mulf %parallel_loop3A_692, %parallel_loop3A_698 : vector<16xf32>
          %parallel_loop3A_700 = arith.addf %gather3A_642, %parallel_loop3A_686 : vector<16xf32>
          %parallel_loop3A_701 = arith.subf %parallel_loop3A_700, %parallel_loop3A_699 : vector<16xf32>
          %parallel_loop3A_702 = arith.constant 9.99999971E-10 : f32
          %parallel_loop3A_703 = vector.broadcast %parallel_loop3A_702 : f32 to vector<16xf32>
          %parallel_loop3A_704 = arith.addf %parallel_loop3A_701, %parallel_loop3A_703 : vector<16xf32>
          %parallel_loop3A_705 = arith.divf %parallel_loop3A_699, %parallel_loop3A_704 : vector<16xf32>
          %parallel_loop3A_706 = arith.constant 5.000000e-01 : f32
          %parallel_loop3A_707 = vector.broadcast %parallel_loop3A_706 : f32 to vector<16xf32>
          %parallel_loop3A_708 = arith.cmpf ogt, %parallel_loop3A_705, %parallel_loop3A_707 : vector<16xf32>
          %parallel_loop3A_709 = arith.cmpi eq, %parallel_loop3A_680, %add3A_638 : vector<16xi32>
          %parallel_loop3A_710 = arith.ori %parallel_loop3A_708, %parallel_loop3A_709 : vector<16xi1>
          %parallel_loop3A_711 = arith.constant 0xFF800000 : f32
          %parallel_loop3A_712 = vector.broadcast %parallel_loop3A_711 : f32 to vector<16xf32>
          %parallel_loop3A_713 = arith.select %parallel_loop3A_710, %parallel_loop3A_712, %parallel_loop3A_681 : vector<16xi1>, vector<16xf32>
          tpu.vector_store_idx %arg14[%parallel_loop3A_680], %parallel_loop3A_713 : memref<5136xf32, #tpu.memory_space<vmem>>[vector<16xi32>], vector<16xf32>,
          %parallel_loop3A_714 = arith.cmpf ogt, %parallel_loop3A_713, %parallel_loop3A_677 : vector<16xf32>
          %parallel_loop3A_715 = arith.select %parallel_loop3A_714, %parallel_loop3A_713, %parallel_loop3A_677 : vector<16xi1>, vector<16xf32>
          %parallel_loop3A_716 = arith.select %parallel_loop3A_714, %parallel_loop3A_680, %parallel_loop3A_678 : vector<16xi1>, vector<16xi32>
          scf.yield %parallel_loop3A_715, %parallel_loop3A_716 : vector<16xf32>, vector<16xi32>
        } {sc.loop_unroll_factor = 2 : i64, sc.parallel_access}
        %reduce_max3A_652 = arith.constant true
        %reduce_max3A_653 = vector.broadcast %reduce_max3A_652 : i1 to vector<16xi1>
        %reduce_max3A_654 = tpu.scan <max>, %parallel_loop3A_651#0 masked %reduce_max3A_653 : vector<16xf32>, vector<16xi1> -> vector<16xf32>
        %reduce_max3A_655 = vector.extract %reduce_max3A_654[15] : f32 from vector<16xf32>
        %eq3A_656 = vector.broadcast %reduce_max3A_655 : f32 to vector<16xf32>
        %eq3A_657 = arith.cmpf oeq, %parallel_loop3A_651#0, %eq3A_656 : vector<16xf32>
        %jit3A_658 = arith.constant 1073741824 : i32
        %broadcast_in_dim3A_659 = vector.broadcast %jit3A_658 : i32 to vector<16xi32>
        %select_n3A_660 = arith.select %eq3A_657, %parallel_loop3A_651#1, %broadcast_in_dim3A_659 : vector<16xi1>, vector<16xi32>
        %reduce_min3A_661 = arith.constant true
        %reduce_min3A_662 = vector.broadcast %reduce_min3A_661 : i1 to vector<16xi1>
        %reduce_min3A_663 = arith.constant -2147483648 : i32
        %reduce_min3A_664 = vector.broadcast %reduce_min3A_663 : i32 to vector<16xi32>
        %reduce_min3A_665 = arith.xori %select_n3A_660, %reduce_min3A_664 : vector<16xi32>
        %reduce_min3A_666 = tpu.scan <min>, %reduce_min3A_665 masked %reduce_min3A_662 : vector<16xi32>, vector<16xi1> -> vector<16xi32>
        %reduce_min3A_667 = arith.xori %reduce_min3A_666, %reduce_min3A_664 : vector<16xi32>
        %reduce_min3A_668 = vector.extract %reduce_min3A_667[15] : i32 from vector<16xi32>
        %lt3A_669 = arith.constant 100 : i32
        %lt3A_670 = arith.cmpi slt, %while3A_634, %lt3A_669 : i32
        %convert_element_type3A_671 = arith.extui %lt3A_670 : i1 to i32
        %cond3A_672 = arith.constant 0 : i32
        %cond3A_673 = arith.cmpi ne, %convert_element_type3A_671, %cond3A_672 : i32
        scf.if %cond3A_673 {
          %eq3A_676 = arith.constant 0 : i32
          %eq3A_677 = vector.broadcast %eq3A_676 : i32 to vector<16xi32>
          %eq3A_678 = arith.cmpi eq, %iota3A, %eq3A_677 : vector<16xi32>
          %eq3A_679 = arith.constant 1 : i32
          %eq3A_680 = vector.broadcast %eq3A_679 : i32 to vector<16xi32>
          %eq3A_681 = arith.cmpi eq, %iota3A, %eq3A_680 : vector<16xi32>
          %eq3A_682 = arith.constant 2 : i32
          %eq3A_683 = vector.broadcast %eq3A_682 : i32 to vector<16xi32>
          %eq3A_684 = arith.cmpi eq, %iota3A, %eq3A_683 : vector<16xi32>
          %eq3A_685 = arith.constant 3 : i32
          %eq3A_686 = vector.broadcast %eq3A_685 : i32 to vector<16xi32>
          %eq3A_687 = arith.cmpi eq, %iota3A, %eq3A_686 : vector<16xi32>
          %add3A_688 = vector.broadcast %while3A_635 : f32 to vector<16xf32>
          %add3A_689 = arith.addf %broadcast_in_dim3A_0, %add3A_688 : vector<16xf32>
          %select_n3A_690 = arith.select %eq3A_687, %gather3A_641, %add3A_689 : vector<16xi1>, vector<16xf32>
          %select_n3A_691 = arith.select %eq3A_684, %gather3A_640, %select_n3A_690 : vector<16xi1>, vector<16xf32>
          %select_n3A_692 = arith.select %eq3A_681, %gather3A_639, %select_n3A_691 : vector<16xi1>, vector<16xf32>
          %select_n3A_693 = arith.select %eq3A_678, %gather3A, %select_n3A_692 : vector<16xi1>, vector<16xf32>
          %mul3A_694 = arith.constant 5 : i32
          %mul3A_695 = arith.muli %while3A_634, %mul3A_694 : i32
          %add3A_696 = vector.broadcast %mul3A_695 : i32 to vector<16xi32>
          %add3A_697 = arith.addi %add3A_696, %iota3A : vector<16xi32>
          %lt3A_698 = arith.constant 5 : i32
          %lt3A_699 = vector.broadcast %lt3A_698 : i32 to vector<16xi32>
          %lt3A_700 = arith.cmpi slt, %iota3A, %lt3A_699 : vector<16xi32>
          tpu.vector_store_idx %arg21[%add3A_697], %select_n3A_693 masked %lt3A_700 : memref<640xf32, #tpu.memory_space<vmem>>[vector<16xi32>], vector<16xf32>, vector<16xi1>
        } else {
        }
        %add3A_674 = arith.constant 1 : i32
        %add3A_675 = arith.addi %while3A_634, %add3A_674 : i32
        scf.yield %add3A_675, %reduce_max3A_655, %reduce_min3A_668 : i32, f32, i32
      }
      %min3A_605 = arith.constant 100 : i32
      %min3A_606 = arith.minsi %while3A_604#0, %min3A_605 : i32
      %convert_element_type3A_607 = arith.sitofp %min3A_606 : i32 to f32
      %add3A_608 = vector.broadcast %convert_element_type3A_607 : f32 to vector<16xf32>
      %add3A_609 = arith.addf %broadcast_in_dim3A_0, %add3A_608 : vector<16xf32>
      %add3A_610 = arith.constant 500 : i32
      %add3A_611 = vector.broadcast %add3A_610 : i32 to vector<16xi32>
      %add3A_612 = arith.addi %broadcast_in_dim3A_2, %add3A_611 : vector<16xi32>
      %eq3A_613 = arith.constant 0 : i32
      %eq3A_614 = vector.broadcast %eq3A_613 : i32 to vector<16xi32>
      %eq3A_615 = arith.cmpi eq, %iota3A, %eq3A_614 : vector<16xi32>
      tpu.vector_store_idx %arg21[%add3A_612], %add3A_609 masked %eq3A_615 : memref<640xf32, #tpu.memory_space<vmem>>[vector<16xi32>], vector<16xf32>, vector<16xi1>
      %dma_start3A_616 = arith.constant 0 : i32
      %dma_start3A_617 = tpu.memref_slice %arg7[%add3A_442, %dma_start3A_616] : memref<84x640xf32, #tpu.memory_space<hbm>> -> memref<1x640xf32, #tpu.memory_space<hbm>>
      %dma_start3A_618 = tpu.memref_squeeze %dma_start3A_617 : memref<1x640xf32, #tpu.memory_space<hbm>> -> memref<640xf32, #tpu.memory_space<hbm>>
      %dma_start3A_619 = arith.constant 0 : i32
      %dma_start3A_620 = tpu.memref_slice %arg7[%add3A_442, %dma_start3A_619] : memref<84x640xf32, #tpu.memory_space<hbm>> -> memref<1x640xf32, #tpu.memory_space<hbm>>
      %dma_start3A_621 = tpu.memref_squeeze %dma_start3A_620 : memref<1x640xf32, #tpu.memory_space<hbm>> -> memref<640xf32, #tpu.memory_space<hbm>>
      tpu.enqueue_dma source(%arg21 : memref<640xf32, #tpu.memory_space<vmem>>) target(%dma_start3A_621 : memref<640xf32, #tpu.memory_space<hbm>>) target_semaphore(%arg26 : memref<!tpu.dma_semaphore, #tpu.memory_space<semaphore_mem>>)
      %dma_wait3A_622 = arith.constant 0 : i32
      %dma_wait3A_623 = tpu.memref_slice %arg7[%add3A_257, %dma_wait3A_622] : memref<84x640xf32, #tpu.memory_space<hbm>> -> memref<1x640xf32, #tpu.memory_space<hbm>>
      %dma_wait3A_624 = tpu.memref_squeeze %dma_wait3A_623 : memref<1x640xf32, #tpu.memory_space<hbm>> -> memref<640xf32, #tpu.memory_space<hbm>>
      %dma_wait3A_625 = arith.constant 0 : i32
      %dma_wait3A_626 = tpu.memref_slice %arg7[%add3A_257, %dma_wait3A_625] : memref<84x640xf32, #tpu.memory_space<hbm>> -> memref<1x640xf32, #tpu.memory_space<hbm>>
      %dma_wait3A_627 = tpu.memref_squeeze %dma_wait3A_626 : memref<1x640xf32, #tpu.memory_space<hbm>> -> memref<640xf32, #tpu.memory_space<hbm>>
      tpu.wait_dma2 semaphore(%arg26 : memref<!tpu.dma_semaphore, #tpu.memory_space<semaphore_mem>>) src(%arg22 : memref<640xf32, #tpu.memory_space<vmem>>) dst(%dma_wait3A_627 : memref<640xf32, #tpu.memory_space<hbm>>)
      %dma_wait3A_628 = arith.constant 0 : i32
      %dma_wait3A_629 = tpu.memref_slice %arg7[%add3A_442, %dma_wait3A_628] : memref<84x640xf32, #tpu.memory_space<hbm>> -> memref<1x640xf32, #tpu.memory_space<hbm>>
      %dma_wait3A_630 = tpu.memref_squeeze %dma_wait3A_629 : memref<1x640xf32, #tpu.memory_space<hbm>> -> memref<640xf32, #tpu.memory_space<hbm>>
      %dma_wait3A_631 = arith.constant 0 : i32
      %dma_wait3A_632 = tpu.memref_slice %arg7[%add3A_442, %dma_wait3A_631] : memref<84x640xf32, #tpu.memory_space<hbm>> -> memref<1x640xf32, #tpu.memory_space<hbm>>
      %dma_wait3A_633 = tpu.memref_squeeze %dma_wait3A_632 : memref<1x640xf32, #tpu.memory_space<hbm>> -> memref<640xf32, #tpu.memory_space<hbm>>
      tpu.wait_dma2 semaphore(%arg26 : memref<!tpu.dma_semaphore, #tpu.memory_space<semaphore_mem>>) src(%arg21 : memref<640xf32, #tpu.memory_space<vmem>>) dst(%dma_wait3A_633 : memref<640xf32, #tpu.memory_space<hbm>>)
    } else {
    }
    return
  }
}

</mosaic_0001>

<sc_bundles>
// kernel: kernel.3.cloned.1.call-start
scs
__scs_entry_jumppad:
0x0: {  	(pc) =	sbr.rel $0x88, $3  }
0x1: {  	(tag) =	ssettag $0x0;
	lr =	simm.s32 $0x1  }
0x2: {  	[smem:$0x3F9E] =	sst lr;
	_ =	strace $0xD0000000  }
0x3: {  	_ = 	snop  }
0x4: {  	_ = 	snop  }
0x5: {  	_ = 	snop  }
0x6: {  	_ = 	snop  }
0x7: {  	_ = 	snop  }
__scs_overlays_trampoline_lowered:
0x8: {  	[smem:$0x3FAD] =	sst s0  }
0x9: {  	[smem:$0x3FAE] =	sst s1  }
0xa: {  	[smem:$0x3FAF] =	sst s2  }
0xb: {  	[smem:$0x3FB0] =	sst s3  }
0xc: {  	[smem:$0x3FB1] =	sst s4  }
0xd: {  	[smem:$0x3FB2] =	sst s5  }
0xe: {  	[smem:$0x3FB3] =	sst s6  }
0xf: {  	[smem:$0x3FB4] =	sst s7  }
0x10: {  	[smem:$0x3FB5] =	sst s8  }
0x11: {  	[smem:$0x3FB6] =	sst s9;
	s0 =	simm.s32 @!p0 $0x0  }
0x12: {  	s1 =	sld [smem:$0x3F9C];
	s0 =	simm.s32 @p0 $0x1  }
0x13: {  	[smem:$0x3FB7] =	sst s0;
	s0 =	simm.s32 @!p1 $0x0  }
0x14: {  	s2 =	sld [smem:$0x3F9B];
	s0 =	simm.s32 @p1 $0x1  }
0x15: {  	[smem:$0x3FB8] =	sst s0;
	s0 =	simm.s32 @!p2 $0x0  }
0x16: {  	s3 =	sld [smem:$0x3FDB];
	s0 =	simm.s32 @p2 $0x1  }
0x17: {  	s4 =	simm.s32 $0x1BF5;
	[smem:$0x3FBA] =	sst s0  }
0x18: {  	s0 =	sld [smem:$0x3F9D];
	_ =	swait.ge [sflag:s4], $0x0  }
0x19: {  	s7 =	sld [smem:$0x3F9E]  }
0x1a: {  	s8 =	sadd.s32 $0xFFFFE003, lr  }
0x1b: {  	s9 =	sadd.s32 $0xFFFFFEF7, lr;
	s5 =	simm.s32 $0xFFFFFFFF;
	p2 =	slt.u32 s8, $0xFFFFF086  }
0x1c: {  	p1 =	slt.u32 s9, $0xF7A;
	s5 =	simm.s32 @!p2 $0x0  }
0x1d: {  	s5 =	simm.s32 @p1 $0x1;
	p0 =	seq.s32 s7, s2  }
0x1e: {  	s7 =	smul.u32 @!p0 $0xF7A, s2;
	p2 =	seq.s32 @!p0 s5, $0x0  }
0x1f: {  	s9 =	smul.u32 $0xF7A, s1;
	s8 =	simm.s32 @!p0 $0x1BF5;
	p2 =	por !p2, p0  }
0x20: {  	[sflag:s8] =	ssyncset.s32 @!p0 $0xFFFFF086;
	s6 =	sadd.s32 @!p0 s3, s7;
	s7 =	simm.s32 @!p0 $0x108  }
0x21: {  	s3 =	sadd.s32 s3, s9;
	s6 =	sadd.s32 @!p0 $0x88, s6;
	s7 =	simm.s32 @p2 $0x1082  }
0x22: {  	[simem:s7], [sflag:s8] =	dma.local @!p0 [hbm:s6], $0xF7A  }
0x23: {  	s9 =	sor.u32 $0xD0000000, s2;
	s6 =	simm.s32 $0x108;
	_ =	swait.ge @!p0 [sflag:s8], $0x0  }
0x24: {  	s3 =	sadd.s32 $0x88, s3;
	s6 =	simm.s32 @!p1 $0x1082;
	[sflag:s4] =	ssyncset.s32 $0xFFFFF086  }
0x25: {  	[simem:s6], [sflag:s4] =	dma.local [hbm:s3], $0xF7A  }
0x26: {  	[smem:$0x3F9E] =	sst s1;
	(tag) =	ssettag s2;
	_ =	strace s9  }
0x27: {  	s1 =	sld [smem:$0x3FAE]  }
0x28: {  	s2 =	sld [smem:$0x3FAF]  }
0x29: {  	s4 =	sld [smem:$0x3FB1]  }
0x2a: {  	p0 =	seq.s32 s5, $0x0;
	s5 =	sld [smem:$0x3FB2]  }
0x2b: {  	s6 =	sld [smem:$0x3FB3]  }
0x2c: {  	s7 =	sld [smem:$0x3FB4]  }
0x2d: {  	s3 =	simm.s32 $0x108;
	s8 =	sld [smem:$0x3FB5]  }
0x2e: {  	s3 =	simm.s32 @!p0 $0x1082;
	s9 =	sld [smem:$0x3FB6]  }
0x2f: {  	lr =	sadd.s32 s0, s3;
	s0 =	sld [smem:$0x3FAD]  }
0x30: {  	s3 =	sld [smem:$0x3FB0]  }
0x31: {  	[smem:$0x3FB9] =	sst s10  }
0x32: {  	s10 =	sld [smem:$0x3FB7];
	_ =	sdelay $0x3  }
0x33: {  	p0 =	seq.s32 s10, $0x1;
	s10 =	sld [smem:$0x3FB9];
	_ =	sdelay $0x3  }
0x34: {  	[smem:$0x3FB9] =	sst s10  }
0x35: {  	s10 =	sld [smem:$0x3FB8];
	_ =	sdelay $0x3  }
0x36: {  	p1 =	seq.s32 s10, $0x1;
	s10 =	sld [smem:$0x3FB9];
	_ =	sdelay $0x3  }
0x37: {  	[smem:$0x3FB9] =	sst s10  }
0x38: {  	s10 =	sld [smem:$0x3FBA]  }
0x39: {  	_ = 	snop;
	(pc) =	sbr.ind lr, $3  }
0x3a: {  	_ = 	snop  }
0x3b: {  	_ = 	snop  }
0x3c: {  	p2 =	seq.s32 s10, $0x1;
	s10 =	sld [smem:$0x3FB9]  }
0x3d: {  	_ =	shalt  }
0x3e: {  	_ =	shalt  }
0x3f: {  	_ =	shalt  }
0x40: {  	_ =	shalt  }
0x41: {  	_ =	shalt  }
0x42: {  	_ =	shalt  }
0x43: {  	_ =	shalt  }
0x44: {  	_ =	shalt  }
0x45: {  	_ =	shalt  }
0x46: {  	_ =	shalt  }
0x47: {  	_ =	shalt  }
0x48: {  	_ =	shalt  }
0x49: {  	_ =	shalt  }
0x4a: {  	_ =	shalt  }
0x4b: {  	_ =	shalt  }
0x4c: {  	_ =	shalt  }
0x4d: {  	_ =	shalt  }
0x4e: {  	_ =	shalt  }
0x4f: {  	_ =	shalt  }
0x50: {  	_ =	shalt  }
0x51: {  	_ =	shalt  }
0x52: {  	_ =	shalt  }
0x53: {  	_ =	shalt  }
0x54: {  	_ =	shalt  }
0x55: {  	_ =	shalt  }
0x56: {  	_ =	shalt  }
0x57: {  	_ =	shalt  }
0x58: {  	_ =	shalt  }
0x59: {  	_ =	shalt  }
0x5a: {  	_ =	shalt  }
0x5b: {  	_ =	shalt  }
0x5c: {  	_ =	shalt  }
0x5d: {  	_ =	shalt  }
0x5e: {  	_ =	shalt  }
0x5f: {  	_ =	shalt  }
0x60: {  	_ =	shalt  }
0x61: {  	_ =	shalt  }
0x62: {  	_ =	shalt  }
0x63: {  	_ =	shalt  }
0x64: {  	_ =	shalt  }
0x65: {  	_ =	shalt  }
0x66: {  	_ =	shalt  }
0x67: {  	_ =	shalt  }
0x68: {  	_ =	shalt  }
0x69: {  	_ =	shalt  }
0x6a: {  	_ =	shalt  }
0x6b: {  	_ =	shalt  }
0x6c: {  	_ =	shalt  }
0x6d: {  	_ =	shalt  }
0x6e: {  	_ =	shalt  }
0x6f: {  	_ =	shalt  }
0x70: {  	_ =	shalt  }
0x71: {  	_ =	shalt  }
0x72: {  	_ =	shalt  }
0x73: {  	_ =	shalt  }
0x74: {  	_ =	shalt  }
0x75: {  	_ =	shalt  }
0x76: {  	_ =	shalt  }
0x77: {  	_ =	shalt  }
0x78: {  	_ =	shalt  }
0x79: {  	_ =	shalt  }
0x7a: {  	_ =	shalt  }
0x7b: {  	_ =	shalt  }
0x7c: {  	_ =	shalt  }
0x7d: {  	_ =	shalt  }
0x7e: {  	_ =	shalt  }
0x7f: {  	_ =	shalt  }
0x80: {  	_ =	shalt  }
0x81: {  	_ =	shalt  }
0x82: {  	_ =	shalt  }
0x83: {  	_ =	shalt  }
0x84: {  	_ =	shalt  }
0x85: {  	_ =	shalt  }
0x86: {  	_ =	shalt  }
0x87: {  	_ =	shalt  }
.Lfunc_end0:
.L_simem_size_0:
called_computation_lowered:
.L_overlay_start_0:
0x88: {  	s2 =	sld [smem:$0x3FD9]  }
0x89: {  	s3 =	sld [smem:$0x3FFE];
	_ =	sdelay $0x1  }
0x8a: {  	s1 =	srdreg.scid  }
0x8b: {  	s0 =	sand.u32 $0x1, s1  }
0x8c: {  	s14 =	sshll.u32 s0, $0xA;
	s2 =	sadd.s32 s3, s2  }
0x8d: {  	s2 =	sadd.s32 s2, s14  }
0x8e: {  	[smem:$0x3FC5] =	sst s2  }
0x8f: {  	_ = 	snop  }
0x90: {  	s2 =	sld [smem:$0x3FD0];
	_ =	sdelay $0x2  }
0x91: {  	s15 =	simm.s32 $0xA;
	s4 =	simm.s32 $0x10  }
0x92: {  	[smem:s4], [sflag:s15] =	dma.local [hbm:s2], $0x1  }
0x93: {  	_ =	swait.eq [sflag:s15], $0x1  }
0x94: {  	[sflag:s15] =	ssyncset.done $0x0  }
0x95: {  	[sflag:s15] =	ssyncadd.s32 $0xFFFFFFFF  }
0x96: {  	s16 =	sld [smem:$0x10];
	(tm) =	ssettm $0x1  }
0x97: {  	s17 =	sld [smem:$0x3FFB];
	_ =	sdelay $0x3  }
0x98: {  	_ =	strace s17  }
0x99: {  	s3 =	sld [smem:$0x3FFC];
	_ =	sdelay $0x3  }
0x9a: {  	_ =	strace s3  }
0x9b: {  	s3 =	sld [smem:$0x3FFD];
	_ =	sdelay $0x3  }
0x9c: {  	_ =	strace s3  }
0x9d: {  	_ =	strace $0x8FFFFFFF  }
0x9e: {  	s18 =	sld [smem:$0x3FDB];
	_ =	sdelay $0x1  }
0x9f: {  	s19 =	simm.s32 $_scs_section_size  }
0xa0: {  	s5 =	simm.s32 $_size__tile_overlayer_lowered;
	s6 =	simm.s32 $_tile_overlayer_lowered  }
0xa1: {  	s22 =	simm.s32 $0x1BFF;
	s21 =	sshll.u32 s6, $0x1;
	s3 =	sadd.s32 s19, s18  }
0xa2: {  	s7 =	simm.s32 $0x0;
	s20 =	sshll.u32 s5, $0x1;
	s5 =	sadd.s32 s21, s3  }
0xa3: {  	[timem:s7], [sflag:s22] =	dma.local [hbm:s5], s20  }
0xa4: {  	_ =	swait.ge [sflag:s22], s20  }
0xa5: {  	s4 =	ssub.s32 $0x0, s20;
	[sflag:s22] =	ssyncset.done $0x0  }
0xa6: {  	[sflag:s22] =	ssyncadd.s32 s4;
	_ =	sdelay $0x1  }
0xa7: {  	s23 =	simm.s32 $0x1B8B  }
0xa8: {  	_ =	swait.ge [sflag:s23], $0x1  }
0xa9: {  	[sflag:s23] =	ssyncset.done $0x0  }
0xaa: {  	s25 =	simm.s32 $0x1B8E;
	s24 =	sld [smem:$0x3FFE];
	[sflag:s23] =	ssyncadd.s32 $0xFFFFFFFF  }
0xab: {  	s26 =	simm.s32 $execute0_lowered;
	[smem:$0x3FD2] =	sst s25  }
0xac: {  	s5 =	sshll.u32 s26, $0x1;
	_ =	strace $0x80000046;
	[dreg:$0x1] =	wrdreg $0xFFFFFFFF  }
0xad: {  	s28 =	simm.s32 $_size_execute0_lowered;
	s3 =	sadd.s32 s3, s5;
	[dreg:$0x0] =	wrdreg $0x0  }
0xae: {  	s5 =	sshll.u32 s28, $0x1;
	[dreg:$0x2] =	wrdreg s3  }
0xaf: {  	[dreg:$0x3] =	wrdreg s5  }
0xb0: {  	[dreg:$0x4] =	wrdreg $0xC0  }
0xb1: {  	_ =	task [dreg:s7], $0x5FFFF  }
0xb2: {  	[dreg:$0x1] =	wrdreg $0xFFFFFFFF  }
0xb3: {  	[dreg:$0x0] =	wrdreg $0x60  }
0xb4: {  	[dreg:$0x2] =	wrdreg s24  }
0xb5: {  	[dreg:$0x3] =	wrdreg s16  }
0xb6: {  	[dreg:$0x4] =	wrdreg $0x9  }
0xb7: {  	_ =	task.clear_ibuf [dreg:s7], $0x5FFFF;
	_ =	strace $0x90000046  }
0xb8: {  	s29 =	simm.s32 $0x9;
	_ =	strace $0x80000048  }
0xb9: {  	_ =	swait.ge [sflag:s29], $0x1  }
0xba: {  	[sflag:s29] =	ssyncadd.s32 $0xFFFFFFFF  }
0xbb: {  	_ =	strace $0x90000048  }
0xbc: {  	_ =	sfence  }
0xbd: {  	s30 =	sld [smem:$0x0];
	_ =	sdelay $0x2  }
0xbe: {  	s31 =	sshll.u32 s1, $0xD;
	s1 =	sshrl.u32 s1, $0x2  }
0xbf: {  	s3 =	sand.u32 $0x4000, s31;
	s1 =	sadd.s32 s1, s30  }
0xc0: {  	s0 =	sor.u32 s3, s0;
	s1 =	sshll.u32 s1, $0x11  }
0xc1: {  	s0 =	sor.u32 s1, s0  }
0xc2: {  	s0 =	sadd.s32 $0x8F2B, s0  }
0xc3: {  	[sflag:s0] =	ssyncadd.remote.s32 $0x1  }
0xc4: {  	_ =	sfence.sel $0xFFFF  }
0xc5: {  	[dreg:$0x0] =	wrdreg $0xFFFFFFFF;
	(pc) =	sbr.abs _section_cstart, $3  }
0xc6: {  	[dreg:$0x1] =	wrdreg $0xFFFFFFFF  }
0xc7: {  	_ =	task.clear_ibuf [dreg:s7], $0x2FFFF;
	_ =	strace $0x9FFFFFFF  }
0xc8: {  	(tm) =	ssettm $0x7FFFFFFF  }
0xc9: {  	_ =	shalt  }
tec
execute0_lowered:
.L_overlay_start_1:
0x0: {  	(tag) =	ssettag $0x1  }
0x1: {  	s0 =	srdreg.scid  }
0x2: {  	s1 =	sand.u32 $0x1, s0  }
0x3: {  	s5 =	stileid.u32;
	s3 =	sshll.u32 s1, $0x4  }
0x4: {  	s3 =	sor.u32 s5, s3  }
0x5: {  	p0 =	sgt.u32 s3, $0x1B  }
.Ltmp0:
0x6: {  	_ = 	snop;
	(pc) =	sbr.rel @p0 .LBB2_105-.Ltmp0, $4  }
0x7: {  	_ = 	snop  }
0x8: {  	s4 =	rddreg [dreg:$0x0];
	s2 =	simm.s32 $0x0  }
0x9: {  	[smem:$0x7FF] =	sst s2  }
0xa: {  	s0 =	rddreg [dreg:$0x1];
	_ =	strace $0x80000047  }
0xb: {  	s5 =	smul.u32 $0x3, s3;
	s6 =	sadd.s32 $0xA00, s4;
	s7 =	sadd.s32 $0xE600, s4  }
0xc: {  	s8 =	sadd.s32 $0xF000, s4;
	s10 =	sadd.s32 $0xFA00, s4;
	s14 =	smul.u32 $0x180, s3  }
0xd: {  	s26 =	sadd.s32 $0x10400, s4;
	s20 =	smul.u32 $0x25, s3;
	s1 =	ssub.s32 $0x2, s1  }
0xe: {  	s28 =	simm.s32 $0xB580;
	s29 =	simm.s32 $0xCA00;
	s30 =	simm.s32 $0xDE80  }
0xf: {  	s31 =	simm.s32 $0xF300;
	s22 =	sshrl.u32 s1, $0x1;
	s9 =	sadd.s32 $0x1, s5  }
0x10: {  	s12 =	sshrl.u32 s5, $0x3;
	s5 =	sadd.s32 $0x2, s5;
	s14 =	sand.u32 $0x380, s14  }
0x11: {  	s3 =	sshrl.u32 s20, $0x4;
	s1 =	ssub.s32 s1, s22;
	s15 =	smul.u32 $0x1400, s12  }
0x12: {  	s20 =	simm.s32 $0x400;
	s11 =	sshrl.u32 s9, $0x3;
	s19 =	smul.u32 $0xA000, s12  }
0x13: {  	s22 =	simm.s32 $0x1400;
	s16 =	sshrl.u32 s5, $0x3;
	s13 =	smul.u32 $0xA000, s11  }
0x14: {  	s9 =	sshll.u32 s9, $0x7;
	s5 =	sshll.u32 s5, $0x7;
	s17 =	smul.u32 $0xA000, s16  }
0x15: {  	s3 =	sand.u32 $0x30, s3;
	s9 =	sand.u32 $0x380, s9;
	s11 =	smul.u32 $0x1400, s11  }
0x16: {  	s5 =	sand.u32 $0x380, s5;
	s16 =	smul.u32 $0x1400, s16;
	s23 =	sadd.s32 s3, s10  }
0x17: {  	s24 =	sadd.s32 s3, s8;
	s25 =	sadd.s32 s3, s7;
	[dreg:$0x9] =	wrdreg s23  }
0x18: {  	s0 =	sadd.s32 s3, s0;
	s3 =	simm.s32 $0x4;
	[dreg:$0xa] =	wrdreg s24  }
0x19: {  	s15 =	sor.u32 s14, s15;
	s21 =	sor.u32 s14, s19;
	[dreg:$0xb] =	wrdreg s25  }
0x1a: {  	[dreg:$0xc] =	wrdreg s0;
	s14 =	simm.s32 $0x80;
	s19 =	simm.s32 $0x6400  }
0x1b: {  	s23 =	simm.s32 $0x1;
	s24 =	simm.s32 $0x7800;
	s25 =	simm.s32 $0x8C80  }
0x1c: {  	s0 =	simm.s32 $0x10780;
	s13 =	sor.u32 s9, s13;
	s17 =	sor.u32 s5, s17  }
0x1d: {  	s9 =	sor.u32 s9, s11;
	s5 =	sor.u32 s5, s16;
	s13 =	sshrl.u32 s13, $0x3  }
0x1e: {  	s9 =	sshrl.u32 s9, $0x3;
	s5 =	sshrl.u32 s5, $0x3;
	s13 =	sadd.s32 s6, s13  }
0x1f: {  	s9 =	sadd.s32 s26, s9;
	s4 =	sadd.s32 s26, s5;
	[dreg:$0x3] =	wrdreg s13  }
0x20: {  	s13 =	sshrl.u32 s15, $0x3;
	s15 =	sshrl.u32 s17, $0x3;
	[dreg:$0x6] =	wrdreg s9  }
0x21: {  	[dreg:$0x7] =	wrdreg s4;
	s4 =	sshrl.u32 s21, $0x3;
	s13 =	sadd.s32 s26, s13  }
.Ltmp1:
0x22: {  	s18 =	sadd.s32 s6, s15;
	[dreg:$0x4] =	wrdreg s13;
	(pc) =	sbr.rel .LBB2_2-.Ltmp1, $4  }
0x23: {  	s16 =	simm.s32 $0x2800;
	s4 =	sadd.s32 s6, s4;
	[dreg:$0x5] =	wrdreg s18  }
0x24: {  	s17 =	simm.s32 $0x3C00;
	s26 =	smax.u32 s1, $0x1;
	[dreg:$0x8] =	wrdreg s4  }
0x25: {  	s21 =	simm.s32 $0x2;
	s15 =	simm.s32 $0x200;
	[dreg:$0xd] =	wrdreg s26  }
0x26: {  	v0 =	vimm.f32 $0.0e+00;
	v1 =	vlaneseq.u32;
	v2 =	vimm.s32 $0x1F4;
	s18 =	simm.s32 $0x5000;
	s26 =	simm.s32 $0xA100;
	s4 =	simm.s32 $0x0  }
.LBB2_103:
0x27: {  	p0 =	slt.s32 s7, $0x64  }
0x28: {  	s7 =	simm.s32 @!p0 $0x64  }
0x29: {  	s7 =	scvt.s32.f32 s7  }
.LBB2_104:
0x2a: {  	_ =	sdelay $0x2  }
0x2b: {  	v3 =	vmov s7  }
0x2c: {  	s1 =	rddreg [dreg:$0x7];
	[tilespmem:v2+s0+$0x0] =	vst.idx.msk $0x1, v3  }
0x2d: {  	[hbm4b:s1+s14] =	stream.strided.scatter [tilespmem:s0], [sflag:$0x4], $0x280, s20, s14, $0x38;
	[tilespmem:$0x10C80] =	vst v63  }
0x2e: {  	_ =	swait.ge [sflag:s3], $0x280  }
0x2f: {  	[sflag:s3] =	ssyncset.done $0x0  }
0x30: {  	[sflag:s3] =	ssyncadd.s32 $0xFFFFFD80  }
0x31: {  	_ =	swait.ge [sflag:s3], $0x280  }
0x32: {  	s4 =	sadd.s32 $0x1, s4;
	s13 =	rddreg [dreg:$0xd]  }
0x33: {  	p0 =	sne.s32 s4, s13  }
.Ltmp2:
0x34: {  	_ = 	snop;
	(pc) =	sbr.rel @!p0 .LBB2_105-.Ltmp2, $3  }
0x35: {  	_ =	sdelay $0x1  }
0x36: {  	[sflag:s3] =	ssyncset.done $0x0  }
0x37: {  	[sflag:s3] =	ssyncadd.s32 $0xFFFFFD80  }
.LBB2_2:
0x38: {  	s1 =	rddreg [dreg:$0xc]  }
0x39: {  	[tilespmem:s16], [sflag:$0x1] =	stream.strided.gather [hbm4b:s1+s14], $0x1400, s15, s14, $0x38;
	[tilespmem:$0x10C80] =	vst v63  }
0x3a: {  	s13 =	rddreg [dreg:$0xb]  }
0x3b: {  	[tilespmem:s17], [sflag:$0x1] =	stream.strided.gather [hbm4b:s13+s14], $0x1400, s15, s14, $0x38;
	[tilespmem:$0x10C80] =	vst v63  }
0x3c: {  	s5 =	rddreg [dreg:$0xa]  }
0x3d: {  	[tilespmem:s18], [sflag:$0x1] =	stream.strided.gather [hbm4b:s5+s14], $0x1400, s15, s14, $0x38;
	[tilespmem:$0x10C80] =	vst v63  }
0x3e: {  	s6 =	rddreg [dreg:$0x9]  }
0x3f: {  	[tilespmem:s19], [sflag:$0x1] =	stream.strided.gather [hbm4b:s6+s14], $0x1400, s15, s14, $0x38;
	[tilespmem:$0x10C80] =	vst v63  }
0x40: {  	s7 =	rddreg [dreg:$0x8];
	s5 =	simm.s32 $0x0  }
0x41: {  	[tilespmem:s5], [sflag:$0x2] =	stream.strided.gather [hbm4b:s7+s14], $0x1400, s20, s14, $0x38;
	[tilespmem:$0x10C80] =	vst v63  }
0x42: {  	_ =	swait.ge [sflag:s21], $0x1400  }
0x43: {  	[sflag:s21] =	ssyncset.done $0x0  }
0x44: {  	s8 =	rddreg [dreg:$0x3];
	[sflag:s21] =	ssyncadd.s32 $0xFFFFEC00  }
0x45: {  	[tilespmem:s22], [sflag:$0x3] =	stream.strided.gather [hbm4b:s8+s14], $0x1400, s20, s14, $0x38;
	[tilespmem:$0x10C80] =	vst v63  }
0x46: {  	[tilespmem:$0x10780] =	vst v0  }
0x47: {  	[tilespmem:$0x10790] =	vst v0  }
0x48: {  	[tilespmem:$0x107A0] =	vst v0  }
0x49: {  	[tilespmem:$0x107B0] =	vst v0  }
0x4a: {  	[tilespmem:$0x107C0] =	vst v0  }
0x4b: {  	[tilespmem:$0x107D0] =	vst v0  }
0x4c: {  	[tilespmem:$0x107E0] =	vst v0  }
0x4d: {  	[tilespmem:$0x107F0] =	vst v0  }
0x4e: {  	[tilespmem:$0x10800] =	vst v0  }
0x4f: {  	[tilespmem:$0x10810] =	vst v0  }
0x50: {  	[tilespmem:$0x10820] =	vst v0  }
0x51: {  	[tilespmem:$0x10830] =	vst v0  }
0x52: {  	[tilespmem:$0x10840] =	vst v0  }
0x53: {  	[tilespmem:$0x10850] =	vst v0  }
0x54: {  	[tilespmem:$0x10860] =	vst v0  }
0x55: {  	[tilespmem:$0x10870] =	vst v0  }
0x56: {  	[tilespmem:$0x10880] =	vst v0  }
0x57: {  	[tilespmem:$0x10890] =	vst v0  }
0x58: {  	[tilespmem:$0x108A0] =	vst v0  }
0x59: {  	[tilespmem:$0x108B0] =	vst v0  }
0x5a: {  	[tilespmem:$0x108C0] =	vst v0  }
0x5b: {  	[tilespmem:$0x108D0] =	vst v0  }
0x5c: {  	[tilespmem:$0x108E0] =	vst v0  }
0x5d: {  	[tilespmem:$0x108F0] =	vst v0  }
0x5e: {  	[tilespmem:$0x10900] =	vst v0  }
0x5f: {  	[tilespmem:$0x10910] =	vst v0  }
0x60: {  	[tilespmem:$0x10920] =	vst v0  }
0x61: {  	[tilespmem:$0x10930] =	vst v0  }
0x62: {  	[tilespmem:$0x10940] =	vst v0  }
0x63: {  	[tilespmem:$0x10950] =	vst v0  }
0x64: {  	[tilespmem:$0x10960] =	vst v0  }
0x65: {  	[tilespmem:$0x10970] =	vst v0  }
0x66: {  	[tilespmem:$0x10980] =	vst v0  }
0x67: {  	[tilespmem:$0x10990] =	vst v0  }
0x68: {  	s6 =	simm.s32 $0x20;
	[tilespmem:$0x109A0] =	vst v0  }
0x69: {  	s9 =	simm.s32 $0x30;
	v3 =	vor.u32 s6, v1;
	[tilespmem:$0x109B0] =	vst v0  }
0x6a: {  	v4 =	vor.u32 s9, v1;
	s7 =	simm.s32 $0x10;
	[tilespmem:$0x109C0] =	vst v0  }
0x6b: {  	v30 =	vor.u32 s7, v1;
	[tilespmem:$0x109D0] =	vst v0  }
0x6c: {  	s10 =	simm.s32 $0x60;
	v31 =	vor.u32 s5, v1;
	[tilespmem:$0x109E0] =	vst v0  }
0x6d: {  	s11 =	simm.s32 $0x70;
	v5 =	vor.u32 s10, v1;
	[tilespmem:$0x109F0] =	vst v0  }
0x6e: {  	s12 =	simm.s32 $0x50;
	v6 =	vor.u32 s11, v1;
	v8 =	vld.idx.msk [tilespmem:v3+s2+$0x0], $0xffff  }
0x6f: {  	v7 =	vor.u32 s12, v1;
	s13 =	simm.s32 $0x40;
	v14 =	vld.idx.msk [tilespmem:v4+s2+$0x0], $0xffff  }
0x70: {  	v9 =	vor.u32 s13, v1;
	v27 =	vld.idx.msk [tilespmem:v30+s2+$0x0], $0xffff  }
0x71: {  	v33 =	vld.idx.msk [tilespmem:v31+s2+$0x0], $0xffff  }
0x72: {  	v13 =	vld.idx.msk [tilespmem:v5+s2+$0x0], $0xffff  }
0x73: {  	v11 =	vld.idx.msk [tilespmem:v6+s2+$0x0], $0xffff  }
0x74: {  	v10 =	vld.idx.msk [tilespmem:v7+s2+$0x0], $0xffff  }
0x75: {  	v12 =	vld.idx.msk [tilespmem:v9+s2+$0x0], $0xffff  }
0x76: {  	vm0 =	vge.f32 v8, $8.999999760e-01  }
0x77: {  	vm1 =	vge.f32 v14, $8.999999760e-01;
	vm2 =	vge.f32 v27, $8.999999760e-01;
	vm11 =	vge.f32 v13, $8.999999760e-01  }
0x78: {  	vm12 =	vge.f32 v11, $8.999999760e-01;
	vm3 =	vge.f32 v33, $8.999999760e-01;
	vm0 =	vmor vm0, vm1  }
0x79: {  	vm13 =	vge.f32 v10, $8.999999760e-01;
	vm1 =	vmor vm11, vm12;
	vm0 =	vmor vm2, vm0  }
0x7a: {  	vm14 =	vge.f32 v12, $8.999999760e-01;
	vm1 =	vmor vm13, vm1;
	vm0 =	vmor vm3, vm0  }
0x7b: {  	vm15 =	vmor vm14, vm1;
	v15 =	vsel vm0, $0x3F800000, v0  }
0x7c: {  	(xrf0) =	vmax.scan.msk.f32 $0xffff, v15;
	v15 =	vsel vm15, $0x3F800000, v0  }
0x7d: {  	(xrf0) =	vmax.scan.msk.f32 $0xffff, v15;
	_ =	sdelay $0x1  }
0x7e: {  	p0 =	por $0x1, $0x1  }
.Ltmp3:
0x7f: {  	_ = 	snop;
	(pc) =	sbr.rel @!p0 .LBB2_3-.Ltmp3, $4  }
0x80: {  	_ = 	snop  }
0x81: {  	v15, _, _ =	vpop (xrf0)  }
0x82: {  	(v2sf) =	vpush v15, $0xF;
	v15, _, _ =	vpop (xrf0)  }
0x83: {  	v16 =	vimm.s32 $0x0;
	p2 =	por $0x0, $0x0;
	s5 =	simm.s32 $0x80;
	(v2sf) =	vpush v15, $0xF  }
0x84: {  	_ = 	snop  }
0x85: {  	s6 =	simm.s32 $0xA0  }
0x86: {  	s1 =	simm.s32 $0xB0;
	v20 =	vor.u32 s6, v1  }
0x87: {  	s7 =	simm.s32 $0x90;
	v18 =	vor.u32 s1, v1  }
0x88: {  	s10 =	simm.s32 $0xF0;
	v17 =	vor.u32 s7, v1  }
0x89: {  	v21 =	vor.u32 s10, v1;
	_ =	sdelay $0x1  }
0x8a: {  	v19 =	vor.u32 s5, v1;
	v24 =	vld.idx.msk [tilespmem:v20+s2+$0x0], $0xffff  }
0x8b: {  	s8 =	simm.s32 $0xE0;
	v15 =	vld.idx.msk [tilespmem:v18+s2+$0x0], $0xffff  }
0x8c: {  	s9 =	simm.s32 $0xD0;
	v22 =	vor.u32 s8, v1;
	v32 =	vld.idx.msk [tilespmem:v17+s2+$0x0], $0xffff  }
0x8d: {  	v23 =	vor.u32 s9, v1;
	v26 =	vld.idx.msk [tilespmem:v21+s2+$0x0], $0xffff;
	_ =	sdelay $0x1  }
0x8e: {  	v25 =	vld.idx.msk [tilespmem:v19+s2+$0x0], $0xffff  }
0x8f: {  	s12 =	simm.s32 $0xC0;
	s11 =	spop (v2sf)  }
0x90: {  	v29 =	vor.u32 s12, v1;
	v34 =	vld.idx.msk [tilespmem:v22+s2+$0x0], $0xffff;
	vm0 =	vge.f32 v24, $8.999999760e-01;
	p2 =	sgt.f32 s11, $0.0e+00  }
0x91: {  	v28 =	vld.idx.msk [tilespmem:v23+s2+$0x0], $0xffff;
	vm1 =	vge.f32 v15, $8.999999760e-01;
	vm4 =	vge.f32 v32, $8.999999760e-01;
	vm5 =	vge.f32 v26, $8.999999760e-01  }
0x92: {  	vm0 =	vmor vm0, vm1;
	vm7 =	vge.f32 @p2 v33, $8.999999760e-01;
	v35 =	vimm.s32 @p2 $0x0  }
0x93: {  	vm1 =	vge.f32 v25, $8.999999760e-01;
	vm6 =	vge.f32 @p2 v27, $8.999999760e-01;
	v36 =	vsel @p2 vm7, $0x1, v35  }
0x94: {  	vm0 =	vmor vm4, vm0;
	vm3 =	vge.f32 @p2 v14, $8.999999760e-01;
	v38 =	vsel @p2 vm6, $0x1, v35;
	(xrf0) =	vadd.scan.msk.s32 @p2 $0xffff, v36  }
0x95: {  	vm4 =	vge.f32 v34, $8.999999760e-01;
	s13 =	spop (v2sf);
	vm1 =	vmor vm1, vm0;
	v36 =	vld.idx.msk [tilespmem:v29+s2+$0x0], $0xffff;
	(xrf0) =	vadd.scan.msk.s32 @p2 $0xffff, v38;
	v38 =	vsel @p2 vm3, $0x1, v35  }
0x96: {  	vm4 =	vmor vm4, vm5;
	p1 =	sgt.f32 s13, $0.0e+00;
	v62 =	vsel vm1, $0x3F800000, v0;
	vm1 =	vge.f32 v28, $8.999999760e-01;
	(xrf0) =	vadd.scan.msk.s32 @p2 $0xffff, v38  }
0x97: {  	vm2 =	vge.f32 @p2 v8, $8.999999760e-01;
	vm4 =	vmor vm1, vm4;
	v37 =	vmpcnt.ones.xlane @p2 vm7;
	(xrf0) =	vmax.scan.msk.f32 $0xffff, v62  }
0x98: {  	v41 =	vimm.s32 @p1 $0x0;
	vm5 =	vge.f32 @p1 v12, $8.999999760e-01;
	v35 =	vsel @p2 vm2, $0x1, v35  }
0x99: {  	p0 =	por p2, p2;
	v39 =	vmpcnt.ones.xlane @p2 vm3;
	v40 =	vmpcnt.ones.xlane @p2 vm2;
	v43 =	vsel @p1 vm5, $0x1, v41  }
0x9a: {  	vm0 =	vge.f32 @p1 v11, $8.999999760e-01;
	vm1 =	vge.f32 @p1 v13, $8.999999760e-01;
	vm8 =	vge.f32 v36, $8.999999760e-01;
	v42, _, _ =	vpop @p2 (xrf0);
	(xrf0) =	vadd.scan.msk.s32 @p0 $0xffff, v35  }
0x9b: {  	v44 =	vsel @p1 vm1, $0x1, v41;
	v37 =	vadd.s32 @p0 v16, v37;
	vm4 =	vmor vm8, vm4;
	v35, _, _ =	vpop @p2 (xrf0);
	(xrf0) =	vadd.scan.msk.s32 @p1 $0xffff, v43  }
0x9c: {  	v38 =	vmpcnt.ones.xlane @p0 vm6;
	v42 =	vadd.s32 @p0 v42, v16;
	v45 =	vsel vm4, $0x3F800000, v0;
	v43, _, _ =	vpop @p2 (xrf0);
	(xrf0) =	vadd.scan.msk.s32 @p1 $0xffff, v44  }
0x9d: {  	vm4 =	vge.f32 @p1 v10, $8.999999760e-01;
	v35 =	vadd.s32 @p0 v37, v35;
	v63, _, _ =	vpop (xrf0);
	(xrf0) =	vmax.scan.msk.f32 $0xffff, v45;
	v45 =	vadd.s32 @p0 $0xFFFFFFFF, v42  }
0x9e: {  	v37 =	vadd.s32 @p0 v37, v38;
	v46 =	vadd.s32 @p0 $0xFFFFFFFF, v35;
	v35 =	vsel @p1 vm0, $0x1, v41  }
0x9f: {  	v44 =	vmpcnt.ones.xlane @p1 vm4;
	(xrf0) =	vadd.scan.msk.s32 @p1 $0xffff, v35;
	v35 =	vadd.s32 @p0 v37, v40  }
0xa0: {  	v42 =	vmpcnt.ones.xlane @p1 vm5;
	(v2sf) =	vpush v63, $0xF;
	v39 =	vadd.s32 @p0 v35, v39;
	v38, _, _ =	vpop @p2 (xrf0)  }
0xa1: {  	s5 =	simm.s32 @p0 $0x7800;
	v40 =	vsel @p1 vm4, $0x1, v41;
	v37 =	vadd.s32 @p0 v37, v38;
	v38 =	vpsel p0, v39, v16  }
0xa2: {  	p3 =	por $0x1, $0x1;
	s6 =	simm.s32 @p0 $0x8C80;
	(xrf0) =	vadd.scan.msk.s32 @p1 $0xffff, v40;
	[tilespmem:v45+s5+$0x0] =	vst.idx.msk @p0 vm7, v33;
	v42 =	vadd.s32 @p1 v38, v42  }
.Ltmp4:
0xa3: {  	v39, _, _ =	vpop @p1 (xrf0);
	[tilespmem:v45+s6+$0x0] =	vst.idx.msk @p0 vm7, v31;
	v31 =	vadd.s32 @p1 v42, v44;
	(pc) =	sbr.rel @!p3 .LBB2_5-.Ltmp4, $4  }
0xa4: {  	v47 =	vmpcnt.ones.xlane @p1 vm1;
	vm2 =	vmmov vm2;
	v33, _, _ =	vpop @p1 (xrf0);
	v39 =	vadd.s32 @p1 v39, v38  }
0xa5: {  	v41 =	vmpcnt.ones.xlane @p1 vm0;
	v35 =	vadd.s32 @p0 v35, v43;
	v48, _, _ =	vpop (xrf0);
	v40 =	vadd.s32 @p1 $0xFFFFFFFF, v39  }
0xa6: {  	[tilespmem:v46+s5+$0x0] =	vst.idx.msk @p0 vm6, v27;
	v43 =	vadd.s32 @p1 v31, v33;
	v27 =	vadd.s32 @p1 v31, v47;
	(v2sf) =	vpush v48, $0xF;
	v31, _, _ =	vpop @p1 (xrf0)  }
0xa7: {  	s7 =	simm.s32 $0x100;
	vm3 =	vmmov vm3;
	p2 =	por $0x1, $0x1;
	[tilespmem:v46+s6+$0x0] =	vst.idx.msk @p0 vm6, v30;
	v44 =	vadd.s32 @p1 v27, v41;
	v39 =	vadd.s32 @p1 v27, v31  }
.LBB2_6:
0xa8: {  	s9 =	sadd.s32 $0x20, s7;
	s8 =	simm.s32 @p1 $0x8C80;
	v30, _, _ =	vpop @p1 (xrf0);
	v27 =	vmov v32;
	s10 =	smov.u32 s7  }
0xa9: {  	s11 =	sadd.s32 $0x10, s7;
	s7 =	sadd.s32 $0x30, s7;
	v37 =	vadd.s32 @p0 $0xFFFFFFFF, v37;
	v41 =	vor.u32 s9, v1;
	s9 =	simm.s32 @p1 $0x7800;
	v31 =	vadd.s32 @p1 v42, v30  }
0xaa: {  	v30 =	vor.u32 s11, v1;
	v42 =	vor.u32 s7, v1;
	s11 =	sadd.s32 $0x20, s7;
	s12 =	sadd.s32 $0x30, s7;
	s13 =	sadd.s32 $0x40, s7;
	[tilespmem:v40+s9+$0x0] =	vst.idx.msk @p1 vm5, v12;
	v33 =	vadd.s32 @p1 $0xFFFFFFFF, v31;
	v12 =	vmovc v36  }
0xab: {  	s1 =	sadd.s32 $0x10, s7;
	v36 =	vor.u32 s12, v1;
	v45 =	vor.u32 s13, v1;
	s12 =	sadd.s32 $0xFFFFFF90, s13;
	s7 =	sadd.s32 $0x10, s13;
	[tilespmem:v40+s8+$0x0] =	vst.idx.msk @p1 vm5, v9;
	v9 =	vmov v29  }
0xac: {  	v43 =	vadd.s32 @p1 $0xFFFFFFFF, v43;
	v31 =	vor.u32 s10, v1;
	v40 =	vor.u32 s11, v1;
	p3 =	slt.u32 s12, $0x1380;
	_ =	sdelay $0x1  }
0xad: {  	v39 =	vadd.s32 @p1 $0xFFFFFFFF, v39;
	[tilespmem:v37+s5+$0x0] =	vst.idx.msk @p0 vm2, v8;
	v8 =	vmov v24;
	v24 =	vld.idx.msk [tilespmem:v41+s2+$0x0], $0xffff  }
0xae: {  	v46 =	vld.idx.msk [tilespmem:v42+s2+$0x0], $0xffff;
	s10 =	spop (v2sf);
	[tilespmem:v33+s9+$0x0] =	vst.idx.msk @p1 vm4, v10;
	v10 =	vmov v28  }
0xaf: {  	v32 =	vld.idx.msk [tilespmem:v30+s2+$0x0], $0xffff;
	p4 =	sgt.f32 s10, $0.0e+00;
	[tilespmem:v33+s8+$0x0] =	vst.idx.msk @p1 vm4, v7;
	v7 =	vmov v23;
	v23 =	vmov v40  }
0xb0: {  	v35 =	vadd.s32 @p0 $0xFFFFFFFF, v35;
	v38 =	vpsel p1, v44, v38;
	v29 =	vor.u32 s1, v1;
	v33 =	vld.idx.msk [tilespmem:v31+s2+$0x0], $0xffff;
	[tilespmem:v43+s9+$0x0] =	vst.idx.msk @p1 vm1, v13  }
0xb1: {  	v44 =	vld.idx.msk [tilespmem:v36+s2+$0x0], $0xffff;
	vm8 =	vge.f32 @p4 v8, $8.999999760e-01;
	vm6 =	vge.f32 @p4 v25, $8.999999760e-01;
	v47 =	vimm.s32 @p4 $0x0;
	[tilespmem:v43+s8+$0x0] =	vst.idx.msk @p1 vm1, v5;
	v5 =	vmovc v22;
	v22 =	vmovc v36  }
0xb2: {  	v13 =	vmovc v34;
	vm9 =	vge.f32 @p4 v15, $8.999999760e-01;
	v28 =	vld.idx.msk [tilespmem:v40+s2+$0x0], $0xffff;
	v36 =	vsel @p4 vm6, $0x1, v47;
	v40 =	vmpcnt.ones.xlane @p4 vm6;
	[tilespmem:v39+s9+$0x0] =	vst.idx.msk @p1 vm0, v11  }
0xb3: {  	vm7 =	vge.f32 @p4 v27, $8.999999760e-01;
	vm1 =	vge.f32 v24, $8.999999760e-01;
	v43 =	vmpcnt.ones.xlane @p4 vm9;
	v11 =	vmovc v26;
	(xrf0) =	vadd.scan.msk.s32 @p4 $0xffff, v36;
	v26 =	vld.idx.msk [tilespmem:v45+s2+$0x0], $0xffff  }
0xb4: {  	v34 =	vsel @p4 vm7, $0x1, v47;
	v48 =	vsel @p4 vm9, $0x1, v47;
	vm4 =	vge.f32 v46, $8.999999760e-01;
	s1 =	spop (v2sf);
	[tilespmem:v39+s8+$0x0] =	vst.idx.msk @p1 vm0, v6;
	v6 =	vmovc v21;
	v21 =	vmovc v45  }
0xb5: {  	vm0 =	vge.f32 v32, $8.999999760e-01;
	vm1 =	vmor vm1, vm4;
	v39 =	vmpcnt.ones.xlane @p4 vm8;
	v36 =	vld.idx.msk [tilespmem:v29+s2+$0x0], $0xffff;
	p1 =	sgt.f32 s1, $0.0e+00;
	(xrf0) =	vadd.scan.msk.s32 @p4 $0xffff, v34  }
0xb6: {  	vm4 =	vge.f32 v33, $8.999999760e-01;
	vm0 =	vmor vm0, vm1;
	(xrf0) =	vadd.scan.msk.s32 @p4 $0xffff, v48;
	[tilespmem:v37+s6+$0x0] =	vst.idx.msk @p0 vm2, v3;
	v3 =	vmovc v20  }
0xb7: {  	vm1 =	vmor vm4, vm0;
	vm2 =	vge.f32 v44, $8.999999760e-01;
	v20 =	vmovc v41;
	vm0 =	vge.f32 @p1 v11, $8.999999760e-01;
	[tilespmem:v35+s5+$0x0] =	vst.idx.msk @p0 vm3, v14;
	v14 =	vmovc v15  }
0xb8: {  	v34 =	vsel @p4 vm8, $0x1, v47;
	v45 =	vsel vm1, $0x3F800000, v0;
	vm1 =	vge.f32 v28, $8.999999760e-01;
	[tilespmem:v35+s6+$0x0] =	vst.idx.msk @p0 vm3, v4;
	v4 =	vmovc v18;
	v18 =	vmovc v42;
	p0 =	por p4, p4  }
0xb9: {  	v37 =	vimm.s32 @p1 $0x0;
	vm3 =	vge.f32 v26, $8.999999760e-01;
	(xrf0) =	vmax.scan.msk.f32 $0xffff, v45;
	v35 =	vmpcnt.ones.xlane @p0 vm7;
	v41, _, _ =	vpop @p4 (xrf0)  }
0xba: {  	vm5 =	vge.f32 @p1 v12, $8.999999760e-01;
	v15 =	vmovc v46;
	vm2 =	vmor vm2, vm3;
	v40 =	vadd.s32 @p0 v38, v40;
	(xrf0) =	vadd.scan.msk.s32 @p0 $0xffff, v34  }
0xbb: {  	vm3 =	vge.f32 v36, $8.999999760e-01;
	vm2 =	vmor vm1, vm2;
	vm1 =	vge.f32 @p1 v13, $8.999999760e-01;
	v34, _, _ =	vpop @p4 (xrf0)  }
0xbc: {  	v42 =	vsel @p1 vm5, $0x1, v37;
	v41 =	vadd.s32 @p0 v41, v38;
	vm2 =	vmor vm3, vm2;
	v45, _, _ =	vpop @p4 (xrf0)  }
0xbd: {  	v48 =	vsel @p1 vm1, $0x1, v37;
	v46 =	vsel vm2, $0x3F800000, v0;
	v49 =	vadd.s32 @p0 v40, v34;
	v34 =	vmovc v44;
	(xrf0) =	vadd.scan.msk.s32 @p1 $0xffff, v42  }
0xbe: {  	vm4 =	vge.f32 @p1 v10, $8.999999760e-01;
	v44 =	vadd.s32 @p0 $0xFFFFFFFF, v49;
	v42 =	vsel @p1 vm0, $0x1, v37;
	(xrf0) =	vadd.scan.msk.s32 @p1 $0xffff, v48  }
0xbf: {  	v41 =	vadd.s32 @p0 $0xFFFFFFFF, v41;
	v35 =	vadd.s32 @p0 v40, v35;
	v47, _, _ =	vpop (xrf0);
	(xrf0) =	vmax.scan.msk.f32 $0xffff, v46;
	v46 =	vmpcnt.ones.xlane @p1 vm1  }
0xc0: {  	v40 =	vmpcnt.ones.xlane @p1 vm5;
	(v2sf) =	vpush v47, $0xF;
	v47 =	vmpcnt.ones.xlane @p1 vm4;
	v48, _, _ =	vpop @p4 (xrf0);
	(xrf0) =	vadd.scan.msk.s32 @p1 $0xffff, v42  }
0xc1: {  	v50 =	vadd.s32 @p0 v35, v39;
	v49 =	vmpcnt.ones.xlane @p1 vm0;
	v42 =	vsel @p1 vm4, $0x1, v37  }
0xc2: {  	v37 =	vadd.s32 @p0 v35, v48;
	v35 =	vadd.s32 @p0 v50, v45;
	v45 =	vadd.s32 @p0 v50, v43;
	(xrf0) =	vadd.scan.msk.s32 @p1 $0xffff, v42  }
.Ltmp5:
0xc3: {  	s5 =	simm.s32 @p0 $0x7800;
	vm3 =	vmmov vm9;
	vm2 =	vmmov vm8;
	v38 =	vpsel p0, v45, v38;
	v39, _, _ =	vpop @p1 (xrf0);
	(pc) =	sbr.rel @p3 .LBB2_6-.Ltmp5, $4  }
0xc4: {  	s6 =	simm.s32 @p0 $0x8C80;
	v42 =	vadd.s32 @p1 v38, v40;
	[tilespmem:v41+s5+$0x0] =	vst.idx.msk @p0 vm6, v25;
	v39 =	vadd.s32 @p1 v39, v38;
	v43, _, _ =	vpop @p1 (xrf0);
	v25 =	vmov v33  }
0xc5: {  	v33, _, _ =	vpop (xrf0);
	[tilespmem:v41+s6+$0x0] =	vst.idx.msk @p0 vm6, v19;
	v40 =	vadd.s32 @p1 $0xFFFFFFFF, v39;
	v39 =	vadd.s32 @p1 v42, v47;
	v19 =	vmov v31  }
0xc6: {  	(v2sf) =	vpush v33, $0xF;
	[tilespmem:v44+s5+$0x0] =	vst.idx.msk @p0 vm7, v27;
	v43 =	vadd.s32 @p1 v39, v43;
	v27 =	vadd.s32 @p1 v39, v46;
	v31, _, _ =	vpop @p1 (xrf0)  }
0xc7: {  	[tilespmem:v44+s6+$0x0] =	vst.idx.msk @p0 vm7, v17;
	v39 =	vadd.s32 @p1 v27, v31;
	v44 =	vadd.s32 @p1 v27, v49;
	v17 =	vmov v30  }
0xc8: {  	v52 =	vmov v12  }
0xc9: {  	v53 =	vmovc v9;
	v41 =	vmovc v8;
	v54 =	vmov v10;
	v51 =	vmov v7;
	v47 =	vmov v13  }
0xca: {  	v50 =	vmovc v5;
	v48 =	vmovc v11;
	v49 =	vmov v6;
	v45 =	vmov v3;
	v46 =	vmov v4  }
0xcb: {  	v27 =	vmovc v32;
	v12 =	vmovc v36;
	v9 =	vmov v29;
	v8 =	vmov v24;
	v10 =	vmov v28  }
0xcc: {  	v7 =	vmovc v23;
	v33 =	vmovc v25;
	v5 =	vmov v22;
	v13 =	vmov v34;
	v11 =	vmov v26  }
0xcd: {  	v6 =	vmovc v21;
	v3 =	vmovc v20;
	v4 =	vmov v18;
	v31 =	vmov v19;
	v30 =	vmov v17  }
.LBB2_8:
0xce: {  	_ = 	snop  }
0xcf: {  	p4 =	por !p1, !p2  }
0xd0: {  	v17, _, _ =	vpop @!p4 (xrf0);
	s1 =	spop (v2sf)  }
0xd1: {  	v19 =	vpsel p4, v38, v44;
	v17 =	vadd.s32 @!p4 v42, v17;
	p5 =	sgt.f32 s1, $0.0e+00  }
0xd2: {  	v18 =	vadd.s32 @!p4 $0xFFFFFFFF, v43;
	v16 =	vpsel p2, v19, v16;
	v17 =	vadd.s32 @!p4 $0xFFFFFFFF, v17  }
0xd3: {  	vm9 =	vge.f32 @p5 v8, $8.999999760e-01;
	vm8 =	vge.f32 @p5 v33, $8.999999760e-01;
	v20 =	vimm.s32 @p5 $0x0  }
0xd4: {  	vm6 =	vge.f32 @p5 v15, $8.999999760e-01;
	vm7 =	vge.f32 @p5 v27, $8.999999760e-01;
	p1 =	por p5, p5;
	v22 =	vmpcnt.ones.xlane @p5 vm8  }
0xd5: {  	v21 =	vsel @p5 vm8, $0x1, v20;
	v23 =	vmpcnt.ones.xlane @p5 vm6;
	v24 =	vmpcnt.ones.xlane @p1 vm7;
	s8 =	spop (v2sf)  }
0xd6: {  	s7 =	simm.s32 @!p4 $0x7800;
	v19 =	vsel @p5 vm7, $0x1, v20;
	v25 =	vmpcnt.ones.xlane @p5 vm9;
	v22 =	vadd.s32 @p1 v16, v22;
	p3 =	sgt.f32 s8, $0.0e+00  }
0xd7: {  	s1 =	simm.s32 @!p4 $0x8C80;
	[tilespmem:v40+s7+$0x0] =	vst.idx.msk @!p4 vm5, v52;
	v26 =	vsel @p5 vm6, $0x1, v20;
	v20 =	vsel @p5 vm9, $0x1, v20;
	v24 =	vadd.s32 @p1 v22, v24  }
0xd8: {  	[tilespmem:v40+s1+$0x0] =	vst.idx.msk @!p4 vm5, v53;
	v25 =	vadd.s32 @p1 v24, v25;
	vm5 =	vge.f32 @p3 v11, $8.999999760e-01;
	vm12 =	vge.f32 @p3 v12, $8.999999760e-01  }
0xd9: {  	(xrf0) =	vadd.scan.msk.s32 @p5 $0xffff, v21;
	vm10 =	vge.f32 @p3 v10, $8.999999760e-01;
	v23 =	vadd.s32 @p1 v25, v23;
	v21 =	vmpcnt.ones.xlane @p3 vm12  }
0xda: {  	(xrf0) =	vadd.scan.msk.s32 @p5 $0xffff, v19;
	vm11 =	vge.f32 @p3 v13, $8.999999760e-01;
	v19 =	vmpcnt.ones.xlane @p3 vm10;
	v23 =	vpsel p1, v23, v16  }
0xdb: {  	(xrf0) =	vadd.scan.msk.s32 @p5 $0xffff, v26;
	v26 =	vimm.s32 @p3 $0x0;
	v28 =	vmpcnt.ones.xlane @p3 vm11;
	v21 =	vadd.s32 @p3 v23, v21  }
0xdc: {  	(xrf0) =	vadd.scan.msk.s32 @p1 $0xffff, v20;
	v20 =	vsel @p3 vm12, $0x1, v26;
	v29 =	vmpcnt.ones.xlane @p3 vm5;
	v19 =	vadd.s32 @p3 v21, v19  }
0xdd: {  	(xrf0) =	vadd.scan.msk.s32 @p3 $0xffff, v20;
	v20 =	vsel @p3 vm11, $0x1, v26;
	v28 =	vadd.s32 @p3 v19, v28  }
0xde: {  	v32 =	vadd.s32 @!p4 $0xFFFFFFFF, v39;
	[tilespmem:v17+s7+$0x0] =	vst.idx.msk @!p4 vm4, v54;
	(xrf0) =	vadd.scan.msk.s32 @p3 $0xffff, v20;
	v20 =	vadd.s32 @p3 v28, v29  }
0xdf: {  	p0 =	por !p0, !p2;
	[tilespmem:v17+s1+$0x0] =	vst.idx.msk @!p4 vm4, v51;
	v17 =	vsel @p3 vm5, $0x1, v26;
	v26 =	vsel @p3 vm10, $0x1, v26;
	v20 =	vpsel p3, v20, v23  }
0xe0: {  	v29, _, _ =	vpop @p5 (xrf0);
	(xrf0) =	vadd.scan.msk.s32 @p3 $0xffff, v17;
	v17 =	vadd.s32 @!p0 $0xFFFFFFFF, v37;
	v20 =	vxor.u32 $0x80000000, v20  }
0xe1: {  	[tilespmem:v18+s7+$0x0] =	vst.idx.msk @!p4 vm1, v47;
	v34, _, _ =	vpop @p5 (xrf0);
	(xrf0) =	vadd.scan.msk.s32 @p3 $0xffff, v26  }
0xe2: {  	[tilespmem:v18+s1+$0x0] =	vst.idx.msk @!p4 vm1, v50;
	v18 =	vadd.s32 @!p0 $0xFFFFFFFF, v35;
	v16 =	vadd.s32 @p1 v29, v16;
	v26, _, _ =	vpop @p5 (xrf0);
	(xrf0) =	vmax.scan.msk.u32 $0xffff, v20  }
0xe3: {  	[tilespmem:v32+s7+$0x0] =	vst.idx.msk @!p4 vm0, v48;
	v16 =	vadd.s32 @p1 $0xFFFFFFFF, v16;
	v22 =	vadd.s32 @p1 v22, v34;
	v20, _, _ =	vpop @p5 (xrf0)  }
0xe4: {  	[tilespmem:v32+s1+$0x0] =	vst.idx.msk @!p4 vm0, v49;
	v29, _, _ =	vpop @p3 (xrf0)  }
0xe5: {  	[tilespmem:v17+s5+$0x0] =	vst.idx.msk @!p0 vm2, v41;
	v32, _, _ =	vpop @p3 (xrf0)  }
0xe6: {  	[tilespmem:v17+s6+$0x0] =	vst.idx.msk @!p0 vm2, v45;
	v17 =	vadd.s32 @p1 $0xFFFFFFFF, v22;
	v22, _, _ =	vpop @p3 (xrf0)  }
0xe7: {  	s1 =	simm.s32 @p1 $0x7800;
	[tilespmem:v18+s5+$0x0] =	vst.idx.msk @!p0 vm3, v14;
	v14 =	vadd.s32 @p3 v29, v23;
	v23, _, _ =	vpop @p3 (xrf0)  }
0xe8: {  	v20 =	vadd.s32 @p1 v24, v20;
	[tilespmem:v16+s1+$0x0] =	vst.idx.msk @p1 vm8, v33;
	s5 =	simm.s32 @p1 $0x8C80;
	v14 =	vadd.s32 @p3 $0xFFFFFFFF, v14;
	v63, _, _ =	vpop (xrf0)  }
0xe9: {  	[tilespmem:v16+s5+$0x0] =	vst.idx.msk @p1 vm8, v31;
	v16 =	vadd.s32 @p1 $0xFFFFFFFF, v20;
	(v2sf) =	vpush v63, $0xF  }
0xea: {  	[tilespmem:v18+s6+$0x0] =	vst.idx.msk @!p0 vm3, v46  }
0xeb: {  	v18 =	vadd.s32 @p3 v21, v23;
	[tilespmem:v17+s1+$0x0] =	vst.idx.msk @p1 vm7, v27  }
0xec: {  	s6 =	simm.s32 @p3 $0x7800;
	v18 =	vadd.s32 @p3 $0xFFFFFFFF, v18;
	[tilespmem:v17+s5+$0x0] =	vst.idx.msk @p1 vm7, v30  }
0xed: {  	v19 =	vadd.s32 @p3 v19, v32;
	[tilespmem:v14+s6+$0x0] =	vst.idx.msk @p3 vm12, v12  }
0xee: {  	s7 =	simm.s32 @p3 $0x8C80;
	v12 =	vadd.s32 @p3 $0xFFFFFFFF, v19;
	[tilespmem:v16+s1+$0x0] =	vst.idx.msk @p1 vm9, v8  }
0xef: {  	v17 =	vadd.s32 @p3 v28, v22;
	[tilespmem:v14+s7+$0x0] =	vst.idx.msk @p3 vm12, v9  }
0xf0: {  	v8 =	vadd.s32 @p3 $0xFFFFFFFF, v17;
	[tilespmem:v16+s5+$0x0] =	vst.idx.msk @p1 vm9, v3  }
0xf1: {  	v9 =	vadd.s32 @p1 v25, v26;
	[tilespmem:v18+s6+$0x0] =	vst.idx.msk @p3 vm10, v10  }
0xf2: {  	[tilespmem:v18+s7+$0x0] =	vst.idx.msk @p3 vm10, v7;
	v7 =	vadd.s32 @p1 $0xFFFFFFFF, v9  }
0xf3: {  	[tilespmem:v12+s6+$0x0] =	vst.idx.msk @p3 vm11, v13  }
0xf4: {  	[tilespmem:v12+s7+$0x0] =	vst.idx.msk @p3 vm11, v5  }
0xf5: {  	[tilespmem:v8+s6+$0x0] =	vst.idx.msk @p3 vm5, v11  }
0xf6: {  	[tilespmem:v8+s7+$0x0] =	vst.idx.msk @p3 vm5, v6  }
0xf7: {  	[tilespmem:v7+s1+$0x0] =	vst.idx.msk @p1 vm6, v15  }
0xf8: {  	[tilespmem:v7+s5+$0x0] =	vst.idx.msk @p1 vm6, v4;
	s9 =	spop (v2sf)  }
0xf9: {  	_ =	swait.ge [sflag:s23], $0x1400;
	s10 =	sadd.s32 $0x8000000F, s9  }
0xfa: {  	s6 =	simm.s32 $0x1;
	[sflag:s23] =	ssyncset.done $0x0;
	s11 =	sand.u32 $0xF, s10  }
0xfb: {  	s12 =	sshra.s32 s10, $0x1F;
	p5 =	slt.s32 s10, $0x1;
	p6 =	sne.s32 s11, $0x0  }
0xfc: {  	[sflag:s23] =	ssyncadd.s32 $0xFFFFEC00;
	s13 =	sshrl.u32 s12, $0x1C;
	p0 =	por !p5, !p6  }
0xfd: {  	_ =	swait.ge [sflag:s23], $0x1400;
	s5 =	sadd.s32 s13, s10;
	p0 =	por !p0, !p0  }
0xfe: {  	[sflag:s23] =	ssyncset.done $0x0;
	s5 =	sshrl.u32 s5, $0x4;
	s6 =	simm.s32 @!p0 $0x0  }
0xff: {  	[sflag:s23] =	ssyncadd.s32 $0xFFFFEC00;
	s5 =	ssub.s32 s5, s6  }
0x100: {  	s1 =	sxor.u32 $0x80000000, s9;
	_ =	swait.ge [sflag:s23], $0x1400;
	s5 =	sshll.u32 s5, $0x4  }
0x101: {  	v5 =	vadd.s32 s1, v1;
	[sflag:s23] =	ssyncset.done $0x0;
	p0 =	slt.s32 s5, $0x20  }
.Ltmp6:
0x102: {  	[sflag:s23] =	ssyncadd.s32 $0xFFFFEC00;
	(pc) =	sbr.rel @p0 .LBB2_20-.Ltmp6, $4  }
0x103: {  	_ =	swait.ge [sflag:s23], $0x1400  }
0x104: {  	[sflag:s23] =	ssyncset.done $0x0  }
0x105: {  	vm14 =	vmmov vm9;
	v4 =	vimm.f32 $-Inf;
	[sflag:s23] =	ssyncadd.s32 $0xFFFFEC00  }
0x106: {  	vm15 =	vmmov vm6;
	v3 =	vmov s1;
	s6 =	sand.u32 $0xFFFFFFE0, s5;
	[tilespmem:v5+s24+$0x0] =	vst.idx.msk $0xffff, v4;
	v5 =	vimm.s32 $0x40000000  }
0x107: {  	s7 =	simm.s32 $0x0  }
0x108: {  	v7 =	vor.u32 s7, v1  }
0x109: {  	vm0 =	vlt.s32 v7, v3  }
0x10a: {  	p4 =	sgt.s32 s6, $0x20  }
.Ltmp7:
0x10b: {  	_ = 	snop;
	(pc) =	sbr.rel @!p4 .LBB2_10-.Ltmp7, $4  }
0x10c: {  	s1 =	simm.s32 $0x10  }
0x10d: {  	v10 =	vor.u32 s1, v1  }
0x10e: {  	v5 =	vimm.f32 $-Inf;
	p1 =	por $0x0, $0x0;
	vm1 =	vlt.s32 v10, v3  }
0x10f: {  	v4 =	vimm.s32 $0x40000000;
	p2 =	por $0x0, $0x0;
	p3 =	por $0x0, $0x0;
	s7 =	simm.s32 $0x20;
	vm2 =	vmmov vm0;
	v14 =	vld.idx.msk [tilespmem:v7+s25+$0x0], vm0;
	vm0 =	vmmov vm1  }
0x110: {  	_ = 	snop  }
0x111: {  	v6 =	vor.u32 s7, v1  }
0x112: {  	vm3 =	vlt.s32 v6, v3;
	_ =	sdelay $0x1  }
0x113: {  	v8 =	vnsel vm2, $0x0, v14;
	_ =	sdelay $0x2  }
0x114: {  	v9 =	vld.idx.msk [tilespmem:v10+s25+$0x0], vm1;
	p4 =	sgt.s32 s6, $0x40  }
.Ltmp8:
0x115: {  	s1 =	simm.s32 $0x30;
	v14 =	vld.idx.msk [tilespmem:v6+s25+$0x0], vm3;
	(pc) =	sbr.rel @!p4 .LBB2_12-.Ltmp8, $4  }
0x116: {  	v12 =	vor.u32 s1, v1;
	v21 =	vld.idx.msk [tilespmem:v8+s19+$0x0], $0xffff  }
0x117: {  	v11 =	vld.idx.msk [tilespmem:v8+s18+$0x0], $0xffff  }
0x118: {  	vm1 =	vlt.s32 v12, v3;
	v23 =	vld.idx.msk [tilespmem:v8+s16+$0x0], $0xffff  }
0x119: {  	s7 =	simm.s32 $0x40;
	p1 =	por $0x1, $0x1;
	vm2 =	vmmov vm3;
	v15 =	vnsel vm0, $0x0, v9;
	vm0 =	vmmov vm1;
	v24 =	vld.idx.msk [tilespmem:v8+s17+$0x0], $0xffff  }
0x11a: {  	_ =	sdelay $0x4  }
0x11b: {  	v8 =	vld.idx.msk [tilespmem:v12+s25+$0x0], vm1;
	v9 =	vnsel vm2, $0x0, v14  }
0x11c: {  	v16 =	vld.idx.msk [tilespmem:v15+s18+$0x0], $0xffff  }
0x11d: {  	v26 =	vor.u32 s7, v1;
	v13 =	vld.idx.msk [tilespmem:v15+s19+$0x0], $0xffff  }
0x11e: {  	v18 =	vld.idx.msk [tilespmem:v15+s17+$0x0], $0xffff;
	vm3 =	vlt.s32 v26, v3  }
0x11f: {  	v17 =	vld.idx.msk [tilespmem:v15+s16+$0x0], $0xffff;
	p4 =	sgt.s32 s6, $0x60;
	v19 =	vsub.f32 v11, v23;
	[tilespmem:v7+s26+$0x0] =	vst.idx.msk $0xffff, v23;
	v20 =	vsub.f32 v21, v24  }
.Ltmp9:
0x120: {  	s1 =	simm.s32 $0x50;
	[tilespmem:v7+s28+$0x0] =	vst.idx.msk $0xffff, v24;
	v29 =	vld.idx.msk [tilespmem:v9+s19+$0x0], $0xffff;
	(pc) =	sbr.rel @!p4 .LBB2_14-.Ltmp9, $4  }
0x121: {  	v32 =	vor.u32 s1, v1;
	v19 =	vmax.f32 v19, $0.0e+00;
	[tilespmem:v7+s29+$0x0] =	vst.idx.msk $0xffff, v11;
	v11 =	vld.idx.msk [tilespmem:v9+s18+$0x0], $0xffff;
	v20 =	vmax.f32 v20, $0.0e+00  }
0x122: {  	vm1 =	vlt.s32 v32, v3;
	v15 =	vnsel vm0, $0x0, v8;
	v23 =	vld.idx.msk [tilespmem:v9+s16+$0x0], $0xffff;
	v8 =	vmul.f32 v20, v19  }
0x123: {  	vm2 =	vmmov vm3;
	vm0 =	vmmov vm1;
	v24 =	vld.idx.msk [tilespmem:v9+s17+$0x0], $0xffff;
	[tilespmem:v7+s30+$0x0] =	vst.idx.msk $0xffff, v21  }
0x124: {  	s7 =	simm.s32 $0x60;
	p2 =	por $0x1, $0x1;
	v22 =	vsub.f32 v16, v17;
	v14 =	vld.idx.msk [tilespmem:v26+s25+$0x0], vm3;
	v20 =	vsub.f32 v13, v18;
	[tilespmem:v7+s31+$0x0] =	vst.idx.msk $0xffff, v8  }
0x125: {  	_ =	sdelay $0x4  }
0x126: {  	v19 =	vld.idx.msk [tilespmem:v32+s25+$0x0], vm1  }
0x127: {  	v9 =	vor.u32 s7, v1;
	[tilespmem:v10+s26+$0x0] =	vst.idx.msk $0xffff, v17;
	v33 =	vld.idx.msk [tilespmem:v7+s24+$0x0], $0xffff  }
0x128: {  	v27 =	vld.idx.msk [tilespmem:v15+s18+$0x0], $0xffff;
	vm3 =	vlt.s32 v9, v3;
	v8 =	vmax.f32 v20, $0.0e+00;
	v21 =	vmax.f32 v22, $0.0e+00;
	[tilespmem:v10+s28+$0x0] =	vst.idx.msk $0xffff, v18  }
0x129: {  	v28 =	vld.idx.msk [tilespmem:v15+s19+$0x0], $0xffff;
	v21 =	vmul.f32 v8, v21;
	[tilespmem:v10+s29+$0x0] =	vst.idx.msk $0xffff, v16  }
0x12a: {  	v30 =	vld.idx.msk [tilespmem:v15+s17+$0x0], $0xffff;
	[tilespmem:v10+s30+$0x0] =	vst.idx.msk $0xffff, v13;
	v34 =	vnsel vm2, $0x0, v14  }
0x12b: {  	v31 =	vld.idx.msk [tilespmem:v15+s16+$0x0], $0xffff;
	v15 =	vsub.f32 v11, v23;
	[tilespmem:v10+s31+$0x0] =	vst.idx.msk $0xffff, v21;
	v21 =	vsub.f32 v29, v24  }
0x12c: {  	s1 =	simm.s32 $0x70;
	[tilespmem:v6+s26+$0x0] =	vst.idx.msk $0xffff, v23  }
0x12d: {  	p4 =	sgt.s32 s6, $0x80;
	v8 =	vor.u32 s1, v1;
	[tilespmem:v6+s28+$0x0] =	vst.idx.msk $0xffff, v24;
	v23 =	vmax.f32 v15, $0.0e+00;
	v25 =	vld.idx.msk [tilespmem:v10+s24+$0x0], $0xffff;
	v24 =	vmax.f32 v21, $0.0e+00  }
.Ltmp10:
0x12e: {  	vm1 =	vlt.s32 v8, v3;
	v15 =	vnsel vm0, $0x0, v19;
	v14 =	vld.idx.msk [tilespmem:v9+s25+$0x0], vm3;
	v19 =	vmul.f32 v24, v23;
	(pc) =	sbr.rel @!p4 .LBB2_16-.Ltmp10, $4  }
0x12f: {  	v35 =	vmov v10;
	v41 =	vmov v9;
	[tilespmem:v6+s29+$0x0] =	vst.idx.msk $0xffff, v11;
	v21 =	vld.idx.msk [tilespmem:v34+s19+$0x0], $0xffff  }
0x130: {  	vm2 =	vmmov vm3;
	vm4 =	vgt.f32 v33, v5;
	[tilespmem:v6+s30+$0x0] =	vst.idx.msk $0xffff, v29;
	vm0 =	vmmov vm1;
	v11 =	vld.idx.msk [tilespmem:v34+s18+$0x0], $0xffff  }
0x131: {  	v37 =	vsub.f32 v28, v30;
	v38 =	vsub.f32 v27, v31;
	v36 =	vsel vm4, v7, v4;
	v23 =	vld.idx.msk [tilespmem:v34+s16+$0x0], $0xffff  }
0x132: {  	s7 =	simm.s32 $0x80;
	p3 =	por $0x1, $0x1;
	v29 =	vmov v6;
	v33 =	vsel vm4, v33, v5;
	v24 =	vld.idx.msk [tilespmem:v34+s17+$0x0], $0xffff;
	[tilespmem:v6+s31+$0x0] =	vst.idx.msk $0xffff, v19;
	v19 =	vmov v26  }
.LBB2_17:
0x133: {  	v34 =	vmov v26;
	v26 =	vmov v9  }
0x134: {  	v9 =	vor.u32 s7, v1;
	s1 =	sadd.s32 $0x10, s7;
	s7 =	sadd.s32 $0x20, s7;
	v37 =	vmax.f32 v37, $0.0e+00;
	vm4 =	vgt.f32 v25, v33;
	v39 =	vld.idx.msk [tilespmem:v8+s25+$0x0], vm1;
	[tilespmem:v12+s26+$0x0] =	vst.idx.msk $0xffff, v31  }
0x135: {  	vm3 =	vlt.s32 v9, v3;
	v40 =	vor.u32 s1, v1;
	p4 =	slt.s32 s7, s6;
	v43 =	vmax.f32 v38, $0.0e+00;
	v42 =	vld.idx.msk [tilespmem:v6+s24+$0x0], $0xffff;
	[tilespmem:v12+s28+$0x0] =	vst.idx.msk $0xffff, v30  }
0x136: {  	vm1 =	vlt.s32 v40, v3;
	v31 =	vmul.f32 v37, v43;
	[tilespmem:v12+s29+$0x0] =	vst.idx.msk $0xffff, v27;
	v27 =	vld.idx.msk [tilespmem:v15+s18+$0x0], $0xffff  }
0x137: {  	v38 =	vnsel vm2, $0x0, v14;
	v36 =	vsel vm4, v35, v36;
	v6 =	vmov v34;
	[tilespmem:v12+s30+$0x0] =	vst.idx.msk $0xffff, v28;
	v28 =	vld.idx.msk [tilespmem:v15+s19+$0x0], $0xffff  }
0x138: {  	v33 =	vsel vm4, v25, v33;
	v37 =	vsub.f32 v11, v23;
	v30 =	vld.idx.msk [tilespmem:v15+s17+$0x0], $0xffff;
	[tilespmem:v12+s31+$0x0] =	vst.idx.msk $0xffff, v31  }
0x139: {  	v44 =	vmov v34;
	v35 =	vmov v12;
	v43 =	vsub.f32 v21, v24;
	[tilespmem:v19+s26+$0x0] =	vst.idx.msk $0xffff, v23;
	v31 =	vld.idx.msk [tilespmem:v15+s16+$0x0], $0xffff  }
0x13a: {  	v15 =	vnsel vm0, $0x0, v39;
	[tilespmem:v19+s28+$0x0] =	vst.idx.msk $0xffff, v24;
	v25 =	vld.idx.msk [tilespmem:v12+s24+$0x0], $0xffff;
	v12 =	vmovc v32;
	v32 =	vmov v8;
	v8 =	vmov v40  }
.Ltmp11:
0x13b: {  	v23 =	vmax.f32 v37, $0.0e+00;
	v24 =	vmax.f32 v43, $0.0e+00;
	vm4 =	vgt.f32 v42, v33;
	v14 =	vld.idx.msk [tilespmem:v9+s25+$0x0], vm3;
	[tilespmem:v19+s29+$0x0] =	vst.idx.msk $0xffff, v11;
	(pc) =	sbr.rel @p4 .LBB2_17-.Ltmp11, $4  }
0x13c: {  	v34 =	vmul.f32 v24, v23;
	v36 =	vsel vm4, v29, v36;
	[tilespmem:v19+s30+$0x0] =	vst.idx.msk $0xffff, v21;
	v21 =	vld.idx.msk [tilespmem:v38+s19+$0x0], $0xffff  }
0x13d: {  	vm2 =	vmmov vm3;
	vm0 =	vmmov vm1;
	v29 =	vmovc v19;
	v19 =	vmovc v41;
	v41 =	vmov v9;
	v11 =	vld.idx.msk [tilespmem:v38+s18+$0x0], $0xffff  }
0x13e: {  	v37 =	vsub.f32 v28, v30;
	v23 =	vld.idx.msk [tilespmem:v38+s16+$0x0], $0xffff  }
0x13f: {  	v33 =	vsel vm4, v42, v33;
	v24 =	vld.idx.msk [tilespmem:v38+s17+$0x0], $0xffff;
	[tilespmem:v44+s31+$0x0] =	vst.idx.msk $0xffff, v34;
	v38 =	vsub.f32 v27, v31  }
0x140: {  	v34 =	vmovc v12;
	v39 =	vmovc v6;
	v40 =	vmov v26;
	v12 =	vmov v32;
	v6 =	vmov v41  }
.LBB2_19:
0x141: {  	_ =	sdelay $0x4  }
0x142: {  	v26 =	vld.idx.msk [tilespmem:v8+s25+$0x0], vm1;
	[tilespmem:v34+s26+$0x0] =	vst.idx.msk @p2 $0xffff, v31  }
0x143: {  	v31 =	vmax.f32 @p2 v37, $0.0e+00;
	v32 =	vmax.f32 @p2 v38, $0.0e+00;
	v14 =	vnsel vm2, $0x0, v14;
	[tilespmem:v34+s28+$0x0] =	vst.idx.msk @p2 $0xffff, v30;
	v30 =	vld.idx.msk @p1 [tilespmem:v15+s18+$0x0], $0xffff  }
0x144: {  	v31 =	vmul.f32 @p2 v31, v32;
	v32 =	vld.idx.msk @p1 [tilespmem:v15+s17+$0x0], $0xffff;
	[tilespmem:v34+s29+$0x0] =	vst.idx.msk @p2 $0xffff, v27  }
0x145: {  	v27 =	vld.idx.msk @p1 [tilespmem:v15+s19+$0x0], $0xffff;
	[tilespmem:v19+s26+$0x0] =	vst.idx.msk @p1 $0xffff, v23  }
0x146: {  	v37 =	vsub.f32 @p1 v11, v23;
	v15 =	vld.idx.msk @p1 [tilespmem:v15+s16+$0x0], $0xffff;
	[tilespmem:v34+s30+$0x0] =	vst.idx.msk @p2 $0xffff, v28  }
0x147: {  	v23 =	vld.idx.msk @p2 [tilespmem:v39+s24+$0x0], $0xffff;
	v28 =	vmov @p1 v40;
	[tilespmem:v34+s31+$0x0] =	vst.idx.msk @p2 $0xffff, v31;
	v31 =	vsub.f32 @p1 v21, v24  }
0x148: {  	vm1 =	vgt.f32 @p3 v25, v33;
	v10 =	vpsel p1, v12, v10;
	v51 =	vld.idx.msk [tilespmem:v14+s19+$0x0], $0xffff  }
0x149: {  	[tilespmem:v19+s28+$0x0] =	vst.idx.msk @p1 $0xffff, v24;
	v24 =	vmax.f32 @p1 v37, $0.0e+00;
	v50 =	vnsel vm0, $0x0, v26;
	v53 =	vld.idx.msk [tilespmem:v14+s16+$0x0], $0xffff;
	v31 =	vmax.f32 @p1 v31, $0.0e+00  }
0x14a: {  	v35 =	vsel @p3 vm1, v35, v36;
	[tilespmem:v19+s29+$0x0] =	vst.idx.msk @p1 $0xffff, v11;
	v52 =	vld.idx.msk [tilespmem:v14+s18+$0x0], $0xffff;
	v24 =	vmul.f32 @p1 v31, v24  }
0x14b: {  	v25 =	vsel @p3 vm1, v25, v33;
	[tilespmem:v19+s30+$0x0] =	vst.idx.msk @p1 $0xffff, v21;
	v14 =	vld.idx.msk [tilespmem:v14+s17+$0x0], $0xffff;
	v26 =	vsub.f32 @p1 v27, v32  }
0x14c: {  	[tilespmem:v28+s31+$0x0] =	vst.idx.msk @p1 $0xffff, v24;
	v24 =	vsub.f32 @p1 v30, v15;
	v15 =	vpsel p1, v15, v17  }
0x14d: {  	v25 =	vpsel p3, v25, v5;
	v20 =	vpsel p1, v26, v20;
	v26 =	vld.idx.msk @p2 [tilespmem:v34+s24+$0x0], $0xffff;
	[tilespmem:v10+s26+$0x0] =	vst.idx.msk @p1 $0xffff, v15  }
0x14e: {  	v18 =	vpsel p1, v32, v18;
	vm0 =	vgt.f32 @p2 v23, v25;
	v54 =	vld.idx.msk [tilespmem:v50+s18+$0x0], $0xffff;
	[tilespmem:v6+s26+$0x0] =	vst.idx.msk $0xffff, v53  }
0x14f: {  	v13 =	vpsel p1, v27, v13;
	v23 =	vsel @p2 vm0, v23, v25;
	v55 =	vld.idx.msk [tilespmem:v50+s19+$0x0], $0xffff;
	[tilespmem:v10+s28+$0x0] =	vst.idx.msk @p1 $0xffff, v18  }
0x150: {  	v17 =	vpsel p1, v28, v7;
	v15 =	vpsel p1, v30, v16;
	v56 =	vld.idx.msk [tilespmem:v50+s17+$0x0], $0xffff;
	[tilespmem:v6+s28+$0x0] =	vst.idx.msk $0xffff, v14  }
0x151: {  	v16 =	vmax.f32 @p1 v20, $0.0e+00;
	v12 =	vld.idx.msk [tilespmem:v50+s16+$0x0], $0xffff;
	v22 =	vpsel p1, v24, v22;
	[tilespmem:v10+s29+$0x0] =	vst.idx.msk @p1 $0xffff, v15  }
0x152: {  	v57 =	vsub.f32 v52, v53;
	v58 =	vsub.f32 v51, v14;
	v20 =	vmax.f32 @p1 v22, $0.0e+00;
	[tilespmem:v6+s29+$0x0] =	vst.idx.msk $0xffff, v52  }
0x153: {  	v16 =	vmul.f32 @p1 v16, v20;
	v20 =	vpsel p3, v35, v4;
	[tilespmem:v10+s30+$0x0] =	vst.idx.msk @p1 $0xffff, v13  }
0x154: {  	v22 =	vpsel p2, v23, v0;
	[tilespmem:v6+s30+$0x0] =	vst.idx.msk $0xffff, v51;
	v20 =	vsel @p2 vm0, v29, v20  }
0x155: {  	v59 =	vmax.f32 v57, $0.0e+00;
	v25 =	vpsel p2, v26, v0;
	v17 =	vld.idx.msk @p1 [tilespmem:v17+s24+$0x0], $0xffff;
	[tilespmem:v10+s31+$0x0] =	vst.idx.msk @p1 $0xffff, v16;
	v16 =	vmax.f32 v58, $0.0e+00  }
0x156: {  	v24 =	vmovc @p2 v34;
	vm0 =	vgt.f32 @p2 v25, v22;
	v60 =	vsub.f32 v55, v56;
	v61 =	vsub.f32 v54, v12  }
0x157: {  	v20 =	vpsel p2, v20, v0;
	[tilespmem:v8+s26+$0x0] =	vst.idx.msk $0xffff, v12;
	v14 =	vmul.f32 v16, v59;
	v11 =	vld.idx.msk @p1 [tilespmem:v10+s24+$0x0], $0xffff  }
0x158: {  	v16 =	vpsel p2, v24, v0;
	v22 =	vsel @p2 vm0, v25, v22;
	[tilespmem:v8+s28+$0x0] =	vst.idx.msk $0xffff, v56  }
0x159: {  	v12 =	vpsel p2, v22, v5;
	v21 =	vmax.f32 v60, $0.0e+00;
	[tilespmem:v9+s31+$0x0] =	vst.idx.msk $0xffff, v14;
	v14 =	vmax.f32 v61, $0.0e+00  }
0x15a: {  	[tilespmem:v8+s29+$0x0] =	vst.idx.msk $0xffff, v54;
	vm1 =	vgt.f32 @p1 v17, v12;
	v62 =	vmul.f32 v21, v14  }
0x15b: {  	[tilespmem:v8+s30+$0x0] =	vst.idx.msk $0xffff, v55;
	v14 =	vsel @p2 vm0, v16, v20;
	v9 =	vld.idx.msk [tilespmem:v9+s24+$0x0], $0xffff;
	v12 =	vsel @p1 vm1, v17, v12  }
0x15c: {  	v15 =	vmov @p1 v19;
	v11 =	vpsel p1, v11, v0;
	v12 =	vpsel p1, v12, v0;
	[tilespmem:v8+s31+$0x0] =	vst.idx.msk $0xffff, v62  }
0x15d: {  	v7 =	vpsel p1, v15, v7;
	v13 =	vpsel p2, v14, v4;
	vm0 =	vgt.f32 @p1 v11, v12;
	v63 =	vld.idx.msk [tilespmem:v8+s24+$0x0], $0xffff  }
0x15e: {  	v7 =	vsel @p1 vm1, v7, v13;
	v11 =	vsel @p1 vm0, v11, v12  }
0x15f: {  	v10 =	vpsel p1, v10, v0;
	v7 =	vpsel p1, v7, v0;
	v5 =	vpsel p1, v11, v5  }
0x160: {  	v7 =	vsel @p1 vm0, v10, v7;
	vm14 =	vgt.f32 v9, v5  }
0x161: {  	v4 =	vpsel p1, v7, v4;
	v7 =	vsel vm14, v9, v5  }
0x162: {  	v4 =	vsel vm14, v6, v4;
	vm15 =	vgt.f32 v63, v7  }
0x163: {  	v5 =	vsel vm15, v8, v4;
	v4 =	vsel vm15, v63, v7  }
.LBB2_20:
0x164: {  	p1 =	seq.s32 s6, s5  }
.Ltmp12:
0x165: {  	_ = 	snop;
	(pc) =	sbr.rel @p1 .LBB2_22-.Ltmp12, $2  }
0x166: {  	_ =	sdelay $0x2  }
0x167: {  	s7 =	smov.u32 s6  }
.LBB2_21:
0x168: {  	v6 =	vor.u32 s7, v1  }
0x169: {  	vm0 =	vlt.s32 v6, v3;
	_ =	sdelay $0x5  }
0x16a: {  	v7 =	vld.idx.msk [tilespmem:v6+s25+$0x0], vm0;
	_ =	sdelay $0x4  }
0x16b: {  	v7 =	vnsel vm0, $0x0, v7;
	_ =	sdelay $0x4  }
0x16c: {  	v8 =	vld.idx.msk [tilespmem:v7+s16+$0x0], $0xffff  }
0x16d: {  	v9 =	vld.idx.msk [tilespmem:v7+s17+$0x0], $0xffff  }
0x16e: {  	v10 =	vld.idx.msk [tilespmem:v7+s18+$0x0], $0xffff  }
0x16f: {  	v7 =	vld.idx.msk [tilespmem:v7+s19+$0x0], $0xffff;
	_ =	sdelay $0x4  }
0x170: {  	v11 =	vsub.f32 v10, v8;
	v12 =	vsub.f32 v7, v9  }
0x171: {  	[tilespmem:v6+s26+$0x0] =	vst.idx.msk $0xffff, v8  }
0x172: {  	[tilespmem:v6+s28+$0x0] =	vst.idx.msk $0xffff, v9;
	v62 =	vmax.f32 v11, $0.0e+00;
	v63 =	vmax.f32 v12, $0.0e+00  }
0x173: {  	[tilespmem:v6+s29+$0x0] =	vst.idx.msk $0xffff, v10;
	v8 =	vmul.f32 v63, v62  }
0x174: {  	[tilespmem:v6+s30+$0x0] =	vst.idx.msk $0xffff, v7  }
0x175: {  	[tilespmem:v6+s31+$0x0] =	vst.idx.msk $0xffff, v8  }
0x176: {  	s7 =	sadd.s32 $0x10, s7;
	v7 =	vld.idx.msk [tilespmem:v6+s24+$0x0], $0xffff  }
0x177: {  	p2 =	slt.s32 s7, s5  }
.Ltmp13:
0x178: {  	_ = 	snop;
	(pc) =	sbr.rel @p2 .LBB2_21-.Ltmp13, $3  }
0x179: {  	_ =	sdelay $0x1  }
0x17a: {  	vm15 =	vgt.f32 v7, v4  }
0x17b: {  	v4 =	vsel vm15, v7, v4;
	v5 =	vsel vm15, v6, v5  }
.LBB2_22:
0x17c: {  	(xrf0) =	vmax.scan.msk.f32 $0xffff, v4;
	_ =	sdelay $0x5  }
0x17d: {  	v3, _, _ =	vpop (xrf0)  }
0x17e: {  	(v2sf) =	vpush v3, $0xF;
	_ =	sdelay $0xe  }
0x17f: {  	s8 =	spop (v2sf)  }
0x180: {  	p2 =	sge.f32 s8, $5.000000000e-01  }
.Ltmp14:
0x181: {  	_ = 	snop;
	(pc) =	sbr.rel @!p2 .LBB2_30-.Ltmp14, $2  }
0x182: {  	_ =	sdelay $0x2  }
0x183: {  	s7 =	simm.f32 $0.0e+00  }
0x184: {  	v3 =	vbroadcast v3, $0xF;
	_ =	sdelay $0x1  }
0x185: {  	vm0 =	veq.f32 v4, v3;
	v3 =	vxor.u32 $0x80000000, v5  }
0x186: {  	v3 =	vnsel vm0, $0xC0000000, v3  }
0x187: {  	(xrf0) =	vmin.scan.msk.u32 $0xffff, v3;
	_ =	sdelay $0x5  }
0x188: {  	v3, _, _ =	vpop (xrf0)  }
0x189: {  	(v2sf) =	vpush v3, $0xF;
	_ =	sdelay $0xa  }
.Ltmp15:
0x18a: {  	_ = 	snop;
	(pc) =	sbr.rel .LBB2_24-.Ltmp15, $2  }
0x18b: {  	_ =	sdelay $0x2  }
0x18c: {  	s7 =	simm.s32 $0x0;
	s9 =	spop (v2sf)  }
.LBB2_28:
0x18d: {  	(xrf0) =	vmax.scan.msk.f32 $0xffff, v10;
	_ =	sdelay $0x5  }
0x18e: {  	v7, _, _ =	vpop (xrf0)  }
0x18f: {  	v8 =	vbroadcast v7, $0xF;
	_ =	sdelay $0x1  }
0x190: {  	v62 =	vxor.u32 $0x80000000, v9;
	vm0 =	veq.f32 v10, v8  }
0x191: {  	v8 =	vnsel vm0, $0xC0000000, v62  }
0x192: {  	(xrf0) =	vmin.scan.msk.u32 $0xffff, v8  }
0x193: {  	(v2sf) =	vpush v7, $0xF;
	_ =	sdelay $0x4  }
0x194: {  	v63, _, _ =	vpop (xrf0)  }
0x195: {  	(v2sf) =	vpush v63, $0xF;
	_ =	sdelay $0x6  }
0x196: {  	p2 =	sgt.s32 s7, $0x63  }
0x197: {  	s1 =	smul.u32 @!p2 $0x5, s7;
	vm0 =	vcmask @!p2 $0x3F10  }
0x198: {  	v7 =	vlaneseq.u32 @!p2;
	v6 =	vsel @!p2 vm0, s8, v6;
	s8 =	spop (v2sf)  }
0x199: {  	v7 =	vadd.s32 @!p2 s1, v7;
	p3 =	sge.f32 s8, $5.000000000e-01  }
.Ltmp16:
0x19a: {  	vm0 =	vcmask @!p2 $0x3F0C;
	(pc) =	sbr.rel @!p3 .LBB2_29-.Ltmp16, $4  }
0x19b: {  	v5 =	vsel @!p2 vm0, v6, v5;
	vm0 =	vcmask @!p2 $0x3F08  }
0x19c: {  	v4 =	vsel @!p2 vm0, v5, v4;
	vm0 =	vmmov @!p2 $0x1  }
0x19d: {  	s1 =	simm.s32 @!p2 $0x10780;
	v3 =	vsel @!p2 vm0, v3, v4  }
0x19e: {  	s7 =	sadd.s32 $0x1, s7;
	[tilespmem:v7+s1+$0x0] =	vst.idx.msk @!p2 $0x1f, v3;
	s9 =	spop (v2sf)  }
.LBB2_24:
0x19f: {  	s1 =	sxor.u32 $0x80000000, s9  }
0x1a0: {  	v7 =	vmov s1;
	_ =	sdelay $0x4  }
0x1a1: {  	v3 =	vld.idx.msk [tilespmem:v7+s26+$0x0], $0xffff  }
.Ltmp17:
0x1a2: {  	v4 =	vld.idx.msk [tilespmem:v7+s28+$0x0], $0xffff;
	(pc) =	sbr.rel @p0 .LBB2_25-.Ltmp17, $3  }
0x1a3: {  	v5 =	vld.idx.msk [tilespmem:v7+s29+$0x0], $0xffff  }
0x1a4: {  	v6 =	vld.idx.msk [tilespmem:v7+s30+$0x0], $0xffff;
	_ =	sdelay $0x1  }
0x1a5: {  	v8 =	vld.idx.msk [tilespmem:v7+s31+$0x0], $0xffff  }
0x1a6: {  	s9 =	simm.s32 $0x0  }
0x1a7: {  	v12 =	vor.u32 s9, v1;
	_ =	sdelay $0x2  }
0x1a8: {  	s1 =	simm.s32 $0x10  }
0x1a9: {  	v11 =	vor.u32 s1, v1  }
0x1aa: {  	v14 =	vld.idx.msk [tilespmem:v12+s26+$0x0], $0xffff  }
0x1ab: {  	v15 =	vld.idx.msk [tilespmem:v12+s28+$0x0], $0xffff  }
0x1ac: {  	p4 =	sgt.s32 s6, $0x20;
	v18 =	vld.idx.msk [tilespmem:v12+s29+$0x0], $0xffff  }
.Ltmp18:
0x1ad: {  	v20 =	vld.idx.msk [tilespmem:v12+s30+$0x0], $0xffff;
	(pc) =	sbr.rel @!p4 .LBB2_33-.Ltmp18, $4  }
0x1ae: {  	v19 =	vld.idx.msk [tilespmem:v11+s26+$0x0], $0xffff  }
0x1af: {  	v21 =	vld.idx.msk [tilespmem:v11+s29+$0x0], $0xffff  }
0x1b0: {  	v22 =	vld.idx.msk [tilespmem:v11+s30+$0x0], $0xffff  }
0x1b1: {  	v10 =	vimm.f32 $-Inf;
	v9 =	vimm.s32 $0x40000000;
	p2 =	por $0x0, $0x0;
	p3 =	por $0x0, $0x0;
	s9 =	simm.s32 $0x20;
	v23 =	vld.idx.msk [tilespmem:v11+s28+$0x0], $0xffff  }
0x1b2: {  	_ =	sdelay $0x2  }
0x1b3: {  	v13 =	vor.u32 s9, v1  }
0x1b4: {  	v16 =	vld.idx.msk [tilespmem:v12+s31+$0x0], $0xffff;
	v17 =	vmin.f32 v5, v18;
	v14 =	vmax.f32 v3, v14;
	v18 =	vmin.f32 v6, v20  }
0x1b5: {  	v15 =	vmax.f32 v4, v15;
	s1 =	simm.s32 $0x30;
	v19 =	vmax.f32 v3, v19;
	v24 =	vsub.f32 v17, v14  }
0x1b6: {  	v15 =	vsub.f32 v18, v15;
	v17 =	vor.u32 s1, v1;
	v20 =	vmin.f32 v5, v21;
	v21 =	vld.idx.msk [tilespmem:v11+s31+$0x0], $0xffff  }
0x1b7: {  	v22 =	vmin.f32 v6, v22;
	v19 =	vsub.f32 v20, v19;
	v18 =	vmax.f32 v4, v23  }
0x1b8: {  	v14 =	vld.idx.msk [tilespmem:v13+s26+$0x0], $0xffff;
	v20 =	vsub.f32 v22, v18;
	v18 =	vmax.f32 v24, $0.0e+00;
	v22 =	vmax.f32 v15, $0.0e+00  }
0x1b9: {  	v15 =	vld.idx.msk [tilespmem:v13+s28+$0x0], $0xffff;
	v16 =	vadd.f32 v16, v8;
	v29 =	vmul.f32 v22, v18  }
0x1ba: {  	p4 =	sgt.s32 s6, $0x40;
	v19 =	vmax.f32 v19, $0.0e+00;
	v18 =	vld.idx.msk [tilespmem:v13+s29+$0x0], $0xffff;
	v20 =	vmax.f32 v20, $0.0e+00  }
.Ltmp19:
0x1bb: {  	v22 =	vld.idx.msk [tilespmem:v17+s30+$0x0], $0xffff;
	v21 =	vadd.f32 v21, v8;
	v28 =	vmul.f32 v20, v19;
	v16 =	vsub.f32 v16, v29;
	(pc) =	sbr.rel @!p4 .LBB2_35-.Ltmp19, $4  }
0x1bc: {  	v20 =	vld.idx.msk [tilespmem:v13+s30+$0x0], $0xffff  }
0x1bd: {  	v19 =	vld.idx.msk [tilespmem:v17+s26+$0x0], $0xffff;
	v23 =	vsub.f32 v21, v28;
	v16 =	vadd.f32 $9.999999710e-10, v16  }
0x1be: {  	v21 =	vld.idx.msk [tilespmem:v17+s29+$0x0], $0xffff  }
0x1bf: {  	s9 =	simm.s32 $0x40;
	p2 =	por $0x1, $0x1;
	v31 =	vadd.f32 $9.999999710e-10, v23;
	v23 =	vld.idx.msk [tilespmem:v17+s28+$0x0], $0xffff;
	(erf) = vrcp.f32 v16  }
0x1c0: {  	_ =	sdelay $0x3  }
0x1c1: {  	v16 =	vor.u32 s9, v1;
	v24 =	vld.idx.msk [tilespmem:v13+s31+$0x0], $0xffff;
	v18 =	vmin.f32 v5, v18;
	(erf) = vrcp.f32 v31  }
0x1c2: {  	v14 =	vmax.f32 v3, v14;
	v15 =	vmax.f32 v4, v15;
	v20 =	vmin.f32 v6, v20  }
0x1c3: {  	v27 =	vld.idx.msk [tilespmem:v17+s31+$0x0], $0xffff;
	v14 =	vsub.f32 v18, v14;
	v18 =	vmin.f32 v6, v22;
	v19 =	vmax.f32 v3, v19  }
0x1c4: {  	v15 =	vsub.f32 v20, v15;
	v21 =	vmin.f32 v5, v21;
	v20 =	vmax.f32 v4, v23  }
0x1c5: {  	s1 =	simm.s32 $0x50;
	v19 =	vsub.f32 v21, v19;
	v18 =	vsub.f32 v18, v20;
	v20 =	vmax.f32 v14, $0.0e+00  }
0x1c6: {  	v26 =	vor.u32 s1, v1;
	v21 =	vld.idx.msk [tilespmem:v12+s24+$0x0], $0xffff;
	v15 =	vmax.f32 v15, $0.0e+00;
	v22 =	vadd.f32 v24, v8  }
0x1c7: {  	v14 =	vld.idx.msk [tilespmem:v16+s26+$0x0], $0xffff;
	v25 =	vmul.f32 v15, v20;
	v19 =	vmax.f32 v19, $0.0e+00;
	v23 =	vmax.f32 v18, $0.0e+00  }
0x1c8: {  	v15 =	vld.idx.msk [tilespmem:v16+s28+$0x0], $0xffff;
	v20 =	vpop (erf);
	v24 =	vmul.f32 v23, v19;
	v23 =	vadd.f32 v27, v8  }
0x1c9: {  	v18 =	vld.idx.msk [tilespmem:v16+s29+$0x0], $0xffff;
	v22 =	vsub.f32 v22, v25;
	v20 =	vmul.f32 v20, v29  }
0x1ca: {  	vm0 =	veq.s32 v12, v7;
	p4 =	sgt.s32 s6, $0x60;
	v27 =	vld.idx.msk [tilespmem:v11+s24+$0x0], $0xffff;
	v19 =	vpop (erf);
	v23 =	vsub.f32 v23, v24  }
.Ltmp20:
0x1cb: {  	v29 =	vadd.f32 $9.999999710e-10, v22;
	v22 =	vld.idx.msk [tilespmem:v26+s30+$0x0], $0xffff;
	vm1 =	vgt.f32 v20, $5.000000000e-01;
	v28 =	vmul.f32 v19, v28;
	(pc) =	sbr.rel @!p4 .LBB2_37-.Ltmp20, $4  }
0x1cc: {  	vm14 =	veq.s32 v11, v7;
	v20 =	vld.idx.msk [tilespmem:v16+s30+$0x0], $0xffff;
	vm0 =	vmor vm0, vm1  }
0x1cd: {  	v19 =	vld.idx.msk [tilespmem:v26+s26+$0x0], $0xffff;
	v31 =	vadd.f32 $9.999999710e-10, v23;
	v30 =	vsel vm0, $0xFF800000, v21;
	vm15 =	vgt.f32 v28, $5.000000000e-01  }
0x1ce: {  	(erf) = vrcp.f32 v29;
	v21 =	vld.idx.msk [tilespmem:v26+s29+$0x0], $0xffff;
	vm2 =	vgt.f32 v30, v10;
	[tilespmem:v12+s24+$0x0] =	vst.idx.msk $0xffff, v30;
	vm0 =	vmor vm14, vm15  }
0x1cf: {  	s9 =	simm.s32 $0x60;
	p3 =	por $0x1, $0x1;
	v23 =	vld.idx.msk [tilespmem:v26+s28+$0x0], $0xffff;
	v32 =	vsel vm2, v12, v9;
	v33 =	vsel vm2, v30, v10;
	v27 =	vsel vm0, $0xFF800000, v27;
	v12 =	vmovc v16  }
.LBB2_38:
0x1d0: {  	v28 =	vld.idx.msk [tilespmem:v16+s31+$0x0], $0xffff;
	v16 =	vor.u32 s9, v1;
	(erf) = vrcp.f32 v31;
	[tilespmem:v11+s24+$0x0] =	vst.idx.msk $0xffff, v27;
	vm0 =	vgt.f32 v27, v33  }
0x1d1: {  	v18 =	vmin.f32 v5, v18;
	v27 =	vsel vm0, v27, v33;
	v29 =	vsel vm0, v11, v32;
	v11 =	vmovc v17  }
0x1d2: {  	v14 =	vmax.f32 v3, v14;
	v20 =	vmin.f32 v6, v20;
	v15 =	vmax.f32 v4, v15;
	v30 =	vld.idx.msk [tilespmem:v26+s31+$0x0], $0xffff  }
0x1d3: {  	v19 =	vmax.f32 v3, v19;
	v21 =	vmin.f32 v5, v21;
	v17 =	vmovc v26;
	v22 =	vmin.f32 v6, v22  }
0x1d4: {  	s1 =	sadd.s32 $0x10, s9;
	v18 =	vsub.f32 v18, v14;
	v20 =	vsub.f32 v20, v15;
	v15 =	vmax.f32 v4, v23;
	v23 =	vld.idx.msk [tilespmem:v13+s24+$0x0], $0xffff  }
0x1d5: {  	v26 =	vor.u32 s1, v1;
	v19 =	vsub.f32 v21, v19;
	v31 =	vsub.f32 v22, v15;
	v14 =	vld.idx.msk [tilespmem:v16+s26+$0x0], $0xffff  }
0x1d6: {  	v20 =	vmax.f32 v20, $0.0e+00;
	v22 =	vmax.f32 v18, $0.0e+00;
	v28 =	vadd.f32 v28, v8;
	v15 =	vld.idx.msk [tilespmem:v16+s28+$0x0], $0xffff  }
0x1d7: {  	s9 =	sadd.s32 $0x20, s9;
	v19 =	vmax.f32 v19, $0.0e+00;
	v22 =	vmul.f32 v20, v22;
	v20 =	vmax.f32 v31, $0.0e+00;
	v18 =	vld.idx.msk [tilespmem:v16+s29+$0x0], $0xffff;
	v21 =	vpop (erf)  }
0x1d8: {  	p4 =	slt.s32 s9, s6;
	v31 =	vmul.f32 v20, v19;
	v30 =	vadd.f32 v30, v8;
	v21 =	vmul.f32 v21, v25;
	v34 =	vld.idx.msk [tilespmem:v11+s24+$0x0], $0xffff  }
0x1d9: {  	vm0 =	veq.s32 v13, v7;
	v28 =	vsub.f32 v28, v22;
	v25 =	vmov v22;
	v20 =	vld.idx.msk [tilespmem:v16+s30+$0x0], $0xffff;
	v32 =	vpop (erf)  }
.Ltmp21:
0x1da: {  	v30 =	vsub.f32 v30, v31;
	v19 =	vld.idx.msk [tilespmem:v26+s26+$0x0], $0xffff;
	vm1 =	vgt.f32 v21, $5.000000000e-01;
	v32 =	vmul.f32 v32, v24;
	v24 =	vmovc v31;
	(pc) =	sbr.rel @p4 .LBB2_38-.Ltmp21, $4  }
0x1db: {  	v28 =	vadd.f32 $9.999999710e-10, v28;
	v21 =	vld.idx.msk [tilespmem:v26+s29+$0x0], $0xffff;
	vm0 =	vmor vm0, vm1;
	vm1 =	veq.s32 v11, v7  }
0x1dc: {  	v31 =	vadd.f32 $9.999999710e-10, v30;
	v22 =	vld.idx.msk [tilespmem:v26+s30+$0x0], $0xffff;
	v30 =	vsel vm0, $0xFF800000, v23;
	vm0 =	vgt.f32 v32, $5.000000000e-01  }
0x1dd: {  	v23 =	vld.idx.msk [tilespmem:v26+s28+$0x0], $0xffff;
	(erf) = vrcp.f32 v28;
	[tilespmem:v13+s24+$0x0] =	vst.idx.msk $0xffff, v30;
	vm2 =	vgt.f32 v30, v27;
	vm0 =	vmor vm1, vm0  }
0x1de: {  	v33 =	vsel vm2, v30, v27;
	v32 =	vsel vm2, v13, v29;
	v27 =	vsel vm0, $0xFF800000, v34;
	v13 =	vmovc v12;
	v12 =	vmovc v16  }
0x1df: {  	v30 =	vmov v11  }
0x1e0: {  	v34 =	vmovc v17;
	v11 =	vmovc v26;
	v26 =	vmov v13;
	v29 =	vmov v25;
	v28 =	vmov v24  }
.LBB2_40:
0x1e1: {  	_ =	sdelay $0x3  }
0x1e2: {  	v13 =	vld.idx.msk [tilespmem:v16+s31+$0x0], $0xffff;
	v51 =	vmin.f32 v5, v18;
	v14 =	vmax.f32 v3, v14  }
0x1e3: {  	v17 =	vmin.f32 v6, v20;
	v15 =	vmax.f32 v4, v15;
	v53 =	vmin.f32 v5, v21  }
0x1e4: {  	v52 =	vld.idx.msk [tilespmem:v11+s31+$0x0], $0xffff;
	v19 =	vmax.f32 v3, v19;
	v14 =	vsub.f32 v51, v14;
	v15 =	vsub.f32 v17, v15  }
0x1e5: {  	v54 =	vmin.f32 v6, v22;
	v55 =	vmax.f32 v4, v23;
	v18 =	vsub.f32 v53, v19  }
0x1e6: {  	v17 =	vsub.f32 v54, v55;
	v14 =	vmax.f32 v14, $0.0e+00;
	v15 =	vmax.f32 v15, $0.0e+00  }
0x1e7: {  	v14 =	vmul.f32 v15, v14;
	v13 =	vadd.f32 v13, v8  }
0x1e8: {  	(erf) = vrcp.f32 @p2 v31;
	v56 =	vmax.f32 v18, $0.0e+00;
	v17 =	vmax.f32 v17, $0.0e+00  }
0x1e9: {  	v15 =	vmul.f32 v17, v56;
	v16 =	vadd.f32 v52, v8;
	v13 =	vsub.f32 v13, v14;
	_ =	sdelay $0x1  }
0x1ea: {  	v16 =	vsub.f32 v16, v15;
	v13 =	vadd.f32 $9.999999710e-10, v13;
	_ =	sdelay $0x1  }
0x1eb: {  	v17 =	vmov @p2 v34;
	v16 =	vadd.f32 $9.999999710e-10, v16;
	(erf) = vrcp.f32 v13;
	_ =	sdelay $0x1  }
0x1ec: {  	v18 =	vpop @p2 (erf);
	(erf) = vrcp.f32 v16  }
0x1ed: {  	v13 =	vld.idx.msk @p2 [tilespmem:v26+s24+$0x0], $0xffff  }
0x1ee: {  	vm0 =	vgt.f32 @p3 v27, v33;
	vm1 =	veq.s32 @p2 v26, v7;
	v16 =	vmul.f32 @p2 v18, v29  }
0x1ef: {  	vm10 =	veq.s32 v12, v7;
	vm12 =	veq.s32 v11, v7;
	v19 =	vsel @p3 vm0, v27, v33;
	v18 =	vpop @p2 (erf);
	v20 =	vld.idx.msk @p2 [tilespmem:v17+s24+$0x0], $0xffff  }
0x1f0: {  	vm2 =	vgt.f32 @p2 v16, $5.000000000e-01;
	v16 =	vmul.f32 @p2 v18, v28;
	v18 =	vsel @p3 vm0, v30, v32  }
0x1f1: {  	vm0 =	vmor @p2 vm1, vm2;
	vm1 =	veq.s32 @p2 v17, v7;
	v18 =	vpsel p3, v18, v9  }
0x1f2: {  	v13 =	vsel @p2 vm0, $0xFF800000, v13;
	vm0 =	vgt.f32 @p2 v16, $5.000000000e-01;
	v16 =	vpsel p3, v19, v10  }
0x1f3: {  	v57 =	vld.idx.msk [tilespmem:v12+s24+$0x0], $0xffff;
	v17 =	vpsel p2, v17, v0;
	vm2 =	vgt.f32 @p2 v13, v16;
	vm0 =	vmor @p2 vm1, vm0;
	v58 =	vpop (erf)  }
0x1f4: {  	v16 =	vsel @p2 vm2, v13, v16;
	v19 =	vsel @p2 vm0, $0xFF800000, v20;
	v14 =	vmul.f32 v58, v14  }
0x1f5: {  	v59 =	vld.idx.msk [tilespmem:v11+s24+$0x0], $0xffff;
	v18 =	vsel @p2 vm2, v26, v18;
	v19 =	vpsel p2, v19, v0;
	v16 =	vpsel p2, v16, v0;
	v60 =	vpop (erf)  }
0x1f6: {  	vm0 =	vgt.f32 @p2 v19, v16;
	v61 =	vmul.f32 v60, v15;
	vm11 =	vgt.f32 v14, $5.000000000e-01  }
0x1f7: {  	v18 =	vpsel p2, v18, v0;
	v15 =	vsel @p2 vm0, v19, v16;
	vm1 =	vmor vm10, vm11  }
.Ltmp22:
0x1f8: {  	[tilespmem:v30+s24+$0x0] =	vst.idx.msk @p3 $0xffff, v27;
	v10 =	vpsel p2, v15, v10;
	vm13 =	vgt.f32 v61, $5.000000000e-01;
	v62 =	vsel vm1, $0xFF800000, v57;
	(pc) =	sbr.rel .LBB2_26-.Ltmp22, $4  }
0x1f9: {  	[tilespmem:v26+s24+$0x0] =	vst.idx.msk @p2 $0xffff, v13;
	v13 =	vsel @p2 vm0, v17, v18;
	vm1 =	vmor vm12, vm13;
	vm14 =	vgt.f32 v62, v10  }
0x1fa: {  	[tilespmem:v17+s24+$0x0] =	vst.idx.msk @p2 $0xffff, v19;
	v9 =	vpsel p2, v13, v9;
	v63 =	vsel vm1, $0xFF800000, v59;
	v10 =	vsel vm14, v62, v10  }
0x1fb: {  	[tilespmem:v12+s24+$0x0] =	vst.idx.msk $0xffff, v62;
	v9 =	vsel vm14, v12, v9;
	vm15 =	vgt.f32 v63, v10  }
0x1fc: {  	[tilespmem:v11+s24+$0x0] =	vst.idx.msk $0xffff, v63;
	v10 =	vsel vm15, v63, v10;
	v9 =	vsel vm15, v11, v9  }
.LBB2_25:
0x1fd: {  	v9 =	vimm.s32 $0x40000000;
	v10 =	vimm.f32 $-Inf  }
.LBB2_26:
.Ltmp23:
0x1fe: {  	(pc) =	sbr.rel @p1 .LBB2_28-.Ltmp23, $2  }
0x1ff: {  	_ =	sdelay $0x2  }
0x200: {  	s9 =	smov.u32 s6  }
.LBB2_27:
0x201: {  	v11 =	vor.u32 s9, v1;
	_ =	sdelay $0x4  }
0x202: {  	v12 =	vld.idx.msk [tilespmem:v11+s26+$0x0], $0xffff  }
0x203: {  	v13 =	vld.idx.msk [tilespmem:v11+s28+$0x0], $0xffff  }
0x204: {  	v14 =	vld.idx.msk [tilespmem:v11+s29+$0x0], $0xffff  }
0x205: {  	v15 =	vld.idx.msk [tilespmem:v11+s30+$0x0], $0xffff;
	_ =	sdelay $0x3  }
0x206: {  	v16 =	vld.idx.msk [tilespmem:v11+s31+$0x0], $0xffff;
	v14 =	vmin.f32 v5, v14  }
0x207: {  	v12 =	vmax.f32 v3, v12;
	v15 =	vmin.f32 v6, v15;
	v13 =	vmax.f32 v4, v13  }
0x208: {  	v12 =	vsub.f32 v14, v12;
	v13 =	vsub.f32 v15, v13;
	_ =	sdelay $0x1  }
0x209: {  	v12 =	vmax.f32 v12, $0.0e+00;
	v13 =	vmax.f32 v13, $0.0e+00  }
0x20a: {  	v60 =	vadd.f32 v16, v8;
	v12 =	vmul.f32 v13, v12;
	_ =	sdelay $0x1  }
0x20b: {  	v13 =	vsub.f32 v60, v12;
	_ =	sdelay $0x1  }
0x20c: {  	v13 =	vadd.f32 $9.999999710e-10, v13;
	_ =	sdelay $0x1  }
0x20d: {  	(erf) = vrcp.f32 v13;
	_ =	sdelay $0x8  }
0x20e: {  	v61 =	vld.idx.msk [tilespmem:v11+s24+$0x0], $0xffff;
	v62 =	vpop (erf)  }
0x20f: {  	s9 =	sadd.s32 $0x10, s9;
	v12 =	vmul.f32 v62, v12  }
0x210: {  	p2 =	slt.s32 s9, s5  }
.Ltmp24:
0x211: {  	vm1 =	veq.s32 v11, v7;
	vm0 =	vgt.f32 v12, $5.000000000e-01;
	(pc) =	sbr.rel @p2 .LBB2_27-.Ltmp24, $4  }
0x212: {  	vm0 =	vmor vm1, vm0  }
0x213: {  	v63 =	vsel vm0, $0xFF800000, v61  }
0x214: {  	vm0 =	vgt.f32 v63, v10  }
0x215: {  	[tilespmem:v11+s24+$0x0] =	vst.idx.msk $0xffff, v63;
	v10 =	vsel vm0, v63, v10;
	v9 =	vsel vm0, v11, v9  }
.Ltmp25:
0x216: {  	_ = 	snop;
	(pc) =	sbr.rel .LBB2_28-.Ltmp25, $1  }
0x217: {  	_ =	sdelay $0x3  }
.LBB2_33:
.Ltmp26:
0x218: {  	(pc) =	sbr.rel .LBB2_40-.Ltmp26, $2  }
0x219: {  	_ =	sdelay $0x2  }
0x21a: {  	v16 =	vmov v12  }
.LBB2_35:
.Ltmp27:
0x21b: {  	(pc) =	sbr.rel .LBB2_40-.Ltmp27, $2  }
0x21c: {  	_ =	sdelay $0x2  }
0x21d: {  	v34 =	vmovc v11;
	v26 =	vmovc v12;
	v16 =	vmov v13;
	v11 =	vmov v17;
	v12 =	vmov v13  }
.LBB2_37:
.Ltmp28:
0x21e: {  	(pc) =	sbr.rel .LBB2_40-.Ltmp28, $3  }
0x21f: {  	_ =	sdelay $0x1  }
0x220: {  	v30 =	vmov v11;
	v34 =	vmov v17  }
0x221: {  	v11 =	vmovc v26;
	v26 =	vmovc v13;
	v29 =	vmov v25;
	v28 =	vmov v24;
	v12 =	vmov v16  }
.LBB2_29:
0x222: {  	p0 =	slt.s32 s7, $0x64  }
0x223: {  	s7 =	simm.s32 @!p0 $0x64  }
0x224: {  	s7 =	scvt.s32.f32 s7  }
.LBB2_30:
0x225: {  	_ =	sdelay $0x2  }
0x226: {  	v3 =	vmov s7  }
0x227: {  	s1 =	rddreg [dreg:$0x4];
	s6 =	simm.s32 $0x3;
	[tilespmem:v2+s0+$0x0] =	vst.idx.msk $0x1, v3  }
0x228: {  	[hbm4b:s1+s14] =	stream.strided.scatter [tilespmem:s0], [sflag:$0x4], $0x280, s20, s14, $0x38;
	[tilespmem:$0x10C80] =	vst v63  }
0x229: {  	_ =	swait.ge [sflag:s6], $0x1400  }
0x22a: {  	[sflag:s6] =	ssyncset.done $0x0  }
0x22b: {  	s7 =	simm.s32 $0x0;
	s5 =	rddreg [dreg:$0x5];
	[sflag:s6] =	ssyncadd.s32 $0xFFFFEC00  }
0x22c: {  	[tilespmem:s7], [sflag:$0x2] =	stream.strided.gather [hbm4b:s5+s14], $0x1400, s20, s14, $0x38;
	[tilespmem:$0x10C80] =	vst v63  }
0x22d: {  	[tilespmem:$0x10A00] =	vst v0  }
0x22e: {  	[tilespmem:$0x10A10] =	vst v0  }
0x22f: {  	[tilespmem:$0x10A20] =	vst v0  }
0x230: {  	[tilespmem:$0x10A30] =	vst v0  }
0x231: {  	[tilespmem:$0x10A40] =	vst v0  }
0x232: {  	[tilespmem:$0x10A50] =	vst v0  }
0x233: {  	[tilespmem:$0x10A60] =	vst v0  }
0x234: {  	[tilespmem:$0x10A70] =	vst v0  }
0x235: {  	[tilespmem:$0x10A80] =	vst v0  }
0x236: {  	[tilespmem:$0x10A90] =	vst v0  }
0x237: {  	[tilespmem:$0x10AA0] =	vst v0  }
0x238: {  	[tilespmem:$0x10AB0] =	vst v0  }
0x239: {  	[tilespmem:$0x10AC0] =	vst v0  }
0x23a: {  	[tilespmem:$0x10AD0] =	vst v0  }
0x23b: {  	[tilespmem:$0x10AE0] =	vst v0  }
0x23c: {  	[tilespmem:$0x10AF0] =	vst v0  }
0x23d: {  	[tilespmem:$0x10B00] =	vst v0  }
0x23e: {  	[tilespmem:$0x10B10] =	vst v0  }
0x23f: {  	[tilespmem:$0x10B20] =	vst v0  }
0x240: {  	[tilespmem:$0x10B30] =	vst v0  }
0x241: {  	[tilespmem:$0x10B40] =	vst v0  }
0x242: {  	[tilespmem:$0x10B50] =	vst v0  }
0x243: {  	[tilespmem:$0x10B60] =	vst v0  }
0x244: {  	[tilespmem:$0x10B70] =	vst v0  }
0x245: {  	[tilespmem:$0x10B80] =	vst v0  }
0x246: {  	[tilespmem:$0x10B90] =	vst v0  }
0x247: {  	[tilespmem:$0x10BA0] =	vst v0  }
0x248: {  	[tilespmem:$0x10BB0] =	vst v0  }
0x249: {  	[tilespmem:$0x10BC0] =	vst v0  }
0x24a: {  	[tilespmem:$0x10BD0] =	vst v0  }
0x24b: {  	[tilespmem:$0x10BE0] =	vst v0  }
0x24c: {  	[tilespmem:$0x10BF0] =	vst v0  }
0x24d: {  	[tilespmem:$0x10C00] =	vst v0  }
0x24e: {  	[tilespmem:$0x10C10] =	vst v0  }
0x24f: {  	s8 =	simm.s32 $0x20;
	[tilespmem:$0x10C20] =	vst v0  }
0x250: {  	s9 =	simm.s32 $0x30;
	v3 =	vor.u32 s8, v1;
	[tilespmem:$0x10C30] =	vst v0  }
0x251: {  	v4 =	vor.u32 s9, v1;
	[tilespmem:$0x10C40] =	vst v0  }
0x252: {  	s10 =	simm.s32 $0x60;
	v29 =	vor.u32 s7, v1;
	[tilespmem:$0x10C50] =	vst v0  }
0x253: {  	s11 =	simm.s32 $0x70;
	v7 =	vor.u32 s10, v1;
	[tilespmem:$0x10C60] =	vst v0  }
0x254: {  	v6 =	vor.u32 s11, v1;
	s6 =	simm.s32 $0x10;
	[tilespmem:$0x10C70] =	vst v0  }
0x255: {  	s12 =	simm.s32 $0x50;
	v28 =	vor.u32 s6, v1;
	v5 =	vld.idx.msk [tilespmem:v3+s22+$0x0], $0xffff  }
0x256: {  	s13 =	simm.s32 $0x40;
	v8 =	vor.u32 s12, v1;
	v15 =	vld.idx.msk [tilespmem:v4+s22+$0x0], $0xffff  }
0x257: {  	v10 =	vor.u32 s13, v1;
	v33 =	vld.idx.msk [tilespmem:v29+s22+$0x0], $0xffff  }
0x258: {  	v14 =	vld.idx.msk [tilespmem:v7+s22+$0x0], $0xffff  }
0x259: {  	v9 =	vld.idx.msk [tilespmem:v6+s22+$0x0], $0xffff  }
0x25a: {  	v26 =	vld.idx.msk [tilespmem:v28+s22+$0x0], $0xffff  }
0x25b: {  	v11 =	vld.idx.msk [tilespmem:v8+s22+$0x0], $0xffff  }
0x25c: {  	v13 =	vld.idx.msk [tilespmem:v10+s22+$0x0], $0xffff  }
0x25d: {  	vm0 =	vge.f32 v5, $8.999999760e-01  }
0x25e: {  	vm1 =	vge.f32 v15, $8.999999760e-01;
	vm11 =	vge.f32 v14, $8.999999760e-01;
	vm12 =	vge.f32 v9, $8.999999760e-01  }
0x25f: {  	vm3 =	vge.f32 v33, $8.999999760e-01;
	vm0 =	vmor vm0, vm1;
	vm2 =	vge.f32 v26, $8.999999760e-01  }
0x260: {  	vm13 =	vge.f32 v11, $8.999999760e-01;
	vm1 =	vmor vm11, vm12;
	vm0 =	vmor vm2, vm0  }
0x261: {  	vm14 =	vge.f32 v13, $8.999999760e-01;
	vm1 =	vmor vm13, vm1;
	vm0 =	vmor vm3, vm0  }
0x262: {  	vm15 =	vmor vm14, vm1;
	v12 =	vsel vm0, $0x3F800000, v0  }
0x263: {  	(xrf0) =	vmax.scan.msk.f32 $0xffff, v12;
	v12 =	vsel vm15, $0x3F800000, v0  }
0x264: {  	(xrf0) =	vmax.scan.msk.f32 $0xffff, v12;
	_ =	sdelay $0x1  }
0x265: {  	p0 =	por $0x1, $0x1  }
.Ltmp29:
0x266: {  	_ = 	snop;
	(pc) =	sbr.rel @!p0 .LBB2_31-.Ltmp29, $4  }
0x267: {  	_ = 	snop  }
0x268: {  	v12, _, _ =	vpop (xrf0)  }
0x269: {  	(v2sf) =	vpush v12, $0xF;
	v12, _, _ =	vpop (xrf0)  }
0x26a: {  	v16 =	vimm.s32 $0x0;
	p1 =	por $0x0, $0x0;
	s5 =	simm.s32 $0x80;
	(v2sf) =	vpush v12, $0xF  }
0x26b: {  	_ = 	snop  }
0x26c: {  	s1 =	simm.s32 $0xA0  }
0x26d: {  	s7 =	simm.s32 $0xB0;
	v20 =	vor.u32 s1, v1  }
0x26e: {  	s6 =	simm.s32 $0x90;
	v18 =	vor.u32 s7, v1  }
0x26f: {  	s10 =	simm.s32 $0xF0;
	v17 =	vor.u32 s6, v1  }
0x270: {  	v21 =	vor.u32 s10, v1;
	_ =	sdelay $0x1  }
0x271: {  	v19 =	vor.u32 s5, v1;
	v24 =	vld.idx.msk [tilespmem:v20+s22+$0x0], $0xffff  }
0x272: {  	s8 =	simm.s32 $0xE0;
	v12 =	vld.idx.msk [tilespmem:v18+s22+$0x0], $0xffff  }
0x273: {  	s9 =	simm.s32 $0xD0;
	v22 =	vor.u32 s8, v1;
	v32 =	vld.idx.msk [tilespmem:v17+s22+$0x0], $0xffff  }
0x274: {  	v23 =	vor.u32 s9, v1;
	v27 =	vld.idx.msk [tilespmem:v21+s22+$0x0], $0xffff;
	_ =	sdelay $0x1  }
0x275: {  	v25 =	vld.idx.msk [tilespmem:v19+s22+$0x0], $0xffff  }
0x276: {  	s12 =	simm.s32 $0xC0;
	s11 =	spop (v2sf)  }
0x277: {  	v31 =	vor.u32 s12, v1;
	v34 =	vld.idx.msk [tilespmem:v22+s22+$0x0], $0xffff;
	vm0 =	vge.f32 v24, $8.999999760e-01;
	p1 =	sgt.f32 s11, $0.0e+00  }
0x278: {  	v30 =	vld.idx.msk [tilespmem:v23+s22+$0x0], $0xffff;
	vm1 =	vge.f32 v12, $8.999999760e-01;
	vm2 =	vge.f32 v32, $8.999999760e-01;
	vm5 =	vge.f32 v27, $8.999999760e-01  }
0x279: {  	vm0 =	vmor vm0, vm1;
	vm7 =	vge.f32 @p1 v33, $8.999999760e-01;
	v35 =	vimm.s32 @p1 $0x0  }
0x27a: {  	vm1 =	vge.f32 v25, $8.999999760e-01;
	vm6 =	vge.f32 @p1 v26, $8.999999760e-01;
	v36 =	vsel @p1 vm7, $0x1, v35  }
0x27b: {  	vm0 =	vmor vm2, vm0;
	vm4 =	vge.f32 @p1 v15, $8.999999760e-01;
	v38 =	vsel @p1 vm6, $0x1, v35;
	(xrf0) =	vadd.scan.msk.s32 @p1 $0xffff, v36  }
0x27c: {  	vm2 =	vge.f32 v34, $8.999999760e-01;
	s13 =	spop (v2sf);
	vm1 =	vmor vm1, vm0;
	v36 =	vld.idx.msk [tilespmem:v31+s22+$0x0], $0xffff;
	(xrf0) =	vadd.scan.msk.s32 @p1 $0xffff, v38;
	v38 =	vsel @p1 vm4, $0x1, v35  }
0x27d: {  	vm5 =	vmor vm2, vm5;
	p2 =	sgt.f32 s13, $0.0e+00;
	v61 =	vsel vm1, $0x3F800000, v0;
	vm1 =	vge.f32 v30, $8.999999760e-01;
	(xrf0) =	vadd.scan.msk.s32 @p1 $0xffff, v38  }
0x27e: {  	vm3 =	vge.f32 @p1 v5, $8.999999760e-01;
	vm5 =	vmor vm1, vm5;
	(xrf0) =	vmax.scan.msk.f32 $0xffff, v61  }
0x27f: {  	v41 =	vimm.s32 @p2 $0x0;
	vm2 =	vge.f32 @p2 v13, $8.999999760e-01;
	v35 =	vsel @p1 vm3, $0x1, v35  }
0x280: {  	p0 =	por p1, p1;
	v37 =	vmpcnt.ones.xlane @p1 vm7;
	v39 =	vmpcnt.ones.xlane @p1 vm4;
	v43 =	vsel @p2 vm2, $0x1, v41  }
0x281: {  	v40 =	vmpcnt.ones.xlane @p1 vm3;
	vm1 =	vge.f32 @p2 v14, $8.999999760e-01;
	vm8 =	vge.f32 v36, $8.999999760e-01;
	v42, _, _ =	vpop @p1 (xrf0);
	(xrf0) =	vadd.scan.msk.s32 @p0 $0xffff, v35  }
0x282: {  	v44 =	vsel @p2 vm1, $0x1, v41;
	v37 =	vadd.s32 @p0 v16, v37;
	vm5 =	vmor vm8, vm5;
	v35, _, _ =	vpop @p1 (xrf0);
	(xrf0) =	vadd.scan.msk.s32 @p2 $0xffff, v43  }
0x283: {  	v38 =	vmpcnt.ones.xlane @p0 vm6;
	v42 =	vadd.s32 @p0 v42, v16;
	v45 =	vsel vm5, $0x3F800000, v0;
	v43, _, _ =	vpop @p1 (xrf0);
	(xrf0) =	vadd.scan.msk.s32 @p2 $0xffff, v44  }
0x284: {  	vm0 =	vge.f32 @p2 v9, $8.999999760e-01;
	v35 =	vadd.s32 @p0 v37, v35;
	v62, _, _ =	vpop (xrf0);
	(xrf0) =	vmax.scan.msk.f32 $0xffff, v45;
	v45 =	vadd.s32 @p0 $0xFFFFFFFF, v42  }
0x285: {  	v37 =	vadd.s32 @p0 v37, v38;
	v46 =	vadd.s32 @p0 $0xFFFFFFFF, v35;
	v35 =	vsel @p2 vm0, $0x1, v41  }
0x286: {  	vm5 =	vge.f32 @p2 v11, $8.999999760e-01;
	(xrf0) =	vadd.scan.msk.s32 @p2 $0xffff, v35;
	v35 =	vadd.s32 @p0 v37, v40  }
0x287: {  	v38 =	vmpcnt.ones.xlane @p2 vm2;
	(v2sf) =	vpush v62, $0xF;
	v39 =	vadd.s32 @p0 v35, v39  }
0x288: {  	s5 =	simm.s32 @p0 $0x7800;
	v44 =	vmpcnt.ones.xlane @p2 vm5;
	v41 =	vsel @p2 vm5, $0x1, v41;
	v40, _, _ =	vpop @p1 (xrf0);
	v42 =	vpsel p0, v39, v16  }
0x289: {  	p3 =	por $0x1, $0x1;
	s6 =	simm.s32 @p0 $0x8C80;
	(xrf0) =	vadd.scan.msk.s32 @p2 $0xffff, v41;
	v37 =	vadd.s32 @p0 v37, v40;
	v40 =	vadd.s32 @p2 v42, v38;
	[tilespmem:v45+s5+$0x0] =	vst.idx.msk @p0 vm7, v33  }
.Ltmp30:
0x28a: {  	v39, _, _ =	vpop @p2 (xrf0);
	[tilespmem:v45+s6+$0x0] =	vst.idx.msk @p0 vm7, v29;
	v29 =	vadd.s32 @p2 v40, v44;
	(pc) =	sbr.rel @!p3 .LBB2_42-.Ltmp30, $4  }
0x28b: {  	v47 =	vmpcnt.ones.xlane @p2 vm1;
	v48 =	vmpcnt.ones.xlane @p2 vm0;
	v33, _, _ =	vpop @p2 (xrf0);
	v38 =	vadd.s32 @p2 v39, v42  }
0x28c: {  	vm3 =	vmmov vm3;
	v35 =	vadd.s32 @p0 v35, v43;
	v63, _, _ =	vpop (xrf0);
	v38 =	vadd.s32 @p2 $0xFFFFFFFF, v38  }
0x28d: {  	[tilespmem:v46+s5+$0x0] =	vst.idx.msk @p0 vm6, v26;
	v39 =	vadd.s32 @p2 v29, v33;
	v26 =	vadd.s32 @p2 v29, v47;
	(v2sf) =	vpush v63, $0xF;
	v29, _, _ =	vpop @p2 (xrf0)  }
0x28e: {  	s7 =	simm.s32 $0x100;
	vm4 =	vmmov vm4;
	p1 =	por $0x1, $0x1;
	[tilespmem:v46+s6+$0x0] =	vst.idx.msk @p0 vm6, v28;
	v48 =	vadd.s32 @p2 v26, v48;
	v41 =	vadd.s32 @p2 v26, v29  }
.LBB2_43:
0x28f: {  	s1 =	sadd.s32 $0x20, s7;
	s8 =	simm.s32 @p2 $0x8C80;
	v28, _, _ =	vpop @p2 (xrf0);
	v26 =	vmov v32;
	s9 =	smov.u32 s7  }
0x290: {  	s10 =	sadd.s32 $0x10, s7;
	v37 =	vadd.s32 @p0 $0xFFFFFFFF, v37;
	s11 =	simm.s32 @p2 $0x7800;
	v43 =	vor.u32 s1, v1;
	s1 =	sadd.s32 $0x30, s7;
	v29 =	vadd.s32 @p2 v40, v28  }
0x291: {  	v28 =	vor.u32 s10, v1;
	v40 =	vor.u32 s1, v1;
	s10 =	sadd.s32 $0x20, s1;
	s7 =	sadd.s32 $0x30, s1;
	s12 =	sadd.s32 $0x40, s1;
	[tilespmem:v38+s11+$0x0] =	vst.idx.msk @p2 vm2, v13;
	v33 =	vadd.s32 @p2 $0xFFFFFFFF, v29;
	v13 =	vmovc v36  }
0x292: {  	s1 =	sadd.s32 $0x10, s1;
	v36 =	vor.u32 s7, v1;
	v44 =	vor.u32 s12, v1;
	s13 =	sadd.s32 $0xFFFFFF90, s12;
	s7 =	sadd.s32 $0x10, s12;
	[tilespmem:v38+s8+$0x0] =	vst.idx.msk @p2 vm2, v10;
	v10 =	vmov v31  }
0x293: {  	v39 =	vadd.s32 @p2 $0xFFFFFFFF, v39;
	v29 =	vor.u32 s9, v1;
	v38 =	vor.u32 s10, v1;
	p3 =	slt.u32 s13, $0x1380;
	_ =	sdelay $0x1  }
0x294: {  	v41 =	vadd.s32 @p2 $0xFFFFFFFF, v41;
	[tilespmem:v37+s5+$0x0] =	vst.idx.msk @p0 vm3, v5;
	v5 =	vmov v24;
	v24 =	vld.idx.msk [tilespmem:v43+s22+$0x0], $0xffff  }
0x295: {  	v45 =	vld.idx.msk [tilespmem:v40+s22+$0x0], $0xffff;
	s9 =	spop (v2sf);
	[tilespmem:v33+s11+$0x0] =	vst.idx.msk @p2 vm5, v11;
	v11 =	vmov v30  }
0x296: {  	v32 =	vld.idx.msk [tilespmem:v28+s22+$0x0], $0xffff;
	p4 =	sgt.f32 s9, $0.0e+00;
	[tilespmem:v33+s8+$0x0] =	vst.idx.msk @p2 vm5, v8;
	v8 =	vmov v23;
	v23 =	vmov v38  }
0x297: {  	v35 =	vadd.s32 @p0 $0xFFFFFFFF, v35;
	v42 =	vpsel p2, v48, v42;
	v31 =	vor.u32 s1, v1;
	v33 =	vld.idx.msk [tilespmem:v29+s22+$0x0], $0xffff;
	[tilespmem:v39+s11+$0x0] =	vst.idx.msk @p2 vm1, v14  }
0x298: {  	v46 =	vld.idx.msk [tilespmem:v36+s22+$0x0], $0xffff;
	vm8 =	vge.f32 @p4 v5, $8.999999760e-01;
	vm6 =	vge.f32 @p4 v25, $8.999999760e-01;
	v47 =	vimm.s32 @p4 $0x0;
	[tilespmem:v39+s8+$0x0] =	vst.idx.msk @p2 vm1, v7;
	v7 =	vmovc v22;
	v22 =	vmovc v36  }
0x299: {  	v14 =	vmovc v34;
	vm9 =	vge.f32 @p4 v12, $8.999999760e-01;
	v30 =	vld.idx.msk [tilespmem:v38+s22+$0x0], $0xffff;
	v36 =	vsel @p4 vm6, $0x1, v47;
	v38 =	vmpcnt.ones.xlane @p4 vm6;
	[tilespmem:v41+s11+$0x0] =	vst.idx.msk @p2 vm0, v9  }
0x29a: {  	vm7 =	vge.f32 @p4 v26, $8.999999760e-01;
	vm1 =	vge.f32 v24, $8.999999760e-01;
	v39 =	vmpcnt.ones.xlane @p4 vm9;
	v9 =	vmovc v27;
	(xrf0) =	vadd.scan.msk.s32 @p4 $0xffff, v36;
	v27 =	vld.idx.msk [tilespmem:v44+s22+$0x0], $0xffff  }
0x29b: {  	v34 =	vsel @p4 vm7, $0x1, v47;
	v48 =	vsel @p4 vm9, $0x1, v47;
	vm2 =	vge.f32 v45, $8.999999760e-01;
	s1 =	spop (v2sf);
	[tilespmem:v41+s8+$0x0] =	vst.idx.msk @p2 vm0, v6;
	v6 =	vmovc v21;
	v21 =	vmovc v44  }
0x29c: {  	vm0 =	vge.f32 v32, $8.999999760e-01;
	vm1 =	vmor vm1, vm2;
	v41 =	vmpcnt.ones.xlane @p4 vm8;
	v36 =	vld.idx.msk [tilespmem:v31+s22+$0x0], $0xffff;
	p2 =	sgt.f32 s1, $0.0e+00;
	(xrf0) =	vadd.scan.msk.s32 @p4 $0xffff, v34  }
0x29d: {  	vm2 =	vge.f32 v33, $8.999999760e-01;
	vm0 =	vmor vm0, vm1;
	(xrf0) =	vadd.scan.msk.s32 @p4 $0xffff, v48;
	[tilespmem:v37+s6+$0x0] =	vst.idx.msk @p0 vm3, v3;
	v3 =	vmovc v20  }
0x29e: {  	vm1 =	vmor vm2, vm0;
	vm2 =	vge.f32 v46, $8.999999760e-01;
	v20 =	vmovc v43;
	vm0 =	vge.f32 @p2 v9, $8.999999760e-01;
	[tilespmem:v35+s5+$0x0] =	vst.idx.msk @p0 vm4, v15;
	v15 =	vmovc v12  }
0x29f: {  	v34 =	vsel @p4 vm8, $0x1, v47;
	v43 =	vsel vm1, $0x3F800000, v0;
	vm1 =	vge.f32 v30, $8.999999760e-01;
	[tilespmem:v35+s6+$0x0] =	vst.idx.msk @p0 vm4, v4;
	v4 =	vmovc v18;
	v18 =	vmovc v40;
	p0 =	por p4, p4  }
0x2a0: {  	v37 =	vimm.s32 @p2 $0x0;
	vm3 =	vge.f32 v27, $8.999999760e-01;
	(xrf0) =	vmax.scan.msk.f32 $0xffff, v43;
	v35 =	vmpcnt.ones.xlane @p0 vm7;
	v40, _, _ =	vpop @p4 (xrf0)  }
0x2a1: {  	v12 =	vmovc v45;
	vm3 =	vmor vm2, vm3;
	v38 =	vadd.s32 @p0 v42, v38;
	vm2 =	vge.f32 @p2 v13, $8.999999760e-01;
	(xrf0) =	vadd.scan.msk.s32 @p0 $0xffff, v34  }
0x2a2: {  	vm4 =	vge.f32 v36, $8.999999760e-01;
	vm3 =	vmor vm1, vm3;
	vm1 =	vge.f32 @p2 v14, $8.999999760e-01;
	v34, _, _ =	vpop @p4 (xrf0)  }
0x2a3: {  	v40 =	vadd.s32 @p0 v40, v42;
	v43 =	vsel @p2 vm2, $0x1, v37;
	vm3 =	vmor vm4, vm3;
	v44, _, _ =	vpop @p4 (xrf0)  }
0x2a4: {  	v48 =	vsel @p2 vm1, $0x1, v37;
	v45 =	vsel vm3, $0x3F800000, v0;
	v49 =	vadd.s32 @p0 v38, v34;
	v34 =	vmovc v46;
	(xrf0) =	vadd.scan.msk.s32 @p2 $0xffff, v43  }
0x2a5: {  	vm5 =	vge.f32 @p2 v11, $8.999999760e-01;
	v46 =	vsel @p2 vm0, $0x1, v37;
	v43 =	vadd.s32 @p0 $0xFFFFFFFF, v49;
	(xrf0) =	vadd.scan.msk.s32 @p2 $0xffff, v48  }
0x2a6: {  	v35 =	vadd.s32 @p0 v38, v35;
	v48 =	vmpcnt.ones.xlane @p2 vm1;
	v47, _, _ =	vpop (xrf0);
	(xrf0) =	vmax.scan.msk.f32 $0xffff, v45;
	v45 =	vadd.s32 @p0 $0xFFFFFFFF, v40  }
0x2a7: {  	v38 =	vmpcnt.ones.xlane @p2 vm2;
	(v2sf) =	vpush v47, $0xF;
	v47 =	vmpcnt.ones.xlane @p2 vm5;
	v40, _, _ =	vpop @p4 (xrf0);
	(xrf0) =	vadd.scan.msk.s32 @p2 $0xffff, v46  }
0x2a8: {  	v41 =	vadd.s32 @p0 v35, v41;
	v49 =	vmpcnt.ones.xlane @p2 vm0;
	v46 =	vsel @p2 vm5, $0x1, v37  }
0x2a9: {  	v37 =	vadd.s32 @p0 v35, v40;
	v35 =	vadd.s32 @p0 v41, v44;
	v40 =	vadd.s32 @p0 v41, v39;
	(xrf0) =	vadd.scan.msk.s32 @p2 $0xffff, v46  }
.Ltmp31:
0x2aa: {  	s5 =	simm.s32 @p0 $0x7800;
	vm4 =	vmmov vm9;
	vm3 =	vmmov vm8;
	v42 =	vpsel p0, v40, v42;
	v39, _, _ =	vpop @p2 (xrf0);
	(pc) =	sbr.rel @p3 .LBB2_43-.Ltmp31, $4  }
0x2ab: {  	s6 =	simm.s32 @p0 $0x8C80;
	v40 =	vadd.s32 @p2 v42, v38;
	[tilespmem:v45+s5+$0x0] =	vst.idx.msk @p0 vm6, v25;
	v39 =	vadd.s32 @p2 v39, v42;
	v41, _, _ =	vpop @p2 (xrf0);
	v25 =	vmov v33  }
0x2ac: {  	v44 =	vadd.s32 @p2 v40, v47;
	v33, _, _ =	vpop (xrf0);
	[tilespmem:v45+s6+$0x0] =	vst.idx.msk @p0 vm6, v19;
	v38 =	vadd.s32 @p2 $0xFFFFFFFF, v39;
	v19 =	vmov v29  }
0x2ad: {  	v39 =	vadd.s32 @p2 v44, v41;
	(v2sf) =	vpush v33, $0xF;
	[tilespmem:v43+s5+$0x0] =	vst.idx.msk @p0 vm7, v26;
	v26 =	vadd.s32 @p2 v44, v48;
	v29, _, _ =	vpop @p2 (xrf0)  }
0x2ae: {  	[tilespmem:v43+s6+$0x0] =	vst.idx.msk @p0 vm7, v17;
	v41 =	vadd.s32 @p2 v26, v29;
	v48 =	vadd.s32 @p2 v26, v49;
	v17 =	vmov v28  }
0x2af: {  	v44 =	vmov v13  }
0x2b0: {  	v45 =	vmovc v10;
	v43 =	vmovc v5;
	v46 =	vmov v11;
	v47 =	vmov v8;
	v49 =	vmov v14  }
0x2b1: {  	v50 =	vmovc v7;
	v51 =	vmovc v9;
	v53 =	vmov v6;
	v52 =	vmov v3;
	v54 =	vmov v4  }
0x2b2: {  	v26 =	vmovc v32;
	v13 =	vmovc v36;
	v10 =	vmov v31;
	v5 =	vmov v24;
	v11 =	vmov v30  }
0x2b3: {  	v8 =	vmovc v23;
	v33 =	vmovc v25;
	v7 =	vmov v22;
	v14 =	vmov v34;
	v9 =	vmov v27  }
0x2b4: {  	v6 =	vmovc v21;
	v3 =	vmovc v20;
	v4 =	vmov v18;
	v29 =	vmov v19;
	v28 =	vmov v17  }
.LBB2_45:
0x2b5: {  	_ =	sdelay $0x1  }
0x2b6: {  	p4 =	por !p2, !p1;
	s1 =	spop (v2sf)  }
0x2b7: {  	v17 =	vpsel p4, v42, v48;
	p5 =	sgt.f32 s1, $0.0e+00  }
0x2b8: {  	v16 =	vpsel p1, v17, v16  }
0x2b9: {  	vm9 =	vge.f32 @p5 v5, $8.999999760e-01;
	vm7 =	vge.f32 @p5 v33, $8.999999760e-01;
	v18 =	vimm.s32 @p5 $0x0  }
0x2ba: {  	vm8 =	vge.f32 @p5 v12, $8.999999760e-01;
	vm6 =	vge.f32 @p5 v26, $8.999999760e-01;
	p2 =	por p5, p5;
	v20 =	vmpcnt.ones.xlane @p5 vm7  }
0x2bb: {  	v19 =	vsel @p5 vm7, $0x1, v18;
	v21 =	vmpcnt.ones.xlane @p5 vm8;
	v22 =	vmpcnt.ones.xlane @p2 vm6;
	s9 =	spop (v2sf)  }
0x2bc: {  	v17 =	vsel @p5 vm6, $0x1, v18;
	v23 =	vmpcnt.ones.xlane @p5 vm9;
	v20 =	vadd.s32 @p2 v16, v20;
	p3 =	sgt.f32 s9, $0.0e+00  }
0x2bd: {  	v24 =	vsel @p5 vm8, $0x1, v18;
	v18 =	vsel @p5 vm9, $0x1, v18;
	v22 =	vadd.s32 @p2 v20, v22  }
0x2be: {  	v23 =	vadd.s32 @p2 v22, v23;
	vm10 =	vge.f32 @p3 v9, $8.999999760e-01;
	vm13 =	vge.f32 @p3 v13, $8.999999760e-01  }
0x2bf: {  	(xrf0) =	vadd.scan.msk.s32 @p5 $0xffff, v19;
	vm12 =	vge.f32 @p3 v11, $8.999999760e-01;
	v21 =	vadd.s32 @p2 v23, v21;
	v19 =	vmpcnt.ones.xlane @p3 vm13  }
0x2c0: {  	(xrf0) =	vadd.scan.msk.s32 @p5 $0xffff, v17;
	vm11 =	vge.f32 @p3 v14, $8.999999760e-01;
	v17 =	vmpcnt.ones.xlane @p3 vm12;
	v21 =	vpsel p2, v21, v16  }
0x2c1: {  	(xrf0) =	vadd.scan.msk.s32 @p5 $0xffff, v24;
	v24 =	vimm.s32 @p3 $0x0;
	v25 =	vmpcnt.ones.xlane @p3 vm11;
	v19 =	vadd.s32 @p3 v21, v19  }
0x2c2: {  	(xrf0) =	vadd.scan.msk.s32 @p2 $0xffff, v18;
	v18 =	vsel @p3 vm13, $0x1, v24;
	v27 =	vmpcnt.ones.xlane @p3 vm10;
	v17 =	vadd.s32 @p3 v19, v17  }
0x2c3: {  	v30 =	vsel @p3 vm11, $0x1, v24;
	(xrf0) =	vadd.scan.msk.s32 @p3 $0xffff, v18;
	v18 =	vadd.s32 @p3 v17, v25  }
0x2c4: {  	v31 =	vsel @p3 vm10, $0x1, v24;
	v27 =	vadd.s32 @p3 v18, v27  }
0x2c5: {  	v25, _, _ =	vpop @!p4 (xrf0);
	(xrf0) =	vadd.scan.msk.s32 @p3 $0xffff, v30;
	v27 =	vpsel p3, v27, v21  }
0x2c6: {  	v24 =	vsel @p3 vm12, $0x1, v24;
	v30, _, _ =	vpop @p5 (xrf0);
	(xrf0) =	vadd.scan.msk.s32 @p3 $0xffff, v31  }
0x2c7: {  	v31, _, _ =	vpop @p5 (xrf0);
	(xrf0) =	vadd.scan.msk.s32 @p3 $0xffff, v24;
	v61 =	vxor.u32 $0x80000000, v27  }
0x2c8: {  	v27, _, _ =	vpop @p5 (xrf0);
	(xrf0) =	vmax.scan.msk.u32 $0xffff, v61  }
0x2c9: {  	v24, _, _ =	vpop @p5 (xrf0)  }
0x2ca: {  	v25 =	vadd.s32 @!p4 v40, v25;
	v32, _, _ =	vpop @p3 (xrf0)  }
0x2cb: {  	v25 =	vadd.s32 @!p4 $0xFFFFFFFF, v25;
	v36, _, _ =	vpop @p3 (xrf0)  }
0x2cc: {  	v34 =	vadd.s32 @!p4 $0xFFFFFFFF, v39;
	v39, _, _ =	vpop @p3 (xrf0)  }
0x2cd: {  	s1 =	simm.s32 @!p4 $0x7800;
	v40, _, _ =	vpop @p3 (xrf0)  }
0x2ce: {  	s7 =	simm.s32 @!p4 $0x8C80;
	[tilespmem:v38+s1+$0x0] =	vst.idx.msk @!p4 vm2, v44;
	v62, _, _ =	vpop (xrf0)  }
0x2cf: {  	[tilespmem:v38+s7+$0x0] =	vst.idx.msk @!p4 vm2, v45;
	(v2sf) =	vpush v62, $0xF  }
0x2d0: {  	p0 =	por !p0, !p1;
	[tilespmem:v25+s1+$0x0] =	vst.idx.msk @!p4 vm5, v46  }
0x2d1: {  	[tilespmem:v25+s7+$0x0] =	vst.idx.msk @!p4 vm5, v47;
	v25 =	vadd.s32 @!p0 $0xFFFFFFFF, v37  }
0x2d2: {  	[tilespmem:v34+s1+$0x0] =	vst.idx.msk @!p4 vm1, v49  }
0x2d3: {  	[tilespmem:v34+s7+$0x0] =	vst.idx.msk @!p4 vm1, v50;
	v34 =	vadd.s32 @!p0 $0xFFFFFFFF, v35  }
0x2d4: {  	v38 =	vadd.s32 @!p4 $0xFFFFFFFF, v41  }
0x2d5: {  	v21 =	vadd.s32 @p3 v32, v21  }
0x2d6: {  	v21 =	vadd.s32 @p3 $0xFFFFFFFF, v21;
	[tilespmem:v25+s5+$0x0] =	vst.idx.msk @!p0 vm3, v43  }
0x2d7: {  	v19 =	vadd.s32 @p3 v19, v40;
	[tilespmem:v25+s6+$0x0] =	vst.idx.msk @!p0 vm3, v52  }
0x2d8: {  	[tilespmem:v34+s5+$0x0] =	vst.idx.msk @!p0 vm4, v15;
	v15 =	vadd.s32 @p3 $0xFFFFFFFF, v19  }
0x2d9: {  	v17 =	vadd.s32 @p3 v17, v36;
	[tilespmem:v38+s1+$0x0] =	vst.idx.msk @!p4 vm0, v51  }
0x2da: {  	v17 =	vadd.s32 @p3 $0xFFFFFFFF, v17;
	s5 =	simm.s32 @p3 $0x7800;
	[tilespmem:v34+s6+$0x0] =	vst.idx.msk @!p0 vm4, v54  }
0x2db: {  	v18 =	vadd.s32 @p3 v18, v39;
	s6 =	simm.s32 @p3 $0x8C80;
	[tilespmem:v21+s5+$0x0] =	vst.idx.msk @p3 vm13, v13  }
0x2dc: {  	[tilespmem:v21+s6+$0x0] =	vst.idx.msk @p3 vm13, v10;
	v10 =	vadd.s32 @p3 $0xFFFFFFFF, v18  }
0x2dd: {  	[tilespmem:v15+s5+$0x0] =	vst.idx.msk @p3 vm12, v11  }
0x2de: {  	v16 =	vadd.s32 @p2 v30, v16;
	[tilespmem:v15+s6+$0x0] =	vst.idx.msk @p3 vm12, v8;
	s10 =	spop (v2sf)  }
0x2df: {  	v16 =	vadd.s32 @p2 $0xFFFFFFFF, v16;
	[tilespmem:v17+s5+$0x0] =	vst.idx.msk @p3 vm11, v14;
	s11 =	sadd.s32 $0x8000000F, s10  }
0x2e0: {  	v11 =	vadd.s32 @p2 v20, v31;
	[tilespmem:v17+s6+$0x0] =	vst.idx.msk @p3 vm11, v7;
	s12 =	sand.u32 $0xF, s11  }
0x2e1: {  	v8 =	vadd.s32 @p2 $0xFFFFFFFF, v11;
	[tilespmem:v10+s5+$0x0] =	vst.idx.msk @p3 vm10, v9;
	s13 =	sshra.s32 s11, $0x1F;
	p6 =	slt.s32 s11, $0x1;
	p5 =	sne.s32 s12, $0x0  }
0x2e2: {  	s1 =	simm.s32 @p2 $0x7800;
	v11 =	vadd.s32 @p2 v22, v24;
	[tilespmem:v10+s6+$0x0] =	vst.idx.msk @p3 vm10, v6;
	s6 =	sshrl.u32 s13, $0x1C;
	p0 =	por !p6, !p5  }
0x2e3: {  	[tilespmem:v38+s7+$0x0] =	vst.idx.msk @!p4 vm0, v53;
	v7 =	vadd.s32 @p2 $0xFFFFFFFF, v11;
	s5 =	sadd.s32 s6, s11;
	s6 =	simm.s32 $0x1;
	p0 =	por !p0, !p0  }
0x2e4: {  	s8 =	simm.s32 @p2 $0x8C80;
	[tilespmem:v16+s1+$0x0] =	vst.idx.msk @p2 vm7, v33;
	v9 =	vadd.s32 @p2 v23, v27;
	s5 =	sshrl.u32 s5, $0x4;
	s6 =	simm.s32 @!p0 $0x0  }
0x2e5: {  	[tilespmem:v16+s8+$0x0] =	vst.idx.msk @p2 vm7, v29;
	v6 =	vadd.s32 @p2 $0xFFFFFFFF, v9;
	s5 =	ssub.s32 s5, s6  }
0x2e6: {  	[tilespmem:v8+s1+$0x0] =	vst.idx.msk @p2 vm6, v26;
	s7 =	sxor.u32 $0x80000000, s10;
	s5 =	sshll.u32 s5, $0x4  }
0x2e7: {  	[tilespmem:v8+s8+$0x0] =	vst.idx.msk @p2 vm6, v28;
	v63 =	vadd.s32 s7, v1;
	p0 =	slt.s32 s5, $0x20  }
.Ltmp32:
0x2e8: {  	[tilespmem:v7+s1+$0x0] =	vst.idx.msk @p2 vm9, v5;
	(pc) =	sbr.rel @p0 .LBB2_57-.Ltmp32, $4  }
0x2e9: {  	[tilespmem:v7+s8+$0x0] =	vst.idx.msk @p2 vm9, v3  }
0x2ea: {  	[tilespmem:v6+s1+$0x0] =	vst.idx.msk @p2 vm8, v12  }
0x2eb: {  	vm14 =	vmmov vm9;
	[tilespmem:v6+s8+$0x0] =	vst.idx.msk @p2 vm8, v4;
	v4 =	vimm.f32 $-Inf  }
0x2ec: {  	vm15 =	vmmov vm8;
	v5 =	vimm.s32 $0x40000000;
	v3 =	vmov s7;
	[tilespmem:v63+s24+$0x0] =	vst.idx.msk $0xffff, v4;
	s6 =	sand.u32 $0xFFFFFFE0, s5  }
0x2ed: {  	s7 =	simm.s32 $0x0  }
0x2ee: {  	v7 =	vor.u32 s7, v1  }
0x2ef: {  	vm0 =	vlt.s32 v7, v3  }
0x2f0: {  	p4 =	sgt.s32 s6, $0x20  }
.Ltmp33:
0x2f1: {  	_ = 	snop;
	(pc) =	sbr.rel @!p4 .LBB2_47-.Ltmp33, $4  }
0x2f2: {  	s1 =	simm.s32 $0x10  }
0x2f3: {  	v10 =	vor.u32 s1, v1  }
0x2f4: {  	v5 =	vimm.f32 $-Inf;
	p1 =	por $0x0, $0x0;
	vm1 =	vlt.s32 v10, v3  }
0x2f5: {  	v4 =	vimm.s32 $0x40000000;
	p2 =	por $0x0, $0x0;
	p3 =	por $0x0, $0x0;
	s7 =	simm.s32 $0x20;
	vm2 =	vmmov vm0;
	v14 =	vld.idx.msk [tilespmem:v7+s25+$0x0], vm0;
	vm0 =	vmmov vm1  }
0x2f6: {  	_ = 	snop  }
0x2f7: {  	v6 =	vor.u32 s7, v1  }
0x2f8: {  	vm3 =	vlt.s32 v6, v3;
	_ =	sdelay $0x1  }
0x2f9: {  	v8 =	vnsel vm2, $0x0, v14;
	_ =	sdelay $0x2  }
0x2fa: {  	v9 =	vld.idx.msk [tilespmem:v10+s25+$0x0], vm1;
	p4 =	sgt.s32 s6, $0x40  }
.Ltmp34:
0x2fb: {  	s1 =	simm.s32 $0x30;
	v14 =	vld.idx.msk [tilespmem:v6+s25+$0x0], vm3;
	(pc) =	sbr.rel @!p4 .LBB2_49-.Ltmp34, $4  }
0x2fc: {  	v12 =	vor.u32 s1, v1;
	v21 =	vld.idx.msk [tilespmem:v8+s19+$0x0], $0xffff  }
0x2fd: {  	v11 =	vld.idx.msk [tilespmem:v8+s18+$0x0], $0xffff  }
0x2fe: {  	vm1 =	vlt.s32 v12, v3;
	v23 =	vld.idx.msk [tilespmem:v8+s16+$0x0], $0xffff  }
0x2ff: {  	s7 =	simm.s32 $0x40;
	p1 =	por $0x1, $0x1;
	vm2 =	vmmov vm3;
	v15 =	vnsel vm0, $0x0, v9;
	vm0 =	vmmov vm1;
	v24 =	vld.idx.msk [tilespmem:v8+s17+$0x0], $0xffff  }
0x300: {  	_ =	sdelay $0x4  }
0x301: {  	v8 =	vld.idx.msk [tilespmem:v12+s25+$0x0], vm1;
	v9 =	vnsel vm2, $0x0, v14  }
0x302: {  	v16 =	vld.idx.msk [tilespmem:v15+s18+$0x0], $0xffff  }
0x303: {  	v26 =	vor.u32 s7, v1;
	v13 =	vld.idx.msk [tilespmem:v15+s19+$0x0], $0xffff  }
0x304: {  	v18 =	vld.idx.msk [tilespmem:v15+s17+$0x0], $0xffff;
	vm3 =	vlt.s32 v26, v3  }
0x305: {  	v17 =	vld.idx.msk [tilespmem:v15+s16+$0x0], $0xffff;
	p4 =	sgt.s32 s6, $0x60;
	v19 =	vsub.f32 v11, v23;
	[tilespmem:v7+s26+$0x0] =	vst.idx.msk $0xffff, v23;
	v20 =	vsub.f32 v21, v24  }
.Ltmp35:
0x306: {  	s1 =	simm.s32 $0x50;
	[tilespmem:v7+s28+$0x0] =	vst.idx.msk $0xffff, v24;
	v29 =	vld.idx.msk [tilespmem:v9+s19+$0x0], $0xffff;
	(pc) =	sbr.rel @!p4 .LBB2_51-.Ltmp35, $4  }
0x307: {  	v32 =	vor.u32 s1, v1;
	v19 =	vmax.f32 v19, $0.0e+00;
	[tilespmem:v7+s29+$0x0] =	vst.idx.msk $0xffff, v11;
	v11 =	vld.idx.msk [tilespmem:v9+s18+$0x0], $0xffff;
	v20 =	vmax.f32 v20, $0.0e+00  }
0x308: {  	vm1 =	vlt.s32 v32, v3;
	v15 =	vnsel vm0, $0x0, v8;
	v23 =	vld.idx.msk [tilespmem:v9+s16+$0x0], $0xffff;
	v8 =	vmul.f32 v20, v19  }
0x309: {  	vm2 =	vmmov vm3;
	vm0 =	vmmov vm1;
	v24 =	vld.idx.msk [tilespmem:v9+s17+$0x0], $0xffff;
	[tilespmem:v7+s30+$0x0] =	vst.idx.msk $0xffff, v21  }
0x30a: {  	s7 =	simm.s32 $0x60;
	p2 =	por $0x1, $0x1;
	v22 =	vsub.f32 v16, v17;
	v14 =	vld.idx.msk [tilespmem:v26+s25+$0x0], vm3;
	v20 =	vsub.f32 v13, v18;
	[tilespmem:v7+s31+$0x0] =	vst.idx.msk $0xffff, v8  }
0x30b: {  	_ =	sdelay $0x4  }
0x30c: {  	v19 =	vld.idx.msk [tilespmem:v32+s25+$0x0], vm1  }
0x30d: {  	v9 =	vor.u32 s7, v1;
	[tilespmem:v10+s26+$0x0] =	vst.idx.msk $0xffff, v17;
	v33 =	vld.idx.msk [tilespmem:v7+s24+$0x0], $0xffff  }
0x30e: {  	v27 =	vld.idx.msk [tilespmem:v15+s18+$0x0], $0xffff;
	vm3 =	vlt.s32 v9, v3;
	v8 =	vmax.f32 v20, $0.0e+00;
	v21 =	vmax.f32 v22, $0.0e+00;
	[tilespmem:v10+s28+$0x0] =	vst.idx.msk $0xffff, v18  }
0x30f: {  	v28 =	vld.idx.msk [tilespmem:v15+s19+$0x0], $0xffff;
	v21 =	vmul.f32 v8, v21;
	[tilespmem:v10+s29+$0x0] =	vst.idx.msk $0xffff, v16  }
0x310: {  	v30 =	vld.idx.msk [tilespmem:v15+s17+$0x0], $0xffff;
	[tilespmem:v10+s30+$0x0] =	vst.idx.msk $0xffff, v13;
	v34 =	vnsel vm2, $0x0, v14  }
0x311: {  	v31 =	vld.idx.msk [tilespmem:v15+s16+$0x0], $0xffff;
	v15 =	vsub.f32 v11, v23;
	[tilespmem:v10+s31+$0x0] =	vst.idx.msk $0xffff, v21;
	v21 =	vsub.f32 v29, v24  }
0x312: {  	s1 =	simm.s32 $0x70;
	[tilespmem:v6+s26+$0x0] =	vst.idx.msk $0xffff, v23  }
0x313: {  	p4 =	sgt.s32 s6, $0x80;
	v8 =	vor.u32 s1, v1;
	[tilespmem:v6+s28+$0x0] =	vst.idx.msk $0xffff, v24;
	v23 =	vmax.f32 v15, $0.0e+00;
	v25 =	vld.idx.msk [tilespmem:v10+s24+$0x0], $0xffff;
	v24 =	vmax.f32 v21, $0.0e+00  }
.Ltmp36:
0x314: {  	vm1 =	vlt.s32 v8, v3;
	v15 =	vnsel vm0, $0x0, v19;
	v14 =	vld.idx.msk [tilespmem:v9+s25+$0x0], vm3;
	v19 =	vmul.f32 v24, v23;
	(pc) =	sbr.rel @!p4 .LBB2_53-.Ltmp36, $4  }
0x315: {  	v35 =	vmov v10;
	v41 =	vmov v9;
	[tilespmem:v6+s29+$0x0] =	vst.idx.msk $0xffff, v11;
	v21 =	vld.idx.msk [tilespmem:v34+s19+$0x0], $0xffff  }
0x316: {  	vm2 =	vmmov vm3;
	vm4 =	vgt.f32 v33, v5;
	[tilespmem:v6+s30+$0x0] =	vst.idx.msk $0xffff, v29;
	vm0 =	vmmov vm1;
	v11 =	vld.idx.msk [tilespmem:v34+s18+$0x0], $0xffff  }
0x317: {  	v37 =	vsub.f32 v28, v30;
	v38 =	vsub.f32 v27, v31;
	v36 =	vsel vm4, v7, v4;
	v23 =	vld.idx.msk [tilespmem:v34+s16+$0x0], $0xffff  }
0x318: {  	s7 =	simm.s32 $0x80;
	p3 =	por $0x1, $0x1;
	v29 =	vmov v6;
	v33 =	vsel vm4, v33, v5;
	v24 =	vld.idx.msk [tilespmem:v34+s17+$0x0], $0xffff;
	[tilespmem:v6+s31+$0x0] =	vst.idx.msk $0xffff, v19;
	v19 =	vmov v26  }
.LBB2_54:
0x319: {  	v34 =	vmov v26;
	v26 =	vmov v9  }
0x31a: {  	v9 =	vor.u32 s7, v1;
	s1 =	sadd.s32 $0x10, s7;
	s7 =	sadd.s32 $0x20, s7;
	v37 =	vmax.f32 v37, $0.0e+00;
	vm4 =	vgt.f32 v25, v33;
	v39 =	vld.idx.msk [tilespmem:v8+s25+$0x0], vm1;
	[tilespmem:v12+s26+$0x0] =	vst.idx.msk $0xffff, v31  }
0x31b: {  	vm3 =	vlt.s32 v9, v3;
	v40 =	vor.u32 s1, v1;
	p4 =	slt.s32 s7, s6;
	v43 =	vmax.f32 v38, $0.0e+00;
	v42 =	vld.idx.msk [tilespmem:v6+s24+$0x0], $0xffff;
	[tilespmem:v12+s28+$0x0] =	vst.idx.msk $0xffff, v30  }
0x31c: {  	vm1 =	vlt.s32 v40, v3;
	v31 =	vmul.f32 v37, v43;
	[tilespmem:v12+s29+$0x0] =	vst.idx.msk $0xffff, v27;
	v27 =	vld.idx.msk [tilespmem:v15+s18+$0x0], $0xffff  }
0x31d: {  	v38 =	vnsel vm2, $0x0, v14;
	v36 =	vsel vm4, v35, v36;
	v6 =	vmov v34;
	[tilespmem:v12+s30+$0x0] =	vst.idx.msk $0xffff, v28;
	v28 =	vld.idx.msk [tilespmem:v15+s19+$0x0], $0xffff  }
0x31e: {  	v33 =	vsel vm4, v25, v33;
	v37 =	vsub.f32 v11, v23;
	v30 =	vld.idx.msk [tilespmem:v15+s17+$0x0], $0xffff;
	[tilespmem:v12+s31+$0x0] =	vst.idx.msk $0xffff, v31  }
0x31f: {  	v44 =	vmov v34;
	v35 =	vmov v12;
	v43 =	vsub.f32 v21, v24;
	[tilespmem:v19+s26+$0x0] =	vst.idx.msk $0xffff, v23;
	v31 =	vld.idx.msk [tilespmem:v15+s16+$0x0], $0xffff  }
0x320: {  	v15 =	vnsel vm0, $0x0, v39;
	[tilespmem:v19+s28+$0x0] =	vst.idx.msk $0xffff, v24;
	v25 =	vld.idx.msk [tilespmem:v12+s24+$0x0], $0xffff;
	v12 =	vmovc v32;
	v32 =	vmov v8;
	v8 =	vmov v40  }
.Ltmp37:
0x321: {  	v23 =	vmax.f32 v37, $0.0e+00;
	v24 =	vmax.f32 v43, $0.0e+00;
	vm4 =	vgt.f32 v42, v33;
	v14 =	vld.idx.msk [tilespmem:v9+s25+$0x0], vm3;
	[tilespmem:v19+s29+$0x0] =	vst.idx.msk $0xffff, v11;
	(pc) =	sbr.rel @p4 .LBB2_54-.Ltmp37, $4  }
0x322: {  	v34 =	vmul.f32 v24, v23;
	v36 =	vsel vm4, v29, v36;
	[tilespmem:v19+s30+$0x0] =	vst.idx.msk $0xffff, v21;
	v21 =	vld.idx.msk [tilespmem:v38+s19+$0x0], $0xffff  }
0x323: {  	vm2 =	vmmov vm3;
	vm0 =	vmmov vm1;
	v29 =	vmovc v19;
	v19 =	vmovc v41;
	v41 =	vmov v9;
	v11 =	vld.idx.msk [tilespmem:v38+s18+$0x0], $0xffff  }
0x324: {  	v37 =	vsub.f32 v28, v30;
	v23 =	vld.idx.msk [tilespmem:v38+s16+$0x0], $0xffff  }
0x325: {  	v33 =	vsel vm4, v42, v33;
	v24 =	vld.idx.msk [tilespmem:v38+s17+$0x0], $0xffff;
	[tilespmem:v44+s31+$0x0] =	vst.idx.msk $0xffff, v34;
	v38 =	vsub.f32 v27, v31  }
0x326: {  	v34 =	vmovc v12;
	v39 =	vmovc v6;
	v40 =	vmov v26;
	v12 =	vmov v32;
	v6 =	vmov v41  }
.LBB2_56:
0x327: {  	_ =	sdelay $0x4  }
0x328: {  	v26 =	vld.idx.msk [tilespmem:v8+s25+$0x0], vm1;
	[tilespmem:v34+s26+$0x0] =	vst.idx.msk @p2 $0xffff, v31  }
0x329: {  	v31 =	vmax.f32 @p2 v37, $0.0e+00;
	v32 =	vmax.f32 @p2 v38, $0.0e+00;
	v14 =	vnsel vm2, $0x0, v14;
	[tilespmem:v34+s28+$0x0] =	vst.idx.msk @p2 $0xffff, v30;
	v30 =	vld.idx.msk @p1 [tilespmem:v15+s18+$0x0], $0xffff  }
0x32a: {  	v31 =	vmul.f32 @p2 v31, v32;
	v32 =	vld.idx.msk @p1 [tilespmem:v15+s17+$0x0], $0xffff;
	[tilespmem:v34+s29+$0x0] =	vst.idx.msk @p2 $0xffff, v27  }
0x32b: {  	v27 =	vld.idx.msk @p1 [tilespmem:v15+s19+$0x0], $0xffff;
	[tilespmem:v19+s26+$0x0] =	vst.idx.msk @p1 $0xffff, v23  }
0x32c: {  	v37 =	vsub.f32 @p1 v11, v23;
	v15 =	vld.idx.msk @p1 [tilespmem:v15+s16+$0x0], $0xffff;
	[tilespmem:v34+s30+$0x0] =	vst.idx.msk @p2 $0xffff, v28  }
0x32d: {  	v23 =	vld.idx.msk @p2 [tilespmem:v39+s24+$0x0], $0xffff;
	v28 =	vmov @p1 v40;
	[tilespmem:v34+s31+$0x0] =	vst.idx.msk @p2 $0xffff, v31;
	v31 =	vsub.f32 @p1 v21, v24  }
0x32e: {  	vm1 =	vgt.f32 @p3 v25, v33;
	v10 =	vpsel p1, v12, v10;
	v51 =	vld.idx.msk [tilespmem:v14+s19+$0x0], $0xffff  }
0x32f: {  	[tilespmem:v19+s28+$0x0] =	vst.idx.msk @p1 $0xffff, v24;
	v24 =	vmax.f32 @p1 v37, $0.0e+00;
	v50 =	vnsel vm0, $0x0, v26;
	v53 =	vld.idx.msk [tilespmem:v14+s16+$0x0], $0xffff;
	v31 =	vmax.f32 @p1 v31, $0.0e+00  }
0x330: {  	v35 =	vsel @p3 vm1, v35, v36;
	[tilespmem:v19+s29+$0x0] =	vst.idx.msk @p1 $0xffff, v11;
	v52 =	vld.idx.msk [tilespmem:v14+s18+$0x0], $0xffff;
	v24 =	vmul.f32 @p1 v31, v24  }
0x331: {  	v25 =	vsel @p3 vm1, v25, v33;
	[tilespmem:v19+s30+$0x0] =	vst.idx.msk @p1 $0xffff, v21;
	v14 =	vld.idx.msk [tilespmem:v14+s17+$0x0], $0xffff;
	v26 =	vsub.f32 @p1 v27, v32  }
0x332: {  	[tilespmem:v28+s31+$0x0] =	vst.idx.msk @p1 $0xffff, v24;
	v24 =	vsub.f32 @p1 v30, v15;
	v15 =	vpsel p1, v15, v17  }
0x333: {  	v25 =	vpsel p3, v25, v5;
	v20 =	vpsel p1, v26, v20;
	v26 =	vld.idx.msk @p2 [tilespmem:v34+s24+$0x0], $0xffff;
	[tilespmem:v10+s26+$0x0] =	vst.idx.msk @p1 $0xffff, v15  }
0x334: {  	v18 =	vpsel p1, v32, v18;
	vm0 =	vgt.f32 @p2 v23, v25;
	v54 =	vld.idx.msk [tilespmem:v50+s18+$0x0], $0xffff;
	[tilespmem:v6+s26+$0x0] =	vst.idx.msk $0xffff, v53  }
0x335: {  	v13 =	vpsel p1, v27, v13;
	v23 =	vsel @p2 vm0, v23, v25;
	v55 =	vld.idx.msk [tilespmem:v50+s19+$0x0], $0xffff;
	[tilespmem:v10+s28+$0x0] =	vst.idx.msk @p1 $0xffff, v18  }
0x336: {  	v17 =	vpsel p1, v28, v7;
	v15 =	vpsel p1, v30, v16;
	v56 =	vld.idx.msk [tilespmem:v50+s17+$0x0], $0xffff;
	[tilespmem:v6+s28+$0x0] =	vst.idx.msk $0xffff, v14  }
0x337: {  	v16 =	vmax.f32 @p1 v20, $0.0e+00;
	v12 =	vld.idx.msk [tilespmem:v50+s16+$0x0], $0xffff;
	v22 =	vpsel p1, v24, v22;
	[tilespmem:v10+s29+$0x0] =	vst.idx.msk @p1 $0xffff, v15  }
0x338: {  	v57 =	vsub.f32 v52, v53;
	v58 =	vsub.f32 v51, v14;
	v20 =	vmax.f32 @p1 v22, $0.0e+00;
	[tilespmem:v6+s29+$0x0] =	vst.idx.msk $0xffff, v52  }
0x339: {  	v16 =	vmul.f32 @p1 v16, v20;
	v20 =	vpsel p3, v35, v4;
	[tilespmem:v10+s30+$0x0] =	vst.idx.msk @p1 $0xffff, v13  }
0x33a: {  	v22 =	vpsel p2, v23, v0;
	[tilespmem:v6+s30+$0x0] =	vst.idx.msk $0xffff, v51;
	v20 =	vsel @p2 vm0, v29, v20  }
0x33b: {  	v59 =	vmax.f32 v57, $0.0e+00;
	v25 =	vpsel p2, v26, v0;
	v17 =	vld.idx.msk @p1 [tilespmem:v17+s24+$0x0], $0xffff;
	[tilespmem:v10+s31+$0x0] =	vst.idx.msk @p1 $0xffff, v16;
	v16 =	vmax.f32 v58, $0.0e+00  }
0x33c: {  	v24 =	vmovc @p2 v34;
	vm0 =	vgt.f32 @p2 v25, v22;
	v60 =	vsub.f32 v55, v56;
	v61 =	vsub.f32 v54, v12  }
0x33d: {  	v20 =	vpsel p2, v20, v0;
	[tilespmem:v8+s26+$0x0] =	vst.idx.msk $0xffff, v12;
	v14 =	vmul.f32 v16, v59;
	v11 =	vld.idx.msk @p1 [tilespmem:v10+s24+$0x0], $0xffff  }
0x33e: {  	v16 =	vpsel p2, v24, v0;
	v22 =	vsel @p2 vm0, v25, v22;
	[tilespmem:v8+s28+$0x0] =	vst.idx.msk $0xffff, v56  }
0x33f: {  	v12 =	vpsel p2, v22, v5;
	v21 =	vmax.f32 v60, $0.0e+00;
	[tilespmem:v9+s31+$0x0] =	vst.idx.msk $0xffff, v14;
	v14 =	vmax.f32 v61, $0.0e+00  }
0x340: {  	[tilespmem:v8+s29+$0x0] =	vst.idx.msk $0xffff, v54;
	vm1 =	vgt.f32 @p1 v17, v12;
	v62 =	vmul.f32 v21, v14  }
0x341: {  	[tilespmem:v8+s30+$0x0] =	vst.idx.msk $0xffff, v55;
	v14 =	vsel @p2 vm0, v16, v20;
	v9 =	vld.idx.msk [tilespmem:v9+s24+$0x0], $0xffff;
	v12 =	vsel @p1 vm1, v17, v12  }
0x342: {  	v15 =	vmov @p1 v19;
	v11 =	vpsel p1, v11, v0;
	v12 =	vpsel p1, v12, v0;
	[tilespmem:v8+s31+$0x0] =	vst.idx.msk $0xffff, v62  }
0x343: {  	v7 =	vpsel p1, v15, v7;
	v13 =	vpsel p2, v14, v4;
	vm0 =	vgt.f32 @p1 v11, v12;
	v63 =	vld.idx.msk [tilespmem:v8+s24+$0x0], $0xffff  }
0x344: {  	v7 =	vsel @p1 vm1, v7, v13;
	v11 =	vsel @p1 vm0, v11, v12  }
0x345: {  	v10 =	vpsel p1, v10, v0;
	v7 =	vpsel p1, v7, v0;
	v5 =	vpsel p1, v11, v5  }
0x346: {  	v7 =	vsel @p1 vm0, v10, v7;
	vm14 =	vgt.f32 v9, v5  }
0x347: {  	v4 =	vpsel p1, v7, v4;
	v7 =	vsel vm14, v9, v5  }
0x348: {  	v4 =	vsel vm14, v6, v4;
	vm15 =	vgt.f32 v63, v7  }
0x349: {  	v5 =	vsel vm15, v8, v4;
	v4 =	vsel vm15, v63, v7  }
.LBB2_57:
0x34a: {  	p1 =	seq.s32 s6, s5  }
.Ltmp38:
0x34b: {  	_ = 	snop;
	(pc) =	sbr.rel @p1 .LBB2_59-.Ltmp38, $2  }
0x34c: {  	_ =	sdelay $0x2  }
0x34d: {  	s7 =	smov.u32 s6  }
.LBB2_58:
0x34e: {  	v6 =	vor.u32 s7, v1  }
0x34f: {  	vm0 =	vlt.s32 v6, v3;
	_ =	sdelay $0x5  }
0x350: {  	v7 =	vld.idx.msk [tilespmem:v6+s25+$0x0], vm0;
	_ =	sdelay $0x4  }
0x351: {  	v7 =	vnsel vm0, $0x0, v7;
	_ =	sdelay $0x4  }
0x352: {  	v8 =	vld.idx.msk [tilespmem:v7+s16+$0x0], $0xffff  }
0x353: {  	v9 =	vld.idx.msk [tilespmem:v7+s17+$0x0], $0xffff  }
0x354: {  	v10 =	vld.idx.msk [tilespmem:v7+s18+$0x0], $0xffff  }
0x355: {  	v7 =	vld.idx.msk [tilespmem:v7+s19+$0x0], $0xffff;
	_ =	sdelay $0x4  }
0x356: {  	v11 =	vsub.f32 v10, v8;
	v12 =	vsub.f32 v7, v9  }
0x357: {  	[tilespmem:v6+s26+$0x0] =	vst.idx.msk $0xffff, v8  }
0x358: {  	[tilespmem:v6+s28+$0x0] =	vst.idx.msk $0xffff, v9;
	v62 =	vmax.f32 v11, $0.0e+00;
	v63 =	vmax.f32 v12, $0.0e+00  }
0x359: {  	[tilespmem:v6+s29+$0x0] =	vst.idx.msk $0xffff, v10;
	v8 =	vmul.f32 v63, v62  }
0x35a: {  	[tilespmem:v6+s30+$0x0] =	vst.idx.msk $0xffff, v7  }
0x35b: {  	[tilespmem:v6+s31+$0x0] =	vst.idx.msk $0xffff, v8  }
0x35c: {  	s7 =	sadd.s32 $0x10, s7;
	v7 =	vld.idx.msk [tilespmem:v6+s24+$0x0], $0xffff  }
0x35d: {  	p2 =	slt.s32 s7, s5  }
.Ltmp39:
0x35e: {  	_ = 	snop;
	(pc) =	sbr.rel @p2 .LBB2_58-.Ltmp39, $3  }
0x35f: {  	_ =	sdelay $0x1  }
0x360: {  	vm15 =	vgt.f32 v7, v4  }
0x361: {  	v4 =	vsel vm15, v7, v4;
	v5 =	vsel vm15, v6, v5  }
.LBB2_59:
0x362: {  	(xrf0) =	vmax.scan.msk.f32 $0xffff, v4;
	_ =	sdelay $0x5  }
0x363: {  	v3, _, _ =	vpop (xrf0)  }
0x364: {  	(v2sf) =	vpush v3, $0xF;
	_ =	sdelay $0xe  }
0x365: {  	s8 =	spop (v2sf)  }
0x366: {  	p2 =	sge.f32 s8, $5.000000000e-01  }
.Ltmp40:
0x367: {  	_ = 	snop;
	(pc) =	sbr.rel @!p2 .LBB2_67-.Ltmp40, $2  }
0x368: {  	_ =	sdelay $0x2  }
0x369: {  	s7 =	simm.f32 $0.0e+00  }
0x36a: {  	v3 =	vbroadcast v3, $0xF;
	_ =	sdelay $0x1  }
0x36b: {  	vm0 =	veq.f32 v4, v3;
	v3 =	vxor.u32 $0x80000000, v5  }
0x36c: {  	v3 =	vnsel vm0, $0xC0000000, v3  }
0x36d: {  	(xrf0) =	vmin.scan.msk.u32 $0xffff, v3;
	_ =	sdelay $0x5  }
0x36e: {  	v3, _, _ =	vpop (xrf0)  }
0x36f: {  	(v2sf) =	vpush v3, $0xF;
	_ =	sdelay $0xa  }
.Ltmp41:
0x370: {  	_ = 	snop;
	(pc) =	sbr.rel .LBB2_61-.Ltmp41, $2  }
0x371: {  	_ =	sdelay $0x2  }
0x372: {  	s7 =	simm.s32 $0x0;
	s9 =	spop (v2sf)  }
.LBB2_65:
0x373: {  	(xrf0) =	vmax.scan.msk.f32 $0xffff, v10;
	_ =	sdelay $0x5  }
0x374: {  	v7, _, _ =	vpop (xrf0)  }
0x375: {  	v8 =	vbroadcast v7, $0xF;
	_ =	sdelay $0x1  }
0x376: {  	v62 =	vxor.u32 $0x80000000, v9;
	vm0 =	veq.f32 v10, v8  }
0x377: {  	v8 =	vnsel vm0, $0xC0000000, v62  }
0x378: {  	(xrf0) =	vmin.scan.msk.u32 $0xffff, v8  }
0x379: {  	(v2sf) =	vpush v7, $0xF;
	_ =	sdelay $0x4  }
0x37a: {  	v63, _, _ =	vpop (xrf0)  }
0x37b: {  	(v2sf) =	vpush v63, $0xF;
	_ =	sdelay $0x6  }
0x37c: {  	p2 =	sgt.s32 s7, $0x63  }
0x37d: {  	s1 =	smul.u32 @!p2 $0x5, s7;
	vm0 =	vcmask @!p2 $0x3F10  }
0x37e: {  	v7 =	vlaneseq.u32 @!p2;
	v6 =	vsel @!p2 vm0, s8, v6;
	s8 =	spop (v2sf)  }
0x37f: {  	v7 =	vadd.s32 @!p2 s1, v7;
	p3 =	sge.f32 s8, $5.000000000e-01  }
.Ltmp42:
0x380: {  	vm0 =	vcmask @!p2 $0x3F0C;
	(pc) =	sbr.rel @!p3 .LBB2_66-.Ltmp42, $4  }
0x381: {  	v5 =	vsel @!p2 vm0, v6, v5;
	vm0 =	vcmask @!p2 $0x3F08  }
0x382: {  	v4 =	vsel @!p2 vm0, v5, v4;
	vm0 =	vmmov @!p2 $0x1  }
0x383: {  	s1 =	simm.s32 @!p2 $0x10A00;
	v3 =	vsel @!p2 vm0, v3, v4  }
0x384: {  	s7 =	sadd.s32 $0x1, s7;
	[tilespmem:v7+s1+$0x0] =	vst.idx.msk @!p2 $0x1f, v3;
	s9 =	spop (v2sf)  }
.LBB2_61:
0x385: {  	s1 =	sxor.u32 $0x80000000, s9  }
0x386: {  	v7 =	vmov s1;
	_ =	sdelay $0x4  }
0x387: {  	v3 =	vld.idx.msk [tilespmem:v7+s26+$0x0], $0xffff  }
.Ltmp43:
0x388: {  	v4 =	vld.idx.msk [tilespmem:v7+s28+$0x0], $0xffff;
	(pc) =	sbr.rel @p0 .LBB2_62-.Ltmp43, $3  }
0x389: {  	v5 =	vld.idx.msk [tilespmem:v7+s29+$0x0], $0xffff  }
0x38a: {  	v6 =	vld.idx.msk [tilespmem:v7+s30+$0x0], $0xffff;
	_ =	sdelay $0x1  }
0x38b: {  	v8 =	vld.idx.msk [tilespmem:v7+s31+$0x0], $0xffff  }
0x38c: {  	s9 =	simm.s32 $0x0  }
0x38d: {  	v12 =	vor.u32 s9, v1;
	_ =	sdelay $0x2  }
0x38e: {  	s1 =	simm.s32 $0x10  }
0x38f: {  	v11 =	vor.u32 s1, v1  }
0x390: {  	v14 =	vld.idx.msk [tilespmem:v12+s26+$0x0], $0xffff  }
0x391: {  	v15 =	vld.idx.msk [tilespmem:v12+s28+$0x0], $0xffff  }
0x392: {  	p4 =	sgt.s32 s6, $0x20;
	v18 =	vld.idx.msk [tilespmem:v12+s29+$0x0], $0xffff  }
.Ltmp44:
0x393: {  	v20 =	vld.idx.msk [tilespmem:v12+s30+$0x0], $0xffff;
	(pc) =	sbr.rel @!p4 .LBB2_70-.Ltmp44, $4  }
0x394: {  	v19 =	vld.idx.msk [tilespmem:v11+s26+$0x0], $0xffff  }
0x395: {  	v21 =	vld.idx.msk [tilespmem:v11+s29+$0x0], $0xffff  }
0x396: {  	v22 =	vld.idx.msk [tilespmem:v11+s30+$0x0], $0xffff  }
0x397: {  	v10 =	vimm.f32 $-Inf;
	v9 =	vimm.s32 $0x40000000;
	p2 =	por $0x0, $0x0;
	p3 =	por $0x0, $0x0;
	s9 =	simm.s32 $0x20;
	v23 =	vld.idx.msk [tilespmem:v11+s28+$0x0], $0xffff  }
0x398: {  	_ =	sdelay $0x2  }
0x399: {  	v13 =	vor.u32 s9, v1  }
0x39a: {  	v16 =	vld.idx.msk [tilespmem:v12+s31+$0x0], $0xffff;
	v17 =	vmin.f32 v5, v18;
	v14 =	vmax.f32 v3, v14;
	v18 =	vmin.f32 v6, v20  }
0x39b: {  	v15 =	vmax.f32 v4, v15;
	s1 =	simm.s32 $0x30;
	v19 =	vmax.f32 v3, v19;
	v24 =	vsub.f32 v17, v14  }
0x39c: {  	v15 =	vsub.f32 v18, v15;
	v17 =	vor.u32 s1, v1;
	v20 =	vmin.f32 v5, v21;
	v21 =	vld.idx.msk [tilespmem:v11+s31+$0x0], $0xffff  }
0x39d: {  	v22 =	vmin.f32 v6, v22;
	v19 =	vsub.f32 v20, v19;
	v18 =	vmax.f32 v4, v23  }
0x39e: {  	v14 =	vld.idx.msk [tilespmem:v13+s26+$0x0], $0xffff;
	v20 =	vsub.f32 v22, v18;
	v18 =	vmax.f32 v24, $0.0e+00;
	v22 =	vmax.f32 v15, $0.0e+00  }
0x39f: {  	v15 =	vld.idx.msk [tilespmem:v13+s28+$0x0], $0xffff;
	v16 =	vadd.f32 v16, v8;
	v29 =	vmul.f32 v22, v18  }
0x3a0: {  	p4 =	sgt.s32 s6, $0x40;
	v19 =	vmax.f32 v19, $0.0e+00;
	v18 =	vld.idx.msk [tilespmem:v13+s29+$0x0], $0xffff;
	v20 =	vmax.f32 v20, $0.0e+00  }
.Ltmp45:
0x3a1: {  	v22 =	vld.idx.msk [tilespmem:v17+s30+$0x0], $0xffff;
	v21 =	vadd.f32 v21, v8;
	v28 =	vmul.f32 v20, v19;
	v16 =	vsub.f32 v16, v29;
	(pc) =	sbr.rel @!p4 .LBB2_72-.Ltmp45, $4  }
0x3a2: {  	v20 =	vld.idx.msk [tilespmem:v13+s30+$0x0], $0xffff  }
0x3a3: {  	v19 =	vld.idx.msk [tilespmem:v17+s26+$0x0], $0xffff;
	v23 =	vsub.f32 v21, v28;
	v16 =	vadd.f32 $9.999999710e-10, v16  }
0x3a4: {  	v21 =	vld.idx.msk [tilespmem:v17+s29+$0x0], $0xffff  }
0x3a5: {  	s9 =	simm.s32 $0x40;
	p2 =	por $0x1, $0x1;
	v31 =	vadd.f32 $9.999999710e-10, v23;
	v23 =	vld.idx.msk [tilespmem:v17+s28+$0x0], $0xffff;
	(erf) = vrcp.f32 v16  }
0x3a6: {  	_ =	sdelay $0x3  }
0x3a7: {  	v16 =	vor.u32 s9, v1;
	v24 =	vld.idx.msk [tilespmem:v13+s31+$0x0], $0xffff;
	v18 =	vmin.f32 v5, v18;
	(erf) = vrcp.f32 v31  }
0x3a8: {  	v14 =	vmax.f32 v3, v14;
	v15 =	vmax.f32 v4, v15;
	v20 =	vmin.f32 v6, v20  }
0x3a9: {  	v27 =	vld.idx.msk [tilespmem:v17+s31+$0x0], $0xffff;
	v14 =	vsub.f32 v18, v14;
	v18 =	vmin.f32 v6, v22;
	v19 =	vmax.f32 v3, v19  }
0x3aa: {  	v15 =	vsub.f32 v20, v15;
	v21 =	vmin.f32 v5, v21;
	v20 =	vmax.f32 v4, v23  }
0x3ab: {  	s1 =	simm.s32 $0x50;
	v19 =	vsub.f32 v21, v19;
	v18 =	vsub.f32 v18, v20;
	v20 =	vmax.f32 v14, $0.0e+00  }
0x3ac: {  	v26 =	vor.u32 s1, v1;
	v21 =	vld.idx.msk [tilespmem:v12+s24+$0x0], $0xffff;
	v15 =	vmax.f32 v15, $0.0e+00;
	v22 =	vadd.f32 v24, v8  }
0x3ad: {  	v14 =	vld.idx.msk [tilespmem:v16+s26+$0x0], $0xffff;
	v25 =	vmul.f32 v15, v20;
	v19 =	vmax.f32 v19, $0.0e+00;
	v23 =	vmax.f32 v18, $0.0e+00  }
0x3ae: {  	v15 =	vld.idx.msk [tilespmem:v16+s28+$0x0], $0xffff;
	v20 =	vpop (erf);
	v24 =	vmul.f32 v23, v19;
	v23 =	vadd.f32 v27, v8  }
0x3af: {  	v18 =	vld.idx.msk [tilespmem:v16+s29+$0x0], $0xffff;
	v22 =	vsub.f32 v22, v25;
	v20 =	vmul.f32 v20, v29  }
0x3b0: {  	vm0 =	veq.s32 v12, v7;
	p4 =	sgt.s32 s6, $0x60;
	v27 =	vld.idx.msk [tilespmem:v11+s24+$0x0], $0xffff;
	v19 =	vpop (erf);
	v23 =	vsub.f32 v23, v24  }
.Ltmp46:
0x3b1: {  	v29 =	vadd.f32 $9.999999710e-10, v22;
	v22 =	vld.idx.msk [tilespmem:v26+s30+$0x0], $0xffff;
	vm1 =	vgt.f32 v20, $5.000000000e-01;
	v28 =	vmul.f32 v19, v28;
	(pc) =	sbr.rel @!p4 .LBB2_74-.Ltmp46, $4  }
0x3b2: {  	vm14 =	veq.s32 v11, v7;
	v20 =	vld.idx.msk [tilespmem:v16+s30+$0x0], $0xffff;
	vm0 =	vmor vm0, vm1  }
0x3b3: {  	v19 =	vld.idx.msk [tilespmem:v26+s26+$0x0], $0xffff;
	v31 =	vadd.f32 $9.999999710e-10, v23;
	v30 =	vsel vm0, $0xFF800000, v21;
	vm15 =	vgt.f32 v28, $5.000000000e-01  }
0x3b4: {  	(erf) = vrcp.f32 v29;
	v21 =	vld.idx.msk [tilespmem:v26+s29+$0x0], $0xffff;
	vm2 =	vgt.f32 v30, v10;
	[tilespmem:v12+s24+$0x0] =	vst.idx.msk $0xffff, v30;
	vm0 =	vmor vm14, vm15  }
0x3b5: {  	s9 =	simm.s32 $0x60;
	p3 =	por $0x1, $0x1;
	v23 =	vld.idx.msk [tilespmem:v26+s28+$0x0], $0xffff;
	v32 =	vsel vm2, v12, v9;
	v33 =	vsel vm2, v30, v10;
	v27 =	vsel vm0, $0xFF800000, v27;
	v12 =	vmovc v16  }
.LBB2_75:
0x3b6: {  	v28 =	vld.idx.msk [tilespmem:v16+s31+$0x0], $0xffff;
	v16 =	vor.u32 s9, v1;
	(erf) = vrcp.f32 v31;
	[tilespmem:v11+s24+$0x0] =	vst.idx.msk $0xffff, v27;
	vm0 =	vgt.f32 v27, v33  }
0x3b7: {  	v18 =	vmin.f32 v5, v18;
	v27 =	vsel vm0, v27, v33;
	v29 =	vsel vm0, v11, v32;
	v11 =	vmovc v17  }
0x3b8: {  	v14 =	vmax.f32 v3, v14;
	v20 =	vmin.f32 v6, v20;
	v15 =	vmax.f32 v4, v15;
	v30 =	vld.idx.msk [tilespmem:v26+s31+$0x0], $0xffff  }
0x3b9: {  	v19 =	vmax.f32 v3, v19;
	v21 =	vmin.f32 v5, v21;
	v17 =	vmovc v26;
	v22 =	vmin.f32 v6, v22  }
0x3ba: {  	s1 =	sadd.s32 $0x10, s9;
	v18 =	vsub.f32 v18, v14;
	v20 =	vsub.f32 v20, v15;
	v15 =	vmax.f32 v4, v23;
	v23 =	vld.idx.msk [tilespmem:v13+s24+$0x0], $0xffff  }
0x3bb: {  	v26 =	vor.u32 s1, v1;
	v19 =	vsub.f32 v21, v19;
	v31 =	vsub.f32 v22, v15;
	v14 =	vld.idx.msk [tilespmem:v16+s26+$0x0], $0xffff  }
0x3bc: {  	v20 =	vmax.f32 v20, $0.0e+00;
	v22 =	vmax.f32 v18, $0.0e+00;
	v28 =	vadd.f32 v28, v8;
	v15 =	vld.idx.msk [tilespmem:v16+s28+$0x0], $0xffff  }
0x3bd: {  	s9 =	sadd.s32 $0x20, s9;
	v19 =	vmax.f32 v19, $0.0e+00;
	v22 =	vmul.f32 v20, v22;
	v20 =	vmax.f32 v31, $0.0e+00;
	v18 =	vld.idx.msk [tilespmem:v16+s29+$0x0], $0xffff;
	v21 =	vpop (erf)  }
0x3be: {  	p4 =	slt.s32 s9, s6;
	v31 =	vmul.f32 v20, v19;
	v30 =	vadd.f32 v30, v8;
	v21 =	vmul.f32 v21, v25;
	v34 =	vld.idx.msk [tilespmem:v11+s24+$0x0], $0xffff  }
0x3bf: {  	vm0 =	veq.s32 v13, v7;
	v28 =	vsub.f32 v28, v22;
	v25 =	vmov v22;
	v20 =	vld.idx.msk [tilespmem:v16+s30+$0x0], $0xffff;
	v32 =	vpop (erf)  }
.Ltmp47:
0x3c0: {  	v30 =	vsub.f32 v30, v31;
	v19 =	vld.idx.msk [tilespmem:v26+s26+$0x0], $0xffff;
	vm1 =	vgt.f32 v21, $5.000000000e-01;
	v32 =	vmul.f32 v32, v24;
	v24 =	vmovc v31;
	(pc) =	sbr.rel @p4 .LBB2_75-.Ltmp47, $4  }
0x3c1: {  	v28 =	vadd.f32 $9.999999710e-10, v28;
	v21 =	vld.idx.msk [tilespmem:v26+s29+$0x0], $0xffff;
	vm0 =	vmor vm0, vm1;
	vm1 =	veq.s32 v11, v7  }
0x3c2: {  	v31 =	vadd.f32 $9.999999710e-10, v30;
	v22 =	vld.idx.msk [tilespmem:v26+s30+$0x0], $0xffff;
	v30 =	vsel vm0, $0xFF800000, v23;
	vm0 =	vgt.f32 v32, $5.000000000e-01  }
0x3c3: {  	v23 =	vld.idx.msk [tilespmem:v26+s28+$0x0], $0xffff;
	(erf) = vrcp.f32 v28;
	[tilespmem:v13+s24+$0x0] =	vst.idx.msk $0xffff, v30;
	vm2 =	vgt.f32 v30, v27;
	vm0 =	vmor vm1, vm0  }
0x3c4: {  	v33 =	vsel vm2, v30, v27;
	v32 =	vsel vm2, v13, v29;
	v27 =	vsel vm0, $0xFF800000, v34;
	v13 =	vmovc v12;
	v12 =	vmovc v16  }
0x3c5: {  	v30 =	vmov v11  }
0x3c6: {  	v34 =	vmovc v17;
	v11 =	vmovc v26;
	v26 =	vmov v13;
	v29 =	vmov v25;
	v28 =	vmov v24  }
.LBB2_77:
0x3c7: {  	_ =	sdelay $0x3  }
0x3c8: {  	v13 =	vld.idx.msk [tilespmem:v16+s31+$0x0], $0xffff;
	v51 =	vmin.f32 v5, v18;
	v14 =	vmax.f32 v3, v14  }
0x3c9: {  	v17 =	vmin.f32 v6, v20;
	v15 =	vmax.f32 v4, v15;
	v53 =	vmin.f32 v5, v21  }
0x3ca: {  	v52 =	vld.idx.msk [tilespmem:v11+s31+$0x0], $0xffff;
	v19 =	vmax.f32 v3, v19;
	v14 =	vsub.f32 v51, v14;
	v15 =	vsub.f32 v17, v15  }
0x3cb: {  	v54 =	vmin.f32 v6, v22;
	v55 =	vmax.f32 v4, v23;
	v18 =	vsub.f32 v53, v19  }
0x3cc: {  	v17 =	vsub.f32 v54, v55;
	v14 =	vmax.f32 v14, $0.0e+00;
	v15 =	vmax.f32 v15, $0.0e+00  }
0x3cd: {  	v14 =	vmul.f32 v15, v14;
	v13 =	vadd.f32 v13, v8  }
0x3ce: {  	(erf) = vrcp.f32 @p2 v31;
	v56 =	vmax.f32 v18, $0.0e+00;
	v17 =	vmax.f32 v17, $0.0e+00  }
0x3cf: {  	v15 =	vmul.f32 v17, v56;
	v16 =	vadd.f32 v52, v8;
	v13 =	vsub.f32 v13, v14;
	_ =	sdelay $0x1  }
0x3d0: {  	v16 =	vsub.f32 v16, v15;
	v13 =	vadd.f32 $9.999999710e-10, v13;
	_ =	sdelay $0x1  }
0x3d1: {  	v17 =	vmov @p2 v34;
	v16 =	vadd.f32 $9.999999710e-10, v16;
	(erf) = vrcp.f32 v13;
	_ =	sdelay $0x1  }
0x3d2: {  	v18 =	vpop @p2 (erf);
	(erf) = vrcp.f32 v16  }
0x3d3: {  	v13 =	vld.idx.msk @p2 [tilespmem:v26+s24+$0x0], $0xffff  }
0x3d4: {  	vm0 =	vgt.f32 @p3 v27, v33;
	vm1 =	veq.s32 @p2 v26, v7;
	v16 =	vmul.f32 @p2 v18, v29  }
0x3d5: {  	vm10 =	veq.s32 v12, v7;
	vm12 =	veq.s32 v11, v7;
	v19 =	vsel @p3 vm0, v27, v33;
	v18 =	vpop @p2 (erf);
	v20 =	vld.idx.msk @p2 [tilespmem:v17+s24+$0x0], $0xffff  }
0x3d6: {  	vm2 =	vgt.f32 @p2 v16, $5.000000000e-01;
	v16 =	vmul.f32 @p2 v18, v28;
	v18 =	vsel @p3 vm0, v30, v32  }
0x3d7: {  	vm0 =	vmor @p2 vm1, vm2;
	vm1 =	veq.s32 @p2 v17, v7;
	v18 =	vpsel p3, v18, v9  }
0x3d8: {  	v13 =	vsel @p2 vm0, $0xFF800000, v13;
	vm0 =	vgt.f32 @p2 v16, $5.000000000e-01;
	v16 =	vpsel p3, v19, v10  }
0x3d9: {  	v57 =	vld.idx.msk [tilespmem:v12+s24+$0x0], $0xffff;
	v17 =	vpsel p2, v17, v0;
	vm2 =	vgt.f32 @p2 v13, v16;
	vm0 =	vmor @p2 vm1, vm0;
	v58 =	vpop (erf)  }
0x3da: {  	v16 =	vsel @p2 vm2, v13, v16;
	v19 =	vsel @p2 vm0, $0xFF800000, v20;
	v14 =	vmul.f32 v58, v14  }
0x3db: {  	v59 =	vld.idx.msk [tilespmem:v11+s24+$0x0], $0xffff;
	v18 =	vsel @p2 vm2, v26, v18;
	v19 =	vpsel p2, v19, v0;
	v16 =	vpsel p2, v16, v0;
	v60 =	vpop (erf)  }
0x3dc: {  	vm0 =	vgt.f32 @p2 v19, v16;
	v61 =	vmul.f32 v60, v15;
	vm11 =	vgt.f32 v14, $5.000000000e-01  }
0x3dd: {  	v18 =	vpsel p2, v18, v0;
	v15 =	vsel @p2 vm0, v19, v16;
	vm1 =	vmor vm10, vm11  }
.Ltmp48:
0x3de: {  	[tilespmem:v30+s24+$0x0] =	vst.idx.msk @p3 $0xffff, v27;
	v10 =	vpsel p2, v15, v10;
	vm13 =	vgt.f32 v61, $5.000000000e-01;
	v62 =	vsel vm1, $0xFF800000, v57;
	(pc) =	sbr.rel .LBB2_63-.Ltmp48, $4  }
0x3df: {  	[tilespmem:v26+s24+$0x0] =	vst.idx.msk @p2 $0xffff, v13;
	v13 =	vsel @p2 vm0, v17, v18;
	vm1 =	vmor vm12, vm13;
	vm14 =	vgt.f32 v62, v10  }
0x3e0: {  	[tilespmem:v17+s24+$0x0] =	vst.idx.msk @p2 $0xffff, v19;
	v9 =	vpsel p2, v13, v9;
	v63 =	vsel vm1, $0xFF800000, v59;
	v10 =	vsel vm14, v62, v10  }
0x3e1: {  	[tilespmem:v12+s24+$0x0] =	vst.idx.msk $0xffff, v62;
	v9 =	vsel vm14, v12, v9;
	vm15 =	vgt.f32 v63, v10  }
0x3e2: {  	[tilespmem:v11+s24+$0x0] =	vst.idx.msk $0xffff, v63;
	v10 =	vsel vm15, v63, v10;
	v9 =	vsel vm15, v11, v9  }
.LBB2_62:
0x3e3: {  	v9 =	vimm.s32 $0x40000000;
	v10 =	vimm.f32 $-Inf  }
.LBB2_63:
.Ltmp49:
0x3e4: {  	(pc) =	sbr.rel @p1 .LBB2_65-.Ltmp49, $2  }
0x3e5: {  	_ =	sdelay $0x2  }
0x3e6: {  	s9 =	smov.u32 s6  }
.LBB2_64:
0x3e7: {  	v11 =	vor.u32 s9, v1;
	_ =	sdelay $0x4  }
0x3e8: {  	v12 =	vld.idx.msk [tilespmem:v11+s26+$0x0], $0xffff  }
0x3e9: {  	v13 =	vld.idx.msk [tilespmem:v11+s28+$0x0], $0xffff  }
0x3ea: {  	v14 =	vld.idx.msk [tilespmem:v11+s29+$0x0], $0xffff  }
0x3eb: {  	v15 =	vld.idx.msk [tilespmem:v11+s30+$0x0], $0xffff;
	_ =	sdelay $0x3  }
0x3ec: {  	v16 =	vld.idx.msk [tilespmem:v11+s31+$0x0], $0xffff;
	v14 =	vmin.f32 v5, v14  }
0x3ed: {  	v12 =	vmax.f32 v3, v12;
	v15 =	vmin.f32 v6, v15;
	v13 =	vmax.f32 v4, v13  }
0x3ee: {  	v12 =	vsub.f32 v14, v12;
	v13 =	vsub.f32 v15, v13;
	_ =	sdelay $0x1  }
0x3ef: {  	v12 =	vmax.f32 v12, $0.0e+00;
	v13 =	vmax.f32 v13, $0.0e+00  }
0x3f0: {  	v60 =	vadd.f32 v16, v8;
	v12 =	vmul.f32 v13, v12;
	_ =	sdelay $0x1  }
0x3f1: {  	v13 =	vsub.f32 v60, v12;
	_ =	sdelay $0x1  }
0x3f2: {  	v13 =	vadd.f32 $9.999999710e-10, v13;
	_ =	sdelay $0x1  }
0x3f3: {  	(erf) = vrcp.f32 v13;
	_ =	sdelay $0x8  }
0x3f4: {  	v61 =	vld.idx.msk [tilespmem:v11+s24+$0x0], $0xffff;
	v62 =	vpop (erf)  }
0x3f5: {  	s9 =	sadd.s32 $0x10, s9;
	v12 =	vmul.f32 v62, v12  }
0x3f6: {  	p2 =	slt.s32 s9, s5  }
.Ltmp50:
0x3f7: {  	vm1 =	veq.s32 v11, v7;
	vm0 =	vgt.f32 v12, $5.000000000e-01;
	(pc) =	sbr.rel @p2 .LBB2_64-.Ltmp50, $4  }
0x3f8: {  	vm0 =	vmor vm1, vm0  }
0x3f9: {  	v63 =	vsel vm0, $0xFF800000, v61  }
0x3fa: {  	vm0 =	vgt.f32 v63, v10  }
0x3fb: {  	[tilespmem:v11+s24+$0x0] =	vst.idx.msk $0xffff, v63;
	v10 =	vsel vm0, v63, v10;
	v9 =	vsel vm0, v11, v9  }
.Ltmp51:
0x3fc: {  	_ = 	snop;
	(pc) =	sbr.rel .LBB2_65-.Ltmp51, $1  }
0x3fd: {  	_ =	sdelay $0x3  }
.LBB2_70:
.Ltmp52:
0x3fe: {  	(pc) =	sbr.rel .LBB2_77-.Ltmp52, $2  }
0x3ff: {  	_ =	sdelay $0x2  }
0x400: {  	v16 =	vmov v12  }
.LBB2_72:
.Ltmp53:
0x401: {  	(pc) =	sbr.rel .LBB2_77-.Ltmp53, $2  }
0x402: {  	_ =	sdelay $0x2  }
0x403: {  	v34 =	vmovc v11;
	v26 =	vmovc v12;
	v16 =	vmov v13;
	v11 =	vmov v17;
	v12 =	vmov v13  }
.LBB2_74:
.Ltmp54:
0x404: {  	(pc) =	sbr.rel .LBB2_77-.Ltmp54, $3  }
0x405: {  	_ =	sdelay $0x1  }
0x406: {  	v30 =	vmov v11;
	v34 =	vmov v17  }
0x407: {  	v11 =	vmovc v26;
	v26 =	vmovc v13;
	v29 =	vmov v25;
	v28 =	vmov v24;
	v12 =	vmov v16  }
.LBB2_66:
0x408: {  	p0 =	slt.s32 s7, $0x64  }
0x409: {  	s7 =	simm.s32 @!p0 $0x64  }
0x40a: {  	s7 =	scvt.s32.f32 s7  }
.LBB2_67:
0x40b: {  	_ =	sdelay $0x2  }
0x40c: {  	s5 =	simm.s32 $0x10A00;
	v3 =	vmov s7  }
0x40d: {  	s1 =	rddreg [dreg:$0x6];
	[tilespmem:v2+s5+$0x0] =	vst.idx.msk $0x1, v3  }
0x40e: {  	[hbm4b:s1+s14] =	stream.strided.scatter [tilespmem:s5], [sflag:$0x4], $0x280, s20, s14, $0x38;
	[tilespmem:$0x10C80] =	vst v63  }
0x40f: {  	_ =	swait.ge [sflag:s21], $0x1400  }
0x410: {  	[sflag:s21] =	ssyncset.done $0x0  }
0x411: {  	[sflag:s21] =	ssyncadd.s32 $0xFFFFEC00  }
0x412: {  	_ =	swait.ge [sflag:s3], $0x280  }
0x413: {  	[sflag:s3] =	ssyncset.done $0x0  }
0x414: {  	[sflag:s3] =	ssyncadd.s32 $0xFFFFFD80  }
0x415: {  	[tilespmem:$0x10780] =	vst v0  }
0x416: {  	[tilespmem:$0x10790] =	vst v0  }
0x417: {  	[tilespmem:$0x107A0] =	vst v0  }
0x418: {  	[tilespmem:$0x107B0] =	vst v0  }
0x419: {  	[tilespmem:$0x107C0] =	vst v0  }
0x41a: {  	[tilespmem:$0x107D0] =	vst v0  }
0x41b: {  	[tilespmem:$0x107E0] =	vst v0  }
0x41c: {  	[tilespmem:$0x107F0] =	vst v0  }
0x41d: {  	[tilespmem:$0x10800] =	vst v0  }
0x41e: {  	[tilespmem:$0x10810] =	vst v0  }
0x41f: {  	[tilespmem:$0x10820] =	vst v0  }
0x420: {  	[tilespmem:$0x10830] =	vst v0  }
0x421: {  	[tilespmem:$0x10840] =	vst v0  }
0x422: {  	[tilespmem:$0x10850] =	vst v0  }
0x423: {  	[tilespmem:$0x10860] =	vst v0  }
0x424: {  	[tilespmem:$0x10870] =	vst v0  }
0x425: {  	[tilespmem:$0x10880] =	vst v0  }
0x426: {  	[tilespmem:$0x10890] =	vst v0  }
0x427: {  	[tilespmem:$0x108A0] =	vst v0  }
0x428: {  	[tilespmem:$0x108B0] =	vst v0  }
0x429: {  	[tilespmem:$0x108C0] =	vst v0  }
0x42a: {  	[tilespmem:$0x108D0] =	vst v0  }
0x42b: {  	[tilespmem:$0x108E0] =	vst v0  }
0x42c: {  	[tilespmem:$0x108F0] =	vst v0  }
0x42d: {  	[tilespmem:$0x10900] =	vst v0  }
0x42e: {  	[tilespmem:$0x10910] =	vst v0  }
0x42f: {  	[tilespmem:$0x10920] =	vst v0  }
0x430: {  	[tilespmem:$0x10930] =	vst v0  }
0x431: {  	[tilespmem:$0x10940] =	vst v0  }
0x432: {  	[tilespmem:$0x10950] =	vst v0  }
0x433: {  	[tilespmem:$0x10960] =	vst v0  }
0x434: {  	[tilespmem:$0x10970] =	vst v0  }
0x435: {  	[tilespmem:$0x10980] =	vst v0  }
0x436: {  	[tilespmem:$0x10990] =	vst v0  }
0x437: {  	s6 =	simm.s32 $0x20;
	[tilespmem:$0x109A0] =	vst v0  }
0x438: {  	s7 =	simm.s32 $0x30;
	v3 =	vor.u32 s6, v1;
	[tilespmem:$0x109B0] =	vst v0  }
0x439: {  	s8 =	simm.s32 $0x10;
	v4 =	vor.u32 s7, v1;
	[tilespmem:$0x109C0] =	vst v0  }
0x43a: {  	s9 =	simm.s32 $0x0;
	v28 =	vor.u32 s8, v1;
	[tilespmem:$0x109D0] =	vst v0  }
0x43b: {  	s10 =	simm.s32 $0x60;
	v29 =	vor.u32 s9, v1;
	[tilespmem:$0x109E0] =	vst v0  }
0x43c: {  	s11 =	simm.s32 $0x70;
	v7 =	vor.u32 s10, v1;
	[tilespmem:$0x109F0] =	vst v0  }
0x43d: {  	s12 =	simm.s32 $0x50;
	v6 =	vor.u32 s11, v1;
	v5 =	vld.idx.msk [tilespmem:v3+s2+$0x0], $0xffff  }
0x43e: {  	s13 =	simm.s32 $0x40;
	v8 =	vor.u32 s12, v1;
	v15 =	vld.idx.msk [tilespmem:v4+s2+$0x0], $0xffff  }
0x43f: {  	v10 =	vor.u32 s13, v1;
	v26 =	vld.idx.msk [tilespmem:v28+s2+$0x0], $0xffff  }
0x440: {  	v33 =	vld.idx.msk [tilespmem:v29+s2+$0x0], $0xffff  }
0x441: {  	v14 =	vld.idx.msk [tilespmem:v7+s2+$0x0], $0xffff  }
0x442: {  	v9 =	vld.idx.msk [tilespmem:v6+s2+$0x0], $0xffff  }
0x443: {  	v11 =	vld.idx.msk [tilespmem:v8+s2+$0x0], $0xffff  }
0x444: {  	v13 =	vld.idx.msk [tilespmem:v10+s2+$0x0], $0xffff  }
0x445: {  	vm0 =	vge.f32 v5, $8.999999760e-01  }
0x446: {  	vm1 =	vge.f32 v15, $8.999999760e-01;
	vm2 =	vge.f32 v26, $8.999999760e-01;
	vm11 =	vge.f32 v14, $8.999999760e-01  }
0x447: {  	vm12 =	vge.f32 v9, $8.999999760e-01;
	vm3 =	vge.f32 v33, $8.999999760e-01;
	vm0 =	vmor vm0, vm1  }
0x448: {  	vm13 =	vge.f32 v11, $8.999999760e-01;
	vm1 =	vmor vm11, vm12;
	vm0 =	vmor vm2, vm0  }
0x449: {  	vm14 =	vge.f32 v13, $8.999999760e-01;
	vm1 =	vmor vm13, vm1;
	vm0 =	vmor vm3, vm0  }
0x44a: {  	vm15 =	vmor vm14, vm1;
	v12 =	vsel vm0, $0x3F800000, v0  }
0x44b: {  	(xrf0) =	vmax.scan.msk.f32 $0xffff, v12;
	v12 =	vsel vm15, $0x3F800000, v0  }
0x44c: {  	(xrf0) =	vmax.scan.msk.f32 $0xffff, v12;
	_ =	sdelay $0x1  }
0x44d: {  	p0 =	por $0x1, $0x1  }
.Ltmp55:
0x44e: {  	_ = 	snop;
	(pc) =	sbr.rel @!p0 .LBB2_68-.Ltmp55, $4  }
0x44f: {  	_ = 	snop  }
0x450: {  	v12, _, _ =	vpop (xrf0)  }
0x451: {  	(v2sf) =	vpush v12, $0xF;
	v12, _, _ =	vpop (xrf0)  }
0x452: {  	v16 =	vimm.s32 $0x0;
	p1 =	por $0x0, $0x0;
	s5 =	simm.s32 $0x80;
	(v2sf) =	vpush v12, $0xF  }
0x453: {  	_ = 	snop  }
0x454: {  	s1 =	simm.s32 $0xA0  }
0x455: {  	s7 =	simm.s32 $0xB0;
	v20 =	vor.u32 s1, v1  }
0x456: {  	s6 =	simm.s32 $0x90;
	v18 =	vor.u32 s7, v1  }
0x457: {  	s10 =	simm.s32 $0xF0;
	v17 =	vor.u32 s6, v1  }
0x458: {  	v21 =	vor.u32 s10, v1;
	_ =	sdelay $0x1  }
0x459: {  	v19 =	vor.u32 s5, v1;
	v24 =	vld.idx.msk [tilespmem:v20+s2+$0x0], $0xffff  }
0x45a: {  	s8 =	simm.s32 $0xE0;
	v12 =	vld.idx.msk [tilespmem:v18+s2+$0x0], $0xffff  }
0x45b: {  	s9 =	simm.s32 $0xD0;
	v22 =	vor.u32 s8, v1;
	v32 =	vld.idx.msk [tilespmem:v17+s2+$0x0], $0xffff  }
0x45c: {  	v23 =	vor.u32 s9, v1;
	v27 =	vld.idx.msk [tilespmem:v21+s2+$0x0], $0xffff;
	_ =	sdelay $0x1  }
0x45d: {  	v25 =	vld.idx.msk [tilespmem:v19+s2+$0x0], $0xffff  }
0x45e: {  	s12 =	simm.s32 $0xC0;
	s11 =	spop (v2sf)  }
0x45f: {  	v31 =	vor.u32 s12, v1;
	v34 =	vld.idx.msk [tilespmem:v22+s2+$0x0], $0xffff;
	vm0 =	vge.f32 v24, $8.999999760e-01;
	p1 =	sgt.f32 s11, $0.0e+00  }
0x460: {  	v30 =	vld.idx.msk [tilespmem:v23+s2+$0x0], $0xffff;
	vm1 =	vge.f32 v12, $8.999999760e-01;
	vm2 =	vge.f32 v32, $8.999999760e-01;
	vm5 =	vge.f32 v27, $8.999999760e-01  }
0x461: {  	vm0 =	vmor vm0, vm1;
	vm7 =	vge.f32 @p1 v33, $8.999999760e-01;
	v35 =	vimm.s32 @p1 $0x0  }
0x462: {  	vm1 =	vge.f32 v25, $8.999999760e-01;
	vm6 =	vge.f32 @p1 v26, $8.999999760e-01;
	v36 =	vsel @p1 vm7, $0x1, v35  }
0x463: {  	vm0 =	vmor vm2, vm0;
	vm4 =	vge.f32 @p1 v15, $8.999999760e-01;
	v38 =	vsel @p1 vm6, $0x1, v35;
	(xrf0) =	vadd.scan.msk.s32 @p1 $0xffff, v36  }
0x464: {  	vm2 =	vge.f32 v34, $8.999999760e-01;
	s13 =	spop (v2sf);
	vm1 =	vmor vm1, vm0;
	v36 =	vld.idx.msk [tilespmem:v31+s2+$0x0], $0xffff;
	(xrf0) =	vadd.scan.msk.s32 @p1 $0xffff, v38;
	v38 =	vsel @p1 vm4, $0x1, v35  }
0x465: {  	vm5 =	vmor vm2, vm5;
	p2 =	sgt.f32 s13, $0.0e+00;
	v61 =	vsel vm1, $0x3F800000, v0;
	vm1 =	vge.f32 v30, $8.999999760e-01;
	(xrf0) =	vadd.scan.msk.s32 @p1 $0xffff, v38  }
0x466: {  	vm3 =	vge.f32 @p1 v5, $8.999999760e-01;
	vm5 =	vmor vm1, vm5;
	(xrf0) =	vmax.scan.msk.f32 $0xffff, v61  }
0x467: {  	v41 =	vimm.s32 @p2 $0x0;
	vm2 =	vge.f32 @p2 v13, $8.999999760e-01;
	v35 =	vsel @p1 vm3, $0x1, v35  }
0x468: {  	p0 =	por p1, p1;
	v37 =	vmpcnt.ones.xlane @p1 vm7;
	v39 =	vmpcnt.ones.xlane @p1 vm4;
	v43 =	vsel @p2 vm2, $0x1, v41  }
0x469: {  	v40 =	vmpcnt.ones.xlane @p1 vm3;
	vm1 =	vge.f32 @p2 v14, $8.999999760e-01;
	vm8 =	vge.f32 v36, $8.999999760e-01;
	v42, _, _ =	vpop @p1 (xrf0);
	(xrf0) =	vadd.scan.msk.s32 @p0 $0xffff, v35  }
0x46a: {  	v44 =	vsel @p2 vm1, $0x1, v41;
	v37 =	vadd.s32 @p0 v16, v37;
	vm5 =	vmor vm8, vm5;
	v35, _, _ =	vpop @p1 (xrf0);
	(xrf0) =	vadd.scan.msk.s32 @p2 $0xffff, v43  }
0x46b: {  	v38 =	vmpcnt.ones.xlane @p0 vm6;
	v42 =	vadd.s32 @p0 v42, v16;
	v45 =	vsel vm5, $0x3F800000, v0;
	v43, _, _ =	vpop @p1 (xrf0);
	(xrf0) =	vadd.scan.msk.s32 @p2 $0xffff, v44  }
0x46c: {  	vm0 =	vge.f32 @p2 v9, $8.999999760e-01;
	v35 =	vadd.s32 @p0 v37, v35;
	v62, _, _ =	vpop (xrf0);
	(xrf0) =	vmax.scan.msk.f32 $0xffff, v45;
	v45 =	vadd.s32 @p0 $0xFFFFFFFF, v42  }
0x46d: {  	v37 =	vadd.s32 @p0 v37, v38;
	v46 =	vadd.s32 @p0 $0xFFFFFFFF, v35;
	v35 =	vsel @p2 vm0, $0x1, v41  }
0x46e: {  	vm5 =	vge.f32 @p2 v11, $8.999999760e-01;
	(xrf0) =	vadd.scan.msk.s32 @p2 $0xffff, v35;
	v35 =	vadd.s32 @p0 v37, v40  }
0x46f: {  	v38 =	vmpcnt.ones.xlane @p2 vm2;
	(v2sf) =	vpush v62, $0xF;
	v39 =	vadd.s32 @p0 v35, v39  }
0x470: {  	s5 =	simm.s32 @p0 $0x7800;
	v44 =	vmpcnt.ones.xlane @p2 vm5;
	v41 =	vsel @p2 vm5, $0x1, v41;
	v40, _, _ =	vpop @p1 (xrf0);
	v42 =	vpsel p0, v39, v16  }
0x471: {  	p3 =	por $0x1, $0x1;
	s6 =	simm.s32 @p0 $0x8C80;
	(xrf0) =	vadd.scan.msk.s32 @p2 $0xffff, v41;
	v37 =	vadd.s32 @p0 v37, v40;
	v40 =	vadd.s32 @p2 v42, v38;
	[tilespmem:v45+s5+$0x0] =	vst.idx.msk @p0 vm7, v33  }
.Ltmp56:
0x472: {  	v39, _, _ =	vpop @p2 (xrf0);
	[tilespmem:v45+s6+$0x0] =	vst.idx.msk @p0 vm7, v29;
	v29 =	vadd.s32 @p2 v40, v44;
	(pc) =	sbr.rel @!p3 .LBB2_79-.Ltmp56, $4  }
0x473: {  	v47 =	vmpcnt.ones.xlane @p2 vm1;
	v48 =	vmpcnt.ones.xlane @p2 vm0;
	v33, _, _ =	vpop @p2 (xrf0);
	v38 =	vadd.s32 @p2 v39, v42  }
0x474: {  	vm3 =	vmmov vm3;
	v35 =	vadd.s32 @p0 v35, v43;
	v63, _, _ =	vpop (xrf0);
	v38 =	vadd.s32 @p2 $0xFFFFFFFF, v38  }
0x475: {  	[tilespmem:v46+s5+$0x0] =	vst.idx.msk @p0 vm6, v26;
	v39 =	vadd.s32 @p2 v29, v33;
	v26 =	vadd.s32 @p2 v29, v47;
	(v2sf) =	vpush v63, $0xF;
	v29, _, _ =	vpop @p2 (xrf0)  }
0x476: {  	s7 =	simm.s32 $0x100;
	vm4 =	vmmov vm4;
	p1 =	por $0x1, $0x1;
	[tilespmem:v46+s6+$0x0] =	vst.idx.msk @p0 vm6, v28;
	v48 =	vadd.s32 @p2 v26, v48;
	v41 =	vadd.s32 @p2 v26, v29  }
.LBB2_80:
0x477: {  	s1 =	sadd.s32 $0x20, s7;
	s8 =	simm.s32 @p2 $0x8C80;
	v28, _, _ =	vpop @p2 (xrf0);
	v26 =	vmov v32;
	s9 =	smov.u32 s7  }
0x478: {  	s10 =	sadd.s32 $0x10, s7;
	v37 =	vadd.s32 @p0 $0xFFFFFFFF, v37;
	s11 =	simm.s32 @p2 $0x7800;
	v43 =	vor.u32 s1, v1;
	s1 =	sadd.s32 $0x30, s7;
	v29 =	vadd.s32 @p2 v40, v28  }
0x479: {  	v28 =	vor.u32 s10, v1;
	v40 =	vor.u32 s1, v1;
	s10 =	sadd.s32 $0x20, s1;
	s7 =	sadd.s32 $0x30, s1;
	s12 =	sadd.s32 $0x40, s1;
	[tilespmem:v38+s11+$0x0] =	vst.idx.msk @p2 vm2, v13;
	v33 =	vadd.s32 @p2 $0xFFFFFFFF, v29;
	v13 =	vmovc v36  }
0x47a: {  	s1 =	sadd.s32 $0x10, s1;
	v36 =	vor.u32 s7, v1;
	v44 =	vor.u32 s12, v1;
	s13 =	sadd.s32 $0xFFFFFF90, s12;
	s7 =	sadd.s32 $0x10, s12;
	[tilespmem:v38+s8+$0x0] =	vst.idx.msk @p2 vm2, v10;
	v10 =	vmov v31  }
0x47b: {  	v39 =	vadd.s32 @p2 $0xFFFFFFFF, v39;
	v29 =	vor.u32 s9, v1;
	v38 =	vor.u32 s10, v1;
	p3 =	slt.u32 s13, $0x1380;
	_ =	sdelay $0x1  }
0x47c: {  	v41 =	vadd.s32 @p2 $0xFFFFFFFF, v41;
	[tilespmem:v37+s5+$0x0] =	vst.idx.msk @p0 vm3, v5;
	v5 =	vmov v24;
	v24 =	vld.idx.msk [tilespmem:v43+s2+$0x0], $0xffff  }
0x47d: {  	v45 =	vld.idx.msk [tilespmem:v40+s2+$0x0], $0xffff;
	s9 =	spop (v2sf);
	[tilespmem:v33+s11+$0x0] =	vst.idx.msk @p2 vm5, v11;
	v11 =	vmov v30  }
0x47e: {  	v32 =	vld.idx.msk [tilespmem:v28+s2+$0x0], $0xffff;
	p4 =	sgt.f32 s9, $0.0e+00;
	[tilespmem:v33+s8+$0x0] =	vst.idx.msk @p2 vm5, v8;
	v8 =	vmov v23;
	v23 =	vmov v38  }
0x47f: {  	v35 =	vadd.s32 @p0 $0xFFFFFFFF, v35;
	v42 =	vpsel p2, v48, v42;
	v31 =	vor.u32 s1, v1;
	v33 =	vld.idx.msk [tilespmem:v29+s2+$0x0], $0xffff;
	[tilespmem:v39+s11+$0x0] =	vst.idx.msk @p2 vm1, v14  }
0x480: {  	v46 =	vld.idx.msk [tilespmem:v36+s2+$0x0], $0xffff;
	vm8 =	vge.f32 @p4 v5, $8.999999760e-01;
	vm6 =	vge.f32 @p4 v25, $8.999999760e-01;
	v47 =	vimm.s32 @p4 $0x0;
	[tilespmem:v39+s8+$0x0] =	vst.idx.msk @p2 vm1, v7;
	v7 =	vmovc v22;
	v22 =	vmovc v36  }
0x481: {  	v14 =	vmovc v34;
	vm9 =	vge.f32 @p4 v12, $8.999999760e-01;
	v30 =	vld.idx.msk [tilespmem:v38+s2+$0x0], $0xffff;
	v36 =	vsel @p4 vm6, $0x1, v47;
	v38 =	vmpcnt.ones.xlane @p4 vm6;
	[tilespmem:v41+s11+$0x0] =	vst.idx.msk @p2 vm0, v9  }
0x482: {  	vm7 =	vge.f32 @p4 v26, $8.999999760e-01;
	vm1 =	vge.f32 v24, $8.999999760e-01;
	v39 =	vmpcnt.ones.xlane @p4 vm9;
	v9 =	vmovc v27;
	(xrf0) =	vadd.scan.msk.s32 @p4 $0xffff, v36;
	v27 =	vld.idx.msk [tilespmem:v44+s2+$0x0], $0xffff  }
0x483: {  	v34 =	vsel @p4 vm7, $0x1, v47;
	v48 =	vsel @p4 vm9, $0x1, v47;
	vm2 =	vge.f32 v45, $8.999999760e-01;
	s1 =	spop (v2sf);
	[tilespmem:v41+s8+$0x0] =	vst.idx.msk @p2 vm0, v6;
	v6 =	vmovc v21;
	v21 =	vmovc v44  }
0x484: {  	vm0 =	vge.f32 v32, $8.999999760e-01;
	vm1 =	vmor vm1, vm2;
	v41 =	vmpcnt.ones.xlane @p4 vm8;
	v36 =	vld.idx.msk [tilespmem:v31+s2+$0x0], $0xffff;
	p2 =	sgt.f32 s1, $0.0e+00;
	(xrf0) =	vadd.scan.msk.s32 @p4 $0xffff, v34  }
0x485: {  	vm2 =	vge.f32 v33, $8.999999760e-01;
	vm0 =	vmor vm0, vm1;
	(xrf0) =	vadd.scan.msk.s32 @p4 $0xffff, v48;
	[tilespmem:v37+s6+$0x0] =	vst.idx.msk @p0 vm3, v3;
	v3 =	vmovc v20  }
0x486: {  	vm1 =	vmor vm2, vm0;
	vm2 =	vge.f32 v46, $8.999999760e-01;
	v20 =	vmovc v43;
	vm0 =	vge.f32 @p2 v9, $8.999999760e-01;
	[tilespmem:v35+s5+$0x0] =	vst.idx.msk @p0 vm4, v15;
	v15 =	vmovc v12  }
0x487: {  	v34 =	vsel @p4 vm8, $0x1, v47;
	v43 =	vsel vm1, $0x3F800000, v0;
	vm1 =	vge.f32 v30, $8.999999760e-01;
	[tilespmem:v35+s6+$0x0] =	vst.idx.msk @p0 vm4, v4;
	v4 =	vmovc v18;
	v18 =	vmovc v40;
	p0 =	por p4, p4  }
0x488: {  	v37 =	vimm.s32 @p2 $0x0;
	vm3 =	vge.f32 v27, $8.999999760e-01;
	(xrf0) =	vmax.scan.msk.f32 $0xffff, v43;
	v35 =	vmpcnt.ones.xlane @p0 vm7;
	v40, _, _ =	vpop @p4 (xrf0)  }
0x489: {  	v12 =	vmovc v45;
	vm3 =	vmor vm2, vm3;
	v38 =	vadd.s32 @p0 v42, v38;
	vm2 =	vge.f32 @p2 v13, $8.999999760e-01;
	(xrf0) =	vadd.scan.msk.s32 @p0 $0xffff, v34  }
0x48a: {  	vm4 =	vge.f32 v36, $8.999999760e-01;
	vm3 =	vmor vm1, vm3;
	vm1 =	vge.f32 @p2 v14, $8.999999760e-01;
	v34, _, _ =	vpop @p4 (xrf0)  }
0x48b: {  	v40 =	vadd.s32 @p0 v40, v42;
	v43 =	vsel @p2 vm2, $0x1, v37;
	vm3 =	vmor vm4, vm3;
	v44, _, _ =	vpop @p4 (xrf0)  }
0x48c: {  	v48 =	vsel @p2 vm1, $0x1, v37;
	v45 =	vsel vm3, $0x3F800000, v0;
	v49 =	vadd.s32 @p0 v38, v34;
	v34 =	vmovc v46;
	(xrf0) =	vadd.scan.msk.s32 @p2 $0xffff, v43  }
0x48d: {  	vm5 =	vge.f32 @p2 v11, $8.999999760e-01;
	v46 =	vsel @p2 vm0, $0x1, v37;
	v43 =	vadd.s32 @p0 $0xFFFFFFFF, v49;
	(xrf0) =	vadd.scan.msk.s32 @p2 $0xffff, v48  }
0x48e: {  	v35 =	vadd.s32 @p0 v38, v35;
	v48 =	vmpcnt.ones.xlane @p2 vm1;
	v47, _, _ =	vpop (xrf0);
	(xrf0) =	vmax.scan.msk.f32 $0xffff, v45;
	v45 =	vadd.s32 @p0 $0xFFFFFFFF, v40  }
0x48f: {  	v38 =	vmpcnt.ones.xlane @p2 vm2;
	(v2sf) =	vpush v47, $0xF;
	v47 =	vmpcnt.ones.xlane @p2 vm5;
	v40, _, _ =	vpop @p4 (xrf0);
	(xrf0) =	vadd.scan.msk.s32 @p2 $0xffff, v46  }
0x490: {  	v41 =	vadd.s32 @p0 v35, v41;
	v49 =	vmpcnt.ones.xlane @p2 vm0;
	v46 =	vsel @p2 vm5, $0x1, v37  }
0x491: {  	v37 =	vadd.s32 @p0 v35, v40;
	v35 =	vadd.s32 @p0 v41, v44;
	v40 =	vadd.s32 @p0 v41, v39;
	(xrf0) =	vadd.scan.msk.s32 @p2 $0xffff, v46  }
.Ltmp57:
0x492: {  	s5 =	simm.s32 @p0 $0x7800;
	vm4 =	vmmov vm9;
	vm3 =	vmmov vm8;
	v42 =	vpsel p0, v40, v42;
	v39, _, _ =	vpop @p2 (xrf0);
	(pc) =	sbr.rel @p3 .LBB2_80-.Ltmp57, $4  }
0x493: {  	s6 =	simm.s32 @p0 $0x8C80;
	v40 =	vadd.s32 @p2 v42, v38;
	[tilespmem:v45+s5+$0x0] =	vst.idx.msk @p0 vm6, v25;
	v39 =	vadd.s32 @p2 v39, v42;
	v41, _, _ =	vpop @p2 (xrf0);
	v25 =	vmov v33  }
0x494: {  	v44 =	vadd.s32 @p2 v40, v47;
	v33, _, _ =	vpop (xrf0);
	[tilespmem:v45+s6+$0x0] =	vst.idx.msk @p0 vm6, v19;
	v38 =	vadd.s32 @p2 $0xFFFFFFFF, v39;
	v19 =	vmov v29  }
0x495: {  	v39 =	vadd.s32 @p2 v44, v41;
	(v2sf) =	vpush v33, $0xF;
	[tilespmem:v43+s5+$0x0] =	vst.idx.msk @p0 vm7, v26;
	v26 =	vadd.s32 @p2 v44, v48;
	v29, _, _ =	vpop @p2 (xrf0)  }
0x496: {  	[tilespmem:v43+s6+$0x0] =	vst.idx.msk @p0 vm7, v17;
	v41 =	vadd.s32 @p2 v26, v29;
	v48 =	vadd.s32 @p2 v26, v49;
	v17 =	vmov v28  }
0x497: {  	v44 =	vmov v13  }
0x498: {  	v45 =	vmovc v10;
	v43 =	vmovc v5;
	v46 =	vmov v11;
	v47 =	vmov v8;
	v49 =	vmov v14  }
0x499: {  	v50 =	vmovc v7;
	v51 =	vmovc v9;
	v53 =	vmov v6;
	v52 =	vmov v3;
	v54 =	vmov v4  }
0x49a: {  	v26 =	vmovc v32;
	v13 =	vmovc v36;
	v10 =	vmov v31;
	v5 =	vmov v24;
	v11 =	vmov v30  }
0x49b: {  	v8 =	vmovc v23;
	v33 =	vmovc v25;
	v7 =	vmov v22;
	v14 =	vmov v34;
	v9 =	vmov v27  }
0x49c: {  	v6 =	vmovc v21;
	v3 =	vmovc v20;
	v4 =	vmov v18;
	v29 =	vmov v19;
	v28 =	vmov v17  }
.LBB2_82:
0x49d: {  	_ =	sdelay $0x1  }
0x49e: {  	p4 =	por !p2, !p1;
	s1 =	spop (v2sf)  }
0x49f: {  	v17 =	vpsel p4, v42, v48;
	p5 =	sgt.f32 s1, $0.0e+00  }
0x4a0: {  	v16 =	vpsel p1, v17, v16  }
0x4a1: {  	vm9 =	vge.f32 @p5 v5, $8.999999760e-01;
	vm7 =	vge.f32 @p5 v33, $8.999999760e-01;
	v18 =	vimm.s32 @p5 $0x0  }
0x4a2: {  	vm8 =	vge.f32 @p5 v12, $8.999999760e-01;
	vm6 =	vge.f32 @p5 v26, $8.999999760e-01;
	p2 =	por p5, p5;
	v20 =	vmpcnt.ones.xlane @p5 vm7  }
0x4a3: {  	v19 =	vsel @p5 vm7, $0x1, v18;
	v21 =	vmpcnt.ones.xlane @p5 vm8;
	v22 =	vmpcnt.ones.xlane @p2 vm6;
	s9 =	spop (v2sf)  }
0x4a4: {  	v17 =	vsel @p5 vm6, $0x1, v18;
	v23 =	vmpcnt.ones.xlane @p5 vm9;
	v20 =	vadd.s32 @p2 v16, v20;
	p3 =	sgt.f32 s9, $0.0e+00  }
0x4a5: {  	v24 =	vsel @p5 vm8, $0x1, v18;
	v18 =	vsel @p5 vm9, $0x1, v18;
	v22 =	vadd.s32 @p2 v20, v22  }
0x4a6: {  	v23 =	vadd.s32 @p2 v22, v23;
	vm10 =	vge.f32 @p3 v9, $8.999999760e-01;
	vm13 =	vge.f32 @p3 v13, $8.999999760e-01  }
0x4a7: {  	(xrf0) =	vadd.scan.msk.s32 @p5 $0xffff, v19;
	vm12 =	vge.f32 @p3 v11, $8.999999760e-01;
	v21 =	vadd.s32 @p2 v23, v21;
	v19 =	vmpcnt.ones.xlane @p3 vm13  }
0x4a8: {  	(xrf0) =	vadd.scan.msk.s32 @p5 $0xffff, v17;
	vm11 =	vge.f32 @p3 v14, $8.999999760e-01;
	v17 =	vmpcnt.ones.xlane @p3 vm12;
	v21 =	vpsel p2, v21, v16  }
0x4a9: {  	(xrf0) =	vadd.scan.msk.s32 @p5 $0xffff, v24;
	v24 =	vimm.s32 @p3 $0x0;
	v25 =	vmpcnt.ones.xlane @p3 vm11;
	v19 =	vadd.s32 @p3 v21, v19  }
0x4aa: {  	(xrf0) =	vadd.scan.msk.s32 @p2 $0xffff, v18;
	v18 =	vsel @p3 vm13, $0x1, v24;
	v27 =	vmpcnt.ones.xlane @p3 vm10;
	v17 =	vadd.s32 @p3 v19, v17  }
0x4ab: {  	v30 =	vsel @p3 vm11, $0x1, v24;
	(xrf0) =	vadd.scan.msk.s32 @p3 $0xffff, v18;
	v18 =	vadd.s32 @p3 v17, v25  }
0x4ac: {  	v31 =	vsel @p3 vm10, $0x1, v24;
	v27 =	vadd.s32 @p3 v18, v27  }
0x4ad: {  	v25, _, _ =	vpop @!p4 (xrf0);
	(xrf0) =	vadd.scan.msk.s32 @p3 $0xffff, v30;
	v27 =	vpsel p3, v27, v21  }
0x4ae: {  	v24 =	vsel @p3 vm12, $0x1, v24;
	v30, _, _ =	vpop @p5 (xrf0);
	(xrf0) =	vadd.scan.msk.s32 @p3 $0xffff, v31  }
0x4af: {  	v31, _, _ =	vpop @p5 (xrf0);
	(xrf0) =	vadd.scan.msk.s32 @p3 $0xffff, v24;
	v61 =	vxor.u32 $0x80000000, v27  }
0x4b0: {  	v27, _, _ =	vpop @p5 (xrf0);
	(xrf0) =	vmax.scan.msk.u32 $0xffff, v61  }
0x4b1: {  	v24, _, _ =	vpop @p5 (xrf0)  }
0x4b2: {  	v25 =	vadd.s32 @!p4 v40, v25;
	v32, _, _ =	vpop @p3 (xrf0)  }
0x4b3: {  	v25 =	vadd.s32 @!p4 $0xFFFFFFFF, v25;
	v36, _, _ =	vpop @p3 (xrf0)  }
0x4b4: {  	v34 =	vadd.s32 @!p4 $0xFFFFFFFF, v39;
	v39, _, _ =	vpop @p3 (xrf0)  }
0x4b5: {  	s1 =	simm.s32 @!p4 $0x7800;
	v40, _, _ =	vpop @p3 (xrf0)  }
0x4b6: {  	s7 =	simm.s32 @!p4 $0x8C80;
	[tilespmem:v38+s1+$0x0] =	vst.idx.msk @!p4 vm2, v44;
	v62, _, _ =	vpop (xrf0)  }
0x4b7: {  	[tilespmem:v38+s7+$0x0] =	vst.idx.msk @!p4 vm2, v45;
	(v2sf) =	vpush v62, $0xF  }
0x4b8: {  	p0 =	por !p0, !p1;
	[tilespmem:v25+s1+$0x0] =	vst.idx.msk @!p4 vm5, v46  }
0x4b9: {  	[tilespmem:v25+s7+$0x0] =	vst.idx.msk @!p4 vm5, v47;
	v25 =	vadd.s32 @!p0 $0xFFFFFFFF, v37  }
0x4ba: {  	[tilespmem:v34+s1+$0x0] =	vst.idx.msk @!p4 vm1, v49  }
0x4bb: {  	[tilespmem:v34+s7+$0x0] =	vst.idx.msk @!p4 vm1, v50;
	v34 =	vadd.s32 @!p0 $0xFFFFFFFF, v35  }
0x4bc: {  	v38 =	vadd.s32 @!p4 $0xFFFFFFFF, v41  }
0x4bd: {  	v21 =	vadd.s32 @p3 v32, v21  }
0x4be: {  	v21 =	vadd.s32 @p3 $0xFFFFFFFF, v21;
	[tilespmem:v25+s5+$0x0] =	vst.idx.msk @!p0 vm3, v43  }
0x4bf: {  	v19 =	vadd.s32 @p3 v19, v40;
	[tilespmem:v25+s6+$0x0] =	vst.idx.msk @!p0 vm3, v52  }
0x4c0: {  	[tilespmem:v34+s5+$0x0] =	vst.idx.msk @!p0 vm4, v15;
	v15 =	vadd.s32 @p3 $0xFFFFFFFF, v19  }
0x4c1: {  	v17 =	vadd.s32 @p3 v17, v36;
	[tilespmem:v38+s1+$0x0] =	vst.idx.msk @!p4 vm0, v51  }
0x4c2: {  	v17 =	vadd.s32 @p3 $0xFFFFFFFF, v17;
	s5 =	simm.s32 @p3 $0x7800;
	[tilespmem:v34+s6+$0x0] =	vst.idx.msk @!p0 vm4, v54  }
0x4c3: {  	v18 =	vadd.s32 @p3 v18, v39;
	s6 =	simm.s32 @p3 $0x8C80;
	[tilespmem:v21+s5+$0x0] =	vst.idx.msk @p3 vm13, v13  }
0x4c4: {  	[tilespmem:v21+s6+$0x0] =	vst.idx.msk @p3 vm13, v10;
	v10 =	vadd.s32 @p3 $0xFFFFFFFF, v18  }
0x4c5: {  	[tilespmem:v15+s5+$0x0] =	vst.idx.msk @p3 vm12, v11  }
0x4c6: {  	v16 =	vadd.s32 @p2 v30, v16;
	[tilespmem:v15+s6+$0x0] =	vst.idx.msk @p3 vm12, v8;
	s10 =	spop (v2sf)  }
0x4c7: {  	v16 =	vadd.s32 @p2 $0xFFFFFFFF, v16;
	[tilespmem:v17+s5+$0x0] =	vst.idx.msk @p3 vm11, v14;
	s11 =	sadd.s32 $0x8000000F, s10  }
0x4c8: {  	v11 =	vadd.s32 @p2 v20, v31;
	[tilespmem:v17+s6+$0x0] =	vst.idx.msk @p3 vm11, v7;
	s12 =	sand.u32 $0xF, s11  }
0x4c9: {  	v8 =	vadd.s32 @p2 $0xFFFFFFFF, v11;
	[tilespmem:v10+s5+$0x0] =	vst.idx.msk @p3 vm10, v9;
	s13 =	sshra.s32 s11, $0x1F;
	p6 =	slt.s32 s11, $0x1;
	p5 =	sne.s32 s12, $0x0  }
0x4ca: {  	s1 =	simm.s32 @p2 $0x7800;
	v11 =	vadd.s32 @p2 v22, v24;
	[tilespmem:v10+s6+$0x0] =	vst.idx.msk @p3 vm10, v6;
	s6 =	sshrl.u32 s13, $0x1C;
	p0 =	por !p6, !p5  }
0x4cb: {  	[tilespmem:v38+s7+$0x0] =	vst.idx.msk @!p4 vm0, v53;
	v7 =	vadd.s32 @p2 $0xFFFFFFFF, v11;
	s5 =	sadd.s32 s6, s11;
	s6 =	simm.s32 $0x1;
	p0 =	por !p0, !p0  }
0x4cc: {  	s8 =	simm.s32 @p2 $0x8C80;
	[tilespmem:v16+s1+$0x0] =	vst.idx.msk @p2 vm7, v33;
	v9 =	vadd.s32 @p2 v23, v27;
	s5 =	sshrl.u32 s5, $0x4;
	s6 =	simm.s32 @!p0 $0x0  }
0x4cd: {  	[tilespmem:v16+s8+$0x0] =	vst.idx.msk @p2 vm7, v29;
	v6 =	vadd.s32 @p2 $0xFFFFFFFF, v9;
	s5 =	ssub.s32 s5, s6  }
0x4ce: {  	[tilespmem:v8+s1+$0x0] =	vst.idx.msk @p2 vm6, v26;
	s7 =	sxor.u32 $0x80000000, s10;
	s5 =	sshll.u32 s5, $0x4  }
0x4cf: {  	[tilespmem:v8+s8+$0x0] =	vst.idx.msk @p2 vm6, v28;
	v63 =	vadd.s32 s7, v1;
	p0 =	slt.s32 s5, $0x20  }
.Ltmp58:
0x4d0: {  	[tilespmem:v7+s1+$0x0] =	vst.idx.msk @p2 vm9, v5;
	(pc) =	sbr.rel @p0 .LBB2_94-.Ltmp58, $4  }
0x4d1: {  	[tilespmem:v7+s8+$0x0] =	vst.idx.msk @p2 vm9, v3  }
0x4d2: {  	[tilespmem:v6+s1+$0x0] =	vst.idx.msk @p2 vm8, v12  }
0x4d3: {  	vm14 =	vmmov vm9;
	[tilespmem:v6+s8+$0x0] =	vst.idx.msk @p2 vm8, v4;
	v4 =	vimm.f32 $-Inf  }
0x4d4: {  	vm15 =	vmmov vm8;
	v5 =	vimm.s32 $0x40000000;
	v3 =	vmov s7;
	[tilespmem:v63+s24+$0x0] =	vst.idx.msk $0xffff, v4;
	s6 =	sand.u32 $0xFFFFFFE0, s5  }
0x4d5: {  	s7 =	simm.s32 $0x0  }
0x4d6: {  	v7 =	vor.u32 s7, v1  }
0x4d7: {  	vm0 =	vlt.s32 v7, v3  }
0x4d8: {  	p4 =	sgt.s32 s6, $0x20  }
.Ltmp59:
0x4d9: {  	_ = 	snop;
	(pc) =	sbr.rel @!p4 .LBB2_84-.Ltmp59, $4  }
0x4da: {  	s1 =	simm.s32 $0x10  }
0x4db: {  	v10 =	vor.u32 s1, v1  }
0x4dc: {  	v5 =	vimm.f32 $-Inf;
	p1 =	por $0x0, $0x0;
	vm1 =	vlt.s32 v10, v3  }
0x4dd: {  	v4 =	vimm.s32 $0x40000000;
	p2 =	por $0x0, $0x0;
	p3 =	por $0x0, $0x0;
	s7 =	simm.s32 $0x20;
	vm2 =	vmmov vm0;
	v14 =	vld.idx.msk [tilespmem:v7+s25+$0x0], vm0;
	vm0 =	vmmov vm1  }
0x4de: {  	_ = 	snop  }
0x4df: {  	v6 =	vor.u32 s7, v1  }
0x4e0: {  	vm3 =	vlt.s32 v6, v3;
	_ =	sdelay $0x1  }
0x4e1: {  	v8 =	vnsel vm2, $0x0, v14;
	_ =	sdelay $0x2  }
0x4e2: {  	v9 =	vld.idx.msk [tilespmem:v10+s25+$0x0], vm1;
	p4 =	sgt.s32 s6, $0x40  }
.Ltmp60:
0x4e3: {  	s1 =	simm.s32 $0x30;
	v14 =	vld.idx.msk [tilespmem:v6+s25+$0x0], vm3;
	(pc) =	sbr.rel @!p4 .LBB2_86-.Ltmp60, $4  }
0x4e4: {  	v12 =	vor.u32 s1, v1;
	v21 =	vld.idx.msk [tilespmem:v8+s19+$0x0], $0xffff  }
0x4e5: {  	v11 =	vld.idx.msk [tilespmem:v8+s18+$0x0], $0xffff  }
0x4e6: {  	vm1 =	vlt.s32 v12, v3;
	v23 =	vld.idx.msk [tilespmem:v8+s16+$0x0], $0xffff  }
0x4e7: {  	s7 =	simm.s32 $0x40;
	p1 =	por $0x1, $0x1;
	vm2 =	vmmov vm3;
	v15 =	vnsel vm0, $0x0, v9;
	vm0 =	vmmov vm1;
	v24 =	vld.idx.msk [tilespmem:v8+s17+$0x0], $0xffff  }
0x4e8: {  	_ =	sdelay $0x4  }
0x4e9: {  	v8 =	vld.idx.msk [tilespmem:v12+s25+$0x0], vm1;
	v9 =	vnsel vm2, $0x0, v14  }
0x4ea: {  	v16 =	vld.idx.msk [tilespmem:v15+s18+$0x0], $0xffff  }
0x4eb: {  	v26 =	vor.u32 s7, v1;
	v13 =	vld.idx.msk [tilespmem:v15+s19+$0x0], $0xffff  }
0x4ec: {  	v18 =	vld.idx.msk [tilespmem:v15+s17+$0x0], $0xffff;
	vm3 =	vlt.s32 v26, v3  }
0x4ed: {  	v17 =	vld.idx.msk [tilespmem:v15+s16+$0x0], $0xffff;
	p4 =	sgt.s32 s6, $0x60;
	v19 =	vsub.f32 v11, v23;
	[tilespmem:v7+s26+$0x0] =	vst.idx.msk $0xffff, v23;
	v20 =	vsub.f32 v21, v24  }
.Ltmp61:
0x4ee: {  	s1 =	simm.s32 $0x50;
	[tilespmem:v7+s28+$0x0] =	vst.idx.msk $0xffff, v24;
	v29 =	vld.idx.msk [tilespmem:v9+s19+$0x0], $0xffff;
	(pc) =	sbr.rel @!p4 .LBB2_88-.Ltmp61, $4  }
0x4ef: {  	v32 =	vor.u32 s1, v1;
	v19 =	vmax.f32 v19, $0.0e+00;
	[tilespmem:v7+s29+$0x0] =	vst.idx.msk $0xffff, v11;
	v11 =	vld.idx.msk [tilespmem:v9+s18+$0x0], $0xffff;
	v20 =	vmax.f32 v20, $0.0e+00  }
0x4f0: {  	vm1 =	vlt.s32 v32, v3;
	v15 =	vnsel vm0, $0x0, v8;
	v23 =	vld.idx.msk [tilespmem:v9+s16+$0x0], $0xffff;
	v8 =	vmul.f32 v20, v19  }
0x4f1: {  	vm2 =	vmmov vm3;
	vm0 =	vmmov vm1;
	v24 =	vld.idx.msk [tilespmem:v9+s17+$0x0], $0xffff;
	[tilespmem:v7+s30+$0x0] =	vst.idx.msk $0xffff, v21  }
0x4f2: {  	s7 =	simm.s32 $0x60;
	p2 =	por $0x1, $0x1;
	v22 =	vsub.f32 v16, v17;
	v14 =	vld.idx.msk [tilespmem:v26+s25+$0x0], vm3;
	v20 =	vsub.f32 v13, v18;
	[tilespmem:v7+s31+$0x0] =	vst.idx.msk $0xffff, v8  }
0x4f3: {  	_ =	sdelay $0x4  }
0x4f4: {  	v19 =	vld.idx.msk [tilespmem:v32+s25+$0x0], vm1  }
0x4f5: {  	v9 =	vor.u32 s7, v1;
	[tilespmem:v10+s26+$0x0] =	vst.idx.msk $0xffff, v17;
	v33 =	vld.idx.msk [tilespmem:v7+s24+$0x0], $0xffff  }
0x4f6: {  	v27 =	vld.idx.msk [tilespmem:v15+s18+$0x0], $0xffff;
	vm3 =	vlt.s32 v9, v3;
	v8 =	vmax.f32 v20, $0.0e+00;
	v21 =	vmax.f32 v22, $0.0e+00;
	[tilespmem:v10+s28+$0x0] =	vst.idx.msk $0xffff, v18  }
0x4f7: {  	v28 =	vld.idx.msk [tilespmem:v15+s19+$0x0], $0xffff;
	v21 =	vmul.f32 v8, v21;
	[tilespmem:v10+s29+$0x0] =	vst.idx.msk $0xffff, v16  }
0x4f8: {  	v30 =	vld.idx.msk [tilespmem:v15+s17+$0x0], $0xffff;
	[tilespmem:v10+s30+$0x0] =	vst.idx.msk $0xffff, v13;
	v34 =	vnsel vm2, $0x0, v14  }
0x4f9: {  	v31 =	vld.idx.msk [tilespmem:v15+s16+$0x0], $0xffff;
	v15 =	vsub.f32 v11, v23;
	[tilespmem:v10+s31+$0x0] =	vst.idx.msk $0xffff, v21;
	v21 =	vsub.f32 v29, v24  }
0x4fa: {  	s1 =	simm.s32 $0x70;
	[tilespmem:v6+s26+$0x0] =	vst.idx.msk $0xffff, v23  }
0x4fb: {  	p4 =	sgt.s32 s6, $0x80;
	v8 =	vor.u32 s1, v1;
	[tilespmem:v6+s28+$0x0] =	vst.idx.msk $0xffff, v24;
	v23 =	vmax.f32 v15, $0.0e+00;
	v25 =	vld.idx.msk [tilespmem:v10+s24+$0x0], $0xffff;
	v24 =	vmax.f32 v21, $0.0e+00  }
.Ltmp62:
0x4fc: {  	vm1 =	vlt.s32 v8, v3;
	v15 =	vnsel vm0, $0x0, v19;
	v14 =	vld.idx.msk [tilespmem:v9+s25+$0x0], vm3;
	v19 =	vmul.f32 v24, v23;
	(pc) =	sbr.rel @!p4 .LBB2_90-.Ltmp62, $4  }
0x4fd: {  	v35 =	vmov v10;
	v41 =	vmov v9;
	[tilespmem:v6+s29+$0x0] =	vst.idx.msk $0xffff, v11;
	v21 =	vld.idx.msk [tilespmem:v34+s19+$0x0], $0xffff  }
0x4fe: {  	vm2 =	vmmov vm3;
	vm4 =	vgt.f32 v33, v5;
	[tilespmem:v6+s30+$0x0] =	vst.idx.msk $0xffff, v29;
	vm0 =	vmmov vm1;
	v11 =	vld.idx.msk [tilespmem:v34+s18+$0x0], $0xffff  }
0x4ff: {  	v37 =	vsub.f32 v28, v30;
	v38 =	vsub.f32 v27, v31;
	v36 =	vsel vm4, v7, v4;
	v23 =	vld.idx.msk [tilespmem:v34+s16+$0x0], $0xffff  }
0x500: {  	s7 =	simm.s32 $0x80;
	p3 =	por $0x1, $0x1;
	v29 =	vmov v6;
	v33 =	vsel vm4, v33, v5;
	v24 =	vld.idx.msk [tilespmem:v34+s17+$0x0], $0xffff;
	[tilespmem:v6+s31+$0x0] =	vst.idx.msk $0xffff, v19;
	v19 =	vmov v26  }
.LBB2_91:
0x501: {  	v34 =	vmov v26;
	v26 =	vmov v9  }
0x502: {  	v9 =	vor.u32 s7, v1;
	s1 =	sadd.s32 $0x10, s7;
	s7 =	sadd.s32 $0x20, s7;
	v37 =	vmax.f32 v37, $0.0e+00;
	vm4 =	vgt.f32 v25, v33;
	v39 =	vld.idx.msk [tilespmem:v8+s25+$0x0], vm1;
	[tilespmem:v12+s26+$0x0] =	vst.idx.msk $0xffff, v31  }
0x503: {  	vm3 =	vlt.s32 v9, v3;
	v40 =	vor.u32 s1, v1;
	p4 =	slt.s32 s7, s6;
	v43 =	vmax.f32 v38, $0.0e+00;
	v42 =	vld.idx.msk [tilespmem:v6+s24+$0x0], $0xffff;
	[tilespmem:v12+s28+$0x0] =	vst.idx.msk $0xffff, v30  }
0x504: {  	vm1 =	vlt.s32 v40, v3;
	v31 =	vmul.f32 v37, v43;
	[tilespmem:v12+s29+$0x0] =	vst.idx.msk $0xffff, v27;
	v27 =	vld.idx.msk [tilespmem:v15+s18+$0x0], $0xffff  }
0x505: {  	v38 =	vnsel vm2, $0x0, v14;
	v36 =	vsel vm4, v35, v36;
	v6 =	vmov v34;
	[tilespmem:v12+s30+$0x0] =	vst.idx.msk $0xffff, v28;
	v28 =	vld.idx.msk [tilespmem:v15+s19+$0x0], $0xffff  }
0x506: {  	v33 =	vsel vm4, v25, v33;
	v37 =	vsub.f32 v11, v23;
	v30 =	vld.idx.msk [tilespmem:v15+s17+$0x0], $0xffff;
	[tilespmem:v12+s31+$0x0] =	vst.idx.msk $0xffff, v31  }
0x507: {  	v44 =	vmov v34;
	v35 =	vmov v12;
	v43 =	vsub.f32 v21, v24;
	[tilespmem:v19+s26+$0x0] =	vst.idx.msk $0xffff, v23;
	v31 =	vld.idx.msk [tilespmem:v15+s16+$0x0], $0xffff  }
0x508: {  	v15 =	vnsel vm0, $0x0, v39;
	[tilespmem:v19+s28+$0x0] =	vst.idx.msk $0xffff, v24;
	v25 =	vld.idx.msk [tilespmem:v12+s24+$0x0], $0xffff;
	v12 =	vmovc v32;
	v32 =	vmov v8;
	v8 =	vmov v40  }
.Ltmp63:
0x509: {  	v23 =	vmax.f32 v37, $0.0e+00;
	v24 =	vmax.f32 v43, $0.0e+00;
	vm4 =	vgt.f32 v42, v33;
	v14 =	vld.idx.msk [tilespmem:v9+s25+$0x0], vm3;
	[tilespmem:v19+s29+$0x0] =	vst.idx.msk $0xffff, v11;
	(pc) =	sbr.rel @p4 .LBB2_91-.Ltmp63, $4  }
0x50a: {  	v34 =	vmul.f32 v24, v23;
	v36 =	vsel vm4, v29, v36;
	[tilespmem:v19+s30+$0x0] =	vst.idx.msk $0xffff, v21;
	v21 =	vld.idx.msk [tilespmem:v38+s19+$0x0], $0xffff  }
0x50b: {  	vm2 =	vmmov vm3;
	vm0 =	vmmov vm1;
	v29 =	vmovc v19;
	v19 =	vmovc v41;
	v41 =	vmov v9;
	v11 =	vld.idx.msk [tilespmem:v38+s18+$0x0], $0xffff  }
0x50c: {  	v37 =	vsub.f32 v28, v30;
	v23 =	vld.idx.msk [tilespmem:v38+s16+$0x0], $0xffff  }
0x50d: {  	v33 =	vsel vm4, v42, v33;
	v24 =	vld.idx.msk [tilespmem:v38+s17+$0x0], $0xffff;
	[tilespmem:v44+s31+$0x0] =	vst.idx.msk $0xffff, v34;
	v38 =	vsub.f32 v27, v31  }
0x50e: {  	v34 =	vmovc v12;
	v39 =	vmovc v6;
	v40 =	vmov v26;
	v12 =	vmov v32;
	v6 =	vmov v41  }
.LBB2_93:
0x50f: {  	_ =	sdelay $0x4  }
0x510: {  	v26 =	vld.idx.msk [tilespmem:v8+s25+$0x0], vm1;
	[tilespmem:v34+s26+$0x0] =	vst.idx.msk @p2 $0xffff, v31  }
0x511: {  	v31 =	vmax.f32 @p2 v37, $0.0e+00;
	v32 =	vmax.f32 @p2 v38, $0.0e+00;
	v14 =	vnsel vm2, $0x0, v14;
	[tilespmem:v34+s28+$0x0] =	vst.idx.msk @p2 $0xffff, v30;
	v30 =	vld.idx.msk @p1 [tilespmem:v15+s18+$0x0], $0xffff  }
0x512: {  	v31 =	vmul.f32 @p2 v31, v32;
	v32 =	vld.idx.msk @p1 [tilespmem:v15+s17+$0x0], $0xffff;
	[tilespmem:v34+s29+$0x0] =	vst.idx.msk @p2 $0xffff, v27  }
0x513: {  	v27 =	vld.idx.msk @p1 [tilespmem:v15+s19+$0x0], $0xffff;
	[tilespmem:v19+s26+$0x0] =	vst.idx.msk @p1 $0xffff, v23  }
0x514: {  	v37 =	vsub.f32 @p1 v11, v23;
	v15 =	vld.idx.msk @p1 [tilespmem:v15+s16+$0x0], $0xffff;
	[tilespmem:v34+s30+$0x0] =	vst.idx.msk @p2 $0xffff, v28  }
0x515: {  	v23 =	vld.idx.msk @p2 [tilespmem:v39+s24+$0x0], $0xffff;
	v28 =	vmov @p1 v40;
	[tilespmem:v34+s31+$0x0] =	vst.idx.msk @p2 $0xffff, v31;
	v31 =	vsub.f32 @p1 v21, v24  }
0x516: {  	vm1 =	vgt.f32 @p3 v25, v33;
	v10 =	vpsel p1, v12, v10;
	v51 =	vld.idx.msk [tilespmem:v14+s19+$0x0], $0xffff  }
0x517: {  	[tilespmem:v19+s28+$0x0] =	vst.idx.msk @p1 $0xffff, v24;
	v24 =	vmax.f32 @p1 v37, $0.0e+00;
	v50 =	vnsel vm0, $0x0, v26;
	v53 =	vld.idx.msk [tilespmem:v14+s16+$0x0], $0xffff;
	v31 =	vmax.f32 @p1 v31, $0.0e+00  }
0x518: {  	v35 =	vsel @p3 vm1, v35, v36;
	[tilespmem:v19+s29+$0x0] =	vst.idx.msk @p1 $0xffff, v11;
	v52 =	vld.idx.msk [tilespmem:v14+s18+$0x0], $0xffff;
	v24 =	vmul.f32 @p1 v31, v24  }
0x519: {  	v25 =	vsel @p3 vm1, v25, v33;
	[tilespmem:v19+s30+$0x0] =	vst.idx.msk @p1 $0xffff, v21;
	v14 =	vld.idx.msk [tilespmem:v14+s17+$0x0], $0xffff;
	v26 =	vsub.f32 @p1 v27, v32  }
0x51a: {  	[tilespmem:v28+s31+$0x0] =	vst.idx.msk @p1 $0xffff, v24;
	v24 =	vsub.f32 @p1 v30, v15;
	v15 =	vpsel p1, v15, v17  }
0x51b: {  	v25 =	vpsel p3, v25, v5;
	v20 =	vpsel p1, v26, v20;
	v26 =	vld.idx.msk @p2 [tilespmem:v34+s24+$0x0], $0xffff;
	[tilespmem:v10+s26+$0x0] =	vst.idx.msk @p1 $0xffff, v15  }
0x51c: {  	v18 =	vpsel p1, v32, v18;
	vm0 =	vgt.f32 @p2 v23, v25;
	v54 =	vld.idx.msk [tilespmem:v50+s18+$0x0], $0xffff;
	[tilespmem:v6+s26+$0x0] =	vst.idx.msk $0xffff, v53  }
0x51d: {  	v13 =	vpsel p1, v27, v13;
	v23 =	vsel @p2 vm0, v23, v25;
	v55 =	vld.idx.msk [tilespmem:v50+s19+$0x0], $0xffff;
	[tilespmem:v10+s28+$0x0] =	vst.idx.msk @p1 $0xffff, v18  }
0x51e: {  	v17 =	vpsel p1, v28, v7;
	v15 =	vpsel p1, v30, v16;
	v56 =	vld.idx.msk [tilespmem:v50+s17+$0x0], $0xffff;
	[tilespmem:v6+s28+$0x0] =	vst.idx.msk $0xffff, v14  }
0x51f: {  	v16 =	vmax.f32 @p1 v20, $0.0e+00;
	v12 =	vld.idx.msk [tilespmem:v50+s16+$0x0], $0xffff;
	v22 =	vpsel p1, v24, v22;
	[tilespmem:v10+s29+$0x0] =	vst.idx.msk @p1 $0xffff, v15  }
0x520: {  	v57 =	vsub.f32 v52, v53;
	v58 =	vsub.f32 v51, v14;
	v20 =	vmax.f32 @p1 v22, $0.0e+00;
	[tilespmem:v6+s29+$0x0] =	vst.idx.msk $0xffff, v52  }
0x521: {  	v16 =	vmul.f32 @p1 v16, v20;
	v20 =	vpsel p3, v35, v4;
	[tilespmem:v10+s30+$0x0] =	vst.idx.msk @p1 $0xffff, v13  }
0x522: {  	v22 =	vpsel p2, v23, v0;
	[tilespmem:v6+s30+$0x0] =	vst.idx.msk $0xffff, v51;
	v20 =	vsel @p2 vm0, v29, v20  }
0x523: {  	v59 =	vmax.f32 v57, $0.0e+00;
	v25 =	vpsel p2, v26, v0;
	v17 =	vld.idx.msk @p1 [tilespmem:v17+s24+$0x0], $0xffff;
	[tilespmem:v10+s31+$0x0] =	vst.idx.msk @p1 $0xffff, v16;
	v16 =	vmax.f32 v58, $0.0e+00  }
0x524: {  	v24 =	vmovc @p2 v34;
	vm0 =	vgt.f32 @p2 v25, v22;
	v60 =	vsub.f32 v55, v56;
	v61 =	vsub.f32 v54, v12  }
0x525: {  	v20 =	vpsel p2, v20, v0;
	[tilespmem:v8+s26+$0x0] =	vst.idx.msk $0xffff, v12;
	v14 =	vmul.f32 v16, v59;
	v11 =	vld.idx.msk @p1 [tilespmem:v10+s24+$0x0], $0xffff  }
0x526: {  	v16 =	vpsel p2, v24, v0;
	v22 =	vsel @p2 vm0, v25, v22;
	[tilespmem:v8+s28+$0x0] =	vst.idx.msk $0xffff, v56  }
0x527: {  	v12 =	vpsel p2, v22, v5;
	v21 =	vmax.f32 v60, $0.0e+00;
	[tilespmem:v9+s31+$0x0] =	vst.idx.msk $0xffff, v14;
	v14 =	vmax.f32 v61, $0.0e+00  }
0x528: {  	[tilespmem:v8+s29+$0x0] =	vst.idx.msk $0xffff, v54;
	vm1 =	vgt.f32 @p1 v17, v12;
	v62 =	vmul.f32 v21, v14  }
0x529: {  	[tilespmem:v8+s30+$0x0] =	vst.idx.msk $0xffff, v55;
	v14 =	vsel @p2 vm0, v16, v20;
	v9 =	vld.idx.msk [tilespmem:v9+s24+$0x0], $0xffff;
	v12 =	vsel @p1 vm1, v17, v12  }
0x52a: {  	v15 =	vmov @p1 v19;
	v11 =	vpsel p1, v11, v0;
	v12 =	vpsel p1, v12, v0;
	[tilespmem:v8+s31+$0x0] =	vst.idx.msk $0xffff, v62  }
0x52b: {  	v7 =	vpsel p1, v15, v7;
	v13 =	vpsel p2, v14, v4;
	vm0 =	vgt.f32 @p1 v11, v12;
	v63 =	vld.idx.msk [tilespmem:v8+s24+$0x0], $0xffff  }
0x52c: {  	v7 =	vsel @p1 vm1, v7, v13;
	v11 =	vsel @p1 vm0, v11, v12  }
0x52d: {  	v10 =	vpsel p1, v10, v0;
	v7 =	vpsel p1, v7, v0;
	v5 =	vpsel p1, v11, v5  }
0x52e: {  	v7 =	vsel @p1 vm0, v10, v7;
	vm14 =	vgt.f32 v9, v5  }
0x52f: {  	v4 =	vpsel p1, v7, v4;
	v7 =	vsel vm14, v9, v5  }
0x530: {  	v4 =	vsel vm14, v6, v4;
	vm15 =	vgt.f32 v63, v7  }
0x531: {  	v5 =	vsel vm15, v8, v4;
	v4 =	vsel vm15, v63, v7  }
.LBB2_94:
0x532: {  	p1 =	seq.s32 s6, s5  }
.Ltmp64:
0x533: {  	_ = 	snop;
	(pc) =	sbr.rel @p1 .LBB2_96-.Ltmp64, $2  }
0x534: {  	_ =	sdelay $0x2  }
0x535: {  	s7 =	smov.u32 s6  }
.LBB2_95:
0x536: {  	v6 =	vor.u32 s7, v1  }
0x537: {  	vm0 =	vlt.s32 v6, v3;
	_ =	sdelay $0x5  }
0x538: {  	v7 =	vld.idx.msk [tilespmem:v6+s25+$0x0], vm0;
	_ =	sdelay $0x4  }
0x539: {  	v7 =	vnsel vm0, $0x0, v7;
	_ =	sdelay $0x4  }
0x53a: {  	v8 =	vld.idx.msk [tilespmem:v7+s16+$0x0], $0xffff  }
0x53b: {  	v9 =	vld.idx.msk [tilespmem:v7+s17+$0x0], $0xffff  }
0x53c: {  	v10 =	vld.idx.msk [tilespmem:v7+s18+$0x0], $0xffff  }
0x53d: {  	v7 =	vld.idx.msk [tilespmem:v7+s19+$0x0], $0xffff;
	_ =	sdelay $0x4  }
0x53e: {  	v11 =	vsub.f32 v10, v8;
	v12 =	vsub.f32 v7, v9  }
0x53f: {  	[tilespmem:v6+s26+$0x0] =	vst.idx.msk $0xffff, v8  }
0x540: {  	[tilespmem:v6+s28+$0x0] =	vst.idx.msk $0xffff, v9;
	v62 =	vmax.f32 v11, $0.0e+00;
	v63 =	vmax.f32 v12, $0.0e+00  }
0x541: {  	[tilespmem:v6+s29+$0x0] =	vst.idx.msk $0xffff, v10;
	v8 =	vmul.f32 v63, v62  }
0x542: {  	[tilespmem:v6+s30+$0x0] =	vst.idx.msk $0xffff, v7  }
0x543: {  	[tilespmem:v6+s31+$0x0] =	vst.idx.msk $0xffff, v8  }
0x544: {  	s7 =	sadd.s32 $0x10, s7;
	v7 =	vld.idx.msk [tilespmem:v6+s24+$0x0], $0xffff  }
0x545: {  	p2 =	slt.s32 s7, s5  }
.Ltmp65:
0x546: {  	_ = 	snop;
	(pc) =	sbr.rel @p2 .LBB2_95-.Ltmp65, $3  }
0x547: {  	_ =	sdelay $0x1  }
0x548: {  	vm15 =	vgt.f32 v7, v4  }
0x549: {  	v4 =	vsel vm15, v7, v4;
	v5 =	vsel vm15, v6, v5  }
.LBB2_96:
0x54a: {  	(xrf0) =	vmax.scan.msk.f32 $0xffff, v4;
	_ =	sdelay $0x5  }
0x54b: {  	v3, _, _ =	vpop (xrf0)  }
0x54c: {  	(v2sf) =	vpush v3, $0xF;
	_ =	sdelay $0xe  }
0x54d: {  	s8 =	spop (v2sf)  }
0x54e: {  	p2 =	sge.f32 s8, $5.000000000e-01  }
.Ltmp66:
0x54f: {  	_ = 	snop;
	(pc) =	sbr.rel @!p2 .LBB2_104-.Ltmp66, $2  }
0x550: {  	_ =	sdelay $0x2  }
0x551: {  	s7 =	simm.f32 $0.0e+00  }
0x552: {  	v3 =	vbroadcast v3, $0xF;
	_ =	sdelay $0x1  }
0x553: {  	vm0 =	veq.f32 v4, v3;
	v3 =	vxor.u32 $0x80000000, v5  }
0x554: {  	v3 =	vnsel vm0, $0xC0000000, v3  }
0x555: {  	(xrf0) =	vmin.scan.msk.u32 $0xffff, v3;
	_ =	sdelay $0x5  }
0x556: {  	v3, _, _ =	vpop (xrf0)  }
0x557: {  	(v2sf) =	vpush v3, $0xF;
	_ =	sdelay $0xa  }
.Ltmp67:
0x558: {  	_ = 	snop;
	(pc) =	sbr.rel .LBB2_98-.Ltmp67, $2  }
0x559: {  	_ =	sdelay $0x2  }
0x55a: {  	s7 =	simm.s32 $0x0;
	s9 =	spop (v2sf)  }
.LBB2_102:
0x55b: {  	(xrf0) =	vmax.scan.msk.f32 $0xffff, v10;
	_ =	sdelay $0x5  }
0x55c: {  	v7, _, _ =	vpop (xrf0)  }
0x55d: {  	v8 =	vbroadcast v7, $0xF;
	_ =	sdelay $0x1  }
0x55e: {  	v62 =	vxor.u32 $0x80000000, v9;
	vm0 =	veq.f32 v10, v8  }
0x55f: {  	v8 =	vnsel vm0, $0xC0000000, v62  }
0x560: {  	(xrf0) =	vmin.scan.msk.u32 $0xffff, v8  }
0x561: {  	(v2sf) =	vpush v7, $0xF;
	_ =	sdelay $0x4  }
0x562: {  	v63, _, _ =	vpop (xrf0)  }
0x563: {  	(v2sf) =	vpush v63, $0xF;
	_ =	sdelay $0x6  }
0x564: {  	p2 =	sgt.s32 s7, $0x63  }
0x565: {  	s1 =	smul.u32 @!p2 $0x5, s7;
	vm0 =	vcmask @!p2 $0x3F10  }
0x566: {  	v7 =	vlaneseq.u32 @!p2;
	v6 =	vsel @!p2 vm0, s8, v6;
	s8 =	spop (v2sf)  }
0x567: {  	v7 =	vadd.s32 @!p2 s1, v7;
	p3 =	sge.f32 s8, $5.000000000e-01  }
.Ltmp68:
0x568: {  	vm0 =	vcmask @!p2 $0x3F0C;
	(pc) =	sbr.rel @!p3 .LBB2_103-.Ltmp68, $4  }
0x569: {  	v5 =	vsel @!p2 vm0, v6, v5;
	vm0 =	vcmask @!p2 $0x3F08  }
0x56a: {  	v4 =	vsel @!p2 vm0, v5, v4;
	vm0 =	vmmov @!p2 $0x1  }
0x56b: {  	s1 =	simm.s32 @!p2 $0x10780;
	v3 =	vsel @!p2 vm0, v3, v4  }
0x56c: {  	s7 =	sadd.s32 $0x1, s7;
	[tilespmem:v7+s1+$0x0] =	vst.idx.msk @!p2 $0x1f, v3;
	s9 =	spop (v2sf)  }
.LBB2_98:
0x56d: {  	s1 =	sxor.u32 $0x80000000, s9  }
0x56e: {  	v7 =	vmov s1;
	_ =	sdelay $0x4  }
0x56f: {  	v3 =	vld.idx.msk [tilespmem:v7+s26+$0x0], $0xffff  }
.Ltmp69:
0x570: {  	v4 =	vld.idx.msk [tilespmem:v7+s28+$0x0], $0xffff;
	(pc) =	sbr.rel @p0 .LBB2_99-.Ltmp69, $3  }
0x571: {  	v5 =	vld.idx.msk [tilespmem:v7+s29+$0x0], $0xffff  }
0x572: {  	v6 =	vld.idx.msk [tilespmem:v7+s30+$0x0], $0xffff;
	_ =	sdelay $0x1  }
0x573: {  	v8 =	vld.idx.msk [tilespmem:v7+s31+$0x0], $0xffff  }
0x574: {  	s9 =	simm.s32 $0x0  }
0x575: {  	v12 =	vor.u32 s9, v1;
	_ =	sdelay $0x2  }
0x576: {  	s1 =	simm.s32 $0x10  }
0x577: {  	v11 =	vor.u32 s1, v1  }
0x578: {  	v14 =	vld.idx.msk [tilespmem:v12+s26+$0x0], $0xffff  }
0x579: {  	v15 =	vld.idx.msk [tilespmem:v12+s28+$0x0], $0xffff  }
0x57a: {  	p4 =	sgt.s32 s6, $0x20;
	v18 =	vld.idx.msk [tilespmem:v12+s29+$0x0], $0xffff  }
.Ltmp70:
0x57b: {  	v20 =	vld.idx.msk [tilespmem:v12+s30+$0x0], $0xffff;
	(pc) =	sbr.rel @!p4 .LBB2_107-.Ltmp70, $4  }
0x57c: {  	v19 =	vld.idx.msk [tilespmem:v11+s26+$0x0], $0xffff  }
0x57d: {  	v21 =	vld.idx.msk [tilespmem:v11+s29+$0x0], $0xffff  }
0x57e: {  	v22 =	vld.idx.msk [tilespmem:v11+s30+$0x0], $0xffff  }
0x57f: {  	v10 =	vimm.f32 $-Inf;
	v9 =	vimm.s32 $0x40000000;
	p2 =	por $0x0, $0x0;
	p3 =	por $0x0, $0x0;
	s9 =	simm.s32 $0x20;
	v23 =	vld.idx.msk [tilespmem:v11+s28+$0x0], $0xffff  }
0x580: {  	_ =	sdelay $0x2  }
0x581: {  	v13 =	vor.u32 s9, v1  }
0x582: {  	v16 =	vld.idx.msk [tilespmem:v12+s31+$0x0], $0xffff;
	v17 =	vmin.f32 v5, v18;
	v14 =	vmax.f32 v3, v14;
	v18 =	vmin.f32 v6, v20  }
0x583: {  	v15 =	vmax.f32 v4, v15;
	s1 =	simm.s32 $0x30;
	v19 =	vmax.f32 v3, v19;
	v24 =	vsub.f32 v17, v14  }
0x584: {  	v15 =	vsub.f32 v18, v15;
	v17 =	vor.u32 s1, v1;
	v20 =	vmin.f32 v5, v21;
	v21 =	vld.idx.msk [tilespmem:v11+s31+$0x0], $0xffff  }
0x585: {  	v22 =	vmin.f32 v6, v22;
	v19 =	vsub.f32 v20, v19;
	v18 =	vmax.f32 v4, v23  }
0x586: {  	v14 =	vld.idx.msk [tilespmem:v13+s26+$0x0], $0xffff;
	v20 =	vsub.f32 v22, v18;
	v18 =	vmax.f32 v24, $0.0e+00;
	v22 =	vmax.f32 v15, $0.0e+00  }
0x587: {  	v15 =	vld.idx.msk [tilespmem:v13+s28+$0x0], $0xffff;
	v16 =	vadd.f32 v16, v8;
	v29 =	vmul.f32 v22, v18  }
0x588: {  	p4 =	sgt.s32 s6, $0x40;
	v19 =	vmax.f32 v19, $0.0e+00;
	v18 =	vld.idx.msk [tilespmem:v13+s29+$0x0], $0xffff;
	v20 =	vmax.f32 v20, $0.0e+00  }
.Ltmp71:
0x589: {  	v22 =	vld.idx.msk [tilespmem:v17+s30+$0x0], $0xffff;
	v21 =	vadd.f32 v21, v8;
	v28 =	vmul.f32 v20, v19;
	v16 =	vsub.f32 v16, v29;
	(pc) =	sbr.rel @!p4 .LBB2_109-.Ltmp71, $4  }
0x58a: {  	v20 =	vld.idx.msk [tilespmem:v13+s30+$0x0], $0xffff  }
0x58b: {  	v19 =	vld.idx.msk [tilespmem:v17+s26+$0x0], $0xffff;
	v23 =	vsub.f32 v21, v28;
	v16 =	vadd.f32 $9.999999710e-10, v16  }
0x58c: {  	v21 =	vld.idx.msk [tilespmem:v17+s29+$0x0], $0xffff  }
0x58d: {  	s9 =	simm.s32 $0x40;
	p2 =	por $0x1, $0x1;
	v31 =	vadd.f32 $9.999999710e-10, v23;
	v23 =	vld.idx.msk [tilespmem:v17+s28+$0x0], $0xffff;
	(erf) = vrcp.f32 v16  }
0x58e: {  	_ =	sdelay $0x3  }
0x58f: {  	v16 =	vor.u32 s9, v1;
	v24 =	vld.idx.msk [tilespmem:v13+s31+$0x0], $0xffff;
	v18 =	vmin.f32 v5, v18;
	(erf) = vrcp.f32 v31  }
0x590: {  	v14 =	vmax.f32 v3, v14;
	v15 =	vmax.f32 v4, v15;
	v20 =	vmin.f32 v6, v20  }
0x591: {  	v27 =	vld.idx.msk [tilespmem:v17+s31+$0x0], $0xffff;
	v14 =	vsub.f32 v18, v14;
	v18 =	vmin.f32 v6, v22;
	v19 =	vmax.f32 v3, v19  }
0x592: {  	v15 =	vsub.f32 v20, v15;
	v21 =	vmin.f32 v5, v21;
	v20 =	vmax.f32 v4, v23  }
0x593: {  	s1 =	simm.s32 $0x50;
	v19 =	vsub.f32 v21, v19;
	v18 =	vsub.f32 v18, v20;
	v20 =	vmax.f32 v14, $0.0e+00  }
0x594: {  	v26 =	vor.u32 s1, v1;
	v21 =	vld.idx.msk [tilespmem:v12+s24+$0x0], $0xffff;
	v15 =	vmax.f32 v15, $0.0e+00;
	v22 =	vadd.f32 v24, v8  }
0x595: {  	v14 =	vld.idx.msk [tilespmem:v16+s26+$0x0], $0xffff;
	v25 =	vmul.f32 v15, v20;
	v19 =	vmax.f32 v19, $0.0e+00;
	v23 =	vmax.f32 v18, $0.0e+00  }
0x596: {  	v15 =	vld.idx.msk [tilespmem:v16+s28+$0x0], $0xffff;
	v20 =	vpop (erf);
	v24 =	vmul.f32 v23, v19;
	v23 =	vadd.f32 v27, v8  }
0x597: {  	v18 =	vld.idx.msk [tilespmem:v16+s29+$0x0], $0xffff;
	v22 =	vsub.f32 v22, v25;
	v20 =	vmul.f32 v20, v29  }
0x598: {  	vm0 =	veq.s32 v12, v7;
	p4 =	sgt.s32 s6, $0x60;
	v27 =	vld.idx.msk [tilespmem:v11+s24+$0x0], $0xffff;
	v19 =	vpop (erf);
	v23 =	vsub.f32 v23, v24  }
.Ltmp72:
0x599: {  	v29 =	vadd.f32 $9.999999710e-10, v22;
	v22 =	vld.idx.msk [tilespmem:v26+s30+$0x0], $0xffff;
	vm1 =	vgt.f32 v20, $5.000000000e-01;
	v28 =	vmul.f32 v19, v28;
	(pc) =	sbr.rel @!p4 .LBB2_111-.Ltmp72, $4  }
0x59a: {  	vm14 =	veq.s32 v11, v7;
	v20 =	vld.idx.msk [tilespmem:v16+s30+$0x0], $0xffff;
	vm0 =	vmor vm0, vm1  }
0x59b: {  	v19 =	vld.idx.msk [tilespmem:v26+s26+$0x0], $0xffff;
	v31 =	vadd.f32 $9.999999710e-10, v23;
	v30 =	vsel vm0, $0xFF800000, v21;
	vm15 =	vgt.f32 v28, $5.000000000e-01  }
0x59c: {  	(erf) = vrcp.f32 v29;
	v21 =	vld.idx.msk [tilespmem:v26+s29+$0x0], $0xffff;
	vm2 =	vgt.f32 v30, v10;
	[tilespmem:v12+s24+$0x0] =	vst.idx.msk $0xffff, v30;
	vm0 =	vmor vm14, vm15  }
0x59d: {  	s9 =	simm.s32 $0x60;
	p3 =	por $0x1, $0x1;
	v23 =	vld.idx.msk [tilespmem:v26+s28+$0x0], $0xffff;
	v32 =	vsel vm2, v12, v9;
	v33 =	vsel vm2, v30, v10;
	v27 =	vsel vm0, $0xFF800000, v27;
	v12 =	vmovc v16  }
.LBB2_112:
0x59e: {  	v28 =	vld.idx.msk [tilespmem:v16+s31+$0x0], $0xffff;
	v16 =	vor.u32 s9, v1;
	(erf) = vrcp.f32 v31;
	[tilespmem:v11+s24+$0x0] =	vst.idx.msk $0xffff, v27;
	vm0 =	vgt.f32 v27, v33  }
0x59f: {  	v18 =	vmin.f32 v5, v18;
	v27 =	vsel vm0, v27, v33;
	v29 =	vsel vm0, v11, v32;
	v11 =	vmovc v17  }
0x5a0: {  	v14 =	vmax.f32 v3, v14;
	v20 =	vmin.f32 v6, v20;
	v15 =	vmax.f32 v4, v15;
	v30 =	vld.idx.msk [tilespmem:v26+s31+$0x0], $0xffff  }
0x5a1: {  	v19 =	vmax.f32 v3, v19;
	v21 =	vmin.f32 v5, v21;
	v17 =	vmovc v26;
	v22 =	vmin.f32 v6, v22  }
0x5a2: {  	s1 =	sadd.s32 $0x10, s9;
	v18 =	vsub.f32 v18, v14;
	v20 =	vsub.f32 v20, v15;
	v15 =	vmax.f32 v4, v23;
	v23 =	vld.idx.msk [tilespmem:v13+s24+$0x0], $0xffff  }
0x5a3: {  	v26 =	vor.u32 s1, v1;
	v19 =	vsub.f32 v21, v19;
	v31 =	vsub.f32 v22, v15;
	v14 =	vld.idx.msk [tilespmem:v16+s26+$0x0], $0xffff  }
0x5a4: {  	v20 =	vmax.f32 v20, $0.0e+00;
	v22 =	vmax.f32 v18, $0.0e+00;
	v28 =	vadd.f32 v28, v8;
	v15 =	vld.idx.msk [tilespmem:v16+s28+$0x0], $0xffff  }
0x5a5: {  	s9 =	sadd.s32 $0x20, s9;
	v19 =	vmax.f32 v19, $0.0e+00;
	v22 =	vmul.f32 v20, v22;
	v20 =	vmax.f32 v31, $0.0e+00;
	v18 =	vld.idx.msk [tilespmem:v16+s29+$0x0], $0xffff;
	v21 =	vpop (erf)  }
0x5a6: {  	p4 =	slt.s32 s9, s6;
	v31 =	vmul.f32 v20, v19;
	v30 =	vadd.f32 v30, v8;
	v21 =	vmul.f32 v21, v25;
	v34 =	vld.idx.msk [tilespmem:v11+s24+$0x0], $0xffff  }
0x5a7: {  	vm0 =	veq.s32 v13, v7;
	v28 =	vsub.f32 v28, v22;
	v25 =	vmov v22;
	v20 =	vld.idx.msk [tilespmem:v16+s30+$0x0], $0xffff;
	v32 =	vpop (erf)  }
.Ltmp73:
0x5a8: {  	v30 =	vsub.f32 v30, v31;
	v19 =	vld.idx.msk [tilespmem:v26+s26+$0x0], $0xffff;
	vm1 =	vgt.f32 v21, $5.000000000e-01;
	v32 =	vmul.f32 v32, v24;
	v24 =	vmovc v31;
	(pc) =	sbr.rel @p4 .LBB2_112-.Ltmp73, $4  }
0x5a9: {  	v28 =	vadd.f32 $9.999999710e-10, v28;
	v21 =	vld.idx.msk [tilespmem:v26+s29+$0x0], $0xffff;
	vm0 =	vmor vm0, vm1;
	vm1 =	veq.s32 v11, v7  }
0x5aa: {  	v31 =	vadd.f32 $9.999999710e-10, v30;
	v22 =	vld.idx.msk [tilespmem:v26+s30+$0x0], $0xffff;
	v30 =	vsel vm0, $0xFF800000, v23;
	vm0 =	vgt.f32 v32, $5.000000000e-01  }
0x5ab: {  	v23 =	vld.idx.msk [tilespmem:v26+s28+$0x0], $0xffff;
	(erf) = vrcp.f32 v28;
	[tilespmem:v13+s24+$0x0] =	vst.idx.msk $0xffff, v30;
	vm2 =	vgt.f32 v30, v27;
	vm0 =	vmor vm1, vm0  }
0x5ac: {  	v33 =	vsel vm2, v30, v27;
	v32 =	vsel vm2, v13, v29;
	v27 =	vsel vm0, $0xFF800000, v34;
	v13 =	vmovc v12;
	v12 =	vmovc v16  }
0x5ad: {  	v30 =	vmov v11  }
0x5ae: {  	v34 =	vmovc v17;
	v11 =	vmovc v26;
	v26 =	vmov v13;
	v29 =	vmov v25;
	v28 =	vmov v24  }
.LBB2_114:
0x5af: {  	_ =	sdelay $0x3  }
0x5b0: {  	v13 =	vld.idx.msk [tilespmem:v16+s31+$0x0], $0xffff;
	v51 =	vmin.f32 v5, v18;
	v14 =	vmax.f32 v3, v14  }
0x5b1: {  	v17 =	vmin.f32 v6, v20;
	v15 =	vmax.f32 v4, v15;
	v53 =	vmin.f32 v5, v21  }
0x5b2: {  	v52 =	vld.idx.msk [tilespmem:v11+s31+$0x0], $0xffff;
	v19 =	vmax.f32 v3, v19;
	v14 =	vsub.f32 v51, v14;
	v15 =	vsub.f32 v17, v15  }
0x5b3: {  	v54 =	vmin.f32 v6, v22;
	v55 =	vmax.f32 v4, v23;
	v18 =	vsub.f32 v53, v19  }
0x5b4: {  	v17 =	vsub.f32 v54, v55;
	v14 =	vmax.f32 v14, $0.0e+00;
	v15 =	vmax.f32 v15, $0.0e+00  }
0x5b5: {  	v14 =	vmul.f32 v15, v14;
	v13 =	vadd.f32 v13, v8  }
0x5b6: {  	(erf) = vrcp.f32 @p2 v31;
	v56 =	vmax.f32 v18, $0.0e+00;
	v17 =	vmax.f32 v17, $0.0e+00  }
0x5b7: {  	v15 =	vmul.f32 v17, v56;
	v16 =	vadd.f32 v52, v8;
	v13 =	vsub.f32 v13, v14;
	_ =	sdelay $0x1  }
0x5b8: {  	v16 =	vsub.f32 v16, v15;
	v13 =	vadd.f32 $9.999999710e-10, v13;
	_ =	sdelay $0x1  }
0x5b9: {  	v17 =	vmov @p2 v34;
	v16 =	vadd.f32 $9.999999710e-10, v16;
	(erf) = vrcp.f32 v13;
	_ =	sdelay $0x1  }
0x5ba: {  	v18 =	vpop @p2 (erf);
	(erf) = vrcp.f32 v16  }
0x5bb: {  	v13 =	vld.idx.msk @p2 [tilespmem:v26+s24+$0x0], $0xffff  }
0x5bc: {  	vm0 =	vgt.f32 @p3 v27, v33;
	vm1 =	veq.s32 @p2 v26, v7;
	v16 =	vmul.f32 @p2 v18, v29  }
0x5bd: {  	vm10 =	veq.s32 v12, v7;
	vm12 =	veq.s32 v11, v7;
	v19 =	vsel @p3 vm0, v27, v33;
	v18 =	vpop @p2 (erf);
	v20 =	vld.idx.msk @p2 [tilespmem:v17+s24+$0x0], $0xffff  }
0x5be: {  	vm2 =	vgt.f32 @p2 v16, $5.000000000e-01;
	v16 =	vmul.f32 @p2 v18, v28;
	v18 =	vsel @p3 vm0, v30, v32  }
0x5bf: {  	vm0 =	vmor @p2 vm1, vm2;
	vm1 =	veq.s32 @p2 v17, v7;
	v18 =	vpsel p3, v18, v9  }
0x5c0: {  	v13 =	vsel @p2 vm0, $0xFF800000, v13;
	vm0 =	vgt.f32 @p2 v16, $5.000000000e-01;
	v16 =	vpsel p3, v19, v10  }
0x5c1: {  	v57 =	vld.idx.msk [tilespmem:v12+s24+$0x0], $0xffff;
	v17 =	vpsel p2, v17, v0;
	vm2 =	vgt.f32 @p2 v13, v16;
	vm0 =	vmor @p2 vm1, vm0;
	v58 =	vpop (erf)  }
0x5c2: {  	v16 =	vsel @p2 vm2, v13, v16;
	v19 =	vsel @p2 vm0, $0xFF800000, v20;
	v14 =	vmul.f32 v58, v14  }
0x5c3: {  	v59 =	vld.idx.msk [tilespmem:v11+s24+$0x0], $0xffff;
	v18 =	vsel @p2 vm2, v26, v18;
	v19 =	vpsel p2, v19, v0;
	v16 =	vpsel p2, v16, v0;
	v60 =	vpop (erf)  }
0x5c4: {  	vm0 =	vgt.f32 @p2 v19, v16;
	v61 =	vmul.f32 v60, v15;
	vm11 =	vgt.f32 v14, $5.000000000e-01  }
0x5c5: {  	v18 =	vpsel p2, v18, v0;
	v15 =	vsel @p2 vm0, v19, v16;
	vm1 =	vmor vm10, vm11  }
.Ltmp74:
0x5c6: {  	[tilespmem:v30+s24+$0x0] =	vst.idx.msk @p3 $0xffff, v27;
	v10 =	vpsel p2, v15, v10;
	vm13 =	vgt.f32 v61, $5.000000000e-01;
	v62 =	vsel vm1, $0xFF800000, v57;
	(pc) =	sbr.rel .LBB2_100-.Ltmp74, $4  }
0x5c7: {  	[tilespmem:v26+s24+$0x0] =	vst.idx.msk @p2 $0xffff, v13;
	v13 =	vsel @p2 vm0, v17, v18;
	vm1 =	vmor vm12, vm13;
	vm14 =	vgt.f32 v62, v10  }
0x5c8: {  	[tilespmem:v17+s24+$0x0] =	vst.idx.msk @p2 $0xffff, v19;
	v9 =	vpsel p2, v13, v9;
	v63 =	vsel vm1, $0xFF800000, v59;
	v10 =	vsel vm14, v62, v10  }
0x5c9: {  	[tilespmem:v12+s24+$0x0] =	vst.idx.msk $0xffff, v62;
	v9 =	vsel vm14, v12, v9;
	vm15 =	vgt.f32 v63, v10  }
0x5ca: {  	[tilespmem:v11+s24+$0x0] =	vst.idx.msk $0xffff, v63;
	v10 =	vsel vm15, v63, v10;
	v9 =	vsel vm15, v11, v9  }
.LBB2_99:
0x5cb: {  	v9 =	vimm.s32 $0x40000000;
	v10 =	vimm.f32 $-Inf  }
.LBB2_100:
.Ltmp75:
0x5cc: {  	(pc) =	sbr.rel @p1 .LBB2_102-.Ltmp75, $2  }
0x5cd: {  	_ =	sdelay $0x2  }
0x5ce: {  	s9 =	smov.u32 s6  }
.LBB2_101:
0x5cf: {  	v11 =	vor.u32 s9, v1;
	_ =	sdelay $0x4  }
0x5d0: {  	v12 =	vld.idx.msk [tilespmem:v11+s26+$0x0], $0xffff  }
0x5d1: {  	v13 =	vld.idx.msk [tilespmem:v11+s28+$0x0], $0xffff  }
0x5d2: {  	v14 =	vld.idx.msk [tilespmem:v11+s29+$0x0], $0xffff  }
0x5d3: {  	v15 =	vld.idx.msk [tilespmem:v11+s30+$0x0], $0xffff;
	_ =	sdelay $0x3  }
0x5d4: {  	v16 =	vld.idx.msk [tilespmem:v11+s31+$0x0], $0xffff;
	v14 =	vmin.f32 v5, v14  }
0x5d5: {  	v12 =	vmax.f32 v3, v12;
	v15 =	vmin.f32 v6, v15;
	v13 =	vmax.f32 v4, v13  }
0x5d6: {  	v12 =	vsub.f32 v14, v12;
	v13 =	vsub.f32 v15, v13;
	_ =	sdelay $0x1  }
0x5d7: {  	v12 =	vmax.f32 v12, $0.0e+00;
	v13 =	vmax.f32 v13, $0.0e+00  }
0x5d8: {  	v60 =	vadd.f32 v16, v8;
	v12 =	vmul.f32 v13, v12;
	_ =	sdelay $0x1  }
0x5d9: {  	v13 =	vsub.f32 v60, v12;
	_ =	sdelay $0x1  }
0x5da: {  	v13 =	vadd.f32 $9.999999710e-10, v13;
	_ =	sdelay $0x1  }
0x5db: {  	(erf) = vrcp.f32 v13;
	_ =	sdelay $0x8  }
0x5dc: {  	v61 =	vld.idx.msk [tilespmem:v11+s24+$0x0], $0xffff;
	v62 =	vpop (erf)  }
0x5dd: {  	s9 =	sadd.s32 $0x10, s9;
	v12 =	vmul.f32 v62, v12  }
0x5de: {  	p2 =	slt.s32 s9, s5  }
.Ltmp76:
0x5df: {  	vm1 =	veq.s32 v11, v7;
	vm0 =	vgt.f32 v12, $5.000000000e-01;
	(pc) =	sbr.rel @p2 .LBB2_101-.Ltmp76, $4  }
0x5e0: {  	vm0 =	vmor vm1, vm0  }
0x5e1: {  	v63 =	vsel vm0, $0xFF800000, v61  }
0x5e2: {  	vm0 =	vgt.f32 v63, v10  }
0x5e3: {  	[tilespmem:v11+s24+$0x0] =	vst.idx.msk $0xffff, v63;
	v10 =	vsel vm0, v63, v10;
	v9 =	vsel vm0, v11, v9  }
.Ltmp77:
0x5e4: {  	_ = 	snop;
	(pc) =	sbr.rel .LBB2_102-.Ltmp77, $1  }
0x5e5: {  	_ =	sdelay $0x3  }
.LBB2_107:
.Ltmp78:
0x5e6: {  	(pc) =	sbr.rel .LBB2_114-.Ltmp78, $2  }
0x5e7: {  	_ =	sdelay $0x2  }
0x5e8: {  	v16 =	vmov v12  }
.LBB2_109:
.Ltmp79:
0x5e9: {  	(pc) =	sbr.rel .LBB2_114-.Ltmp79, $2  }
0x5ea: {  	_ =	sdelay $0x2  }
0x5eb: {  	v34 =	vmovc v11;
	v26 =	vmovc v12;
	v16 =	vmov v13;
	v11 =	vmov v17;
	v12 =	vmov v13  }
.LBB2_111:
.Ltmp80:
0x5ec: {  	(pc) =	sbr.rel .LBB2_114-.Ltmp80, $3  }
0x5ed: {  	_ =	sdelay $0x1  }
0x5ee: {  	v30 =	vmov v11;
	v34 =	vmov v17  }
0x5ef: {  	v11 =	vmovc v26;
	v26 =	vmovc v13;
	v29 =	vmov v25;
	v28 =	vmov v24;
	v12 =	vmov v16  }
.LBB2_3:
.Ltmp81:
0x5f0: {  	(pc) =	sbr.rel .LBB2_8-.Ltmp81, $2  }
0x5f1: {  	_ =	sdelay $0x2  }
0x5f2: {  	v15 =	vmov v14  }
.LBB2_31:
.Ltmp82:
0x5f3: {  	(pc) =	sbr.rel .LBB2_45-.Ltmp82, $2  }
0x5f4: {  	_ =	sdelay $0x2  }
0x5f5: {  	v12 =	vmov v15  }
.LBB2_68:
.Ltmp83:
0x5f6: {  	(pc) =	sbr.rel .LBB2_82-.Ltmp83, $2  }
0x5f7: {  	_ =	sdelay $0x2  }
0x5f8: {  	v12 =	vmov v15  }
.LBB2_5:
0x5f9: {  	v52 =	vmov v12  }
.Ltmp84:
0x5fa: {  	v53 =	vmovc v9;
	v41 =	vmovc v8;
	v54 =	vmov v10;
	v51 =	vmov v7;
	v47 =	vmov v13;
	(pc) =	sbr.rel .LBB2_8-.Ltmp84, $4  }
0x5fb: {  	v50 =	vmovc v5;
	v48 =	vmovc v11;
	v49 =	vmov v6;
	v45 =	vmov v3;
	v46 =	vmov v4  }
0x5fc: {  	v27 =	vmovc v32;
	v12 =	vmovc v36;
	v9 =	vmov v29;
	v8 =	vmov v24;
	v10 =	vmov v28  }
0x5fd: {  	v7 =	vmovc v23;
	v33 =	vmovc v25;
	v5 =	vmov v22;
	v13 =	vmov v34;
	v11 =	vmov v26  }
0x5fe: {  	v6 =	vmovc v21;
	v3 =	vmovc v20;
	v4 =	vmov v18;
	v31 =	vmov v19;
	v30 =	vmov v17  }
.LBB2_42:
0x5ff: {  	v44 =	vmov v13  }
.Ltmp85:
0x600: {  	v45 =	vmovc v10;
	v43 =	vmovc v5;
	v46 =	vmov v11;
	v47 =	vmov v8;
	v49 =	vmov v14;
	(pc) =	sbr.rel .LBB2_45-.Ltmp85, $4  }
0x601: {  	v50 =	vmovc v7;
	v51 =	vmovc v9;
	v53 =	vmov v6;
	v52 =	vmov v3;
	v54 =	vmov v4  }
0x602: {  	v26 =	vmovc v32;
	v13 =	vmovc v36;
	v10 =	vmov v31;
	v5 =	vmov v24;
	v11 =	vmov v30  }
0x603: {  	v8 =	vmovc v23;
	v33 =	vmovc v25;
	v7 =	vmov v22;
	v14 =	vmov v34;
	v9 =	vmov v27  }
0x604: {  	v6 =	vmovc v21;
	v3 =	vmovc v20;
	v4 =	vmov v18;
	v29 =	vmov v19;
	v28 =	vmov v17  }
.LBB2_79:
0x605: {  	v44 =	vmov v13  }
.Ltmp86:
0x606: {  	v45 =	vmovc v10;
	v43 =	vmovc v5;
	v46 =	vmov v11;
	v47 =	vmov v8;
	v49 =	vmov v14;
	(pc) =	sbr.rel .LBB2_82-.Ltmp86, $4  }
0x607: {  	v50 =	vmovc v7;
	v51 =	vmovc v9;
	v53 =	vmov v6;
	v52 =	vmov v3;
	v54 =	vmov v4  }
0x608: {  	v26 =	vmovc v32;
	v13 =	vmovc v36;
	v10 =	vmov v31;
	v5 =	vmov v24;
	v11 =	vmov v30  }
0x609: {  	v8 =	vmovc v23;
	v33 =	vmovc v25;
	v7 =	vmov v22;
	v14 =	vmov v34;
	v9 =	vmov v27  }
0x60a: {  	v6 =	vmovc v21;
	v3 =	vmovc v20;
	v4 =	vmov v18;
	v29 =	vmov v19;
	v28 =	vmov v17  }
.LBB2_10:
.Ltmp87:
0x60b: {  	(pc) =	sbr.rel .LBB2_19-.Ltmp87, $2  }
0x60c: {  	_ =	sdelay $0x2  }
0x60d: {  	v8 =	vmov v10;
	v9 =	vmov v7;
	v6 =	vmov v7  }
.LBB2_47:
.Ltmp88:
0x60e: {  	(pc) =	sbr.rel .LBB2_56-.Ltmp88, $2  }
0x60f: {  	_ =	sdelay $0x2  }
0x610: {  	v8 =	vmov v10;
	v9 =	vmov v7;
	v6 =	vmov v7  }
.LBB2_84:
.Ltmp89:
0x611: {  	(pc) =	sbr.rel .LBB2_93-.Ltmp89, $2  }
0x612: {  	_ =	sdelay $0x2  }
0x613: {  	v8 =	vmov v10;
	v9 =	vmov v7;
	v6 =	vmov v7  }
.LBB2_12:
.Ltmp90:
0x614: {  	(pc) =	sbr.rel .LBB2_19-.Ltmp90, $2  }
0x615: {  	_ =	sdelay $0x2  }
0x616: {  	v8 =	vmovc v12;
	v40 =	vmovc v7;
	v19 =	vmov v7;
	v12 =	vmov v10;
	v9 =	vmov v6  }
.LBB2_49:
.Ltmp91:
0x617: {  	(pc) =	sbr.rel .LBB2_56-.Ltmp91, $2  }
0x618: {  	_ =	sdelay $0x2  }
0x619: {  	v8 =	vmovc v12;
	v40 =	vmovc v7;
	v19 =	vmov v7;
	v12 =	vmov v10;
	v9 =	vmov v6  }
.LBB2_86:
.Ltmp92:
0x61a: {  	(pc) =	sbr.rel .LBB2_93-.Ltmp92, $2  }
0x61b: {  	_ =	sdelay $0x2  }
0x61c: {  	v8 =	vmovc v12;
	v40 =	vmovc v7;
	v19 =	vmov v7;
	v12 =	vmov v10;
	v9 =	vmov v6  }
.LBB2_14:
.Ltmp93:
0x61d: {  	(pc) =	sbr.rel .LBB2_19-.Ltmp93, $4  }
0x61e: {  	_ = 	snop  }
0x61f: {  	v40 =	vmovc v6;
	v19 =	vmovc v6;
	v8 =	vmov v32;
	v31 =	vmov v17;
	v34 =	vmov v10  }
0x620: {  	v39 =	vmovc v7;
	v30 =	vmovc v18;
	v27 =	vmov v16;
	v28 =	vmov v13;
	v9 =	vmov v26  }
0x621: {  	v21 =	vmovc v29;
	v29 =	vmovc v7;
	v6 =	vmov v26;
	v37 =	vmov v20;
	v38 =	vmov v22  }
.LBB2_51:
.Ltmp94:
0x622: {  	(pc) =	sbr.rel .LBB2_56-.Ltmp94, $4  }
0x623: {  	_ = 	snop  }
0x624: {  	v40 =	vmovc v6;
	v19 =	vmovc v6;
	v8 =	vmov v32;
	v31 =	vmov v17;
	v34 =	vmov v10  }
0x625: {  	v39 =	vmovc v7;
	v30 =	vmovc v18;
	v27 =	vmov v16;
	v28 =	vmov v13;
	v9 =	vmov v26  }
0x626: {  	v21 =	vmovc v29;
	v29 =	vmovc v7;
	v6 =	vmov v26;
	v37 =	vmov v20;
	v38 =	vmov v22  }
.LBB2_88:
.Ltmp95:
0x627: {  	(pc) =	sbr.rel .LBB2_93-.Ltmp95, $4  }
0x628: {  	_ = 	snop  }
0x629: {  	v40 =	vmovc v6;
	v19 =	vmovc v6;
	v8 =	vmov v32;
	v31 =	vmov v17;
	v34 =	vmov v10  }
0x62a: {  	v39 =	vmovc v7;
	v30 =	vmovc v18;
	v27 =	vmov v16;
	v28 =	vmov v13;
	v9 =	vmov v26  }
0x62b: {  	v21 =	vmovc v29;
	v29 =	vmovc v7;
	v6 =	vmov v26;
	v37 =	vmov v20;
	v38 =	vmov v22  }
.LBB2_16:
.Ltmp96:
0x62c: {  	(pc) =	sbr.rel .LBB2_19-.Ltmp96, $3  }
0x62d: {  	_ =	sdelay $0x1  }
0x62e: {  	v34 =	vmov v12;
	v39 =	vmov v6;
	v29 =	vmov v6  }
0x62f: {  	v35 =	vmovc v10;
	v40 =	vmovc v26;
	v19 =	vmov v26;
	v12 =	vmov v32;
	v6 =	vmov v9  }
.LBB2_53:
.Ltmp97:
0x630: {  	(pc) =	sbr.rel .LBB2_56-.Ltmp97, $3  }
0x631: {  	_ =	sdelay $0x1  }
0x632: {  	v34 =	vmov v12;
	v39 =	vmov v6;
	v29 =	vmov v6  }
0x633: {  	v35 =	vmovc v10;
	v40 =	vmovc v26;
	v19 =	vmov v26;
	v12 =	vmov v32;
	v6 =	vmov v9  }
.LBB2_90:
.Ltmp98:
0x634: {  	(pc) =	sbr.rel .LBB2_93-.Ltmp98, $3  }
0x635: {  	_ =	sdelay $0x1  }
0x636: {  	v34 =	vmov v12;
	v39 =	vmov v6;
	v29 =	vmov v6  }
0x637: {  	v35 =	vmovc v10;
	v40 =	vmovc v26;
	v19 =	vmov v26;
	v12 =	vmov v32;
	v6 =	vmov v9  }
.LBB2_105:
0x638: {  	_ =	sfence.sel $0x180000  }
0x639: {  	[bflag:$0x0] =	sbarrier.arrive $0xFFFF  }
0x63a: {  	_ =	strace $0x90000047  }
0x63b: {  	s0 =	stileid.u32;
	[bflag:$0x2] =	sbarrier.arrive $0xFFFF  }
0x63c: {  	p0 =	sne.s32 s0, $0x0;
	s0 =	rddreg [dreg:$0x2]  }
0x63d: {  	s0 =	sadd.s32 @!p0 $0x100000, s0  }
0x63e: {  	[sflag:s0] =	ssyncadd.tile.s32 @!p0 $0x1;
	_ =	shalt  }
.Lfunc_end2:
_tile_overlayer_lowered:
.L_overlay_start_2:
0x63f: {  	(tag) =	ssettag $0x2  }
0x640: {  	s0 =	rddreg [dreg:$0x0];
	s2 =	stileid.u32  }
0x641: {  	s1 =	rddreg [dreg:$0x1];
	p0 =	sne.s32 s2, $0x0  }
0x642: {  	s3 =	rddreg [dreg:$0x2];
	[bflag:$0x3] =	sbarrier.arrive $0xFFFF;
	s2 =	simm.s32 @!p0 $0x1C05  }
0x643: {  	[timem:s3], [sflag:s2] =	dma.local @!p0 [hbm:s0], s1  }
0x644: {  	s0 =	simm.s32 @!p0 $0x5  }
0x645: {  	_ =	swait.ge @!p0 [sflag:s0], s1  }
0x646: {  	s1 =	ssub.s32 @!p0 $0x0, s1;
	[sflag:s0] =	ssyncset.done @!p0 $0x0  }
0x647: {  	[sflag:s0] =	ssyncadd.s32 @!p0 s1  }
0x648: {  	[bflag:$0x3] =	sbarrier.arrive $0xFFFF  }
0x649: {  	_ =	shalt  }

</sc_bundles>
